<compile_context>
chip_gen: v7x
topology: tpu7x:2x2x1
jax: 0.10.2.dev20260603
libtpu: 0.0.44.dev20260713+nightly
codegen_flags: <defaults>
</compile_context>

<pallas_src>
import functools

import jax
import jax.numpy as jnp
from jax import lax
from jax.experimental import pallas as pl
from jax.experimental.pallas import tpu as pltpu
from jax.experimental.pallas import tpu_sc as plsc

f32 = jnp.float32
i32 = jnp.int32

N = 10000
NPAD = 10240
E = 320000
EPAD = 327680
EROWS = EPAD // 128
CH_FULL = EROWS // 16
CH_HALF = EROWS // 32
RPT = NPAD // 16
DH = 64
K = 5000

@functools.lru_cache(maxsize=1)
def _mesh():
    return plsc.VectorSubcoreMesh(core_axis_name="c", subcore_axis_name="s")


def _zero_rows(buf, width):
    @pl.loop(0, 128)
    def _(r):
        @pl.loop(0, width, step=16)
        def _(t):
            buf[r, pl.ds(t, 16)] = jnp.zeros((16,), f32)


def _sc_deg_body(src_hbm, dst_hbm, o0_hbm, o1_hbm, i0_hbm, i1_hbm,
                 sidxv, didxv, buf, acco, acci, sem, sem2):
    cid = lax.axis_index("c")
    sid = lax.axis_index("s")
    base = cid * jnp.int32(EROWS // 2) + sid * jnp.int32(CH_HALF)

    pltpu.sync_copy(src_hbm.at[pl.ds(base, CH_HALF)], sidxv)
    pltpu.sync_copy(dst_hbm.at[pl.ds(base, CH_HALF)], didxv)

    _zero_rows(buf, 16)
    @pl.loop(0, RPT // 128)
    def _(r):
        pltpu.sync_copy(buf, acco.at[pl.ds(sid * jnp.int32(RPT) + r * jnp.int32(128), 128)])
        pltpu.sync_copy(buf, acci.at[pl.ds(sid * jnp.int32(RPT) + r * jnp.int32(128), 128)])

    @pl.loop(0, 128)
    def _(r):
        buf[r, pl.ds(0, 16)] = jnp.full((16,), 1.0, f32)

    plsc.subcore_barrier()

    @pl.loop(0, CH_HALF)
    def _(j):
        co = pltpu.async_copy(buf, acco.at[sidxv.at[j]], sem, add=True)
        ci = pltpu.async_copy(buf, acci.at[didxv.at[j]], sem2, add=True)
        co.wait()
        ci.wait()

    plsc.subcore_barrier()

    @pl.when(cid == 0)
    def _():
        pltpu.sync_copy(acco.at[pl.ds(sid * jnp.int32(RPT), RPT)],
                        o0_hbm.at[pl.ds(sid * jnp.int32(RPT), RPT)])
        pltpu.sync_copy(acci.at[pl.ds(sid * jnp.int32(RPT), RPT)],
                        i0_hbm.at[pl.ds(sid * jnp.int32(RPT), RPT)])

    @pl.when(cid == 1)
    def _():
        pltpu.sync_copy(acco.at[pl.ds(sid * jnp.int32(RPT), RPT)],
                        o1_hbm.at[pl.ds(sid * jnp.int32(RPT), RPT)])
        pltpu.sync_copy(acci.at[pl.ds(sid * jnp.int32(RPT), RPT)],
                        i1_hbm.at[pl.ds(sid * jnp.int32(RPT), RPT)])


@functools.lru_cache(maxsize=1)
def _sc_deg():
    return pl.kernel(
        _sc_deg_body,
        mesh=_mesh(),
        out_type=[jax.ShapeDtypeStruct((NPAD, 16), f32)] * 4,
        scratch_types=[
            pltpu.VMEM((CH_HALF, 128), i32),
            pltpu.VMEM((CH_HALF, 128), i32),
            pltpu.VMEM((128, 16), f32),
            pltpu.VMEM_SHARED((NPAD, 16), f32),
            pltpu.VMEM_SHARED((NPAD, 16), f32),
            pltpu.SemaphoreType.DMA,
            pltpu.SemaphoreType.DMA,
        ],
        compiler_params=pltpu.CompilerParams(use_tc_tiling_on_sc=False),
    )


NBUF = 5


def _ring(h_ref, acc, srcv, dstv, bufs, gsem, ssem, nch, rows):
    for b in range(NBUF):
        pltpu.async_copy(h_ref.at[srcv.at[b]], bufs[b], gsem[b])

    @pl.loop(0, nch, step=NBUF)
    def _(j):
        for b in range(NBUF):
            pltpu.make_async_copy(h_ref.at[pl.ds(0, rows)], bufs[b],
                                  gsem[b]).wait()
            pltpu.async_copy(bufs[b], acc.at[dstv.at[j + b]], ssem[b],
                             add=True)
        for b in range(NBUF):
            pltpu.make_async_copy(bufs[b], acc.at[pl.ds(0, rows)],
                                  ssem[b]).wait()

            @pl.when(j + (NBUF + b) < nch)
            def _(b=b):
                pltpu.async_copy(h_ref.at[srcv.at[j + (NBUF + b)]], bufs[b],
                                 gsem[b])


def _sc_agg_body(ha, hb, src_hbm, dst_hbm, outa, outb, srcv, dstv,
                 b0, b1, b2, b3, b4, acc,
                 g0, g1, g2, g3, g4, s0, s1, s2, s3, s4):
    cid = lax.axis_index("c")
    sid = lax.axis_index("s")
    bufs = (b0, b1, b2, b3, b4)
    gsem = (g0, g1, g2, g3, g4)
    ssem = (s0, s1, s2, s3, s4)

    pltpu.sync_copy(src_hbm.at[pl.ds(sid * jnp.int32(CH_FULL), CH_FULL)], srcv)
    pltpu.sync_copy(dst_hbm.at[pl.ds(sid * jnp.int32(CH_FULL), CH_FULL)], dstv)

    _zero_rows(b0, DH)
    @pl.loop(0, RPT // 128)
    def _(r):
        pltpu.sync_copy(b0, acc.at[pl.ds(sid * jnp.int32(RPT) + r * jnp.int32(128), 128)])

    plsc.subcore_barrier()

    @pl.when(cid == 0)
    def _():
        _ring(ha, acc, srcv, dstv, bufs, gsem, ssem, CH_FULL, 128)

    @pl.when(cid == 1)
    def _():
        _ring(hb, acc, srcv, dstv, bufs, gsem, ssem, CH_FULL, 128)

    plsc.subcore_barrier()

    @pl.when(cid == 0)
    def _():
        pltpu.sync_copy(acc.at[pl.ds(sid * jnp.int32(RPT), RPT)],
                        outa.at[pl.ds(sid * jnp.int32(RPT), RPT)])

    @pl.when(cid == 1)
    def _():
        pltpu.sync_copy(acc.at[pl.ds(sid * jnp.int32(RPT), RPT)],
                        outb.at[pl.ds(sid * jnp.int32(RPT), RPT)])


@functools.lru_cache(maxsize=1)
def _sc_agg():
    return pl.kernel(
        _sc_agg_body,
        mesh=_mesh(),
        out_type=[jax.ShapeDtypeStruct((NPAD, DH), f32),
                  jax.ShapeDtypeStruct((NPAD, DH), f32)],
        scratch_types=(
            [pltpu.VMEM((CH_FULL, 128), i32)] * 2
            + [pltpu.VMEM((128, DH), f32)] * NBUF
            + [pltpu.VMEM_SHARED((NPAD, DH), f32)]
            + [pltpu.SemaphoreType.DMA] * (2 * NBUF)
        ),
        compiler_params=pltpu.CompilerParams(use_tc_tiling_on_sc=False),
    )


def _sc_score_body(spre, src_hbm, dst_hbm, outa, outb, srcv, dstv,
                   b0, b1, b2, b3, b4, acc,
                   g0, g1, g2, g3, g4, s0, s1, s2, s3, s4):
    cid = lax.axis_index("c")
    sid = lax.axis_index("s")
    base = cid * jnp.int32(EROWS // 2) + sid * jnp.int32(CH_HALF)
    bufs = (b0, b1, b2, b3, b4)
    gsem = (g0, g1, g2, g3, g4)
    ssem = (s0, s1, s2, s3, s4)

    pltpu.sync_copy(src_hbm.at[pl.ds(base, CH_HALF)], srcv)
    pltpu.sync_copy(dst_hbm.at[pl.ds(base, CH_HALF)], dstv)

    _zero_rows(b0, 16)
    @pl.loop(0, RPT // 128)
    def _(r):
        pltpu.sync_copy(b0, acc.at[pl.ds(sid * jnp.int32(RPT) + r * jnp.int32(128), 128)])

    plsc.subcore_barrier()

    _ring(spre, acc, srcv, dstv, bufs, gsem, ssem, CH_HALF, 128)

    plsc.subcore_barrier()

    @pl.when(cid == 0)
    def _():
        pltpu.sync_copy(acc.at[pl.ds(sid * jnp.int32(RPT), RPT)],
                        outa.at[pl.ds(sid * jnp.int32(RPT), RPT)])

    @pl.when(cid == 1)
    def _():
        pltpu.sync_copy(acc.at[pl.ds(sid * jnp.int32(RPT), RPT)],
                        outb.at[pl.ds(sid * jnp.int32(RPT), RPT)])


@functools.lru_cache(maxsize=1)
def _sc_score():
    return pl.kernel(
        _sc_score_body,
        mesh=_mesh(),
        out_type=[jax.ShapeDtypeStruct((NPAD, 16), f32),
                  jax.ShapeDtypeStruct((NPAD, 16), f32)],
        scratch_types=(
            [pltpu.VMEM((CH_HALF, 128), i32)] * 2
            + [pltpu.VMEM((128, 16), f32)] * NBUF
            + [pltpu.VMEM_SHARED((NPAD, 16), f32)]
            + [pltpu.SemaphoreType.DMA] * (2 * NBUF)
        ),
        compiler_params=pltpu.CompilerParams(use_tc_tiling_on_sc=False),
    )



_HP = dict(preferred_element_type=f32)


NH = NPAD // 2
NMASK = N // 2


def _tc_pre(x_ref, o0_ref, o1_ref, i0_ref, i1_ref, ha_ref, hb_ref,
            da_ref, db_ref, ia_ref, ib_ref):
    dego = o0_ref[...] + o1_ref[...]
    degi = i0_ref[...] + i1_ref[...]
    douta = lax.rsqrt(jnp.maximum(dego[:, 0:1], 1.0))
    doutb = lax.rsqrt(jnp.maximum(dego[:, 16:17], 1.0))
    dina = lax.rsqrt(jnp.maximum(degi[:, 0:1], 1.0))
    dinb = lax.rsqrt(jnp.maximum(degi[:, 16:17], 1.0))
    x5 = x_ref[...]
    he = x5[:, :128] * douta
    ho = x5[:, 128:] * doutb
    ha_ref[...] = jnp.concatenate([he[:, :DH], ho[:, :DH]], axis=1)
    hb_ref[...] = jnp.concatenate([he[:, DH:], ho[:, DH:]], axis=1)
    da_ref[...] = douta
    db_ref[...] = doutb
    ia_ref[...] = dina
    ib_ref[...] = dinb


def _layer_core(agga_ref, aggb_ref, ia_ref, ib_ref, w_ref, b_ref, g_ref,
                bb_ref):
    agga = agga_ref[...]
    aggb = aggb_ref[...]
    even = jnp.concatenate([agga[:, :DH], aggb[:, :DH]], axis=1) * ia_ref[...]
    odd = jnp.concatenate([agga[:, DH:], aggb[:, DH:]], axis=1) * ib_ref[...]
    ze = jnp.dot(even, w_ref[...], **_HP) + b_ref[...]
    zo = jnp.dot(odd, w_ref[...], **_HP) + b_ref[...]
    mask = (lax.broadcasted_iota(i32, (NH, 1), 0) < NMASK).astype(f32)
    zem = ze * mask
    zom = zo * mask
    m = (jnp.sum(zem, axis=0, keepdims=True)
         + jnp.sum(zom, axis=0, keepdims=True)) / N
    ex2 = (jnp.sum(ze * zem, axis=0, keepdims=True)
           + jnp.sum(zo * zom, axis=0, keepdims=True)) / N
    sc = lax.rsqrt(ex2 - m * m + 1e-5)
    fe = jnp.maximum((ze - m) * sc * g_ref[...] + bb_ref[...], 0.0)
    fo = jnp.maximum((zo - m) * sc * g_ref[...] + bb_ref[...], 0.0)
    return fe, fo


def _tc_layer(agga_ref, aggb_ref, ia_ref, ib_ref, da_ref, db_ref, w_ref,
              b_ref, g_ref, bb_ref, ha_ref, hb_ref):
    fe, fo = _layer_core(agga_ref, aggb_ref, ia_ref, ib_ref, w_ref, b_ref,
                         g_ref, bb_ref)
    he = fe * da_ref[...]
    ho = fo * db_ref[...]
    ha_ref[...] = jnp.concatenate([he[:, :DH], ho[:, :DH]], axis=1)
    hb_ref[...] = jnp.concatenate([he[:, DH:], ho[:, DH:]], axis=1)


def _tc_layer3(agga_ref, aggb_ref, ia_ref, ib_ref, da_ref, db_ref, w_ref,
               b_ref, g_ref, bb_ref, pw_ref, fe_ref, fo_ref, spre_ref):
    fe, fo = _layer_core(agga_ref, aggb_ref, ia_ref, ib_ref, w_ref, b_ref,
                         g_ref, bb_ref)
    fe_ref[...] = fe
    fo_ref[...] = fo
    pw = pw_ref[...]
    spre_e = jnp.sum(fe * da_ref[...] * pw, axis=1, keepdims=True)
    spre_o = jnp.sum(fo * db_ref[...] * pw, axis=1, keepdims=True)
    spre_ref[...] = jnp.concatenate(
        [jnp.broadcast_to(spre_e, (NH, 16)),
         jnp.broadcast_to(spre_o, (NH, 16))], axis=1)


def _tc_top(sca_ref, scb_ref, ia_ref, ib_ref, pb_ref, score_ref):
    pb = pb_ref[0, 0]
    se = (sca_ref[:, 0:1] + scb_ref[:, 0:1]) * ia_ref[...] + pb
    so = (sca_ref[:, 16:17] + scb_ref[:, 16:17]) * ib_ref[...] + pb
    real = lax.broadcasted_iota(i32, (NH, 1), 0) < NMASK
    se = jnp.where(real, se, -jnp.inf)
    so = jnp.where(real, so, -jnp.inf)
    score_ref[...] = jnp.concatenate([se, so], axis=1)


def _tc_sel(s_ref, w_ref, m_ref):
    s = s_ref[...]
    b = lax.bitcast_convert_type(s, i32)
    u = jnp.where(b >= 0, b ^ jnp.int32(-2147483648), ~b)

    def vbody(t, carry):
        kk, sel, match = carry
        bit = (31 - t).astype(i32)
        bitv = lax.shift_right_logical(u, bit) & 1
        hi = match * bitv
        c1 = jnp.sum(hi.astype(f32))
        take1 = kk <= c1
        sel = jnp.where(take1, sel, sel | hi)
        kk = jnp.where(take1, kk, kk - c1)
        match = match * jnp.where(take1, bitv, 1 - bitv)
        return kk, sel, match

    init = (jnp.float32(K), jnp.zeros(s.shape, i32),
            jnp.ones(s.shape, i32))
    kk, sel, match = lax.fori_loop(0, 32, vbody, init)

    gidx = (lax.broadcasted_iota(i32, s.shape, 0) * s.shape[1]
            + lax.broadcasted_iota(i32, s.shape, 1))

    def ibody(t, carry):
        kk, sel, match = carry
        bit = (13 - t).astype(i32)
        bitv = lax.shift_right_logical(gidx, bit) & 1
        lo = match * (1 - bitv)
        c0 = jnp.sum(lo.astype(f32))
        take0 = kk <= c0
        sel = jnp.where(take0, sel, sel | lo)
        kk = jnp.where(take0, kk, kk - c0)
        match = match * jnp.where(take0, 1 - bitv, bitv)
        return kk, sel, match

    kk, sel, match = lax.fori_loop(0, 14, ibody, (kk, sel, match))
    sel = sel | match
    mf = sel.astype(f32)
    m_ref[...] = mf
    w_ref[...] = mf * jnp.tanh(s)


def _tc_read(fe_ref, fo_ref, wm_ref, c1a_ref, c1b_ref, c1bias_ref, c2w_ref,
             c2b_ref, f1w_ref, f1b_ref, f2w_ref, f2b_ref, out_ref):
    wm = wm_ref[...]
    fwe = fe_ref[...] * wm[:, 0:1]
    fwo = fo_ref[...] * wm[:, 1:2]
    avg = (jnp.sum(fwe, axis=0, keepdims=True)
           + jnp.sum(fwo, axis=0, keepdims=True)) / K
    mx = jnp.maximum(
        jnp.max(jnp.where(wm[:, 2:3] > 0.5, fwe, -jnp.inf), axis=0,
                keepdims=True),
        jnp.max(jnp.where(wm[:, 3:4] > 0.5, fwo, -jnp.inf), axis=0,
                keepdims=True))
    h = (jnp.dot(avg, c1a_ref[...], **_HP) + jnp.dot(mx, c1b_ref[...], **_HP)
         + c1bias_ref[...])
    h = jnp.maximum(h, 0.0)
    h = jnp.maximum(jnp.dot(h, c2w_ref[...], **_HP) + c2b_ref[...], 0.0)
    h = jnp.maximum(jnp.dot(h, f1w_ref[...], **_HP) + f1b_ref[...], 0.0)
    o = jnp.dot(h, f2w_ref[...], **_HP) + f2b_ref[...]
    omax = jnp.max(o, axis=1, keepdims=True)
    lse = jnp.log(jnp.sum(jnp.exp(o - omax), axis=1, keepdims=True)) + omax
    out_ref[...] = o - lse


def _sd(shape):
    return jax.ShapeDtypeStruct(shape, f32)


def _call(body, out_shapes, *args):
    return pl.pallas_call(body, out_shape=out_shapes)(*args)


def kernel(*args):
    with jax.enable_x64(False):
        return _kernel32(*args)


def _kernel32(x, edge_index, conv_W0, conv_b0, conv_W1, conv_b1, conv_W2,
              conv_b2, bn_g0, bn_b0, bn_g1, bn_b1, bn_g2, bn_b2, pool_W,
              pool_b, c1_W, c1_b, c2_W, c2_b, fc1_W, fc1_b, fc2_W, fc2_b):
    src = edge_index[0].astype(i32)
    dst = edge_index[1].astype(i32)
    pad_idx = N + (jnp.arange(EPAD - E, dtype=i32) % (NPAD - N))
    src2d = jnp.concatenate([src, pad_idx]).reshape(EROWS, 128)
    dst2d = jnp.concatenate([dst, pad_idx]).reshape(EROWS, 128)
    x_pad = jnp.concatenate([x, jnp.zeros((NPAD - N, 128), f32)], axis=0)

    b0 = conv_b0.reshape(1, 128)
    b1 = conv_b1.reshape(1, 128)
    b2 = conv_b2.reshape(1, 128)
    g0 = bn_g0.reshape(1, 128)
    g1 = bn_g1.reshape(1, 128)
    g2 = bn_g2.reshape(1, 128)
    bb0 = bn_b0.reshape(1, 128)
    bb1 = bn_b1.reshape(1, 128)
    bb2 = bn_b2.reshape(1, 128)
    pw = pool_W.reshape(1, 128)
    pb = pool_b.reshape(1, 1)
    c1a = c1_W[:128]
    c1b = c1_W[128:]
    c1bias = c1_b.reshape(1, 16)
    c2b = c2_b.reshape(1, 32)
    f1b = fc1_b.reshape(1, 128)
    f2b = fc2_b.reshape(1, 2)

    do0, do1, di0, di1 = _sc_deg()(src2d, dst2d)
    h0a5, h0b5, da, db, ia, ib = _call(
        _tc_pre,
        [_sd((NH, 128)), _sd((NH, 128))] + [_sd((NH, 1))] * 4,
        x_pad.reshape(NH, 256), do0.reshape(NH, 32), do1.reshape(NH, 32),
        di0.reshape(NH, 32), di1.reshape(NH, 32))

    agga, aggb = _sc_agg()(h0a5.reshape(NPAD, DH), h0b5.reshape(NPAD, DH),
                           src2d, dst2d)
    h1a5, h1b5 = _call(_tc_layer, [_sd((NH, 128))] * 2,
                       agga.reshape(NH, 128), aggb.reshape(NH, 128),
                       ia, ib, da, db, conv_W0, b0, g0, bb0)

    agga, aggb = _sc_agg()(h1a5.reshape(NPAD, DH), h1b5.reshape(NPAD, DH),
                           src2d, dst2d)
    h2a5, h2b5 = _call(_tc_layer, [_sd((NH, 128))] * 2,
                       agga.reshape(NH, 128), aggb.reshape(NH, 128),
                       ia, ib, da, db, conv_W1, b1, g1, bb1)

    agga, aggb = _sc_agg()(h2a5.reshape(NPAD, DH), h2b5.reshape(NPAD, DH),
                           src2d, dst2d)
    fe, fo, spre = _call(
        _tc_layer3, [_sd((NH, 128)), _sd((NH, 128)), _sd((NH, 32))],
        agga.reshape(NH, 128), aggb.reshape(NH, 128),
        ia, ib, da, db, conv_W2, b2, g2, bb2, pw)

    sca, scb = _sc_score()(spre.reshape(NPAD, 16), src2d, dst2d)
    score = _call(_tc_top, _sd((NH, 2)), sca.reshape(NH, 32),
                  scb.reshape(NH, 32), ia, ib, pb)

    w80, m80 = _call(_tc_sel, [_sd((NPAD // 128, 128))] * 2,
                     score.reshape(NPAD // 128, 128))

    wm = jnp.concatenate([w80.reshape(NH, 2), m80.reshape(NH, 2)], axis=1)
    out = _call(_tc_read, _sd((1, 2)), fe, fo, wm, c1a, c1b, c1bias, c2_W,
                c2b, fc1_W, f1b, fc2_W, f2b)
    return out

# --- scband reference (transcript-rebuilt; emitter-appended) ---
"""Pipeline reference for scband-dgcndroid-41592463294554 (READ-ONLY COPY).

The authoritative reference and input builder live on the scoring server;
editing this copy changes nothing except your own understanding.
"""

import jax, jax.numpy as jnp
import numpy as np
import math
jax.config.update('jax_enable_x64', True)

N_NODES = 10000
N_EDGES = 320000
IN_DIM = 128
HID_DIM = 128
OUT_DIM = 2
POOL_RATIO = 0.5

def _glorot(key, shape):
    limit = math.sqrt(6.0 / (shape[0] + shape[1]))
    return jax.random.uniform(key, shape, jnp.float32, -limit, limit)

def setup_inputs(seed: int = 0):
    key = jax.random.key(seed)
    ks = jax.random.split(key, 16)
    inp = {}
    inp['x'] = jax.random.normal(ks[0], (N_NODES, IN_DIM), dtype=jnp.float32)
    inp['edge_index'] = jax.random.randint(ks[1], (2, N_EDGES), 0, N_NODES, dtype=jnp.int64)
    inp['conv_W0'] = _glorot(ks[2], (IN_DIM, HID_DIM)); inp['conv_b0'] = jnp.zeros((HID_DIM,), jnp.float32)
    inp['conv_W1'] = _glorot(ks[3], (HID_DIM, HID_DIM)); inp['conv_b1'] = jnp.zeros((HID_DIM,), jnp.float32)
    inp['conv_W2'] = _glorot(ks[4], (HID_DIM, HID_DIM)); inp['conv_b2'] = jnp.zeros((HID_DIM,), jnp.float32)
    inp['bn_g0'] = jnp.ones((HID_DIM,), jnp.float32); inp['bn_b0'] = jnp.zeros((HID_DIM,), jnp.float32)
    inp['bn_g1'] = jnp.ones((HID_DIM,), jnp.float32); inp['bn_b1'] = jnp.zeros((HID_DIM,), jnp.float32)
    inp['bn_g2'] = jnp.ones((HID_DIM,), jnp.float32); inp['bn_b2'] = jnp.zeros((HID_DIM,), jnp.float32)
    inp['pool_W'] = _glorot(ks[5], (HID_DIM, 1)); inp['pool_b'] = jnp.zeros((1,), jnp.float32)
    inp['c1_W'] = _glorot(ks[6], (2 * HID_DIM, 16)); inp['c1_b'] = jnp.zeros((16,), jnp.float32)
    inp['c2_W'] = _glorot(ks[7], (16, 32)); inp['c2_b'] = jnp.zeros((32,), jnp.float32)
    inp['fc1_W'] = _glorot(ks[8], (32, 128)); inp['fc1_b'] = jnp.zeros((128,), jnp.float32)
    inp['fc2_W'] = _glorot(ks[9], (128, OUT_DIM)); inp['fc2_b'] = jnp.zeros((OUT_DIM,), jnp.float32)
    return inp

def _gconv(x, src, dst, n, W, b):
    # DGL GraphConv, norm='both': D^{-1/2} A D^{-1/2} X W + b (degrees clamped to >= 1)
    ones = jnp.ones(src.shape, dtype=x.dtype)
    deg_out = jnp.maximum(jax.ops.segment_sum(ones, src, num_segments=n), 1.0)
    deg_in = jnp.maximum(jax.ops.segment_sum(ones, dst, num_segments=n), 1.0)
    h = x * (deg_out ** -0.5)[:, None]
    agg = jax.ops.segment_sum(h[src], dst, num_segments=n)
    agg = agg * (deg_in ** -0.5)[:, None]
    return agg @ W + b

def _bn(x, g, b):
    m = jnp.mean(x, axis=0)
    v = jnp.var(x, axis=0)
    return (x - m) / jnp.sqrt(v + 1e-5) * g + b

def reference(x, edge_index, conv_W0, conv_b0, conv_W1, conv_b1, conv_W2, conv_b2, bn_g0, bn_b0, bn_g1, bn_b1, bn_g2, bn_b2, pool_W, pool_b, c1_W, c1_b, c2_W, c2_b, fc1_W, fc1_b, fc2_W, fc2_b):
    src = edge_index[0]
    dst = edge_index[1]
    n = x.shape[0]
    feat = x
    for W, b, g, bb in ((conv_W0, conv_b0, bn_g0, bn_b0), (conv_W1, conv_b1, bn_g1, bn_b1), (conv_W2, conv_b2, bn_g2, bn_b2)):
        feat = _gconv(feat, src, dst, n, W, b)
        feat = _bn(feat, g, bb)
        feat = jax.nn.relu(feat)
    # SAGPool: GraphConv scorer + per-graph top-k (single graph in batch)
    score = _gconv(feat, src, dst, n, pool_W, pool_b)[:, 0]
    k = max(1, int(POOL_RATIO * n))
    topv, perm = jax.lax.top_k(score, k)
    feat = feat[perm] * jnp.tanh(topv)[:, None]
    # Avg + Max readout over the pooled nodes -> [1, 2*hid]
    avg = jnp.mean(feat, axis=0, keepdims=True)
    mx = jnp.max(feat, axis=0, keepdims=True)
    h = jnp.concatenate([avg, mx], axis=1)
    # Conv1d with kernel_size=1 on length-1 sequence == linear over channels; MaxPool1d(k=1) == identity
    h = jax.nn.relu(h @ c1_W + c1_b)
    h = jax.nn.relu(h @ c2_W + c2_b)
    h = jax.nn.relu(h @ fc1_W + fc1_b)
    h = h @ fc2_W + fc2_b
    return jax.nn.log_softmax(h, axis=1)

if __name__ == "__main__":
    import jax
    _d = setup_inputs()
    print(jax.jit(kernel)(*tuple(_d.values())))

</pallas_src>

<mosaic_0001>
#map = affine_map<(d0, d1) -> (0, 0)>
module attributes {stable_mosaic.version = 14 : i64} {
  func.func @_sc_agg_body(%arg0: i32, %arg1: i32, %arg2: memref<10240x64xf32, #tpu.memory_space<hbm>>, %arg3: memref<10240x64xf32, #tpu.memory_space<hbm>>, %arg4: memref<2560x128xi32, #tpu.memory_space<hbm>>, %arg5: memref<2560x128xi32, #tpu.memory_space<hbm>>, %arg6: memref<10240x64xf32, #tpu.memory_space<hbm>>, %arg7: memref<10240x64xf32, #tpu.memory_space<hbm>>, %arg8: memref<160x128xi32, #tpu.memory_space<vmem>>, %arg9: memref<160x128xi32, #tpu.memory_space<vmem>>, %arg10: memref<128x64xf32, #tpu.memory_space<vmem>>, %arg11: memref<128x64xf32, #tpu.memory_space<vmem>>, %arg12: memref<128x64xf32, #tpu.memory_space<vmem>>, %arg13: memref<128x64xf32, #tpu.memory_space<vmem>>, %arg14: memref<128x64xf32, #tpu.memory_space<vmem>>, %arg15: memref<10240x64xf32, #tpu.memory_space<vmem_shared>>, %arg16: memref<!tpu.dma_semaphore, #tpu.memory_space<semaphore_mem>>, %arg17: memref<!tpu.dma_semaphore, #tpu.memory_space<semaphore_mem>>, %arg18: memref<!tpu.dma_semaphore, #tpu.memory_space<semaphore_mem>>, %arg19: memref<!tpu.dma_semaphore, #tpu.memory_space<semaphore_mem>>, %arg20: memref<!tpu.dma_semaphore, #tpu.memory_space<semaphore_mem>>, %arg21: memref<!tpu.dma_semaphore, #tpu.memory_space<semaphore_mem>>, %arg22: memref<!tpu.dma_semaphore, #tpu.memory_space<semaphore_mem>>, %arg23: memref<!tpu.dma_semaphore, #tpu.memory_space<semaphore_mem>>, %arg24: memref<!tpu.dma_semaphore, #tpu.memory_space<semaphore_mem>>, %arg25: memref<!tpu.dma_semaphore, #tpu.memory_space<semaphore_mem>>) attributes {dimension_semantics = [#tpu.dimension_semantics<core_parallel>, #tpu.dimension_semantics<subcore_parallel>], iteration_bounds = array<i64: 2, 16>, scalar_prefetch = 0 : i64, scratch_operands = 18 : i64, tpu.core_type = #tpu.core_type<sc_vector_subcore>, window_params = [{transform_indices = #map}, {transform_indices = #map}, {transform_indices = #map}, {transform_indices = #map}, {transform_indices = #map}, {transform_indices = #map}]} {
    %mul3A = arith.constant 160 : i32
    %mul3A_0 = arith.muli %arg1, %mul3A : i32
    "tpu.region"() ({
      %run_scoped3A = tpu.sem_alloc : memref<!tpu.dma_semaphore, #tpu.memory_space<semaphore_mem>>
      %dma_start3A = arith.constant 0 : i32
      %dma_start3A_30 = tpu.memref_slice %arg4[%mul3A_0, %dma_start3A] : memref<2560x128xi32, #tpu.memory_space<hbm>> -> memref<160x128xi32, #tpu.memory_space<hbm>>
      %dma_start3A_31 = arith.constant 0 : i32
      %dma_start3A_32 = tpu.memref_slice %arg4[%mul3A_0, %dma_start3A_31] : memref<2560x128xi32, #tpu.memory_space<hbm>> -> memref<160x128xi32, #tpu.memory_space<hbm>>
      tpu.enqueue_dma source(%dma_start3A_32 : memref<160x128xi32, #tpu.memory_space<hbm>>) target(%arg8 : memref<160x128xi32, #tpu.memory_space<vmem>>) target_semaphore(%run_scoped3A : memref<!tpu.dma_semaphore, #tpu.memory_space<semaphore_mem>>)
      %dma_wait3A = arith.constant 0 : i32
      %dma_wait3A_33 = tpu.memref_slice %arg4[%mul3A_0, %dma_wait3A] : memref<2560x128xi32, #tpu.memory_space<hbm>> -> memref<160x128xi32, #tpu.memory_space<hbm>>
      %dma_wait3A_34 = arith.constant 0 : i32
      %dma_wait3A_35 = tpu.memref_slice %arg4[%mul3A_0, %dma_wait3A_34] : memref<2560x128xi32, #tpu.memory_space<hbm>> -> memref<160x128xi32, #tpu.memory_space<hbm>>
      tpu.wait_dma2 semaphore(%run_scoped3A : memref<!tpu.dma_semaphore, #tpu.memory_space<semaphore_mem>>) src(%dma_wait3A_35 : memref<160x128xi32, #tpu.memory_space<hbm>>) dst(%arg8 : memref<160x128xi32, #tpu.memory_space<vmem>>)
      tpu.yield
    }) : () -> ()
    %mul3A_1 = arith.constant 160 : i32
    %mul3A_2 = arith.muli %arg1, %mul3A_1 : i32
    "tpu.region"() ({
      %run_scoped3A = tpu.sem_alloc : memref<!tpu.dma_semaphore, #tpu.memory_space<semaphore_mem>>
      %dma_start3A = arith.constant 0 : i32
      %dma_start3A_30 = tpu.memref_slice %arg5[%mul3A_2, %dma_start3A] : memref<2560x128xi32, #tpu.memory_space<hbm>> -> memref<160x128xi32, #tpu.memory_space<hbm>>
      %dma_start3A_31 = arith.constant 0 : i32
      %dma_start3A_32 = tpu.memref_slice %arg5[%mul3A_2, %dma_start3A_31] : memref<2560x128xi32, #tpu.memory_space<hbm>> -> memref<160x128xi32, #tpu.memory_space<hbm>>
      tpu.enqueue_dma source(%dma_start3A_32 : memref<160x128xi32, #tpu.memory_space<hbm>>) target(%arg9 : memref<160x128xi32, #tpu.memory_space<vmem>>) target_semaphore(%run_scoped3A : memref<!tpu.dma_semaphore, #tpu.memory_space<semaphore_mem>>)
      %dma_wait3A = arith.constant 0 : i32
      %dma_wait3A_33 = tpu.memref_slice %arg5[%mul3A_2, %dma_wait3A] : memref<2560x128xi32, #tpu.memory_space<hbm>> -> memref<160x128xi32, #tpu.memory_space<hbm>>
      %dma_wait3A_34 = arith.constant 0 : i32
      %dma_wait3A_35 = tpu.memref_slice %arg5[%mul3A_2, %dma_wait3A_34] : memref<2560x128xi32, #tpu.memory_space<hbm>> -> memref<160x128xi32, #tpu.memory_space<hbm>>
      tpu.wait_dma2 semaphore(%run_scoped3A : memref<!tpu.dma_semaphore, #tpu.memory_space<semaphore_mem>>) src(%dma_wait3A_35 : memref<160x128xi32, #tpu.memory_space<hbm>>) dst(%arg9 : memref<160x128xi32, #tpu.memory_space<vmem>>)
      tpu.yield
    }) : () -> ()
    %scan3A = arith.constant 0 : i32
    %scan3A_3 = arith.constant 128 : i32
    %scan3A_4 = arith.addi %scan3A, %scan3A_3 : i32
    %scan3A_5 = arith.constant 1 : i32
    scf.for %scan3A_30 = %scan3A to %scan3A_4 step %scan3A_5  : i32 {
      %mul3A_31 = arith.constant 1 : i32
      %mul3A_32 = arith.muli %scan3A_30, %mul3A_31 : i32
      %add3A = arith.constant 0 : i32
      %add3A_33 = arith.addi %add3A, %mul3A_32 : i32
      %scan3A_34 = arith.constant 0 : i32
      %scan3A_35 = arith.constant 4 : i32
      %scan3A_36 = arith.addi %scan3A_34, %scan3A_35 : i32
      %scan3A_37 = arith.constant 1 : i32
      scf.for %scan3A_39 = %scan3A_34 to %scan3A_36 step %scan3A_37  : i32 {
        %mul3A_40 = arith.constant 16 : i32
        %mul3A_41 = arith.muli %scan3A_39, %mul3A_40 : i32
        %add3A_42 = arith.constant 0 : i32
        %add3A_43 = arith.addi %add3A_42, %mul3A_41 : i32
        %broadcast_in_dim3A = arith.constant 0.000000e+00 : f32
        %broadcast_in_dim3A_44 = vector.broadcast %broadcast_in_dim3A : f32 to vector<16xf32>
        %swap3A = arith.index_cast %add3A_33 : i32 to index
        %swap3A_45 = arith.index_cast %add3A_43 : i32 to index
        %swap3A_46 = tpu.vector_load %arg10[%swap3A, %swap3A_45] {strides = array<i32>} : memref<128x64xf32, #tpu.memory_space<vmem>>, vector<1x16xf32>,
        %swap3A_47 = vector.shape_cast %swap3A_46 : vector<1x16xf32> to vector<16xf32>
        %swap3A_48 = vector.shape_cast %broadcast_in_dim3A_44 : vector<16xf32> to vector<1x16xf32>
        tpu.vector_store %arg10[%swap3A, %swap3A_45], %swap3A_48 {strides = array<i32>} : memref<128x64xf32, #tpu.memory_space<vmem>>, vector<1x16xf32>,
      }
      %scan3A_38 = arith.constant 4 : i32
    }
    %scan3A_6 = arith.constant 128 : i32
    %scan3A_7 = arith.constant 0 : i32
    %scan3A_8 = arith.constant 5 : i32
    %scan3A_9 = arith.addi %scan3A_7, %scan3A_8 : i32
    %scan3A_10 = arith.constant 1 : i32
    scf.for %scan3A_30 = %scan3A_7 to %scan3A_9 step %scan3A_10  : i32 {
      %mul3A_31 = arith.constant 1 : i32
      %mul3A_32 = arith.muli %scan3A_30, %mul3A_31 : i32
      %add3A = arith.constant 0 : i32
      %add3A_33 = arith.addi %add3A, %mul3A_32 : i32
      %mul3A_34 = arith.constant 640 : i32
      %mul3A_35 = arith.muli %arg1, %mul3A_34 : i32
      %mul3A_36 = arith.constant 128 : i32
      %mul3A_37 = arith.muli %add3A_33, %mul3A_36 : i32
      %add3A_38 = arith.addi %mul3A_35, %mul3A_37 : i32
      "tpu.region"() ({
        %run_scoped3A = tpu.sem_alloc : memref<!tpu.dma_semaphore, #tpu.memory_space<semaphore_mem>>
        %dma_start3A = arith.constant 0 : i32
        %dma_start3A_39 = tpu.memref_slice %arg15[%add3A_38, %dma_start3A] : memref<10240x64xf32, #tpu.memory_space<vmem_shared>> -> memref<128x64xf32, #tpu.memory_space<vmem_shared>>
        %dma_start3A_40 = arith.constant 0 : i32
        %dma_start3A_41 = tpu.memref_slice %arg15[%add3A_38, %dma_start3A_40] : memref<10240x64xf32, #tpu.memory_space<vmem_shared>> -> memref<128x64xf32, #tpu.memory_space<vmem_shared>>
        tpu.enqueue_dma source(%arg10 : memref<128x64xf32, #tpu.memory_space<vmem>>) target(%dma_start3A_41 : memref<128x64xf32, #tpu.memory_space<vmem_shared>>) target_semaphore(%run_scoped3A : memref<!tpu.dma_semaphore, #tpu.memory_space<semaphore_mem>>)
        %dma_wait3A = arith.constant 0 : i32
        %dma_wait3A_42 = tpu.memref_slice %arg15[%add3A_38, %dma_wait3A] : memref<10240x64xf32, #tpu.memory_space<vmem_shared>> -> memref<128x64xf32, #tpu.memory_space<vmem_shared>>
        %dma_wait3A_43 = arith.constant 0 : i32
        %dma_wait3A_44 = tpu.memref_slice %arg15[%add3A_38, %dma_wait3A_43] : memref<10240x64xf32, #tpu.memory_space<vmem_shared>> -> memref<128x64xf32, #tpu.memory_space<vmem_shared>>
        tpu.wait_dma2 semaphore(%run_scoped3A : memref<!tpu.dma_semaphore, #tpu.memory_space<semaphore_mem>>) src(%arg10 : memref<128x64xf32, #tpu.memory_space<vmem>>) dst(%dma_wait3A_44 : memref<128x64xf32, #tpu.memory_space<vmem_shared>>)
        tpu.yield
      }) : () -> ()
    }
    %scan3A_11 = arith.constant 5 : i32
    %barrier3A = arith.constant 0 : index
    tpu.barrier barrier_id(%barrier3A)
    %eq3A = arith.constant 0 : i32
    %eq3A_12 = arith.cmpi eq, %arg0, %eq3A : i32
    %convert_element_type3A = arith.extui %eq3A_12 : i1 to i32
    %cond3A = arith.constant 0 : i32
    %cond3A_13 = arith.cmpi ne, %convert_element_type3A, %cond3A : i32
    scf.if %cond3A_13 {
      %dma_start3A = arith.constant 0 : i32
      %dma_start3A_30 = arith.constant 0 : i32
      %dma_start3A_31 = tpu.memref_slice %arg8[%dma_start3A, %dma_start3A_30] : memref<160x128xi32, #tpu.memory_space<vmem>> -> memref<1x128xi32, #tpu.memory_space<vmem>>
      %dma_start3A_32 = tpu.memref_squeeze %dma_start3A_31 : memref<1x128xi32, #tpu.memory_space<vmem>> -> memref<128xi32, #tpu.memory_space<vmem>>
      %dma_start3A_33 = arith.constant 0 : i32
      %dma_start3A_34 = arith.constant 0 : i32
      %dma_start3A_35 = tpu.memref_slice %arg2[%dma_start3A_33, %dma_start3A_34] : memref<10240x64xf32, #tpu.memory_space<hbm>> -> memref<10240x64xf32, #tpu.memory_space<hbm>>
      tpu.enqueue_indirect_dma source(%dma_start3A_35 : memref<10240x64xf32, #tpu.memory_space<hbm>>) target(%arg10 : memref<128x64xf32, #tpu.memory_space<vmem>>) offsets(%dma_start3A_32 : memref<128xi32, #tpu.memory_space<vmem>>) semaphore(%arg16 : memref<!tpu.dma_semaphore, #tpu.memory_space<semaphore_mem>>)
      %dma_start3A_36 = arith.constant 1 : i32
      %dma_start3A_37 = arith.constant 0 : i32
      %dma_start3A_38 = tpu.memref_slice %arg8[%dma_start3A_36, %dma_start3A_37] : memref<160x128xi32, #tpu.memory_space<vmem>> -> memref<1x128xi32, #tpu.memory_space<vmem>>
      %dma_start3A_39 = tpu.memref_squeeze %dma_start3A_38 : memref<1x128xi32, #tpu.memory_space<vmem>> -> memref<128xi32, #tpu.memory_space<vmem>>
      %dma_start3A_40 = arith.constant 0 : i32
      %dma_start3A_41 = arith.constant 0 : i32
      %dma_start3A_42 = tpu.memref_slice %arg2[%dma_start3A_40, %dma_start3A_41] : memref<10240x64xf32, #tpu.memory_space<hbm>> -> memref<10240x64xf32, #tpu.memory_space<hbm>>
      tpu.enqueue_indirect_dma source(%dma_start3A_42 : memref<10240x64xf32, #tpu.memory_space<hbm>>) target(%arg11 : memref<128x64xf32, #tpu.memory_space<vmem>>) offsets(%dma_start3A_39 : memref<128xi32, #tpu.memory_space<vmem>>) semaphore(%arg17 : memref<!tpu.dma_semaphore, #tpu.memory_space<semaphore_mem>>)
      %dma_start3A_43 = arith.constant 2 : i32
      %dma_start3A_44 = arith.constant 0 : i32
      %dma_start3A_45 = tpu.memref_slice %arg8[%dma_start3A_43, %dma_start3A_44] : memref<160x128xi32, #tpu.memory_space<vmem>> -> memref<1x128xi32, #tpu.memory_space<vmem>>
      %dma_start3A_46 = tpu.memref_squeeze %dma_start3A_45 : memref<1x128xi32, #tpu.memory_space<vmem>> -> memref<128xi32, #tpu.memory_space<vmem>>
      %dma_start3A_47 = arith.constant 0 : i32
      %dma_start3A_48 = arith.constant 0 : i32
      %dma_start3A_49 = tpu.memref_slice %arg2[%dma_start3A_47, %dma_start3A_48] : memref<10240x64xf32, #tpu.memory_space<hbm>> -> memref<10240x64xf32, #tpu.memory_space<hbm>>
      tpu.enqueue_indirect_dma source(%dma_start3A_49 : memref<10240x64xf32, #tpu.memory_space<hbm>>) target(%arg12 : memref<128x64xf32, #tpu.memory_space<vmem>>) offsets(%dma_start3A_46 : memref<128xi32, #tpu.memory_space<vmem>>) semaphore(%arg18 : memref<!tpu.dma_semaphore, #tpu.memory_space<semaphore_mem>>)
      %dma_start3A_50 = arith.constant 3 : i32
      %dma_start3A_51 = arith.constant 0 : i32
      %dma_start3A_52 = tpu.memref_slice %arg8[%dma_start3A_50, %dma_start3A_51] : memref<160x128xi32, #tpu.memory_space<vmem>> -> memref<1x128xi32, #tpu.memory_space<vmem>>
      %dma_start3A_53 = tpu.memref_squeeze %dma_start3A_52 : memref<1x128xi32, #tpu.memory_space<vmem>> -> memref<128xi32, #tpu.memory_space<vmem>>
      %dma_start3A_54 = arith.constant 0 : i32
      %dma_start3A_55 = arith.constant 0 : i32
      %dma_start3A_56 = tpu.memref_slice %arg2[%dma_start3A_54, %dma_start3A_55] : memref<10240x64xf32, #tpu.memory_space<hbm>> -> memref<10240x64xf32, #tpu.memory_space<hbm>>
      tpu.enqueue_indirect_dma source(%dma_start3A_56 : memref<10240x64xf32, #tpu.memory_space<hbm>>) target(%arg13 : memref<128x64xf32, #tpu.memory_space<vmem>>) offsets(%dma_start3A_53 : memref<128xi32, #tpu.memory_space<vmem>>) semaphore(%arg19 : memref<!tpu.dma_semaphore, #tpu.memory_space<semaphore_mem>>)
      %dma_start3A_57 = arith.constant 4 : i32
      %dma_start3A_58 = arith.constant 0 : i32
      %dma_start3A_59 = tpu.memref_slice %arg8[%dma_start3A_57, %dma_start3A_58] : memref<160x128xi32, #tpu.memory_space<vmem>> -> memref<1x128xi32, #tpu.memory_space<vmem>>
      %dma_start3A_60 = tpu.memref_squeeze %dma_start3A_59 : memref<1x128xi32, #tpu.memory_space<vmem>> -> memref<128xi32, #tpu.memory_space<vmem>>
      %dma_start3A_61 = arith.constant 0 : i32
      %dma_start3A_62 = arith.constant 0 : i32
      %dma_start3A_63 = tpu.memref_slice %arg2[%dma_start3A_61, %dma_start3A_62] : memref<10240x64xf32, #tpu.memory_space<hbm>> -> memref<10240x64xf32, #tpu.memory_space<hbm>>
      tpu.enqueue_indirect_dma source(%dma_start3A_63 : memref<10240x64xf32, #tpu.memory_space<hbm>>) target(%arg14 : memref<128x64xf32, #tpu.memory_space<vmem>>) offsets(%dma_start3A_60 : memref<128xi32, #tpu.memory_space<vmem>>) semaphore(%arg20 : memref<!tpu.dma_semaphore, #tpu.memory_space<semaphore_mem>>)
      %scan3A_64 = arith.constant 0 : i32
      %scan3A_65 = arith.constant 32 : i32
      %scan3A_66 = arith.addi %scan3A_64, %scan3A_65 : i32
      %scan3A_67 = arith.constant 1 : i32
      scf.for %scan3A_69 = %scan3A_64 to %scan3A_66 step %scan3A_67  : i32 {
        %mul3A_70 = arith.constant 5 : i32
        %mul3A_71 = arith.muli %scan3A_69, %mul3A_70 : i32
        %add3A = arith.constant 0 : i32
        %add3A_72 = arith.addi %add3A, %mul3A_71 : i32
        %dma_wait3A = arith.constant 0 : i32
        %dma_wait3A_73 = arith.constant 0 : i32
        %dma_wait3A_74 = tpu.memref_slice %arg2[%dma_wait3A, %dma_wait3A_73] : memref<10240x64xf32, #tpu.memory_space<hbm>> -> memref<128x64xf32, #tpu.memory_space<hbm>>
        %dma_wait3A_75 = arith.constant 0 : i32
        %dma_wait3A_76 = arith.constant 0 : i32
        %dma_wait3A_77 = tpu.memref_slice %arg2[%dma_wait3A_75, %dma_wait3A_76] : memref<10240x64xf32, #tpu.memory_space<hbm>> -> memref<128x64xf32, #tpu.memory_space<hbm>>
        tpu.wait_dma2 semaphore(%arg16 : memref<!tpu.dma_semaphore, #tpu.memory_space<semaphore_mem>>) src(%dma_wait3A_77 : memref<128x64xf32, #tpu.memory_space<hbm>>) dst(%arg10 : memref<128x64xf32, #tpu.memory_space<vmem>>)
        %add3A_78 = arith.constant 0 : i32
        %add3A_79 = arith.addi %add3A_72, %add3A_78 : i32
        %dma_start3A_80 = arith.constant 0 : i32
        %dma_start3A_81 = tpu.memref_slice %arg9[%add3A_79, %dma_start3A_80] : memref<160x128xi32, #tpu.memory_space<vmem>> -> memref<1x128xi32, #tpu.memory_space<vmem>>
        %dma_start3A_82 = tpu.memref_squeeze %dma_start3A_81 : memref<1x128xi32, #tpu.memory_space<vmem>> -> memref<128xi32, #tpu.memory_space<vmem>>
        %dma_start3A_83 = arith.constant 0 : i32
        %dma_start3A_84 = arith.constant 0 : i32
        %dma_start3A_85 = tpu.memref_slice %arg15[%dma_start3A_83, %dma_start3A_84] : memref<10240x64xf32, #tpu.memory_space<vmem_shared>> -> memref<10240x64xf32, #tpu.memory_space<vmem_shared>>
        tpu.enqueue_indirect_dma source(%arg10 : memref<128x64xf32, #tpu.memory_space<vmem>>) target(%dma_start3A_85 : memref<10240x64xf32, #tpu.memory_space<vmem_shared>>) offsets(%dma_start3A_82 : memref<128xi32, #tpu.memory_space<vmem>>) semaphore(%arg21 : memref<!tpu.dma_semaphore, #tpu.memory_space<semaphore_mem>>) {add = true}
        %dma_wait3A_86 = arith.constant 0 : i32
        %dma_wait3A_87 = arith.constant 0 : i32
        %dma_wait3A_88 = tpu.memref_slice %arg2[%dma_wait3A_86, %dma_wait3A_87] : memref<10240x64xf32, #tpu.memory_space<hbm>> -> memref<128x64xf32, #tpu.memory_space<hbm>>
        %dma_wait3A_89 = arith.constant 0 : i32
        %dma_wait3A_90 = arith.constant 0 : i32
        %dma_wait3A_91 = tpu.memref_slice %arg2[%dma_wait3A_89, %dma_wait3A_90] : memref<10240x64xf32, #tpu.memory_space<hbm>> -> memref<128x64xf32, #tpu.memory_space<hbm>>
        tpu.wait_dma2 semaphore(%arg17 : memref<!tpu.dma_semaphore, #tpu.memory_space<semaphore_mem>>) src(%dma_wait3A_91 : memref<128x64xf32, #tpu.memory_space<hbm>>) dst(%arg11 : memref<128x64xf32, #tpu.memory_space<vmem>>)
        %add3A_92 = arith.constant 1 : i32
        %add3A_93 = arith.addi %add3A_72, %add3A_92 : i32
        %dma_start3A_94 = arith.constant 0 : i32
        %dma_start3A_95 = tpu.memref_slice %arg9[%add3A_93, %dma_start3A_94] : memref<160x128xi32, #tpu.memory_space<vmem>> -> memref<1x128xi32, #tpu.memory_space<vmem>>
        %dma_start3A_96 = tpu.memref_squeeze %dma_start3A_95 : memref<1x128xi32, #tpu.memory_space<vmem>> -> memref<128xi32, #tpu.memory_space<vmem>>
        %dma_start3A_97 = arith.constant 0 : i32
        %dma_start3A_98 = arith.constant 0 : i32
        %dma_start3A_99 = tpu.memref_slice %arg15[%dma_start3A_97, %dma_start3A_98] : memref<10240x64xf32, #tpu.memory_space<vmem_shared>> -> memref<10240x64xf32, #tpu.memory_space<vmem_shared>>
        tpu.enqueue_indirect_dma source(%arg11 : memref<128x64xf32, #tpu.memory_space<vmem>>) target(%dma_start3A_99 : memref<10240x64xf32, #tpu.memory_space<vmem_shared>>) offsets(%dma_start3A_96 : memref<128xi32, #tpu.memory_space<vmem>>) semaphore(%arg22 : memref<!tpu.dma_semaphore, #tpu.memory_space<semaphore_mem>>) {add = true}
        %dma_wait3A_100 = arith.constant 0 : i32
        %dma_wait3A_101 = arith.constant 0 : i32
        %dma_wait3A_102 = tpu.memref_slice %arg2[%dma_wait3A_100, %dma_wait3A_101] : memref<10240x64xf32, #tpu.memory_space<hbm>> -> memref<128x64xf32, #tpu.memory_space<hbm>>
        %dma_wait3A_103 = arith.constant 0 : i32
        %dma_wait3A_104 = arith.constant 0 : i32
        %dma_wait3A_105 = tpu.memref_slice %arg2[%dma_wait3A_103, %dma_wait3A_104] : memref<10240x64xf32, #tpu.memory_space<hbm>> -> memref<128x64xf32, #tpu.memory_space<hbm>>
        tpu.wait_dma2 semaphore(%arg18 : memref<!tpu.dma_semaphore, #tpu.memory_space<semaphore_mem>>) src(%dma_wait3A_105 : memref<128x64xf32, #tpu.memory_space<hbm>>) dst(%arg12 : memref<128x64xf32, #tpu.memory_space<vmem>>)
        %add3A_106 = arith.constant 2 : i32
        %add3A_107 = arith.addi %add3A_72, %add3A_106 : i32
        %dma_start3A_108 = arith.constant 0 : i32
        %dma_start3A_109 = tpu.memref_slice %arg9[%add3A_107, %dma_start3A_108] : memref<160x128xi32, #tpu.memory_space<vmem>> -> memref<1x128xi32, #tpu.memory_space<vmem>>
        %dma_start3A_110 = tpu.memref_squeeze %dma_start3A_109 : memref<1x128xi32, #tpu.memory_space<vmem>> -> memref<128xi32, #tpu.memory_space<vmem>>
        %dma_start3A_111 = arith.constant 0 : i32
        %dma_start3A_112 = arith.constant 0 : i32
        %dma_start3A_113 = tpu.memref_slice %arg15[%dma_start3A_111, %dma_start3A_112] : memref<10240x64xf32, #tpu.memory_space<vmem_shared>> -> memref<10240x64xf32, #tpu.memory_space<vmem_shared>>
        tpu.enqueue_indirect_dma source(%arg12 : memref<128x64xf32, #tpu.memory_space<vmem>>) target(%dma_start3A_113 : memref<10240x64xf32, #tpu.memory_space<vmem_shared>>) offsets(%dma_start3A_110 : memref<128xi32, #tpu.memory_space<vmem>>) semaphore(%arg23 : memref<!tpu.dma_semaphore, #tpu.memory_space<semaphore_mem>>) {add = true}
        %dma_wait3A_114 = arith.constant 0 : i32
        %dma_wait3A_115 = arith.constant 0 : i32
        %dma_wait3A_116 = tpu.memref_slice %arg2[%dma_wait3A_114, %dma_wait3A_115] : memref<10240x64xf32, #tpu.memory_space<hbm>> -> memref<128x64xf32, #tpu.memory_space<hbm>>
        %dma_wait3A_117 = arith.constant 0 : i32
        %dma_wait3A_118 = arith.constant 0 : i32
        %dma_wait3A_119 = tpu.memref_slice %arg2[%dma_wait3A_117, %dma_wait3A_118] : memref<10240x64xf32, #tpu.memory_space<hbm>> -> memref<128x64xf32, #tpu.memory_space<hbm>>
        tpu.wait_dma2 semaphore(%arg19 : memref<!tpu.dma_semaphore, #tpu.memory_space<semaphore_mem>>) src(%dma_wait3A_119 : memref<128x64xf32, #tpu.memory_space<hbm>>) dst(%arg13 : memref<128x64xf32, #tpu.memory_space<vmem>>)
        %add3A_120 = arith.constant 3 : i32
        %add3A_121 = arith.addi %add3A_72, %add3A_120 : i32
        %dma_start3A_122 = arith.constant 0 : i32
        %dma_start3A_123 = tpu.memref_slice %arg9[%add3A_121, %dma_start3A_122] : memref<160x128xi32, #tpu.memory_space<vmem>> -> memref<1x128xi32, #tpu.memory_space<vmem>>
        %dma_start3A_124 = tpu.memref_squeeze %dma_start3A_123 : memref<1x128xi32, #tpu.memory_space<vmem>> -> memref<128xi32, #tpu.memory_space<vmem>>
        %dma_start3A_125 = arith.constant 0 : i32
        %dma_start3A_126 = arith.constant 0 : i32
        %dma_start3A_127 = tpu.memref_slice %arg15[%dma_start3A_125, %dma_start3A_126] : memref<10240x64xf32, #tpu.memory_space<vmem_shared>> -> memref<10240x64xf32, #tpu.memory_space<vmem_shared>>
        tpu.enqueue_indirect_dma source(%arg13 : memref<128x64xf32, #tpu.memory_space<vmem>>) target(%dma_start3A_127 : memref<10240x64xf32, #tpu.memory_space<vmem_shared>>) offsets(%dma_start3A_124 : memref<128xi32, #tpu.memory_space<vmem>>) semaphore(%arg24 : memref<!tpu.dma_semaphore, #tpu.memory_space<semaphore_mem>>) {add = true}
        %dma_wait3A_128 = arith.constant 0 : i32
        %dma_wait3A_129 = arith.constant 0 : i32
        %dma_wait3A_130 = tpu.memref_slice %arg2[%dma_wait3A_128, %dma_wait3A_129] : memref<10240x64xf32, #tpu.memory_space<hbm>> -> memref<128x64xf32, #tpu.memory_space<hbm>>
        %dma_wait3A_131 = arith.constant 0 : i32
        %dma_wait3A_132 = arith.constant 0 : i32
        %dma_wait3A_133 = tpu.memref_slice %arg2[%dma_wait3A_131, %dma_wait3A_132] : memref<10240x64xf32, #tpu.memory_space<hbm>> -> memref<128x64xf32, #tpu.memory_space<hbm>>
        tpu.wait_dma2 semaphore(%arg20 : memref<!tpu.dma_semaphore, #tpu.memory_space<semaphore_mem>>) src(%dma_wait3A_133 : memref<128x64xf32, #tpu.memory_space<hbm>>) dst(%arg14 : memref<128x64xf32, #tpu.memory_space<vmem>>)
        %add3A_134 = arith.constant 4 : i32
        %add3A_135 = arith.addi %add3A_72, %add3A_134 : i32
        %dma_start3A_136 = arith.constant 0 : i32
        %dma_start3A_137 = tpu.memref_slice %arg9[%add3A_135, %dma_start3A_136] : memref<160x128xi32, #tpu.memory_space<vmem>> -> memref<1x128xi32, #tpu.memory_space<vmem>>
        %dma_start3A_138 = tpu.memref_squeeze %dma_start3A_137 : memref<1x128xi32, #tpu.memory_space<vmem>> -> memref<128xi32, #tpu.memory_space<vmem>>
        %dma_start3A_139 = arith.constant 0 : i32
        %dma_start3A_140 = arith.constant 0 : i32
        %dma_start3A_141 = tpu.memref_slice %arg15[%dma_start3A_139, %dma_start3A_140] : memref<10240x64xf32, #tpu.memory_space<vmem_shared>> -> memref<10240x64xf32, #tpu.memory_space<vmem_shared>>
        tpu.enqueue_indirect_dma source(%arg14 : memref<128x64xf32, #tpu.memory_space<vmem>>) target(%dma_start3A_141 : memref<10240x64xf32, #tpu.memory_space<vmem_shared>>) offsets(%dma_start3A_138 : memref<128xi32, #tpu.memory_space<vmem>>) semaphore(%arg25 : memref<!tpu.dma_semaphore, #tpu.memory_space<semaphore_mem>>) {add = true}
        %dma_wait3A_142 = arith.constant 0 : i32
        %dma_wait3A_143 = arith.constant 0 : i32
        %dma_wait3A_144 = tpu.memref_slice %arg15[%dma_wait3A_142, %dma_wait3A_143] : memref<10240x64xf32, #tpu.memory_space<vmem_shared>> -> memref<128x64xf32, #tpu.memory_space<vmem_shared>>
        %dma_wait3A_145 = arith.constant 0 : i32
        %dma_wait3A_146 = arith.constant 0 : i32
        %dma_wait3A_147 = tpu.memref_slice %arg15[%dma_wait3A_145, %dma_wait3A_146] : memref<10240x64xf32, #tpu.memory_space<vmem_shared>> -> memref<128x64xf32, #tpu.memory_space<vmem_shared>>
        tpu.wait_dma2 semaphore(%arg21 : memref<!tpu.dma_semaphore, #tpu.memory_space<semaphore_mem>>) src(%arg10 : memref<128x64xf32, #tpu.memory_space<vmem>>) dst(%dma_wait3A_147 : memref<128x64xf32, #tpu.memory_space<vmem_shared>>)
        %add3A_148 = arith.constant 5 : i32
        %add3A_149 = arith.addi %add3A_72, %add3A_148 : i32
        %lt3A = arith.constant 160 : i32
        %lt3A_150 = arith.cmpi slt, %add3A_149, %lt3A : i32
        %convert_element_type3A_151 = arith.extui %lt3A_150 : i1 to i32
        %cond3A_152 = arith.constant 0 : i32
        %cond3A_153 = arith.cmpi ne, %convert_element_type3A_151, %cond3A_152 : i32
        scf.if %cond3A_153 {
          %add3A_206 = arith.constant 5 : i32
          %add3A_207 = arith.addi %add3A_72, %add3A_206 : i32
          %dma_start3A_208 = arith.constant 0 : i32
          %dma_start3A_209 = tpu.memref_slice %arg8[%add3A_207, %dma_start3A_208] : memref<160x128xi32, #tpu.memory_space<vmem>> -> memref<1x128xi32, #tpu.memory_space<vmem>>
          %dma_start3A_210 = tpu.memref_squeeze %dma_start3A_209 : memref<1x128xi32, #tpu.memory_space<vmem>> -> memref<128xi32, #tpu.memory_space<vmem>>
          %dma_start3A_211 = arith.constant 0 : i32
          %dma_start3A_212 = arith.constant 0 : i32
          %dma_start3A_213 = tpu.memref_slice %arg2[%dma_start3A_211, %dma_start3A_212] : memref<10240x64xf32, #tpu.memory_space<hbm>> -> memref<10240x64xf32, #tpu.memory_space<hbm>>
          tpu.enqueue_indirect_dma source(%dma_start3A_213 : memref<10240x64xf32, #tpu.memory_space<hbm>>) target(%arg10 : memref<128x64xf32, #tpu.memory_space<vmem>>) offsets(%dma_start3A_210 : memref<128xi32, #tpu.memory_space<vmem>>) semaphore(%arg16 : memref<!tpu.dma_semaphore, #tpu.memory_space<semaphore_mem>>)
        } else {
        }
        %dma_wait3A_154 = arith.constant 0 : i32
        %dma_wait3A_155 = arith.constant 0 : i32
        %dma_wait3A_156 = tpu.memref_slice %arg15[%dma_wait3A_154, %dma_wait3A_155] : memref<10240x64xf32, #tpu.memory_space<vmem_shared>> -> memref<128x64xf32, #tpu.memory_space<vmem_shared>>
        %dma_wait3A_157 = arith.constant 0 : i32
        %dma_wait3A_158 = arith.constant 0 : i32
        %dma_wait3A_159 = tpu.memref_slice %arg15[%dma_wait3A_157, %dma_wait3A_158] : memref<10240x64xf32, #tpu.memory_space<vmem_shared>> -> memref<128x64xf32, #tpu.memory_space<vmem_shared>>
        tpu.wait_dma2 semaphore(%arg22 : memref<!tpu.dma_semaphore, #tpu.memory_space<semaphore_mem>>) src(%arg11 : memref<128x64xf32, #tpu.memory_space<vmem>>) dst(%dma_wait3A_159 : memref<128x64xf32, #tpu.memory_space<vmem_shared>>)
        %add3A_160 = arith.constant 6 : i32
        %add3A_161 = arith.addi %add3A_72, %add3A_160 : i32
        %lt3A_162 = arith.constant 160 : i32
        %lt3A_163 = arith.cmpi slt, %add3A_161, %lt3A_162 : i32
        %convert_element_type3A_164 = arith.extui %lt3A_163 : i1 to i32
        %cond3A_165 = arith.constant 0 : i32
        %cond3A_166 = arith.cmpi ne, %convert_element_type3A_164, %cond3A_165 : i32
        scf.if %cond3A_166 {
          %add3A_206 = arith.constant 6 : i32
          %add3A_207 = arith.addi %add3A_72, %add3A_206 : i32
          %dma_start3A_208 = arith.constant 0 : i32
          %dma_start3A_209 = tpu.memref_slice %arg8[%add3A_207, %dma_start3A_208] : memref<160x128xi32, #tpu.memory_space<vmem>> -> memref<1x128xi32, #tpu.memory_space<vmem>>
          %dma_start3A_210 = tpu.memref_squeeze %dma_start3A_209 : memref<1x128xi32, #tpu.memory_space<vmem>> -> memref<128xi32, #tpu.memory_space<vmem>>
          %dma_start3A_211 = arith.constant 0 : i32
          %dma_start3A_212 = arith.constant 0 : i32
          %dma_start3A_213 = tpu.memref_slice %arg2[%dma_start3A_211, %dma_start3A_212] : memref<10240x64xf32, #tpu.memory_space<hbm>> -> memref<10240x64xf32, #tpu.memory_space<hbm>>
          tpu.enqueue_indirect_dma source(%dma_start3A_213 : memref<10240x64xf32, #tpu.memory_space<hbm>>) target(%arg11 : memref<128x64xf32, #tpu.memory_space<vmem>>) offsets(%dma_start3A_210 : memref<128xi32, #tpu.memory_space<vmem>>) semaphore(%arg17 : memref<!tpu.dma_semaphore, #tpu.memory_space<semaphore_mem>>)
        } else {
        }
        %dma_wait3A_167 = arith.constant 0 : i32
        %dma_wait3A_168 = arith.constant 0 : i32
        %dma_wait3A_169 = tpu.memref_slice %arg15[%dma_wait3A_167, %dma_wait3A_168] : memref<10240x64xf32, #tpu.memory_space<vmem_shared>> -> memref<128x64xf32, #tpu.memory_space<vmem_shared>>
        %dma_wait3A_170 = arith.constant 0 : i32
        %dma_wait3A_171 = arith.constant 0 : i32
        %dma_wait3A_172 = tpu.memref_slice %arg15[%dma_wait3A_170, %dma_wait3A_171] : memref<10240x64xf32, #tpu.memory_space<vmem_shared>> -> memref<128x64xf32, #tpu.memory_space<vmem_shared>>
        tpu.wait_dma2 semaphore(%arg23 : memref<!tpu.dma_semaphore, #tpu.memory_space<semaphore_mem>>) src(%arg12 : memref<128x64xf32, #tpu.memory_space<vmem>>) dst(%dma_wait3A_172 : memref<128x64xf32, #tpu.memory_space<vmem_shared>>)
        %add3A_173 = arith.constant 7 : i32
        %add3A_174 = arith.addi %add3A_72, %add3A_173 : i32
        %lt3A_175 = arith.constant 160 : i32
        %lt3A_176 = arith.cmpi slt, %add3A_174, %lt3A_175 : i32
        %convert_element_type3A_177 = arith.extui %lt3A_176 : i1 to i32
        %cond3A_178 = arith.constant 0 : i32
        %cond3A_179 = arith.cmpi ne, %convert_element_type3A_177, %cond3A_178 : i32
        scf.if %cond3A_179 {
          %add3A_206 = arith.constant 7 : i32
          %add3A_207 = arith.addi %add3A_72, %add3A_206 : i32
          %dma_start3A_208 = arith.constant 0 : i32
          %dma_start3A_209 = tpu.memref_slice %arg8[%add3A_207, %dma_start3A_208] : memref<160x128xi32, #tpu.memory_space<vmem>> -> memref<1x128xi32, #tpu.memory_space<vmem>>
          %dma_start3A_210 = tpu.memref_squeeze %dma_start3A_209 : memref<1x128xi32, #tpu.memory_space<vmem>> -> memref<128xi32, #tpu.memory_space<vmem>>
          %dma_start3A_211 = arith.constant 0 : i32
          %dma_start3A_212 = arith.constant 0 : i32
          %dma_start3A_213 = tpu.memref_slice %arg2[%dma_start3A_211, %dma_start3A_212] : memref<10240x64xf32, #tpu.memory_space<hbm>> -> memref<10240x64xf32, #tpu.memory_space<hbm>>
          tpu.enqueue_indirect_dma source(%dma_start3A_213 : memref<10240x64xf32, #tpu.memory_space<hbm>>) target(%arg12 : memref<128x64xf32, #tpu.memory_space<vmem>>) offsets(%dma_start3A_210 : memref<128xi32, #tpu.memory_space<vmem>>) semaphore(%arg18 : memref<!tpu.dma_semaphore, #tpu.memory_space<semaphore_mem>>)
        } else {
        }
        %dma_wait3A_180 = arith.constant 0 : i32
        %dma_wait3A_181 = arith.constant 0 : i32
        %dma_wait3A_182 = tpu.memref_slice %arg15[%dma_wait3A_180, %dma_wait3A_181] : memref<10240x64xf32, #tpu.memory_space<vmem_shared>> -> memref<128x64xf32, #tpu.memory_space<vmem_shared>>
        %dma_wait3A_183 = arith.constant 0 : i32
        %dma_wait3A_184 = arith.constant 0 : i32
        %dma_wait3A_185 = tpu.memref_slice %arg15[%dma_wait3A_183, %dma_wait3A_184] : memref<10240x64xf32, #tpu.memory_space<vmem_shared>> -> memref<128x64xf32, #tpu.memory_space<vmem_shared>>
        tpu.wait_dma2 semaphore(%arg24 : memref<!tpu.dma_semaphore, #tpu.memory_space<semaphore_mem>>) src(%arg13 : memref<128x64xf32, #tpu.memory_space<vmem>>) dst(%dma_wait3A_185 : memref<128x64xf32, #tpu.memory_space<vmem_shared>>)
        %add3A_186 = arith.constant 8 : i32
        %add3A_187 = arith.addi %add3A_72, %add3A_186 : i32
        %lt3A_188 = arith.constant 160 : i32
        %lt3A_189 = arith.cmpi slt, %add3A_187, %lt3A_188 : i32
        %convert_element_type3A_190 = arith.extui %lt3A_189 : i1 to i32
        %cond3A_191 = arith.constant 0 : i32
        %cond3A_192 = arith.cmpi ne, %convert_element_type3A_190, %cond3A_191 : i32
        scf.if %cond3A_192 {
          %add3A_206 = arith.constant 8 : i32
          %add3A_207 = arith.addi %add3A_72, %add3A_206 : i32
          %dma_start3A_208 = arith.constant 0 : i32
          %dma_start3A_209 = tpu.memref_slice %arg8[%add3A_207, %dma_start3A_208] : memref<160x128xi32, #tpu.memory_space<vmem>> -> memref<1x128xi32, #tpu.memory_space<vmem>>
          %dma_start3A_210 = tpu.memref_squeeze %dma_start3A_209 : memref<1x128xi32, #tpu.memory_space<vmem>> -> memref<128xi32, #tpu.memory_space<vmem>>
          %dma_start3A_211 = arith.constant 0 : i32
          %dma_start3A_212 = arith.constant 0 : i32
          %dma_start3A_213 = tpu.memref_slice %arg2[%dma_start3A_211, %dma_start3A_212] : memref<10240x64xf32, #tpu.memory_space<hbm>> -> memref<10240x64xf32, #tpu.memory_space<hbm>>
          tpu.enqueue_indirect_dma source(%dma_start3A_213 : memref<10240x64xf32, #tpu.memory_space<hbm>>) target(%arg13 : memref<128x64xf32, #tpu.memory_space<vmem>>) offsets(%dma_start3A_210 : memref<128xi32, #tpu.memory_space<vmem>>) semaphore(%arg19 : memref<!tpu.dma_semaphore, #tpu.memory_space<semaphore_mem>>)
        } else {
        }
        %dma_wait3A_193 = arith.constant 0 : i32
        %dma_wait3A_194 = arith.constant 0 : i32
        %dma_wait3A_195 = tpu.memref_slice %arg15[%dma_wait3A_193, %dma_wait3A_194] : memref<10240x64xf32, #tpu.memory_space<vmem_shared>> -> memref<128x64xf32, #tpu.memory_space<vmem_shared>>
        %dma_wait3A_196 = arith.constant 0 : i32
        %dma_wait3A_197 = arith.constant 0 : i32
        %dma_wait3A_198 = tpu.memref_slice %arg15[%dma_wait3A_196, %dma_wait3A_197] : memref<10240x64xf32, #tpu.memory_space<vmem_shared>> -> memref<128x64xf32, #tpu.memory_space<vmem_shared>>
        tpu.wait_dma2 semaphore(%arg25 : memref<!tpu.dma_semaphore, #tpu.memory_space<semaphore_mem>>) src(%arg14 : memref<128x64xf32, #tpu.memory_space<vmem>>) dst(%dma_wait3A_198 : memref<128x64xf32, #tpu.memory_space<vmem_shared>>)
        %add3A_199 = arith.constant 9 : i32
        %add3A_200 = arith.addi %add3A_72, %add3A_199 : i32
        %lt3A_201 = arith.constant 160 : i32
        %lt3A_202 = arith.cmpi slt, %add3A_200, %lt3A_201 : i32
        %convert_element_type3A_203 = arith.extui %lt3A_202 : i1 to i32
        %cond3A_204 = arith.constant 0 : i32
        %cond3A_205 = arith.cmpi ne, %convert_element_type3A_203, %cond3A_204 : i32
        scf.if %cond3A_205 {
          %add3A_206 = arith.constant 9 : i32
          %add3A_207 = arith.addi %add3A_72, %add3A_206 : i32
          %dma_start3A_208 = arith.constant 0 : i32
          %dma_start3A_209 = tpu.memref_slice %arg8[%add3A_207, %dma_start3A_208] : memref<160x128xi32, #tpu.memory_space<vmem>> -> memref<1x128xi32, #tpu.memory_space<vmem>>
          %dma_start3A_210 = tpu.memref_squeeze %dma_start3A_209 : memref<1x128xi32, #tpu.memory_space<vmem>> -> memref<128xi32, #tpu.memory_space<vmem>>
          %dma_start3A_211 = arith.constant 0 : i32
          %dma_start3A_212 = arith.constant 0 : i32
          %dma_start3A_213 = tpu.memref_slice %arg2[%dma_start3A_211, %dma_start3A_212] : memref<10240x64xf32, #tpu.memory_space<hbm>> -> memref<10240x64xf32, #tpu.memory_space<hbm>>
          tpu.enqueue_indirect_dma source(%dma_start3A_213 : memref<10240x64xf32, #tpu.memory_space<hbm>>) target(%arg14 : memref<128x64xf32, #tpu.memory_space<vmem>>) offsets(%dma_start3A_210 : memref<128xi32, #tpu.memory_space<vmem>>) semaphore(%arg20 : memref<!tpu.dma_semaphore, #tpu.memory_space<semaphore_mem>>)
        } else {
        }
      }
      %scan3A_68 = arith.constant 32 : i32
    } else {
    }
    %eq3A_14 = arith.constant 1 : i32
    %eq3A_15 = arith.cmpi eq, %arg0, %eq3A_14 : i32
    %convert_element_type3A_16 = arith.extui %eq3A_15 : i1 to i32
    %cond3A_17 = arith.constant 0 : i32
    %cond3A_18 = arith.cmpi ne, %convert_element_type3A_16, %cond3A_17 : i32
    scf.if %cond3A_18 {
      %dma_start3A = arith.constant 0 : i32
      %dma_start3A_30 = arith.constant 0 : i32
      %dma_start3A_31 = tpu.memref_slice %arg8[%dma_start3A, %dma_start3A_30] : memref<160x128xi32, #tpu.memory_space<vmem>> -> memref<1x128xi32, #tpu.memory_space<vmem>>
      %dma_start3A_32 = tpu.memref_squeeze %dma_start3A_31 : memref<1x128xi32, #tpu.memory_space<vmem>> -> memref<128xi32, #tpu.memory_space<vmem>>
      %dma_start3A_33 = arith.constant 0 : i32
      %dma_start3A_34 = arith.constant 0 : i32
      %dma_start3A_35 = tpu.memref_slice %arg3[%dma_start3A_33, %dma_start3A_34] : memref<10240x64xf32, #tpu.memory_space<hbm>> -> memref<10240x64xf32, #tpu.memory_space<hbm>>
      tpu.enqueue_indirect_dma source(%dma_start3A_35 : memref<10240x64xf32, #tpu.memory_space<hbm>>) target(%arg10 : memref<128x64xf32, #tpu.memory_space<vmem>>) offsets(%dma_start3A_32 : memref<128xi32, #tpu.memory_space<vmem>>) semaphore(%arg16 : memref<!tpu.dma_semaphore, #tpu.memory_space<semaphore_mem>>)
      %dma_start3A_36 = arith.constant 1 : i32
      %dma_start3A_37 = arith.constant 0 : i32
      %dma_start3A_38 = tpu.memref_slice %arg8[%dma_start3A_36, %dma_start3A_37] : memref<160x128xi32, #tpu.memory_space<vmem>> -> memref<1x128xi32, #tpu.memory_space<vmem>>
      %dma_start3A_39 = tpu.memref_squeeze %dma_start3A_38 : memref<1x128xi32, #tpu.memory_space<vmem>> -> memref<128xi32, #tpu.memory_space<vmem>>
      %dma_start3A_40 = arith.constant 0 : i32
      %dma_start3A_41 = arith.constant 0 : i32
      %dma_start3A_42 = tpu.memref_slice %arg3[%dma_start3A_40, %dma_start3A_41] : memref<10240x64xf32, #tpu.memory_space<hbm>> -> memref<10240x64xf32, #tpu.memory_space<hbm>>
      tpu.enqueue_indirect_dma source(%dma_start3A_42 : memref<10240x64xf32, #tpu.memory_space<hbm>>) target(%arg11 : memref<128x64xf32, #tpu.memory_space<vmem>>) offsets(%dma_start3A_39 : memref<128xi32, #tpu.memory_space<vmem>>) semaphore(%arg17 : memref<!tpu.dma_semaphore, #tpu.memory_space<semaphore_mem>>)
      %dma_start3A_43 = arith.constant 2 : i32
      %dma_start3A_44 = arith.constant 0 : i32
      %dma_start3A_45 = tpu.memref_slice %arg8[%dma_start3A_43, %dma_start3A_44] : memref<160x128xi32, #tpu.memory_space<vmem>> -> memref<1x128xi32, #tpu.memory_space<vmem>>
      %dma_start3A_46 = tpu.memref_squeeze %dma_start3A_45 : memref<1x128xi32, #tpu.memory_space<vmem>> -> memref<128xi32, #tpu.memory_space<vmem>>
      %dma_start3A_47 = arith.constant 0 : i32
      %dma_start3A_48 = arith.constant 0 : i32
      %dma_start3A_49 = tpu.memref_slice %arg3[%dma_start3A_47, %dma_start3A_48] : memref<10240x64xf32, #tpu.memory_space<hbm>> -> memref<10240x64xf32, #tpu.memory_space<hbm>>
      tpu.enqueue_indirect_dma source(%dma_start3A_49 : memref<10240x64xf32, #tpu.memory_space<hbm>>) target(%arg12 : memref<128x64xf32, #tpu.memory_space<vmem>>) offsets(%dma_start3A_46 : memref<128xi32, #tpu.memory_space<vmem>>) semaphore(%arg18 : memref<!tpu.dma_semaphore, #tpu.memory_space<semaphore_mem>>)
      %dma_start3A_50 = arith.constant 3 : i32
      %dma_start3A_51 = arith.constant 0 : i32
      %dma_start3A_52 = tpu.memref_slice %arg8[%dma_start3A_50, %dma_start3A_51] : memref<160x128xi32, #tpu.memory_space<vmem>> -> memref<1x128xi32, #tpu.memory_space<vmem>>
      %dma_start3A_53 = tpu.memref_squeeze %dma_start3A_52 : memref<1x128xi32, #tpu.memory_space<vmem>> -> memref<128xi32, #tpu.memory_space<vmem>>
      %dma_start3A_54 = arith.constant 0 : i32
      %dma_start3A_55 = arith.constant 0 : i32
      %dma_start3A_56 = tpu.memref_slice %arg3[%dma_start3A_54, %dma_start3A_55] : memref<10240x64xf32, #tpu.memory_space<hbm>> -> memref<10240x64xf32, #tpu.memory_space<hbm>>
      tpu.enqueue_indirect_dma source(%dma_start3A_56 : memref<10240x64xf32, #tpu.memory_space<hbm>>) target(%arg13 : memref<128x64xf32, #tpu.memory_space<vmem>>) offsets(%dma_start3A_53 : memref<128xi32, #tpu.memory_space<vmem>>) semaphore(%arg19 : memref<!tpu.dma_semaphore, #tpu.memory_space<semaphore_mem>>)
      %dma_start3A_57 = arith.constant 4 : i32
      %dma_start3A_58 = arith.constant 0 : i32
      %dma_start3A_59 = tpu.memref_slice %arg8[%dma_start3A_57, %dma_start3A_58] : memref<160x128xi32, #tpu.memory_space<vmem>> -> memref<1x128xi32, #tpu.memory_space<vmem>>
      %dma_start3A_60 = tpu.memref_squeeze %dma_start3A_59 : memref<1x128xi32, #tpu.memory_space<vmem>> -> memref<128xi32, #tpu.memory_space<vmem>>
      %dma_start3A_61 = arith.constant 0 : i32
      %dma_start3A_62 = arith.constant 0 : i32
      %dma_start3A_63 = tpu.memref_slice %arg3[%dma_start3A_61, %dma_start3A_62] : memref<10240x64xf32, #tpu.memory_space<hbm>> -> memref<10240x64xf32, #tpu.memory_space<hbm>>
      tpu.enqueue_indirect_dma source(%dma_start3A_63 : memref<10240x64xf32, #tpu.memory_space<hbm>>) target(%arg14 : memref<128x64xf32, #tpu.memory_space<vmem>>) offsets(%dma_start3A_60 : memref<128xi32, #tpu.memory_space<vmem>>) semaphore(%arg20 : memref<!tpu.dma_semaphore, #tpu.memory_space<semaphore_mem>>)
      %scan3A_64 = arith.constant 0 : i32
      %scan3A_65 = arith.constant 32 : i32
      %scan3A_66 = arith.addi %scan3A_64, %scan3A_65 : i32
      %scan3A_67 = arith.constant 1 : i32
      scf.for %scan3A_69 = %scan3A_64 to %scan3A_66 step %scan3A_67  : i32 {
        %mul3A_70 = arith.constant 5 : i32
        %mul3A_71 = arith.muli %scan3A_69, %mul3A_70 : i32
        %add3A = arith.constant 0 : i32
        %add3A_72 = arith.addi %add3A, %mul3A_71 : i32
        %dma_wait3A = arith.constant 0 : i32
        %dma_wait3A_73 = arith.constant 0 : i32
        %dma_wait3A_74 = tpu.memref_slice %arg3[%dma_wait3A, %dma_wait3A_73] : memref<10240x64xf32, #tpu.memory_space<hbm>> -> memref<128x64xf32, #tpu.memory_space<hbm>>
        %dma_wait3A_75 = arith.constant 0 : i32
        %dma_wait3A_76 = arith.constant 0 : i32
        %dma_wait3A_77 = tpu.memref_slice %arg3[%dma_wait3A_75, %dma_wait3A_76] : memref<10240x64xf32, #tpu.memory_space<hbm>> -> memref<128x64xf32, #tpu.memory_space<hbm>>
        tpu.wait_dma2 semaphore(%arg16 : memref<!tpu.dma_semaphore, #tpu.memory_space<semaphore_mem>>) src(%dma_wait3A_77 : memref<128x64xf32, #tpu.memory_space<hbm>>) dst(%arg10 : memref<128x64xf32, #tpu.memory_space<vmem>>)
        %add3A_78 = arith.constant 0 : i32
        %add3A_79 = arith.addi %add3A_72, %add3A_78 : i32
        %dma_start3A_80 = arith.constant 0 : i32
        %dma_start3A_81 = tpu.memref_slice %arg9[%add3A_79, %dma_start3A_80] : memref<160x128xi32, #tpu.memory_space<vmem>> -> memref<1x128xi32, #tpu.memory_space<vmem>>
        %dma_start3A_82 = tpu.memref_squeeze %dma_start3A_81 : memref<1x128xi32, #tpu.memory_space<vmem>> -> memref<128xi32, #tpu.memory_space<vmem>>
        %dma_start3A_83 = arith.constant 0 : i32
        %dma_start3A_84 = arith.constant 0 : i32
        %dma_start3A_85 = tpu.memref_slice %arg15[%dma_start3A_83, %dma_start3A_84] : memref<10240x64xf32, #tpu.memory_space<vmem_shared>> -> memref<10240x64xf32, #tpu.memory_space<vmem_shared>>
        tpu.enqueue_indirect_dma source(%arg10 : memref<128x64xf32, #tpu.memory_space<vmem>>) target(%dma_start3A_85 : memref<10240x64xf32, #tpu.memory_space<vmem_shared>>) offsets(%dma_start3A_82 : memref<128xi32, #tpu.memory_space<vmem>>) semaphore(%arg21 : memref<!tpu.dma_semaphore, #tpu.memory_space<semaphore_mem>>) {add = true}
        %dma_wait3A_86 = arith.constant 0 : i32
        %dma_wait3A_87 = arith.constant 0 : i32
        %dma_wait3A_88 = tpu.memref_slice %arg3[%dma_wait3A_86, %dma_wait3A_87] : memref<10240x64xf32, #tpu.memory_space<hbm>> -> memref<128x64xf32, #tpu.memory_space<hbm>>
        %dma_wait3A_89 = arith.constant 0 : i32
        %dma_wait3A_90 = arith.constant 0 : i32
        %dma_wait3A_91 = tpu.memref_slice %arg3[%dma_wait3A_89, %dma_wait3A_90] : memref<10240x64xf32, #tpu.memory_space<hbm>> -> memref<128x64xf32, #tpu.memory_space<hbm>>
        tpu.wait_dma2 semaphore(%arg17 : memref<!tpu.dma_semaphore, #tpu.memory_space<semaphore_mem>>) src(%dma_wait3A_91 : memref<128x64xf32, #tpu.memory_space<hbm>>) dst(%arg11 : memref<128x64xf32, #tpu.memory_space<vmem>>)
        %add3A_92 = arith.constant 1 : i32
        %add3A_93 = arith.addi %add3A_72, %add3A_92 : i32
        %dma_start3A_94 = arith.constant 0 : i32
        %dma_start3A_95 = tpu.memref_slice %arg9[%add3A_93, %dma_start3A_94] : memref<160x128xi32, #tpu.memory_space<vmem>> -> memref<1x128xi32, #tpu.memory_space<vmem>>
        %dma_start3A_96 = tpu.memref_squeeze %dma_start3A_95 : memref<1x128xi32, #tpu.memory_space<vmem>> -> memref<128xi32, #tpu.memory_space<vmem>>
        %dma_start3A_97 = arith.constant 0 : i32
        %dma_start3A_98 = arith.constant 0 : i32
        %dma_start3A_99 = tpu.memref_slice %arg15[%dma_start3A_97, %dma_start3A_98] : memref<10240x64xf32, #tpu.memory_space<vmem_shared>> -> memref<10240x64xf32, #tpu.memory_space<vmem_shared>>
        tpu.enqueue_indirect_dma source(%arg11 : memref<128x64xf32, #tpu.memory_space<vmem>>) target(%dma_start3A_99 : memref<10240x64xf32, #tpu.memory_space<vmem_shared>>) offsets(%dma_start3A_96 : memref<128xi32, #tpu.memory_space<vmem>>) semaphore(%arg22 : memref<!tpu.dma_semaphore, #tpu.memory_space<semaphore_mem>>) {add = true}
        %dma_wait3A_100 = arith.constant 0 : i32
        %dma_wait3A_101 = arith.constant 0 : i32
        %dma_wait3A_102 = tpu.memref_slice %arg3[%dma_wait3A_100, %dma_wait3A_101] : memref<10240x64xf32, #tpu.memory_space<hbm>> -> memref<128x64xf32, #tpu.memory_space<hbm>>
        %dma_wait3A_103 = arith.constant 0 : i32
        %dma_wait3A_104 = arith.constant 0 : i32
        %dma_wait3A_105 = tpu.memref_slice %arg3[%dma_wait3A_103, %dma_wait3A_104] : memref<10240x64xf32, #tpu.memory_space<hbm>> -> memref<128x64xf32, #tpu.memory_space<hbm>>
        tpu.wait_dma2 semaphore(%arg18 : memref<!tpu.dma_semaphore, #tpu.memory_space<semaphore_mem>>) src(%dma_wait3A_105 : memref<128x64xf32, #tpu.memory_space<hbm>>) dst(%arg12 : memref<128x64xf32, #tpu.memory_space<vmem>>)
        %add3A_106 = arith.constant 2 : i32
        %add3A_107 = arith.addi %add3A_72, %add3A_106 : i32
        %dma_start3A_108 = arith.constant 0 : i32
        %dma_start3A_109 = tpu.memref_slice %arg9[%add3A_107, %dma_start3A_108] : memref<160x128xi32, #tpu.memory_space<vmem>> -> memref<1x128xi32, #tpu.memory_space<vmem>>
        %dma_start3A_110 = tpu.memref_squeeze %dma_start3A_109 : memref<1x128xi32, #tpu.memory_space<vmem>> -> memref<128xi32, #tpu.memory_space<vmem>>
        %dma_start3A_111 = arith.constant 0 : i32
        %dma_start3A_112 = arith.constant 0 : i32
        %dma_start3A_113 = tpu.memref_slice %arg15[%dma_start3A_111, %dma_start3A_112] : memref<10240x64xf32, #tpu.memory_space<vmem_shared>> -> memref<10240x64xf32, #tpu.memory_space<vmem_shared>>
        tpu.enqueue_indirect_dma source(%arg12 : memref<128x64xf32, #tpu.memory_space<vmem>>) target(%dma_start3A_113 : memref<10240x64xf32, #tpu.memory_space<vmem_shared>>) offsets(%dma_start3A_110 : memref<128xi32, #tpu.memory_space<vmem>>) semaphore(%arg23 : memref<!tpu.dma_semaphore, #tpu.memory_space<semaphore_mem>>) {add = true}
        %dma_wait3A_114 = arith.constant 0 : i32
        %dma_wait3A_115 = arith.constant 0 : i32
        %dma_wait3A_116 = tpu.memref_slice %arg3[%dma_wait3A_114, %dma_wait3A_115] : memref<10240x64xf32, #tpu.memory_space<hbm>> -> memref<128x64xf32, #tpu.memory_space<hbm>>
        %dma_wait3A_117 = arith.constant 0 : i32
        %dma_wait3A_118 = arith.constant 0 : i32
        %dma_wait3A_119 = tpu.memref_slice %arg3[%dma_wait3A_117, %dma_wait3A_118] : memref<10240x64xf32, #tpu.memory_space<hbm>> -> memref<128x64xf32, #tpu.memory_space<hbm>>
        tpu.wait_dma2 semaphore(%arg19 : memref<!tpu.dma_semaphore, #tpu.memory_space<semaphore_mem>>) src(%dma_wait3A_119 : memref<128x64xf32, #tpu.memory_space<hbm>>) dst(%arg13 : memref<128x64xf32, #tpu.memory_space<vmem>>)
        %add3A_120 = arith.constant 3 : i32
        %add3A_121 = arith.addi %add3A_72, %add3A_120 : i32
        %dma_start3A_122 = arith.constant 0 : i32
        %dma_start3A_123 = tpu.memref_slice %arg9[%add3A_121, %dma_start3A_122] : memref<160x128xi32, #tpu.memory_space<vmem>> -> memref<1x128xi32, #tpu.memory_space<vmem>>
        %dma_start3A_124 = tpu.memref_squeeze %dma_start3A_123 : memref<1x128xi32, #tpu.memory_space<vmem>> -> memref<128xi32, #tpu.memory_space<vmem>>
        %dma_start3A_125 = arith.constant 0 : i32
        %dma_start3A_126 = arith.constant 0 : i32
        %dma_start3A_127 = tpu.memref_slice %arg15[%dma_start3A_125, %dma_start3A_126] : memref<10240x64xf32, #tpu.memory_space<vmem_shared>> -> memref<10240x64xf32, #tpu.memory_space<vmem_shared>>
        tpu.enqueue_indirect_dma source(%arg13 : memref<128x64xf32, #tpu.memory_space<vmem>>) target(%dma_start3A_127 : memref<10240x64xf32, #tpu.memory_space<vmem_shared>>) offsets(%dma_start3A_124 : memref<128xi32, #tpu.memory_space<vmem>>) semaphore(%arg24 : memref<!tpu.dma_semaphore, #tpu.memory_space<semaphore_mem>>) {add = true}
        %dma_wait3A_128 = arith.constant 0 : i32
        %dma_wait3A_129 = arith.constant 0 : i32
        %dma_wait3A_130 = tpu.memref_slice %arg3[%dma_wait3A_128, %dma_wait3A_129] : memref<10240x64xf32, #tpu.memory_space<hbm>> -> memref<128x64xf32, #tpu.memory_space<hbm>>
        %dma_wait3A_131 = arith.constant 0 : i32
        %dma_wait3A_132 = arith.constant 0 : i32
        %dma_wait3A_133 = tpu.memref_slice %arg3[%dma_wait3A_131, %dma_wait3A_132] : memref<10240x64xf32, #tpu.memory_space<hbm>> -> memref<128x64xf32, #tpu.memory_space<hbm>>
        tpu.wait_dma2 semaphore(%arg20 : memref<!tpu.dma_semaphore, #tpu.memory_space<semaphore_mem>>) src(%dma_wait3A_133 : memref<128x64xf32, #tpu.memory_space<hbm>>) dst(%arg14 : memref<128x64xf32, #tpu.memory_space<vmem>>)
        %add3A_134 = arith.constant 4 : i32
        %add3A_135 = arith.addi %add3A_72, %add3A_134 : i32
        %dma_start3A_136 = arith.constant 0 : i32
        %dma_start3A_137 = tpu.memref_slice %arg9[%add3A_135, %dma_start3A_136] : memref<160x128xi32, #tpu.memory_space<vmem>> -> memref<1x128xi32, #tpu.memory_space<vmem>>
        %dma_start3A_138 = tpu.memref_squeeze %dma_start3A_137 : memref<1x128xi32, #tpu.memory_space<vmem>> -> memref<128xi32, #tpu.memory_space<vmem>>
        %dma_start3A_139 = arith.constant 0 : i32
        %dma_start3A_140 = arith.constant 0 : i32
        %dma_start3A_141 = tpu.memref_slice %arg15[%dma_start3A_139, %dma_start3A_140] : memref<10240x64xf32, #tpu.memory_space<vmem_shared>> -> memref<10240x64xf32, #tpu.memory_space<vmem_shared>>
        tpu.enqueue_indirect_dma source(%arg14 : memref<128x64xf32, #tpu.memory_space<vmem>>) target(%dma_start3A_141 : memref<10240x64xf32, #tpu.memory_space<vmem_shared>>) offsets(%dma_start3A_138 : memref<128xi32, #tpu.memory_space<vmem>>) semaphore(%arg25 : memref<!tpu.dma_semaphore, #tpu.memory_space<semaphore_mem>>) {add = true}
        %dma_wait3A_142 = arith.constant 0 : i32
        %dma_wait3A_143 = arith.constant 0 : i32
        %dma_wait3A_144 = tpu.memref_slice %arg15[%dma_wait3A_142, %dma_wait3A_143] : memref<10240x64xf32, #tpu.memory_space<vmem_shared>> -> memref<128x64xf32, #tpu.memory_space<vmem_shared>>
        %dma_wait3A_145 = arith.constant 0 : i32
        %dma_wait3A_146 = arith.constant 0 : i32
        %dma_wait3A_147 = tpu.memref_slice %arg15[%dma_wait3A_145, %dma_wait3A_146] : memref<10240x64xf32, #tpu.memory_space<vmem_shared>> -> memref<128x64xf32, #tpu.memory_space<vmem_shared>>
        tpu.wait_dma2 semaphore(%arg21 : memref<!tpu.dma_semaphore, #tpu.memory_space<semaphore_mem>>) src(%arg10 : memref<128x64xf32, #tpu.memory_space<vmem>>) dst(%dma_wait3A_147 : memref<128x64xf32, #tpu.memory_space<vmem_shared>>)
        %add3A_148 = arith.constant 5 : i32
        %add3A_149 = arith.addi %add3A_72, %add3A_148 : i32
        %lt3A = arith.constant 160 : i32
        %lt3A_150 = arith.cmpi slt, %add3A_149, %lt3A : i32
        %convert_element_type3A_151 = arith.extui %lt3A_150 : i1 to i32
        %cond3A_152 = arith.constant 0 : i32
        %cond3A_153 = arith.cmpi ne, %convert_element_type3A_151, %cond3A_152 : i32
        scf.if %cond3A_153 {
          %add3A_206 = arith.constant 5 : i32
          %add3A_207 = arith.addi %add3A_72, %add3A_206 : i32
          %dma_start3A_208 = arith.constant 0 : i32
          %dma_start3A_209 = tpu.memref_slice %arg8[%add3A_207, %dma_start3A_208] : memref<160x128xi32, #tpu.memory_space<vmem>> -> memref<1x128xi32, #tpu.memory_space<vmem>>
          %dma_start3A_210 = tpu.memref_squeeze %dma_start3A_209 : memref<1x128xi32, #tpu.memory_space<vmem>> -> memref<128xi32, #tpu.memory_space<vmem>>
          %dma_start3A_211 = arith.constant 0 : i32
          %dma_start3A_212 = arith.constant 0 : i32
          %dma_start3A_213 = tpu.memref_slice %arg3[%dma_start3A_211, %dma_start3A_212] : memref<10240x64xf32, #tpu.memory_space<hbm>> -> memref<10240x64xf32, #tpu.memory_space<hbm>>
          tpu.enqueue_indirect_dma source(%dma_start3A_213 : memref<10240x64xf32, #tpu.memory_space<hbm>>) target(%arg10 : memref<128x64xf32, #tpu.memory_space<vmem>>) offsets(%dma_start3A_210 : memref<128xi32, #tpu.memory_space<vmem>>) semaphore(%arg16 : memref<!tpu.dma_semaphore, #tpu.memory_space<semaphore_mem>>)
        } else {
        }
        %dma_wait3A_154 = arith.constant 0 : i32
        %dma_wait3A_155 = arith.constant 0 : i32
        %dma_wait3A_156 = tpu.memref_slice %arg15[%dma_wait3A_154, %dma_wait3A_155] : memref<10240x64xf32, #tpu.memory_space<vmem_shared>> -> memref<128x64xf32, #tpu.memory_space<vmem_shared>>
        %dma_wait3A_157 = arith.constant 0 : i32
        %dma_wait3A_158 = arith.constant 0 : i32
        %dma_wait3A_159 = tpu.memref_slice %arg15[%dma_wait3A_157, %dma_wait3A_158] : memref<10240x64xf32, #tpu.memory_space<vmem_shared>> -> memref<128x64xf32, #tpu.memory_space<vmem_shared>>
        tpu.wait_dma2 semaphore(%arg22 : memref<!tpu.dma_semaphore, #tpu.memory_space<semaphore_mem>>) src(%arg11 : memref<128x64xf32, #tpu.memory_space<vmem>>) dst(%dma_wait3A_159 : memref<128x64xf32, #tpu.memory_space<vmem_shared>>)
        %add3A_160 = arith.constant 6 : i32
        %add3A_161 = arith.addi %add3A_72, %add3A_160 : i32
        %lt3A_162 = arith.constant 160 : i32
        %lt3A_163 = arith.cmpi slt, %add3A_161, %lt3A_162 : i32
        %convert_element_type3A_164 = arith.extui %lt3A_163 : i1 to i32
        %cond3A_165 = arith.constant 0 : i32
        %cond3A_166 = arith.cmpi ne, %convert_element_type3A_164, %cond3A_165 : i32
        scf.if %cond3A_166 {
          %add3A_206 = arith.constant 6 : i32
          %add3A_207 = arith.addi %add3A_72, %add3A_206 : i32
          %dma_start3A_208 = arith.constant 0 : i32
          %dma_start3A_209 = tpu.memref_slice %arg8[%add3A_207, %dma_start3A_208] : memref<160x128xi32, #tpu.memory_space<vmem>> -> memref<1x128xi32, #tpu.memory_space<vmem>>
          %dma_start3A_210 = tpu.memref_squeeze %dma_start3A_209 : memref<1x128xi32, #tpu.memory_space<vmem>> -> memref<128xi32, #tpu.memory_space<vmem>>
          %dma_start3A_211 = arith.constant 0 : i32
          %dma_start3A_212 = arith.constant 0 : i32
          %dma_start3A_213 = tpu.memref_slice %arg3[%dma_start3A_211, %dma_start3A_212] : memref<10240x64xf32, #tpu.memory_space<hbm>> -> memref<10240x64xf32, #tpu.memory_space<hbm>>
          tpu.enqueue_indirect_dma source(%dma_start3A_213 : memref<10240x64xf32, #tpu.memory_space<hbm>>) target(%arg11 : memref<128x64xf32, #tpu.memory_space<vmem>>) offsets(%dma_start3A_210 : memref<128xi32, #tpu.memory_space<vmem>>) semaphore(%arg17 : memref<!tpu.dma_semaphore, #tpu.memory_space<semaphore_mem>>)
        } else {
        }
        %dma_wait3A_167 = arith.constant 0 : i32
        %dma_wait3A_168 = arith.constant 0 : i32
        %dma_wait3A_169 = tpu.memref_slice %arg15[%dma_wait3A_167, %dma_wait3A_168] : memref<10240x64xf32, #tpu.memory_space<vmem_shared>> -> memref<128x64xf32, #tpu.memory_space<vmem_shared>>
        %dma_wait3A_170 = arith.constant 0 : i32
        %dma_wait3A_171 = arith.constant 0 : i32
        %dma_wait3A_172 = tpu.memref_slice %arg15[%dma_wait3A_170, %dma_wait3A_171] : memref<10240x64xf32, #tpu.memory_space<vmem_shared>> -> memref<128x64xf32, #tpu.memory_space<vmem_shared>>
        tpu.wait_dma2 semaphore(%arg23 : memref<!tpu.dma_semaphore, #tpu.memory_space<semaphore_mem>>) src(%arg12 : memref<128x64xf32, #tpu.memory_space<vmem>>) dst(%dma_wait3A_172 : memref<128x64xf32, #tpu.memory_space<vmem_shared>>)
        %add3A_173 = arith.constant 7 : i32
        %add3A_174 = arith.addi %add3A_72, %add3A_173 : i32
        %lt3A_175 = arith.constant 160 : i32
        %lt3A_176 = arith.cmpi slt, %add3A_174, %lt3A_175 : i32
        %convert_element_type3A_177 = arith.extui %lt3A_176 : i1 to i32
        %cond3A_178 = arith.constant 0 : i32
        %cond3A_179 = arith.cmpi ne, %convert_element_type3A_177, %cond3A_178 : i32
        scf.if %cond3A_179 {
          %add3A_206 = arith.constant 7 : i32
          %add3A_207 = arith.addi %add3A_72, %add3A_206 : i32
          %dma_start3A_208 = arith.constant 0 : i32
          %dma_start3A_209 = tpu.memref_slice %arg8[%add3A_207, %dma_start3A_208] : memref<160x128xi32, #tpu.memory_space<vmem>> -> memref<1x128xi32, #tpu.memory_space<vmem>>
          %dma_start3A_210 = tpu.memref_squeeze %dma_start3A_209 : memref<1x128xi32, #tpu.memory_space<vmem>> -> memref<128xi32, #tpu.memory_space<vmem>>
          %dma_start3A_211 = arith.constant 0 : i32
          %dma_start3A_212 = arith.constant 0 : i32
          %dma_start3A_213 = tpu.memref_slice %arg3[%dma_start3A_211, %dma_start3A_212] : memref<10240x64xf32, #tpu.memory_space<hbm>> -> memref<10240x64xf32, #tpu.memory_space<hbm>>
          tpu.enqueue_indirect_dma source(%dma_start3A_213 : memref<10240x64xf32, #tpu.memory_space<hbm>>) target(%arg12 : memref<128x64xf32, #tpu.memory_space<vmem>>) offsets(%dma_start3A_210 : memref<128xi32, #tpu.memory_space<vmem>>) semaphore(%arg18 : memref<!tpu.dma_semaphore, #tpu.memory_space<semaphore_mem>>)
        } else {
        }
        %dma_wait3A_180 = arith.constant 0 : i32
        %dma_wait3A_181 = arith.constant 0 : i32
        %dma_wait3A_182 = tpu.memref_slice %arg15[%dma_wait3A_180, %dma_wait3A_181] : memref<10240x64xf32, #tpu.memory_space<vmem_shared>> -> memref<128x64xf32, #tpu.memory_space<vmem_shared>>
        %dma_wait3A_183 = arith.constant 0 : i32
        %dma_wait3A_184 = arith.constant 0 : i32
        %dma_wait3A_185 = tpu.memref_slice %arg15[%dma_wait3A_183, %dma_wait3A_184] : memref<10240x64xf32, #tpu.memory_space<vmem_shared>> -> memref<128x64xf32, #tpu.memory_space<vmem_shared>>
        tpu.wait_dma2 semaphore(%arg24 : memref<!tpu.dma_semaphore, #tpu.memory_space<semaphore_mem>>) src(%arg13 : memref<128x64xf32, #tpu.memory_space<vmem>>) dst(%dma_wait3A_185 : memref<128x64xf32, #tpu.memory_space<vmem_shared>>)
        %add3A_186 = arith.constant 8 : i32
        %add3A_187 = arith.addi %add3A_72, %add3A_186 : i32
        %lt3A_188 = arith.constant 160 : i32
        %lt3A_189 = arith.cmpi slt, %add3A_187, %lt3A_188 : i32
        %convert_element_type3A_190 = arith.extui %lt3A_189 : i1 to i32
        %cond3A_191 = arith.constant 0 : i32
        %cond3A_192 = arith.cmpi ne, %convert_element_type3A_190, %cond3A_191 : i32
        scf.if %cond3A_192 {
          %add3A_206 = arith.constant 8 : i32
          %add3A_207 = arith.addi %add3A_72, %add3A_206 : i32
          %dma_start3A_208 = arith.constant 0 : i32
          %dma_start3A_209 = tpu.memref_slice %arg8[%add3A_207, %dma_start3A_208] : memref<160x128xi32, #tpu.memory_space<vmem>> -> memref<1x128xi32, #tpu.memory_space<vmem>>
          %dma_start3A_210 = tpu.memref_squeeze %dma_start3A_209 : memref<1x128xi32, #tpu.memory_space<vmem>> -> memref<128xi32, #tpu.memory_space<vmem>>
          %dma_start3A_211 = arith.constant 0 : i32
          %dma_start3A_212 = arith.constant 0 : i32
          %dma_start3A_213 = tpu.memref_slice %arg3[%dma_start3A_211, %dma_start3A_212] : memref<10240x64xf32, #tpu.memory_space<hbm>> -> memref<10240x64xf32, #tpu.memory_space<hbm>>
          tpu.enqueue_indirect_dma source(%dma_start3A_213 : memref<10240x64xf32, #tpu.memory_space<hbm>>) target(%arg13 : memref<128x64xf32, #tpu.memory_space<vmem>>) offsets(%dma_start3A_210 : memref<128xi32, #tpu.memory_space<vmem>>) semaphore(%arg19 : memref<!tpu.dma_semaphore, #tpu.memory_space<semaphore_mem>>)
        } else {
        }
        %dma_wait3A_193 = arith.constant 0 : i32
        %dma_wait3A_194 = arith.constant 0 : i32
        %dma_wait3A_195 = tpu.memref_slice %arg15[%dma_wait3A_193, %dma_wait3A_194] : memref<10240x64xf32, #tpu.memory_space<vmem_shared>> -> memref<128x64xf32, #tpu.memory_space<vmem_shared>>
        %dma_wait3A_196 = arith.constant 0 : i32
        %dma_wait3A_197 = arith.constant 0 : i32
        %dma_wait3A_198 = tpu.memref_slice %arg15[%dma_wait3A_196, %dma_wait3A_197] : memref<10240x64xf32, #tpu.memory_space<vmem_shared>> -> memref<128x64xf32, #tpu.memory_space<vmem_shared>>
        tpu.wait_dma2 semaphore(%arg25 : memref<!tpu.dma_semaphore, #tpu.memory_space<semaphore_mem>>) src(%arg14 : memref<128x64xf32, #tpu.memory_space<vmem>>) dst(%dma_wait3A_198 : memref<128x64xf32, #tpu.memory_space<vmem_shared>>)
        %add3A_199 = arith.constant 9 : i32
        %add3A_200 = arith.addi %add3A_72, %add3A_199 : i32
        %lt3A_201 = arith.constant 160 : i32
        %lt3A_202 = arith.cmpi slt, %add3A_200, %lt3A_201 : i32
        %convert_element_type3A_203 = arith.extui %lt3A_202 : i1 to i32
        %cond3A_204 = arith.constant 0 : i32
        %cond3A_205 = arith.cmpi ne, %convert_element_type3A_203, %cond3A_204 : i32
        scf.if %cond3A_205 {
          %add3A_206 = arith.constant 9 : i32
          %add3A_207 = arith.addi %add3A_72, %add3A_206 : i32
          %dma_start3A_208 = arith.constant 0 : i32
          %dma_start3A_209 = tpu.memref_slice %arg8[%add3A_207, %dma_start3A_208] : memref<160x128xi32, #tpu.memory_space<vmem>> -> memref<1x128xi32, #tpu.memory_space<vmem>>
          %dma_start3A_210 = tpu.memref_squeeze %dma_start3A_209 : memref<1x128xi32, #tpu.memory_space<vmem>> -> memref<128xi32, #tpu.memory_space<vmem>>
          %dma_start3A_211 = arith.constant 0 : i32
          %dma_start3A_212 = arith.constant 0 : i32
          %dma_start3A_213 = tpu.memref_slice %arg3[%dma_start3A_211, %dma_start3A_212] : memref<10240x64xf32, #tpu.memory_space<hbm>> -> memref<10240x64xf32, #tpu.memory_space<hbm>>
          tpu.enqueue_indirect_dma source(%dma_start3A_213 : memref<10240x64xf32, #tpu.memory_space<hbm>>) target(%arg14 : memref<128x64xf32, #tpu.memory_space<vmem>>) offsets(%dma_start3A_210 : memref<128xi32, #tpu.memory_space<vmem>>) semaphore(%arg20 : memref<!tpu.dma_semaphore, #tpu.memory_space<semaphore_mem>>)
        } else {
        }
      }
      %scan3A_68 = arith.constant 32 : i32
    } else {
    }
    %barrier3A_19 = arith.constant 0 : index
    tpu.barrier barrier_id(%barrier3A_19)
    %eq3A_20 = arith.constant 0 : i32
    %eq3A_21 = arith.cmpi eq, %arg0, %eq3A_20 : i32
    %convert_element_type3A_22 = arith.extui %eq3A_21 : i1 to i32
    %cond3A_23 = arith.constant 0 : i32
    %cond3A_24 = arith.cmpi ne, %convert_element_type3A_22, %cond3A_23 : i32
    scf.if %cond3A_24 {
      %mul3A_30 = arith.constant 640 : i32
      %mul3A_31 = arith.muli %arg1, %mul3A_30 : i32
      %mul3A_32 = arith.constant 640 : i32
      %mul3A_33 = arith.muli %arg1, %mul3A_32 : i32
      "tpu.region"() ({
        %run_scoped3A = tpu.sem_alloc : memref<!tpu.dma_semaphore, #tpu.memory_space<semaphore_mem>>
        %dma_start3A = arith.constant 0 : i32
        %dma_start3A_34 = tpu.memref_slice %arg6[%mul3A_33, %dma_start3A] : memref<10240x64xf32, #tpu.memory_space<hbm>> -> memref<640x64xf32, #tpu.memory_space<hbm>>
        %dma_start3A_35 = arith.constant 0 : i32
        %dma_start3A_36 = tpu.memref_slice %arg15[%mul3A_31, %dma_start3A_35] : memref<10240x64xf32, #tpu.memory_space<vmem_shared>> -> memref<640x64xf32, #tpu.memory_space<vmem_shared>>
        tpu.enqueue_dma source(%dma_start3A_36 : memref<640x64xf32, #tpu.memory_space<vmem_shared>>) target(%dma_start3A_34 : memref<640x64xf32, #tpu.memory_space<hbm>>) target_semaphore(%run_scoped3A : memref<!tpu.dma_semaphore, #tpu.memory_space<semaphore_mem>>)
        %dma_wait3A = arith.constant 0 : i32
        %dma_wait3A_37 = tpu.memref_slice %arg6[%mul3A_33, %dma_wait3A] : memref<10240x64xf32, #tpu.memory_space<hbm>> -> memref<640x64xf32, #tpu.memory_space<hbm>>
        %dma_wait3A_38 = arith.constant 0 : i32
        %dma_wait3A_39 = tpu.memref_slice %arg15[%mul3A_31, %dma_wait3A_38] : memref<10240x64xf32, #tpu.memory_space<vmem_shared>> -> memref<640x64xf32, #tpu.memory_space<vmem_shared>>
        tpu.wait_dma2 semaphore(%run_scoped3A : memref<!tpu.dma_semaphore, #tpu.memory_space<semaphore_mem>>) src(%dma_wait3A_39 : memref<640x64xf32, #tpu.memory_space<vmem_shared>>) dst(%dma_wait3A_37 : memref<640x64xf32, #tpu.memory_space<hbm>>)
        tpu.yield
      }) : () -> ()
    } else {
    }
    %eq3A_25 = arith.constant 1 : i32
    %eq3A_26 = arith.cmpi eq, %arg0, %eq3A_25 : i32
    %convert_element_type3A_27 = arith.extui %eq3A_26 : i1 to i32
    %cond3A_28 = arith.constant 0 : i32
    %cond3A_29 = arith.cmpi ne, %convert_element_type3A_27, %cond3A_28 : i32
    scf.if %cond3A_29 {
      %mul3A_30 = arith.constant 640 : i32
      %mul3A_31 = arith.muli %arg1, %mul3A_30 : i32
      %mul3A_32 = arith.constant 640 : i32
      %mul3A_33 = arith.muli %arg1, %mul3A_32 : i32
      "tpu.region"() ({
        %run_scoped3A = tpu.sem_alloc : memref<!tpu.dma_semaphore, #tpu.memory_space<semaphore_mem>>
        %dma_start3A = arith.constant 0 : i32
        %dma_start3A_34 = tpu.memref_slice %arg7[%mul3A_33, %dma_start3A] : memref<10240x64xf32, #tpu.memory_space<hbm>> -> memref<640x64xf32, #tpu.memory_space<hbm>>
        %dma_start3A_35 = arith.constant 0 : i32
        %dma_start3A_36 = tpu.memref_slice %arg15[%mul3A_31, %dma_start3A_35] : memref<10240x64xf32, #tpu.memory_space<vmem_shared>> -> memref<640x64xf32, #tpu.memory_space<vmem_shared>>
        tpu.enqueue_dma source(%dma_start3A_36 : memref<640x64xf32, #tpu.memory_space<vmem_shared>>) target(%dma_start3A_34 : memref<640x64xf32, #tpu.memory_space<hbm>>) target_semaphore(%run_scoped3A : memref<!tpu.dma_semaphore, #tpu.memory_space<semaphore_mem>>)
        %dma_wait3A = arith.constant 0 : i32
        %dma_wait3A_37 = tpu.memref_slice %arg7[%mul3A_33, %dma_wait3A] : memref<10240x64xf32, #tpu.memory_space<hbm>> -> memref<640x64xf32, #tpu.memory_space<hbm>>
        %dma_wait3A_38 = arith.constant 0 : i32
        %dma_wait3A_39 = tpu.memref_slice %arg15[%mul3A_31, %dma_wait3A_38] : memref<10240x64xf32, #tpu.memory_space<vmem_shared>> -> memref<640x64xf32, #tpu.memory_space<vmem_shared>>
        tpu.wait_dma2 semaphore(%run_scoped3A : memref<!tpu.dma_semaphore, #tpu.memory_space<semaphore_mem>>) src(%dma_wait3A_39 : memref<640x64xf32, #tpu.memory_space<vmem_shared>>) dst(%dma_wait3A_37 : memref<640x64xf32, #tpu.memory_space<hbm>>)
        tpu.yield
      }) : () -> ()
    } else {
    }
    return
  }
}

#map = affine_map<(d0, d1) -> (0, 0)>
module attributes {stable_mosaic.version = 14 : i64} {
  func.func @_sc_deg_body(%arg0: i32, %arg1: i32, %arg2: memref<2560x128xi32, #tpu.memory_space<hbm>>, %arg3: memref<2560x128xi32, #tpu.memory_space<hbm>>, %arg4: memref<10240x16xf32, #tpu.memory_space<hbm>>, %arg5: memref<10240x16xf32, #tpu.memory_space<hbm>>, %arg6: memref<10240x16xf32, #tpu.memory_space<hbm>>, %arg7: memref<10240x16xf32, #tpu.memory_space<hbm>>, %arg8: memref<80x128xi32, #tpu.memory_space<vmem>>, %arg9: memref<80x128xi32, #tpu.memory_space<vmem>>, %arg10: memref<128x16xf32, #tpu.memory_space<vmem>>, %arg11: memref<10240x16xf32, #tpu.memory_space<vmem_shared>>, %arg12: memref<10240x16xf32, #tpu.memory_space<vmem_shared>>, %arg13: memref<!tpu.dma_semaphore, #tpu.memory_space<semaphore_mem>>, %arg14: memref<!tpu.dma_semaphore, #tpu.memory_space<semaphore_mem>>) attributes {dimension_semantics = [#tpu.dimension_semantics<core_parallel>, #tpu.dimension_semantics<subcore_parallel>], iteration_bounds = array<i64: 2, 16>, scalar_prefetch = 0 : i64, scratch_operands = 7 : i64, tpu.core_type = #tpu.core_type<sc_vector_subcore>, window_params = [{transform_indices = #map}, {transform_indices = #map}, {transform_indices = #map}, {transform_indices = #map}, {transform_indices = #map}, {transform_indices = #map}]} {
    %mul3A = arith.constant 1280 : i32
    %mul3A_0 = arith.muli %arg0, %mul3A : i32
    %mul3A_1 = arith.constant 80 : i32
    %mul3A_2 = arith.muli %arg1, %mul3A_1 : i32
    %add3A = arith.addi %mul3A_0, %mul3A_2 : i32
    "tpu.region"() ({
      %run_scoped3A = tpu.sem_alloc : memref<!tpu.dma_semaphore, #tpu.memory_space<semaphore_mem>>
      %dma_start3A = arith.constant 0 : i32
      %dma_start3A_30 = tpu.memref_slice %arg2[%add3A, %dma_start3A] : memref<2560x128xi32, #tpu.memory_space<hbm>> -> memref<80x128xi32, #tpu.memory_space<hbm>>
      %dma_start3A_31 = arith.constant 0 : i32
      %dma_start3A_32 = tpu.memref_slice %arg2[%add3A, %dma_start3A_31] : memref<2560x128xi32, #tpu.memory_space<hbm>> -> memref<80x128xi32, #tpu.memory_space<hbm>>
      tpu.enqueue_dma source(%dma_start3A_32 : memref<80x128xi32, #tpu.memory_space<hbm>>) target(%arg8 : memref<80x128xi32, #tpu.memory_space<vmem>>) target_semaphore(%run_scoped3A : memref<!tpu.dma_semaphore, #tpu.memory_space<semaphore_mem>>)
      %dma_wait3A = arith.constant 0 : i32
      %dma_wait3A_33 = tpu.memref_slice %arg2[%add3A, %dma_wait3A] : memref<2560x128xi32, #tpu.memory_space<hbm>> -> memref<80x128xi32, #tpu.memory_space<hbm>>
      %dma_wait3A_34 = arith.constant 0 : i32
      %dma_wait3A_35 = tpu.memref_slice %arg2[%add3A, %dma_wait3A_34] : memref<2560x128xi32, #tpu.memory_space<hbm>> -> memref<80x128xi32, #tpu.memory_space<hbm>>
      tpu.wait_dma2 semaphore(%run_scoped3A : memref<!tpu.dma_semaphore, #tpu.memory_space<semaphore_mem>>) src(%dma_wait3A_35 : memref<80x128xi32, #tpu.memory_space<hbm>>) dst(%arg8 : memref<80x128xi32, #tpu.memory_space<vmem>>)
      tpu.yield
    }) : () -> ()
    "tpu.region"() ({
      %run_scoped3A = tpu.sem_alloc : memref<!tpu.dma_semaphore, #tpu.memory_space<semaphore_mem>>
      %dma_start3A = arith.constant 0 : i32
      %dma_start3A_30 = tpu.memref_slice %arg3[%add3A, %dma_start3A] : memref<2560x128xi32, #tpu.memory_space<hbm>> -> memref<80x128xi32, #tpu.memory_space<hbm>>
      %dma_start3A_31 = arith.constant 0 : i32
      %dma_start3A_32 = tpu.memref_slice %arg3[%add3A, %dma_start3A_31] : memref<2560x128xi32, #tpu.memory_space<hbm>> -> memref<80x128xi32, #tpu.memory_space<hbm>>
      tpu.enqueue_dma source(%dma_start3A_32 : memref<80x128xi32, #tpu.memory_space<hbm>>) target(%arg9 : memref<80x128xi32, #tpu.memory_space<vmem>>) target_semaphore(%run_scoped3A : memref<!tpu.dma_semaphore, #tpu.memory_space<semaphore_mem>>)
      %dma_wait3A = arith.constant 0 : i32
      %dma_wait3A_33 = tpu.memref_slice %arg3[%add3A, %dma_wait3A] : memref<2560x128xi32, #tpu.memory_space<hbm>> -> memref<80x128xi32, #tpu.memory_space<hbm>>
      %dma_wait3A_34 = arith.constant 0 : i32
      %dma_wait3A_35 = tpu.memref_slice %arg3[%add3A, %dma_wait3A_34] : memref<2560x128xi32, #tpu.memory_space<hbm>> -> memref<80x128xi32, #tpu.memory_space<hbm>>
      tpu.wait_dma2 semaphore(%run_scoped3A : memref<!tpu.dma_semaphore, #tpu.memory_space<semaphore_mem>>) src(%dma_wait3A_35 : memref<80x128xi32, #tpu.memory_space<hbm>>) dst(%arg9 : memref<80x128xi32, #tpu.memory_space<vmem>>)
      tpu.yield
    }) : () -> ()
    %scan3A = arith.constant 0 : i32
    %scan3A_3 = arith.constant 128 : i32
    %scan3A_4 = arith.addi %scan3A, %scan3A_3 : i32
    %scan3A_5 = arith.constant 1 : i32
    scf.for %scan3A_30 = %scan3A to %scan3A_4 step %scan3A_5  : i32 {
      %mul3A_31 = arith.constant 1 : i32
      %mul3A_32 = arith.muli %scan3A_30, %mul3A_31 : i32
      %add3A_33 = arith.constant 0 : i32
      %add3A_34 = arith.addi %add3A_33, %mul3A_32 : i32
      %scan3A_35 = arith.constant 0 : i32
      %mul3A_36 = arith.constant 16 : i32
      %mul3A_37 = arith.muli %scan3A_35, %mul3A_36 : i32
      %add3A_38 = arith.constant 0 : i32
      %add3A_39 = arith.addi %add3A_38, %mul3A_37 : i32
      %broadcast_in_dim3A = arith.constant 0.000000e+00 : f32
      %broadcast_in_dim3A_40 = vector.broadcast %broadcast_in_dim3A : f32 to vector<16xf32>
      %swap3A = arith.index_cast %add3A_34 : i32 to index
      %swap3A_41 = arith.index_cast %add3A_39 : i32 to index
      %swap3A_42 = tpu.vector_load %arg10[%swap3A, %swap3A_41] {strides = array<i32>} : memref<128x16xf32, #tpu.memory_space<vmem>>, vector<1x16xf32>,
      %swap3A_43 = vector.shape_cast %swap3A_42 : vector<1x16xf32> to vector<16xf32>
      %swap3A_44 = vector.shape_cast %broadcast_in_dim3A_40 : vector<16xf32> to vector<1x16xf32>
      tpu.vector_store %arg10[%swap3A, %swap3A_41], %swap3A_44 {strides = array<i32>} : memref<128x16xf32, #tpu.memory_space<vmem>>, vector<1x16xf32>,
      %scan3A_45 = arith.constant 1 : i32
    }
    %scan3A_6 = arith.constant 128 : i32
    %scan3A_7 = arith.constant 0 : i32
    %scan3A_8 = arith.constant 5 : i32
    %scan3A_9 = arith.addi %scan3A_7, %scan3A_8 : i32
    %scan3A_10 = arith.constant 1 : i32
    scf.for %scan3A_30 = %scan3A_7 to %scan3A_9 step %scan3A_10  : i32 {
      %mul3A_31 = arith.constant 1 : i32
      %mul3A_32 = arith.muli %scan3A_30, %mul3A_31 : i32
      %add3A_33 = arith.constant 0 : i32
      %add3A_34 = arith.addi %add3A_33, %mul3A_32 : i32
      %mul3A_35 = arith.constant 640 : i32
      %mul3A_36 = arith.muli %arg1, %mul3A_35 : i32
      %mul3A_37 = arith.constant 128 : i32
      %mul3A_38 = arith.muli %add3A_34, %mul3A_37 : i32
      %add3A_39 = arith.addi %mul3A_36, %mul3A_38 : i32
      "tpu.region"() ({
        %run_scoped3A = tpu.sem_alloc : memref<!tpu.dma_semaphore, #tpu.memory_space<semaphore_mem>>
        %dma_start3A = arith.constant 0 : i32
        %dma_start3A_45 = tpu.memref_slice %arg11[%add3A_39, %dma_start3A] : memref<10240x16xf32, #tpu.memory_space<vmem_shared>> -> memref<128x16xf32, #tpu.memory_space<vmem_shared>>
        %dma_start3A_46 = arith.constant 0 : i32
        %dma_start3A_47 = tpu.memref_slice %arg11[%add3A_39, %dma_start3A_46] : memref<10240x16xf32, #tpu.memory_space<vmem_shared>> -> memref<128x16xf32, #tpu.memory_space<vmem_shared>>
        tpu.enqueue_dma source(%arg10 : memref<128x16xf32, #tpu.memory_space<vmem>>) target(%dma_start3A_47 : memref<128x16xf32, #tpu.memory_space<vmem_shared>>) target_semaphore(%run_scoped3A : memref<!tpu.dma_semaphore, #tpu.memory_space<semaphore_mem>>)
        %dma_wait3A = arith.constant 0 : i32
        %dma_wait3A_48 = tpu.memref_slice %arg11[%add3A_39, %dma_wait3A] : memref<10240x16xf32, #tpu.memory_space<vmem_shared>> -> memref<128x16xf32, #tpu.memory_space<vmem_shared>>
        %dma_wait3A_49 = arith.constant 0 : i32
        %dma_wait3A_50 = tpu.memref_slice %arg11[%add3A_39, %dma_wait3A_49] : memref<10240x16xf32, #tpu.memory_space<vmem_shared>> -> memref<128x16xf32, #tpu.memory_space<vmem_shared>>
        tpu.wait_dma2 semaphore(%run_scoped3A : memref<!tpu.dma_semaphore, #tpu.memory_space<semaphore_mem>>) src(%arg10 : memref<128x16xf32, #tpu.memory_space<vmem>>) dst(%dma_wait3A_50 : memref<128x16xf32, #tpu.memory_space<vmem_shared>>)
        tpu.yield
      }) : () -> ()
      %mul3A_40 = arith.constant 640 : i32
      %mul3A_41 = arith.muli %arg1, %mul3A_40 : i32
      %mul3A_42 = arith.constant 128 : i32
      %mul3A_43 = arith.muli %add3A_34, %mul3A_42 : i32
      %add3A_44 = arith.addi %mul3A_41, %mul3A_43 : i32
      "tpu.region"() ({
        %run_scoped3A = tpu.sem_alloc : memref<!tpu.dma_semaphore, #tpu.memory_space<semaphore_mem>>
        %dma_start3A = arith.constant 0 : i32
        %dma_start3A_45 = tpu.memref_slice %arg12[%add3A_44, %dma_start3A] : memref<10240x16xf32, #tpu.memory_space<vmem_shared>> -> memref<128x16xf32, #tpu.memory_space<vmem_shared>>
        %dma_start3A_46 = arith.constant 0 : i32
        %dma_start3A_47 = tpu.memref_slice %arg12[%add3A_44, %dma_start3A_46] : memref<10240x16xf32, #tpu.memory_space<vmem_shared>> -> memref<128x16xf32, #tpu.memory_space<vmem_shared>>
        tpu.enqueue_dma source(%arg10 : memref<128x16xf32, #tpu.memory_space<vmem>>) target(%dma_start3A_47 : memref<128x16xf32, #tpu.memory_space<vmem_shared>>) target_semaphore(%run_scoped3A : memref<!tpu.dma_semaphore, #tpu.memory_space<semaphore_mem>>)
        %dma_wait3A = arith.constant 0 : i32
        %dma_wait3A_48 = tpu.memref_slice %arg12[%add3A_44, %dma_wait3A] : memref<10240x16xf32, #tpu.memory_space<vmem_shared>> -> memref<128x16xf32, #tpu.memory_space<vmem_shared>>
        %dma_wait3A_49 = arith.constant 0 : i32
        %dma_wait3A_50 = tpu.memref_slice %arg12[%add3A_44, %dma_wait3A_49] : memref<10240x16xf32, #tpu.memory_space<vmem_shared>> -> memref<128x16xf32, #tpu.memory_space<vmem_shared>>
        tpu.wait_dma2 semaphore(%run_scoped3A : memref<!tpu.dma_semaphore, #tpu.memory_space<semaphore_mem>>) src(%arg10 : memref<128x16xf32, #tpu.memory_space<vmem>>) dst(%dma_wait3A_50 : memref<128x16xf32, #tpu.memory_space<vmem_shared>>)
        tpu.yield
      }) : () -> ()
    }
    %scan3A_11 = arith.constant 5 : i32
    %scan3A_12 = arith.constant 0 : i32
    %scan3A_13 = arith.constant 128 : i32
    %scan3A_14 = arith.addi %scan3A_12, %scan3A_13 : i32
    %scan3A_15 = arith.constant 1 : i32
    scf.for %scan3A_30 = %scan3A_12 to %scan3A_14 step %scan3A_15  : i32 {
      %mul3A_31 = arith.constant 1 : i32
      %mul3A_32 = arith.muli %scan3A_30, %mul3A_31 : i32
      %add3A_33 = arith.constant 0 : i32
      %add3A_34 = arith.addi %add3A_33, %mul3A_32 : i32
      %broadcast_in_dim3A = arith.constant 1.000000e+00 : f32
      %broadcast_in_dim3A_35 = vector.broadcast %broadcast_in_dim3A : f32 to vector<16xf32>
      %swap3A = arith.index_cast %add3A_34 : i32 to index
      %swap3A_36 = arith.constant 0 : index
      %swap3A_37 = tpu.vector_load %arg10[%swap3A, %swap3A_36] {strides = array<i32>} : memref<128x16xf32, #tpu.memory_space<vmem>>, vector<1x16xf32>,
      %swap3A_38 = vector.shape_cast %swap3A_37 : vector<1x16xf32> to vector<16xf32>
      %swap3A_39 = vector.shape_cast %broadcast_in_dim3A_35 : vector<16xf32> to vector<1x16xf32>
      tpu.vector_store %arg10[%swap3A, %swap3A_36], %swap3A_39 {strides = array<i32>} : memref<128x16xf32, #tpu.memory_space<vmem>>, vector<1x16xf32>,
    }
    %scan3A_16 = arith.constant 128 : i32
    %barrier3A = arith.constant 0 : index
    tpu.barrier barrier_id(%barrier3A)
    %scan3A_17 = arith.constant 0 : i32
    %scan3A_18 = arith.constant 80 : i32
    %scan3A_19 = arith.addi %scan3A_17, %scan3A_18 : i32
    %scan3A_20 = arith.constant 1 : i32
    scf.for %scan3A_30 = %scan3A_17 to %scan3A_19 step %scan3A_20  : i32 {
      %mul3A_31 = arith.constant 1 : i32
      %mul3A_32 = arith.muli %scan3A_30, %mul3A_31 : i32
      %add3A_33 = arith.constant 0 : i32
      %add3A_34 = arith.addi %add3A_33, %mul3A_32 : i32
      %dma_start3A = arith.constant 0 : i32
      %dma_start3A_35 = tpu.memref_slice %arg8[%add3A_34, %dma_start3A] : memref<80x128xi32, #tpu.memory_space<vmem>> -> memref<1x128xi32, #tpu.memory_space<vmem>>
      %dma_start3A_36 = tpu.memref_squeeze %dma_start3A_35 : memref<1x128xi32, #tpu.memory_space<vmem>> -> memref<128xi32, #tpu.memory_space<vmem>>
      %dma_start3A_37 = arith.constant 0 : i32
      %dma_start3A_38 = arith.constant 0 : i32
      %dma_start3A_39 = tpu.memref_slice %arg11[%dma_start3A_37, %dma_start3A_38] : memref<10240x16xf32, #tpu.memory_space<vmem_shared>> -> memref<10240x16xf32, #tpu.memory_space<vmem_shared>>
      tpu.enqueue_indirect_dma source(%arg10 : memref<128x16xf32, #tpu.memory_space<vmem>>) target(%dma_start3A_39 : memref<10240x16xf32, #tpu.memory_space<vmem_shared>>) offsets(%dma_start3A_36 : memref<128xi32, #tpu.memory_space<vmem>>) semaphore(%arg13 : memref<!tpu.dma_semaphore, #tpu.memory_space<semaphore_mem>>) {add = true}
      %dma_start3A_40 = arith.constant 0 : i32
      %dma_start3A_41 = tpu.memref_slice %arg9[%add3A_34, %dma_start3A_40] : memref<80x128xi32, #tpu.memory_space<vmem>> -> memref<1x128xi32, #tpu.memory_space<vmem>>
      %dma_start3A_42 = tpu.memref_squeeze %dma_start3A_41 : memref<1x128xi32, #tpu.memory_space<vmem>> -> memref<128xi32, #tpu.memory_space<vmem>>
      %dma_start3A_43 = arith.constant 0 : i32
      %dma_start3A_44 = arith.constant 0 : i32
      %dma_start3A_45 = tpu.memref_slice %arg12[%dma_start3A_43, %dma_start3A_44] : memref<10240x16xf32, #tpu.memory_space<vmem_shared>> -> memref<10240x16xf32, #tpu.memory_space<vmem_shared>>
      tpu.enqueue_indirect_dma source(%arg10 : memref<128x16xf32, #tpu.memory_space<vmem>>) target(%dma_start3A_45 : memref<10240x16xf32, #tpu.memory_space<vmem_shared>>) offsets(%dma_start3A_42 : memref<128xi32, #tpu.memory_space<vmem>>) semaphore(%arg14 : memref<!tpu.dma_semaphore, #tpu.memory_space<semaphore_mem>>) {add = true}
      %dma_wait3A = arith.constant 0 : i32
      %dma_wait3A_46 = tpu.memref_slice %arg8[%add3A_34, %dma_wait3A] : memref<80x128xi32, #tpu.memory_space<vmem>> -> memref<1x128xi32, #tpu.memory_space<vmem>>
      %dma_wait3A_47 = tpu.memref_squeeze %dma_wait3A_46 : memref<1x128xi32, #tpu.memory_space<vmem>> -> memref<128xi32, #tpu.memory_space<vmem>>
      %dma_wait3A_48 = arith.constant 0 : i32
      %dma_wait3A_49 = arith.constant 0 : i32
      %dma_wait3A_50 = tpu.memref_slice %arg11[%dma_wait3A_48, %dma_wait3A_49] : memref<10240x16xf32, #tpu.memory_space<vmem_shared>> -> memref<10240x16xf32, #tpu.memory_space<vmem_shared>>
      tpu.wait_indirect_dma semaphore(%arg13 : memref<!tpu.dma_semaphore, #tpu.memory_space<semaphore_mem>>) src(%arg10 : memref<128x16xf32, #tpu.memory_space<vmem>>) dst(%dma_wait3A_50 : memref<10240x16xf32, #tpu.memory_space<vmem_shared>>)
      %dma_wait3A_51 = arith.constant 0 : i32
      %dma_wait3A_52 = tpu.memref_slice %arg9[%add3A_34, %dma_wait3A_51] : memref<80x128xi32, #tpu.memory_space<vmem>> -> memref<1x128xi32, #tpu.memory_space<vmem>>
      %dma_wait3A_53 = tpu.memref_squeeze %dma_wait3A_52 : memref<1x128xi32, #tpu.memory_space<vmem>> -> memref<128xi32, #tpu.memory_space<vmem>>
      %dma_wait3A_54 = arith.constant 0 : i32
      %dma_wait3A_55 = arith.constant 0 : i32
      %dma_wait3A_56 = tpu.memref_slice %arg12[%dma_wait3A_54, %dma_wait3A_55] : memref<10240x16xf32, #tpu.memory_space<vmem_shared>> -> memref<10240x16xf32, #tpu.memory_space<vmem_shared>>
      tpu.wait_indirect_dma semaphore(%arg14 : memref<!tpu.dma_semaphore, #tpu.memory_space<semaphore_mem>>) src(%arg10 : memref<128x16xf32, #tpu.memory_space<vmem>>) dst(%dma_wait3A_56 : memref<10240x16xf32, #tpu.memory_space<vmem_shared>>)
    }
    %scan3A_21 = arith.constant 80 : i32
    %barrier3A_22 = arith.constant 0 : index
    tpu.barrier barrier_id(%barrier3A_22)
    %eq3A = arith.constant 0 : i32
    %eq3A_23 = arith.cmpi eq, %arg0, %eq3A : i32
    %convert_element_type3A = arith.extui %eq3A_23 : i1 to i32
    %cond3A = arith.constant 0 : i32
    %cond3A_24 = arith.cmpi ne, %convert_element_type3A, %cond3A : i32
    scf.if %cond3A_24 {
      %mul3A_30 = arith.constant 640 : i32
      %mul3A_31 = arith.muli %arg1, %mul3A_30 : i32
      %mul3A_32 = arith.constant 640 : i32
      %mul3A_33 = arith.muli %arg1, %mul3A_32 : i32
      "tpu.region"() ({
        %run_scoped3A = tpu.sem_alloc : memref<!tpu.dma_semaphore, #tpu.memory_space<semaphore_mem>>
        %dma_start3A = arith.constant 0 : i32
        %dma_start3A_38 = tpu.memref_slice %arg4[%mul3A_33, %dma_start3A] : memref<10240x16xf32, #tpu.memory_space<hbm>> -> memref<640x16xf32, #tpu.memory_space<hbm>>
        %dma_start3A_39 = arith.constant 0 : i32
        %dma_start3A_40 = tpu.memref_slice %arg11[%mul3A_31, %dma_start3A_39] : memref<10240x16xf32, #tpu.memory_space<vmem_shared>> -> memref<640x16xf32, #tpu.memory_space<vmem_shared>>
        tpu.enqueue_dma source(%dma_start3A_40 : memref<640x16xf32, #tpu.memory_space<vmem_shared>>) target(%dma_start3A_38 : memref<640x16xf32, #tpu.memory_space<hbm>>) target_semaphore(%run_scoped3A : memref<!tpu.dma_semaphore, #tpu.memory_space<semaphore_mem>>)
        %dma_wait3A = arith.constant 0 : i32
        %dma_wait3A_41 = tpu.memref_slice %arg4[%mul3A_33, %dma_wait3A] : memref<10240x16xf32, #tpu.memory_space<hbm>> -> memref<640x16xf32, #tpu.memory_space<hbm>>
        %dma_wait3A_42 = arith.constant 0 : i32
        %dma_wait3A_43 = tpu.memref_slice %arg11[%mul3A_31, %dma_wait3A_42] : memref<10240x16xf32, #tpu.memory_space<vmem_shared>> -> memref<640x16xf32, #tpu.memory_space<vmem_shared>>
        tpu.wait_dma2 semaphore(%run_scoped3A : memref<!tpu.dma_semaphore, #tpu.memory_space<semaphore_mem>>) src(%dma_wait3A_43 : memref<640x16xf32, #tpu.memory_space<vmem_shared>>) dst(%dma_wait3A_41 : memref<640x16xf32, #tpu.memory_space<hbm>>)
        tpu.yield
      }) : () -> ()
      %mul3A_34 = arith.constant 640 : i32
      %mul3A_35 = arith.muli %arg1, %mul3A_34 : i32
      %mul3A_36 = arith.constant 640 : i32
      %mul3A_37 = arith.muli %arg1, %mul3A_36 : i32
      "tpu.region"() ({
        %run_scoped3A = tpu.sem_alloc : memref<!tpu.dma_semaphore, #tpu.memory_space<semaphore_mem>>
        %dma_start3A = arith.constant 0 : i32
        %dma_start3A_38 = tpu.memref_slice %arg6[%mul3A_37, %dma_start3A] : memref<10240x16xf32, #tpu.memory_space<hbm>> -> memref<640x16xf32, #tpu.memory_space<hbm>>
        %dma_start3A_39 = arith.constant 0 : i32
        %dma_start3A_40 = tpu.memref_slice %arg12[%mul3A_35, %dma_start3A_39] : memref<10240x16xf32, #tpu.memory_space<vmem_shared>> -> memref<640x16xf32, #tpu.memory_space<vmem_shared>>
        tpu.enqueue_dma source(%dma_start3A_40 : memref<640x16xf32, #tpu.memory_space<vmem_shared>>) target(%dma_start3A_38 : memref<640x16xf32, #tpu.memory_space<hbm>>) target_semaphore(%run_scoped3A : memref<!tpu.dma_semaphore, #tpu.memory_space<semaphore_mem>>)
        %dma_wait3A = arith.constant 0 : i32
        %dma_wait3A_41 = tpu.memref_slice %arg6[%mul3A_37, %dma_wait3A] : memref<10240x16xf32, #tpu.memory_space<hbm>> -> memref<640x16xf32, #tpu.memory_space<hbm>>
        %dma_wait3A_42 = arith.constant 0 : i32
        %dma_wait3A_43 = tpu.memref_slice %arg12[%mul3A_35, %dma_wait3A_42] : memref<10240x16xf32, #tpu.memory_space<vmem_shared>> -> memref<640x16xf32, #tpu.memory_space<vmem_shared>>
        tpu.wait_dma2 semaphore(%run_scoped3A : memref<!tpu.dma_semaphore, #tpu.memory_space<semaphore_mem>>) src(%dma_wait3A_43 : memref<640x16xf32, #tpu.memory_space<vmem_shared>>) dst(%dma_wait3A_41 : memref<640x16xf32, #tpu.memory_space<hbm>>)
        tpu.yield
      }) : () -> ()
    } else {
    }
    %eq3A_25 = arith.constant 1 : i32
    %eq3A_26 = arith.cmpi eq, %arg0, %eq3A_25 : i32
    %convert_element_type3A_27 = arith.extui %eq3A_26 : i1 to i32
    %cond3A_28 = arith.constant 0 : i32
    %cond3A_29 = arith.cmpi ne, %convert_element_type3A_27, %cond3A_28 : i32
    scf.if %cond3A_29 {
      %mul3A_30 = arith.constant 640 : i32
      %mul3A_31 = arith.muli %arg1, %mul3A_30 : i32
      %mul3A_32 = arith.constant 640 : i32
      %mul3A_33 = arith.muli %arg1, %mul3A_32 : i32
      "tpu.region"() ({
        %run_scoped3A = tpu.sem_alloc : memref<!tpu.dma_semaphore, #tpu.memory_space<semaphore_mem>>
        %dma_start3A = arith.constant 0 : i32
        %dma_start3A_38 = tpu.memref_slice %arg5[%mul3A_33, %dma_start3A] : memref<10240x16xf32, #tpu.memory_space<hbm>> -> memref<640x16xf32, #tpu.memory_space<hbm>>
        %dma_start3A_39 = arith.constant 0 : i32
        %dma_start3A_40 = tpu.memref_slice %arg11[%mul3A_31, %dma_start3A_39] : memref<10240x16xf32, #tpu.memory_space<vmem_shared>> -> memref<640x16xf32, #tpu.memory_space<vmem_shared>>
        tpu.enqueue_dma source(%dma_start3A_40 : memref<640x16xf32, #tpu.memory_space<vmem_shared>>) target(%dma_start3A_38 : memref<640x16xf32, #tpu.memory_space<hbm>>) target_semaphore(%run_scoped3A : memref<!tpu.dma_semaphore, #tpu.memory_space<semaphore_mem>>)
        %dma_wait3A = arith.constant 0 : i32
        %dma_wait3A_41 = tpu.memref_slice %arg5[%mul3A_33, %dma_wait3A] : memref<10240x16xf32, #tpu.memory_space<hbm>> -> memref<640x16xf32, #tpu.memory_space<hbm>>
        %dma_wait3A_42 = arith.constant 0 : i32
        %dma_wait3A_43 = tpu.memref_slice %arg11[%mul3A_31, %dma_wait3A_42] : memref<10240x16xf32, #tpu.memory_space<vmem_shared>> -> memref<640x16xf32, #tpu.memory_space<vmem_shared>>
        tpu.wait_dma2 semaphore(%run_scoped3A : memref<!tpu.dma_semaphore, #tpu.memory_space<semaphore_mem>>) src(%dma_wait3A_43 : memref<640x16xf32, #tpu.memory_space<vmem_shared>>) dst(%dma_wait3A_41 : memref<640x16xf32, #tpu.memory_space<hbm>>)
        tpu.yield
      }) : () -> ()
      %mul3A_34 = arith.constant 640 : i32
      %mul3A_35 = arith.muli %arg1, %mul3A_34 : i32
      %mul3A_36 = arith.constant 640 : i32
      %mul3A_37 = arith.muli %arg1, %mul3A_36 : i32
      "tpu.region"() ({
        %run_scoped3A = tpu.sem_alloc : memref<!tpu.dma_semaphore, #tpu.memory_space<semaphore_mem>>
        %dma_start3A = arith.constant 0 : i32
        %dma_start3A_38 = tpu.memref_slice %arg7[%mul3A_37, %dma_start3A] : memref<10240x16xf32, #tpu.memory_space<hbm>> -> memref<640x16xf32, #tpu.memory_space<hbm>>
        %dma_start3A_39 = arith.constant 0 : i32
        %dma_start3A_40 = tpu.memref_slice %arg12[%mul3A_35, %dma_start3A_39] : memref<10240x16xf32, #tpu.memory_space<vmem_shared>> -> memref<640x16xf32, #tpu.memory_space<vmem_shared>>
        tpu.enqueue_dma source(%dma_start3A_40 : memref<640x16xf32, #tpu.memory_space<vmem_shared>>) target(%dma_start3A_38 : memref<640x16xf32, #tpu.memory_space<hbm>>) target_semaphore(%run_scoped3A : memref<!tpu.dma_semaphore, #tpu.memory_space<semaphore_mem>>)
        %dma_wait3A = arith.constant 0 : i32
        %dma_wait3A_41 = tpu.memref_slice %arg7[%mul3A_37, %dma_wait3A] : memref<10240x16xf32, #tpu.memory_space<hbm>> -> memref<640x16xf32, #tpu.memory_space<hbm>>
        %dma_wait3A_42 = arith.constant 0 : i32
        %dma_wait3A_43 = tpu.memref_slice %arg12[%mul3A_35, %dma_wait3A_42] : memref<10240x16xf32, #tpu.memory_space<vmem_shared>> -> memref<640x16xf32, #tpu.memory_space<vmem_shared>>
        tpu.wait_dma2 semaphore(%run_scoped3A : memref<!tpu.dma_semaphore, #tpu.memory_space<semaphore_mem>>) src(%dma_wait3A_43 : memref<640x16xf32, #tpu.memory_space<vmem_shared>>) dst(%dma_wait3A_41 : memref<640x16xf32, #tpu.memory_space<hbm>>)
        tpu.yield
      }) : () -> ()
    } else {
    }
    return
  }
}

#map = affine_map<(d0, d1) -> (0, 0)>
module attributes {stable_mosaic.version = 14 : i64} {
  func.func @_sc_agg_body(%arg0: i32, %arg1: i32, %arg2: memref<10240x64xf32, #tpu.memory_space<hbm>>, %arg3: memref<10240x64xf32, #tpu.memory_space<hbm>>, %arg4: memref<2560x128xi32, #tpu.memory_space<hbm>>, %arg5: memref<2560x128xi32, #tpu.memory_space<hbm>>, %arg6: memref<10240x64xf32, #tpu.memory_space<hbm>>, %arg7: memref<10240x64xf32, #tpu.memory_space<hbm>>, %arg8: memref<160x128xi32, #tpu.memory_space<vmem>>, %arg9: memref<160x128xi32, #tpu.memory_space<vmem>>, %arg10: memref<128x64xf32, #tpu.memory_space<vmem>>, %arg11: memref<128x64xf32, #tpu.memory_space<vmem>>, %arg12: memref<128x64xf32, #tpu.memory_space<vmem>>, %arg13: memref<128x64xf32, #tpu.memory_space<vmem>>, %arg14: memref<128x64xf32, #tpu.memory_space<vmem>>, %arg15: memref<10240x64xf32, #tpu.memory_space<vmem_shared>>, %arg16: memref<!tpu.dma_semaphore, #tpu.memory_space<semaphore_mem>>, %arg17: memref<!tpu.dma_semaphore, #tpu.memory_space<semaphore_mem>>, %arg18: memref<!tpu.dma_semaphore, #tpu.memory_space<semaphore_mem>>, %arg19: memref<!tpu.dma_semaphore, #tpu.memory_space<semaphore_mem>>, %arg20: memref<!tpu.dma_semaphore, #tpu.memory_space<semaphore_mem>>, %arg21: memref<!tpu.dma_semaphore, #tpu.memory_space<semaphore_mem>>, %arg22: memref<!tpu.dma_semaphore, #tpu.memory_space<semaphore_mem>>, %arg23: memref<!tpu.dma_semaphore, #tpu.memory_space<semaphore_mem>>, %arg24: memref<!tpu.dma_semaphore, #tpu.memory_space<semaphore_mem>>, %arg25: memref<!tpu.dma_semaphore, #tpu.memory_space<semaphore_mem>>) attributes {dimension_semantics = [#tpu.dimension_semantics<core_parallel>, #tpu.dimension_semantics<subcore_parallel>], iteration_bounds = array<i64: 2, 16>, scalar_prefetch = 0 : i64, scratch_operands = 18 : i64, tpu.core_type = #tpu.core_type<sc_vector_subcore>, window_params = [{transform_indices = #map}, {transform_indices = #map}, {transform_indices = #map}, {transform_indices = #map}, {transform_indices = #map}, {transform_indices = #map}]} {
    %mul3A = arith.constant 160 : i32
    %mul3A_0 = arith.muli %arg1, %mul3A : i32
    "tpu.region"() ({
      %run_scoped3A = tpu.sem_alloc : memref<!tpu.dma_semaphore, #tpu.memory_space<semaphore_mem>>
      %dma_start3A = arith.constant 0 : i32
      %dma_start3A_30 = tpu.memref_slice %arg4[%mul3A_0, %dma_start3A] : memref<2560x128xi32, #tpu.memory_space<hbm>> -> memref<160x128xi32, #tpu.memory_space<hbm>>
      %dma_start3A_31 = arith.constant 0 : i32
      %dma_start3A_32 = tpu.memref_slice %arg4[%mul3A_0, %dma_start3A_31] : memref<2560x128xi32, #tpu.memory_space<hbm>> -> memref<160x128xi32, #tpu.memory_space<hbm>>
      tpu.enqueue_dma source(%dma_start3A_32 : memref<160x128xi32, #tpu.memory_space<hbm>>) target(%arg8 : memref<160x128xi32, #tpu.memory_space<vmem>>) target_semaphore(%run_scoped3A : memref<!tpu.dma_semaphore, #tpu.memory_space<semaphore_mem>>)
      %dma_wait3A = arith.constant 0 : i32
      %dma_wait3A_33 = tpu.memref_slice %arg4[%mul3A_0, %dma_wait3A] : memref<2560x128xi32, #tpu.memory_space<hbm>> -> memref<160x128xi32, #tpu.memory_space<hbm>>
      %dma_wait3A_34 = arith.constant 0 : i32
      %dma_wait3A_35 = tpu.memref_slice %arg4[%mul3A_0, %dma_wait3A_34] : memref<2560x128xi32, #tpu.memory_space<hbm>> -> memref<160x128xi32, #tpu.memory_space<hbm>>
      tpu.wait_dma2 semaphore(%run_scoped3A : memref<!tpu.dma_semaphore, #tpu.memory_space<semaphore_mem>>) src(%dma_wait3A_35 : memref<160x128xi32, #tpu.memory_space<hbm>>) dst(%arg8 : memref<160x128xi32, #tpu.memory_space<vmem>>)
      tpu.yield
    }) : () -> ()
    %mul3A_1 = arith.constant 160 : i32
    %mul3A_2 = arith.muli %arg1, %mul3A_1 : i32
    "tpu.region"() ({
      %run_scoped3A = tpu.sem_alloc : memref<!tpu.dma_semaphore, #tpu.memory_space<semaphore_mem>>
      %dma_start3A = arith.constant 0 : i32
      %dma_start3A_30 = tpu.memref_slice %arg5[%mul3A_2, %dma_start3A] : memref<2560x128xi32, #tpu.memory_space<hbm>> -> memref<160x128xi32, #tpu.memory_space<hbm>>
      %dma_start3A_31 = arith.constant 0 : i32
      %dma_start3A_32 = tpu.memref_slice %arg5[%mul3A_2, %dma_start3A_31] : memref<2560x128xi32, #tpu.memory_space<hbm>> -> memref<160x128xi32, #tpu.memory_space<hbm>>
      tpu.enqueue_dma source(%dma_start3A_32 : memref<160x128xi32, #tpu.memory_space<hbm>>) target(%arg9 : memref<160x128xi32, #tpu.memory_space<vmem>>) target_semaphore(%run_scoped3A : memref<!tpu.dma_semaphore, #tpu.memory_space<semaphore_mem>>)
      %dma_wait3A = arith.constant 0 : i32
      %dma_wait3A_33 = tpu.memref_slice %arg5[%mul3A_2, %dma_wait3A] : memref<2560x128xi32, #tpu.memory_space<hbm>> -> memref<160x128xi32, #tpu.memory_space<hbm>>
      %dma_wait3A_34 = arith.constant 0 : i32
      %dma_wait3A_35 = tpu.memref_slice %arg5[%mul3A_2, %dma_wait3A_34] : memref<2560x128xi32, #tpu.memory_space<hbm>> -> memref<160x128xi32, #tpu.memory_space<hbm>>
      tpu.wait_dma2 semaphore(%run_scoped3A : memref<!tpu.dma_semaphore, #tpu.memory_space<semaphore_mem>>) src(%dma_wait3A_35 : memref<160x128xi32, #tpu.memory_space<hbm>>) dst(%arg9 : memref<160x128xi32, #tpu.memory_space<vmem>>)
      tpu.yield
    }) : () -> ()
    %scan3A = arith.constant 0 : i32
    %scan3A_3 = arith.constant 128 : i32
    %scan3A_4 = arith.addi %scan3A, %scan3A_3 : i32
    %scan3A_5 = arith.constant 1 : i32
    scf.for %scan3A_30 = %scan3A to %scan3A_4 step %scan3A_5  : i32 {
      %mul3A_31 = arith.constant 1 : i32
      %mul3A_32 = arith.muli %scan3A_30, %mul3A_31 : i32
      %add3A = arith.constant 0 : i32
      %add3A_33 = arith.addi %add3A, %mul3A_32 : i32
      %scan3A_34 = arith.constant 0 : i32
      %scan3A_35 = arith.constant 4 : i32
      %scan3A_36 = arith.addi %scan3A_34, %scan3A_35 : i32
      %scan3A_37 = arith.constant 1 : i32
      scf.for %scan3A_39 = %scan3A_34 to %scan3A_36 step %scan3A_37  : i32 {
        %mul3A_40 = arith.constant 16 : i32
        %mul3A_41 = arith.muli %scan3A_39, %mul3A_40 : i32
        %add3A_42 = arith.constant 0 : i32
        %add3A_43 = arith.addi %add3A_42, %mul3A_41 : i32
        %broadcast_in_dim3A = arith.constant 0.000000e+00 : f32
        %broadcast_in_dim3A_44 = vector.broadcast %broadcast_in_dim3A : f32 to vector<16xf32>
        %swap3A = arith.index_cast %add3A_33 : i32 to index
        %swap3A_45 = arith.index_cast %add3A_43 : i32 to index
        %swap3A_46 = tpu.vector_load %arg10[%swap3A, %swap3A_45] {strides = array<i32>} : memref<128x64xf32, #tpu.memory_space<vmem>>, vector<1x16xf32>,
        %swap3A_47 = vector.shape_cast %swap3A_46 : vector<1x16xf32> to vector<16xf32>
        %swap3A_48 = vector.shape_cast %broadcast_in_dim3A_44 : vector<16xf32> to vector<1x16xf32>
        tpu.vector_store %arg10[%swap3A, %swap3A_45], %swap3A_48 {strides = array<i32>} : memref<128x64xf32, #tpu.memory_space<vmem>>, vector<1x16xf32>,
      }
      %scan3A_38 = arith.constant 4 : i32
    }
    %scan3A_6 = arith.constant 128 : i32
    %scan3A_7 = arith.constant 0 : i32
    %scan3A_8 = arith.constant 5 : i32
    %scan3A_9 = arith.addi %scan3A_7, %scan3A_8 : i32
    %scan3A_10 = arith.constant 1 : i32
    scf.for %scan3A_30 = %scan3A_7 to %scan3A_9 step %scan3A_10  : i32 {
      %mul3A_31 = arith.constant 1 : i32
      %mul3A_32 = arith.muli %scan3A_30, %mul3A_31 : i32
      %add3A = arith.constant 0 : i32
      %add3A_33 = arith.addi %add3A, %mul3A_32 : i32
      %mul3A_34 = arith.constant 640 : i32
      %mul3A_35 = arith.muli %arg1, %mul3A_34 : i32
      %mul3A_36 = arith.constant 128 : i32
      %mul3A_37 = arith.muli %add3A_33, %mul3A_36 : i32
      %add3A_38 = arith.addi %mul3A_35, %mul3A_37 : i32
      "tpu.region"() ({
        %run_scoped3A = tpu.sem_alloc : memref<!tpu.dma_semaphore, #tpu.memory_space<semaphore_mem>>
        %dma_start3A = arith.constant 0 : i32
        %dma_start3A_39 = tpu.memref_slice %arg15[%add3A_38, %dma_start3A] : memref<10240x64xf32, #tpu.memory_space<vmem_shared>> -> memref<128x64xf32, #tpu.memory_space<vmem_shared>>
        %dma_start3A_40 = arith.constant 0 : i32
        %dma_start3A_41 = tpu.memref_slice %arg15[%add3A_38, %dma_start3A_40] : memref<10240x64xf32, #tpu.memory_space<vmem_shared>> -> memref<128x64xf32, #tpu.memory_space<vmem_shared>>
        tpu.enqueue_dma source(%arg10 : memref<128x64xf32, #tpu.memory_space<vmem>>) target(%dma_start3A_41 : memref<128x64xf32, #tpu.memory_space<vmem_shared>>) target_semaphore(%run_scoped3A : memref<!tpu.dma_semaphore, #tpu.memory_space<semaphore_mem>>)
        %dma_wait3A = arith.constant 0 : i32
        %dma_wait3A_42 = tpu.memref_slice %arg15[%add3A_38, %dma_wait3A] : memref<10240x64xf32, #tpu.memory_space<vmem_shared>> -> memref<128x64xf32, #tpu.memory_space<vmem_shared>>
        %dma_wait3A_43 = arith.constant 0 : i32
        %dma_wait3A_44 = tpu.memref_slice %arg15[%add3A_38, %dma_wait3A_43] : memref<10240x64xf32, #tpu.memory_space<vmem_shared>> -> memref<128x64xf32, #tpu.memory_space<vmem_shared>>
        tpu.wait_dma2 semaphore(%run_scoped3A : memref<!tpu.dma_semaphore, #tpu.memory_space<semaphore_mem>>) src(%arg10 : memref<128x64xf32, #tpu.memory_space<vmem>>) dst(%dma_wait3A_44 : memref<128x64xf32, #tpu.memory_space<vmem_shared>>)
        tpu.yield
      }) : () -> ()
    }
    %scan3A_11 = arith.constant 5 : i32
    %barrier3A = arith.constant 0 : index
    tpu.barrier barrier_id(%barrier3A)
    %eq3A = arith.constant 0 : i32
    %eq3A_12 = arith.cmpi eq, %arg0, %eq3A : i32
    %convert_element_type3A = arith.extui %eq3A_12 : i1 to i32
    %cond3A = arith.constant 0 : i32
    %cond3A_13 = arith.cmpi ne, %convert_element_type3A, %cond3A : i32
    scf.if %cond3A_13 {
      %dma_start3A = arith.constant 0 : i32
      %dma_start3A_30 = arith.constant 0 : i32
      %dma_start3A_31 = tpu.memref_slice %arg8[%dma_start3A, %dma_start3A_30] : memref<160x128xi32, #tpu.memory_space<vmem>> -> memref<1x128xi32, #tpu.memory_space<vmem>>
      %dma_start3A_32 = tpu.memref_squeeze %dma_start3A_31 : memref<1x128xi32, #tpu.memory_space<vmem>> -> memref<128xi32, #tpu.memory_space<vmem>>
      %dma_start3A_33 = arith.constant 0 : i32
      %dma_start3A_34 = arith.constant 0 : i32
      %dma_start3A_35 = tpu.memref_slice %arg2[%dma_start3A_33, %dma_start3A_34] : memref<10240x64xf32, #tpu.memory_space<hbm>> -> memref<10240x64xf32, #tpu.memory_space<hbm>>
      tpu.enqueue_indirect_dma source(%dma_start3A_35 : memref<10240x64xf32, #tpu.memory_space<hbm>>) target(%arg10 : memref<128x64xf32, #tpu.memory_space<vmem>>) offsets(%dma_start3A_32 : memref<128xi32, #tpu.memory_space<vmem>>) semaphore(%arg16 : memref<!tpu.dma_semaphore, #tpu.memory_space<semaphore_mem>>)
      %dma_start3A_36 = arith.constant 1 : i32
      %dma_start3A_37 = arith.constant 0 : i32
      %dma_start3A_38 = tpu.memref_slice %arg8[%dma_start3A_36, %dma_start3A_37] : memref<160x128xi32, #tpu.memory_space<vmem>> -> memref<1x128xi32, #tpu.memory_space<vmem>>
      %dma_start3A_39 = tpu.memref_squeeze %dma_start3A_38 : memref<1x128xi32, #tpu.memory_space<vmem>> -> memref<128xi32, #tpu.memory_space<vmem>>
      %dma_start3A_40 = arith.constant 0 : i32
      %dma_start3A_41 = arith.constant 0 : i32
      %dma_start3A_42 = tpu.memref_slice %arg2[%dma_start3A_40, %dma_start3A_41] : memref<10240x64xf32, #tpu.memory_space<hbm>> -> memref<10240x64xf32, #tpu.memory_space<hbm>>
      tpu.enqueue_indirect_dma source(%dma_start3A_42 : memref<10240x64xf32, #tpu.memory_space<hbm>>) target(%arg11 : memref<128x64xf32, #tpu.memory_space<vmem>>) offsets(%dma_start3A_39 : memref<128xi32, #tpu.memory_space<vmem>>) semaphore(%arg17 : memref<!tpu.dma_semaphore, #tpu.memory_space<semaphore_mem>>)
      %dma_start3A_43 = arith.constant 2 : i32
      %dma_start3A_44 = arith.constant 0 : i32
      %dma_start3A_45 = tpu.memref_slice %arg8[%dma_start3A_43, %dma_start3A_44] : memref<160x128xi32, #tpu.memory_space<vmem>> -> memref<1x128xi32, #tpu.memory_space<vmem>>
      %dma_start3A_46 = tpu.memref_squeeze %dma_start3A_45 : memref<1x128xi32, #tpu.memory_space<vmem>> -> memref<128xi32, #tpu.memory_space<vmem>>
      %dma_start3A_47 = arith.constant 0 : i32
      %dma_start3A_48 = arith.constant 0 : i32
      %dma_start3A_49 = tpu.memref_slice %arg2[%dma_start3A_47, %dma_start3A_48] : memref<10240x64xf32, #tpu.memory_space<hbm>> -> memref<10240x64xf32, #tpu.memory_space<hbm>>
      tpu.enqueue_indirect_dma source(%dma_start3A_49 : memref<10240x64xf32, #tpu.memory_space<hbm>>) target(%arg12 : memref<128x64xf32, #tpu.memory_space<vmem>>) offsets(%dma_start3A_46 : memref<128xi32, #tpu.memory_space<vmem>>) semaphore(%arg18 : memref<!tpu.dma_semaphore, #tpu.memory_space<semaphore_mem>>)
      %dma_start3A_50 = arith.constant 3 : i32
      %dma_start3A_51 = arith.constant 0 : i32
      %dma_start3A_52 = tpu.memref_slice %arg8[%dma_start3A_50, %dma_start3A_51] : memref<160x128xi32, #tpu.memory_space<vmem>> -> memref<1x128xi32, #tpu.memory_space<vmem>>
      %dma_start3A_53 = tpu.memref_squeeze %dma_start3A_52 : memref<1x128xi32, #tpu.memory_space<vmem>> -> memref<128xi32, #tpu.memory_space<vmem>>
      %dma_start3A_54 = arith.constant 0 : i32
      %dma_start3A_55 = arith.constant 0 : i32
      %dma_start3A_56 = tpu.memref_slice %arg2[%dma_start3A_54, %dma_start3A_55] : memref<10240x64xf32, #tpu.memory_space<hbm>> -> memref<10240x64xf32, #tpu.memory_space<hbm>>
      tpu.enqueue_indirect_dma source(%dma_start3A_56 : memref<10240x64xf32, #tpu.memory_space<hbm>>) target(%arg13 : memref<128x64xf32, #tpu.memory_space<vmem>>) offsets(%dma_start3A_53 : memref<128xi32, #tpu.memory_space<vmem>>) semaphore(%arg19 : memref<!tpu.dma_semaphore, #tpu.memory_space<semaphore_mem>>)
      %dma_start3A_57 = arith.constant 4 : i32
      %dma_start3A_58 = arith.constant 0 : i32
      %dma_start3A_59 = tpu.memref_slice %arg8[%dma_start3A_57, %dma_start3A_58] : memref<160x128xi32, #tpu.memory_space<vmem>> -> memref<1x128xi32, #tpu.memory_space<vmem>>
      %dma_start3A_60 = tpu.memref_squeeze %dma_start3A_59 : memref<1x128xi32, #tpu.memory_space<vmem>> -> memref<128xi32, #tpu.memory_space<vmem>>
      %dma_start3A_61 = arith.constant 0 : i32
      %dma_start3A_62 = arith.constant 0 : i32
      %dma_start3A_63 = tpu.memref_slice %arg2[%dma_start3A_61, %dma_start3A_62] : memref<10240x64xf32, #tpu.memory_space<hbm>> -> memref<10240x64xf32, #tpu.memory_space<hbm>>
      tpu.enqueue_indirect_dma source(%dma_start3A_63 : memref<10240x64xf32, #tpu.memory_space<hbm>>) target(%arg14 : memref<128x64xf32, #tpu.memory_space<vmem>>) offsets(%dma_start3A_60 : memref<128xi32, #tpu.memory_space<vmem>>) semaphore(%arg20 : memref<!tpu.dma_semaphore, #tpu.memory_space<semaphore_mem>>)
      %scan3A_64 = arith.constant 0 : i32
      %scan3A_65 = arith.constant 32 : i32
      %scan3A_66 = arith.addi %scan3A_64, %scan3A_65 : i32
      %scan3A_67 = arith.constant 1 : i32
      scf.for %scan3A_69 = %scan3A_64 to %scan3A_66 step %scan3A_67  : i32 {
        %mul3A_70 = arith.constant 5 : i32
        %mul3A_71 = arith.muli %scan3A_69, %mul3A_70 : i32
        %add3A = arith.constant 0 : i32
        %add3A_72 = arith.addi %add3A, %mul3A_71 : i32
        %dma_wait3A = arith.constant 0 : i32
        %dma_wait3A_73 = arith.constant 0 : i32
        %dma_wait3A_74 = tpu.memref_slice %arg2[%dma_wait3A, %dma_wait3A_73] : memref<10240x64xf32, #tpu.memory_space<hbm>> -> memref<128x64xf32, #tpu.memory_space<hbm>>
        %dma_wait3A_75 = arith.constant 0 : i32
        %dma_wait3A_76 = arith.constant 0 : i32
        %dma_wait3A_77 = tpu.memref_slice %arg2[%dma_wait3A_75, %dma_wait3A_76] : memref<10240x64xf32, #tpu.memory_space<hbm>> -> memref<128x64xf32, #tpu.memory_space<hbm>>
        tpu.wait_dma2 semaphore(%arg16 : memref<!tpu.dma_semaphore, #tpu.memory_space<semaphore_mem>>) src(%dma_wait3A_77 : memref<128x64xf32, #tpu.memory_space<hbm>>) dst(%arg10 : memref<128x64xf32, #tpu.memory_space<vmem>>)
        %add3A_78 = arith.constant 0 : i32
        %add3A_79 = arith.addi %add3A_72, %add3A_78 : i32
        %dma_start3A_80 = arith.constant 0 : i32
        %dma_start3A_81 = tpu.memref_slice %arg9[%add3A_79, %dma_start3A_80] : memref<160x128xi32, #tpu.memory_space<vmem>> -> memref<1x128xi32, #tpu.memory_space<vmem>>
        %dma_start3A_82 = tpu.memref_squeeze %dma_start3A_81 : memref<1x128xi32, #tpu.memory_space<vmem>> -> memref<128xi32, #tpu.memory_space<vmem>>
        %dma_start3A_83 = arith.constant 0 : i32
        %dma_start3A_84 = arith.constant 0 : i32
        %dma_start3A_85 = tpu.memref_slice %arg15[%dma_start3A_83, %dma_start3A_84] : memref<10240x64xf32, #tpu.memory_space<vmem_shared>> -> memref<10240x64xf32, #tpu.memory_space<vmem_shared>>
        tpu.enqueue_indirect_dma source(%arg10 : memref<128x64xf32, #tpu.memory_space<vmem>>) target(%dma_start3A_85 : memref<10240x64xf32, #tpu.memory_space<vmem_shared>>) offsets(%dma_start3A_82 : memref<128xi32, #tpu.memory_space<vmem>>) semaphore(%arg21 : memref<!tpu.dma_semaphore, #tpu.memory_space<semaphore_mem>>) {add = true}
        %dma_wait3A_86 = arith.constant 0 : i32
        %dma_wait3A_87 = arith.constant 0 : i32
        %dma_wait3A_88 = tpu.memref_slice %arg2[%dma_wait3A_86, %dma_wait3A_87] : memref<10240x64xf32, #tpu.memory_space<hbm>> -> memref<128x64xf32, #tpu.memory_space<hbm>>
        %dma_wait3A_89 = arith.constant 0 : i32
        %dma_wait3A_90 = arith.constant 0 : i32
        %dma_wait3A_91 = tpu.memref_slice %arg2[%dma_wait3A_89, %dma_wait3A_90] : memref<10240x64xf32, #tpu.memory_space<hbm>> -> memref<128x64xf32, #tpu.memory_space<hbm>>
        tpu.wait_dma2 semaphore(%arg17 : memref<!tpu.dma_semaphore, #tpu.memory_space<semaphore_mem>>) src(%dma_wait3A_91 : memref<128x64xf32, #tpu.memory_space<hbm>>) dst(%arg11 : memref<128x64xf32, #tpu.memory_space<vmem>>)
        %add3A_92 = arith.constant 1 : i32
        %add3A_93 = arith.addi %add3A_72, %add3A_92 : i32
        %dma_start3A_94 = arith.constant 0 : i32
        %dma_start3A_95 = tpu.memref_slice %arg9[%add3A_93, %dma_start3A_94] : memref<160x128xi32, #tpu.memory_space<vmem>> -> memref<1x128xi32, #tpu.memory_space<vmem>>
        %dma_start3A_96 = tpu.memref_squeeze %dma_start3A_95 : memref<1x128xi32, #tpu.memory_space<vmem>> -> memref<128xi32, #tpu.memory_space<vmem>>
        %dma_start3A_97 = arith.constant 0 : i32
        %dma_start3A_98 = arith.constant 0 : i32
        %dma_start3A_99 = tpu.memref_slice %arg15[%dma_start3A_97, %dma_start3A_98] : memref<10240x64xf32, #tpu.memory_space<vmem_shared>> -> memref<10240x64xf32, #tpu.memory_space<vmem_shared>>
        tpu.enqueue_indirect_dma source(%arg11 : memref<128x64xf32, #tpu.memory_space<vmem>>) target(%dma_start3A_99 : memref<10240x64xf32, #tpu.memory_space<vmem_shared>>) offsets(%dma_start3A_96 : memref<128xi32, #tpu.memory_space<vmem>>) semaphore(%arg22 : memref<!tpu.dma_semaphore, #tpu.memory_space<semaphore_mem>>) {add = true}
        %dma_wait3A_100 = arith.constant 0 : i32
        %dma_wait3A_101 = arith.constant 0 : i32
        %dma_wait3A_102 = tpu.memref_slice %arg2[%dma_wait3A_100, %dma_wait3A_101] : memref<10240x64xf32, #tpu.memory_space<hbm>> -> memref<128x64xf32, #tpu.memory_space<hbm>>
        %dma_wait3A_103 = arith.constant 0 : i32
        %dma_wait3A_104 = arith.constant 0 : i32
        %dma_wait3A_105 = tpu.memref_slice %arg2[%dma_wait3A_103, %dma_wait3A_104] : memref<10240x64xf32, #tpu.memory_space<hbm>> -> memref<128x64xf32, #tpu.memory_space<hbm>>
        tpu.wait_dma2 semaphore(%arg18 : memref<!tpu.dma_semaphore, #tpu.memory_space<semaphore_mem>>) src(%dma_wait3A_105 : memref<128x64xf32, #tpu.memory_space<hbm>>) dst(%arg12 : memref<128x64xf32, #tpu.memory_space<vmem>>)
        %add3A_106 = arith.constant 2 : i32
        %add3A_107 = arith.addi %add3A_72, %add3A_106 : i32
        %dma_start3A_108 = arith.constant 0 : i32
        %dma_start3A_109 = tpu.memref_slice %arg9[%add3A_107, %dma_start3A_108] : memref<160x128xi32, #tpu.memory_space<vmem>> -> memref<1x128xi32, #tpu.memory_space<vmem>>
        %dma_start3A_110 = tpu.memref_squeeze %dma_start3A_109 : memref<1x128xi32, #tpu.memory_space<vmem>> -> memref<128xi32, #tpu.memory_space<vmem>>
        %dma_start3A_111 = arith.constant 0 : i32
        %dma_start3A_112 = arith.constant 0 : i32
        %dma_start3A_113 = tpu.memref_slice %arg15[%dma_start3A_111, %dma_start3A_112] : memref<10240x64xf32, #tpu.memory_space<vmem_shared>> -> memref<10240x64xf32, #tpu.memory_space<vmem_shared>>
        tpu.enqueue_indirect_dma source(%arg12 : memref<128x64xf32, #tpu.memory_space<vmem>>) target(%dma_start3A_113 : memref<10240x64xf32, #tpu.memory_space<vmem_shared>>) offsets(%dma_start3A_110 : memref<128xi32, #tpu.memory_space<vmem>>) semaphore(%arg23 : memref<!tpu.dma_semaphore, #tpu.memory_space<semaphore_mem>>) {add = true}
        %dma_wait3A_114 = arith.constant 0 : i32
        %dma_wait3A_115 = arith.constant 0 : i32
        %dma_wait3A_116 = tpu.memref_slice %arg2[%dma_wait3A_114, %dma_wait3A_115] : memref<10240x64xf32, #tpu.memory_space<hbm>> -> memref<128x64xf32, #tpu.memory_space<hbm>>
        %dma_wait3A_117 = arith.constant 0 : i32
        %dma_wait3A_118 = arith.constant 0 : i32
        %dma_wait3A_119 = tpu.memref_slice %arg2[%dma_wait3A_117, %dma_wait3A_118] : memref<10240x64xf32, #tpu.memory_space<hbm>> -> memref<128x64xf32, #tpu.memory_space<hbm>>
        tpu.wait_dma2 semaphore(%arg19 : memref<!tpu.dma_semaphore, #tpu.memory_space<semaphore_mem>>) src(%dma_wait3A_119 : memref<128x64xf32, #tpu.memory_space<hbm>>) dst(%arg13 : memref<128x64xf32, #tpu.memory_space<vmem>>)
        %add3A_120 = arith.constant 3 : i32
        %add3A_121 = arith.addi %add3A_72, %add3A_120 : i32
        %dma_start3A_122 = arith.constant 0 : i32
        %dma_start3A_123 = tpu.memref_slice %arg9[%add3A_121, %dma_start3A_122] : memref<160x128xi32, #tpu.memory_space<vmem>> -> memref<1x128xi32, #tpu.memory_space<vmem>>
        %dma_start3A_124 = tpu.memref_squeeze %dma_start3A_123 : memref<1x128xi32, #tpu.memory_space<vmem>> -> memref<128xi32, #tpu.memory_space<vmem>>
        %dma_start3A_125 = arith.constant 0 : i32
        %dma_start3A_126 = arith.constant 0 : i32
        %dma_start3A_127 = tpu.memref_slice %arg15[%dma_start3A_125, %dma_start3A_126] : memref<10240x64xf32, #tpu.memory_space<vmem_shared>> -> memref<10240x64xf32, #tpu.memory_space<vmem_shared>>
        tpu.enqueue_indirect_dma source(%arg13 : memref<128x64xf32, #tpu.memory_space<vmem>>) target(%dma_start3A_127 : memref<10240x64xf32, #tpu.memory_space<vmem_shared>>) offsets(%dma_start3A_124 : memref<128xi32, #tpu.memory_space<vmem>>) semaphore(%arg24 : memref<!tpu.dma_semaphore, #tpu.memory_space<semaphore_mem>>) {add = true}
        %dma_wait3A_128 = arith.constant 0 : i32
        %dma_wait3A_129 = arith.constant 0 : i32
        %dma_wait3A_130 = tpu.memref_slice %arg2[%dma_wait3A_128, %dma_wait3A_129] : memref<10240x64xf32, #tpu.memory_space<hbm>> -> memref<128x64xf32, #tpu.memory_space<hbm>>
        %dma_wait3A_131 = arith.constant 0 : i32
        %dma_wait3A_132 = arith.constant 0 : i32
        %dma_wait3A_133 = tpu.memref_slice %arg2[%dma_wait3A_131, %dma_wait3A_132] : memref<10240x64xf32, #tpu.memory_space<hbm>> -> memref<128x64xf32, #tpu.memory_space<hbm>>
        tpu.wait_dma2 semaphore(%arg20 : memref<!tpu.dma_semaphore, #tpu.memory_space<semaphore_mem>>) src(%dma_wait3A_133 : memref<128x64xf32, #tpu.memory_space<hbm>>) dst(%arg14 : memref<128x64xf32, #tpu.memory_space<vmem>>)
        %add3A_134 = arith.constant 4 : i32
        %add3A_135 = arith.addi %add3A_72, %add3A_134 : i32
        %dma_start3A_136 = arith.constant 0 : i32
        %dma_start3A_137 = tpu.memref_slice %arg9[%add3A_135, %dma_start3A_136] : memref<160x128xi32, #tpu.memory_space<vmem>> -> memref<1x128xi32, #tpu.memory_space<vmem>>
        %dma_start3A_138 = tpu.memref_squeeze %dma_start3A_137 : memref<1x128xi32, #tpu.memory_space<vmem>> -> memref<128xi32, #tpu.memory_space<vmem>>
        %dma_start3A_139 = arith.constant 0 : i32
        %dma_start3A_140 = arith.constant 0 : i32
        %dma_start3A_141 = tpu.memref_slice %arg15[%dma_start3A_139, %dma_start3A_140] : memref<10240x64xf32, #tpu.memory_space<vmem_shared>> -> memref<10240x64xf32, #tpu.memory_space<vmem_shared>>
        tpu.enqueue_indirect_dma source(%arg14 : memref<128x64xf32, #tpu.memory_space<vmem>>) target(%dma_start3A_141 : memref<10240x64xf32, #tpu.memory_space<vmem_shared>>) offsets(%dma_start3A_138 : memref<128xi32, #tpu.memory_space<vmem>>) semaphore(%arg25 : memref<!tpu.dma_semaphore, #tpu.memory_space<semaphore_mem>>) {add = true}
        %dma_wait3A_142 = arith.constant 0 : i32
        %dma_wait3A_143 = arith.constant 0 : i32
        %dma_wait3A_144 = tpu.memref_slice %arg15[%dma_wait3A_142, %dma_wait3A_143] : memref<10240x64xf32, #tpu.memory_space<vmem_shared>> -> memref<128x64xf32, #tpu.memory_space<vmem_shared>>
        %dma_wait3A_145 = arith.constant 0 : i32
        %dma_wait3A_146 = arith.constant 0 : i32
        %dma_wait3A_147 = tpu.memref_slice %arg15[%dma_wait3A_145, %dma_wait3A_146] : memref<10240x64xf32, #tpu.memory_space<vmem_shared>> -> memref<128x64xf32, #tpu.memory_space<vmem_shared>>
        tpu.wait_dma2 semaphore(%arg21 : memref<!tpu.dma_semaphore, #tpu.memory_space<semaphore_mem>>) src(%arg10 : memref<128x64xf32, #tpu.memory_space<vmem>>) dst(%dma_wait3A_147 : memref<128x64xf32, #tpu.memory_space<vmem_shared>>)
        %add3A_148 = arith.constant 5 : i32
        %add3A_149 = arith.addi %add3A_72, %add3A_148 : i32
        %lt3A = arith.constant 160 : i32
        %lt3A_150 = arith.cmpi slt, %add3A_149, %lt3A : i32
        %convert_element_type3A_151 = arith.extui %lt3A_150 : i1 to i32
        %cond3A_152 = arith.constant 0 : i32
        %cond3A_153 = arith.cmpi ne, %convert_element_type3A_151, %cond3A_152 : i32
        scf.if %cond3A_153 {
          %add3A_206 = arith.constant 5 : i32
          %add3A_207 = arith.addi %add3A_72, %add3A_206 : i32
          %dma_start3A_208 = arith.constant 0 : i32
          %dma_start3A_209 = tpu.memref_slice %arg8[%add3A_207, %dma_start3A_208] : memref<160x128xi32, #tpu.memory_space<vmem>> -> memref<1x128xi32, #tpu.memory_space<vmem>>
          %dma_start3A_210 = tpu.memref_squeeze %dma_start3A_209 : memref<1x128xi32, #tpu.memory_space<vmem>> -> memref<128xi32, #tpu.memory_space<vmem>>
          %dma_start3A_211 = arith.constant 0 : i32
          %dma_start3A_212 = arith.constant 0 : i32
          %dma_start3A_213 = tpu.memref_slice %arg2[%dma_start3A_211, %dma_start3A_212] : memref<10240x64xf32, #tpu.memory_space<hbm>> -> memref<10240x64xf32, #tpu.memory_space<hbm>>
          tpu.enqueue_indirect_dma source(%dma_start3A_213 : memref<10240x64xf32, #tpu.memory_space<hbm>>) target(%arg10 : memref<128x64xf32, #tpu.memory_space<vmem>>) offsets(%dma_start3A_210 : memref<128xi32, #tpu.memory_space<vmem>>) semaphore(%arg16 : memref<!tpu.dma_semaphore, #tpu.memory_space<semaphore_mem>>)
        } else {
        }
        %dma_wait3A_154 = arith.constant 0 : i32
        %dma_wait3A_155 = arith.constant 0 : i32
        %dma_wait3A_156 = tpu.memref_slice %arg15[%dma_wait3A_154, %dma_wait3A_155] : memref<10240x64xf32, #tpu.memory_space<vmem_shared>> -> memref<128x64xf32, #tpu.memory_space<vmem_shared>>
        %dma_wait3A_157 = arith.constant 0 : i32
        %dma_wait3A_158 = arith.constant 0 : i32
        %dma_wait3A_159 = tpu.memref_slice %arg15[%dma_wait3A_157, %dma_wait3A_158] : memref<10240x64xf32, #tpu.memory_space<vmem_shared>> -> memref<128x64xf32, #tpu.memory_space<vmem_shared>>
        tpu.wait_dma2 semaphore(%arg22 : memref<!tpu.dma_semaphore, #tpu.memory_space<semaphore_mem>>) src(%arg11 : memref<128x64xf32, #tpu.memory_space<vmem>>) dst(%dma_wait3A_159 : memref<128x64xf32, #tpu.memory_space<vmem_shared>>)
        %add3A_160 = arith.constant 6 : i32
        %add3A_161 = arith.addi %add3A_72, %add3A_160 : i32
        %lt3A_162 = arith.constant 160 : i32
        %lt3A_163 = arith.cmpi slt, %add3A_161, %lt3A_162 : i32
        %convert_element_type3A_164 = arith.extui %lt3A_163 : i1 to i32
        %cond3A_165 = arith.constant 0 : i32
        %cond3A_166 = arith.cmpi ne, %convert_element_type3A_164, %cond3A_165 : i32
        scf.if %cond3A_166 {
          %add3A_206 = arith.constant 6 : i32
          %add3A_207 = arith.addi %add3A_72, %add3A_206 : i32
          %dma_start3A_208 = arith.constant 0 : i32
          %dma_start3A_209 = tpu.memref_slice %arg8[%add3A_207, %dma_start3A_208] : memref<160x128xi32, #tpu.memory_space<vmem>> -> memref<1x128xi32, #tpu.memory_space<vmem>>
          %dma_start3A_210 = tpu.memref_squeeze %dma_start3A_209 : memref<1x128xi32, #tpu.memory_space<vmem>> -> memref<128xi32, #tpu.memory_space<vmem>>
          %dma_start3A_211 = arith.constant 0 : i32
          %dma_start3A_212 = arith.constant 0 : i32
          %dma_start3A_213 = tpu.memref_slice %arg2[%dma_start3A_211, %dma_start3A_212] : memref<10240x64xf32, #tpu.memory_space<hbm>> -> memref<10240x64xf32, #tpu.memory_space<hbm>>
          tpu.enqueue_indirect_dma source(%dma_start3A_213 : memref<10240x64xf32, #tpu.memory_space<hbm>>) target(%arg11 : memref<128x64xf32, #tpu.memory_space<vmem>>) offsets(%dma_start3A_210 : memref<128xi32, #tpu.memory_space<vmem>>) semaphore(%arg17 : memref<!tpu.dma_semaphore, #tpu.memory_space<semaphore_mem>>)
        } else {
        }
        %dma_wait3A_167 = arith.constant 0 : i32
        %dma_wait3A_168 = arith.constant 0 : i32
        %dma_wait3A_169 = tpu.memref_slice %arg15[%dma_wait3A_167, %dma_wait3A_168] : memref<10240x64xf32, #tpu.memory_space<vmem_shared>> -> memref<128x64xf32, #tpu.memory_space<vmem_shared>>
        %dma_wait3A_170 = arith.constant 0 : i32
        %dma_wait3A_171 = arith.constant 0 : i32
        %dma_wait3A_172 = tpu.memref_slice %arg15[%dma_wait3A_170, %dma_wait3A_171] : memref<10240x64xf32, #tpu.memory_space<vmem_shared>> -> memref<128x64xf32, #tpu.memory_space<vmem_shared>>
        tpu.wait_dma2 semaphore(%arg23 : memref<!tpu.dma_semaphore, #tpu.memory_space<semaphore_mem>>) src(%arg12 : memref<128x64xf32, #tpu.memory_space<vmem>>) dst(%dma_wait3A_172 : memref<128x64xf32, #tpu.memory_space<vmem_shared>>)
        %add3A_173 = arith.constant 7 : i32
        %add3A_174 = arith.addi %add3A_72, %add3A_173 : i32
        %lt3A_175 = arith.constant 160 : i32
        %lt3A_176 = arith.cmpi slt, %add3A_174, %lt3A_175 : i32
        %convert_element_type3A_177 = arith.extui %lt3A_176 : i1 to i32
        %cond3A_178 = arith.constant 0 : i32
        %cond3A_179 = arith.cmpi ne, %convert_element_type3A_177, %cond3A_178 : i32
        scf.if %cond3A_179 {
          %add3A_206 = arith.constant 7 : i32
          %add3A_207 = arith.addi %add3A_72, %add3A_206 : i32
          %dma_start3A_208 = arith.constant 0 : i32
          %dma_start3A_209 = tpu.memref_slice %arg8[%add3A_207, %dma_start3A_208] : memref<160x128xi32, #tpu.memory_space<vmem>> -> memref<1x128xi32, #tpu.memory_space<vmem>>
          %dma_start3A_210 = tpu.memref_squeeze %dma_start3A_209 : memref<1x128xi32, #tpu.memory_space<vmem>> -> memref<128xi32, #tpu.memory_space<vmem>>
          %dma_start3A_211 = arith.constant 0 : i32
          %dma_start3A_212 = arith.constant 0 : i32
          %dma_start3A_213 = tpu.memref_slice %arg2[%dma_start3A_211, %dma_start3A_212] : memref<10240x64xf32, #tpu.memory_space<hbm>> -> memref<10240x64xf32, #tpu.memory_space<hbm>>
          tpu.enqueue_indirect_dma source(%dma_start3A_213 : memref<10240x64xf32, #tpu.memory_space<hbm>>) target(%arg12 : memref<128x64xf32, #tpu.memory_space<vmem>>) offsets(%dma_start3A_210 : memref<128xi32, #tpu.memory_space<vmem>>) semaphore(%arg18 : memref<!tpu.dma_semaphore, #tpu.memory_space<semaphore_mem>>)
        } else {
        }
        %dma_wait3A_180 = arith.constant 0 : i32
        %dma_wait3A_181 = arith.constant 0 : i32
        %dma_wait3A_182 = tpu.memref_slice %arg15[%dma_wait3A_180, %dma_wait3A_181] : memref<10240x64xf32, #tpu.memory_space<vmem_shared>> -> memref<128x64xf32, #tpu.memory_space<vmem_shared>>
        %dma_wait3A_183 = arith.constant 0 : i32
        %dma_wait3A_184 = arith.constant 0 : i32
        %dma_wait3A_185 = tpu.memref_slice %arg15[%dma_wait3A_183, %dma_wait3A_184] : memref<10240x64xf32, #tpu.memory_space<vmem_shared>> -> memref<128x64xf32, #tpu.memory_space<vmem_shared>>
        tpu.wait_dma2 semaphore(%arg24 : memref<!tpu.dma_semaphore, #tpu.memory_space<semaphore_mem>>) src(%arg13 : memref<128x64xf32, #tpu.memory_space<vmem>>) dst(%dma_wait3A_185 : memref<128x64xf32, #tpu.memory_space<vmem_shared>>)
        %add3A_186 = arith.constant 8 : i32
        %add3A_187 = arith.addi %add3A_72, %add3A_186 : i32
        %lt3A_188 = arith.constant 160 : i32
        %lt3A_189 = arith.cmpi slt, %add3A_187, %lt3A_188 : i32
        %convert_element_type3A_190 = arith.extui %lt3A_189 : i1 to i32
        %cond3A_191 = arith.constant 0 : i32
        %cond3A_192 = arith.cmpi ne, %convert_element_type3A_190, %cond3A_191 : i32
        scf.if %cond3A_192 {
          %add3A_206 = arith.constant 8 : i32
          %add3A_207 = arith.addi %add3A_72, %add3A_206 : i32
          %dma_start3A_208 = arith.constant 0 : i32
          %dma_start3A_209 = tpu.memref_slice %arg8[%add3A_207, %dma_start3A_208] : memref<160x128xi32, #tpu.memory_space<vmem>> -> memref<1x128xi32, #tpu.memory_space<vmem>>
          %dma_start3A_210 = tpu.memref_squeeze %dma_start3A_209 : memref<1x128xi32, #tpu.memory_space<vmem>> -> memref<128xi32, #tpu.memory_space<vmem>>
          %dma_start3A_211 = arith.constant 0 : i32
          %dma_start3A_212 = arith.constant 0 : i32
          %dma_start3A_213 = tpu.memref_slice %arg2[%dma_start3A_211, %dma_start3A_212] : memref<10240x64xf32, #tpu.memory_space<hbm>> -> memref<10240x64xf32, #tpu.memory_space<hbm>>
          tpu.enqueue_indirect_dma source(%dma_start3A_213 : memref<10240x64xf32, #tpu.memory_space<hbm>>) target(%arg13 : memref<128x64xf32, #tpu.memory_space<vmem>>) offsets(%dma_start3A_210 : memref<128xi32, #tpu.memory_space<vmem>>) semaphore(%arg19 : memref<!tpu.dma_semaphore, #tpu.memory_space<semaphore_mem>>)
        } else {
        }
        %dma_wait3A_193 = arith.constant 0 : i32
        %dma_wait3A_194 = arith.constant 0 : i32
        %dma_wait3A_195 = tpu.memref_slice %arg15[%dma_wait3A_193, %dma_wait3A_194] : memref<10240x64xf32, #tpu.memory_space<vmem_shared>> -> memref<128x64xf32, #tpu.memory_space<vmem_shared>>
        %dma_wait3A_196 = arith.constant 0 : i32
        %dma_wait3A_197 = arith.constant 0 : i32
        %dma_wait3A_198 = tpu.memref_slice %arg15[%dma_wait3A_196, %dma_wait3A_197] : memref<10240x64xf32, #tpu.memory_space<vmem_shared>> -> memref<128x64xf32, #tpu.memory_space<vmem_shared>>
        tpu.wait_dma2 semaphore(%arg25 : memref<!tpu.dma_semaphore, #tpu.memory_space<semaphore_mem>>) src(%arg14 : memref<128x64xf32, #tpu.memory_space<vmem>>) dst(%dma_wait3A_198 : memref<128x64xf32, #tpu.memory_space<vmem_shared>>)
        %add3A_199 = arith.constant 9 : i32
        %add3A_200 = arith.addi %add3A_72, %add3A_199 : i32
        %lt3A_201 = arith.constant 160 : i32
        %lt3A_202 = arith.cmpi slt, %add3A_200, %lt3A_201 : i32
        %convert_element_type3A_203 = arith.extui %lt3A_202 : i1 to i32
        %cond3A_204 = arith.constant 0 : i32
        %cond3A_205 = arith.cmpi ne, %convert_element_type3A_203, %cond3A_204 : i32
        scf.if %cond3A_205 {
          %add3A_206 = arith.constant 9 : i32
          %add3A_207 = arith.addi %add3A_72, %add3A_206 : i32
          %dma_start3A_208 = arith.constant 0 : i32
          %dma_start3A_209 = tpu.memref_slice %arg8[%add3A_207, %dma_start3A_208] : memref<160x128xi32, #tpu.memory_space<vmem>> -> memref<1x128xi32, #tpu.memory_space<vmem>>
          %dma_start3A_210 = tpu.memref_squeeze %dma_start3A_209 : memref<1x128xi32, #tpu.memory_space<vmem>> -> memref<128xi32, #tpu.memory_space<vmem>>
          %dma_start3A_211 = arith.constant 0 : i32
          %dma_start3A_212 = arith.constant 0 : i32
          %dma_start3A_213 = tpu.memref_slice %arg2[%dma_start3A_211, %dma_start3A_212] : memref<10240x64xf32, #tpu.memory_space<hbm>> -> memref<10240x64xf32, #tpu.memory_space<hbm>>
          tpu.enqueue_indirect_dma source(%dma_start3A_213 : memref<10240x64xf32, #tpu.memory_space<hbm>>) target(%arg14 : memref<128x64xf32, #tpu.memory_space<vmem>>) offsets(%dma_start3A_210 : memref<128xi32, #tpu.memory_space<vmem>>) semaphore(%arg20 : memref<!tpu.dma_semaphore, #tpu.memory_space<semaphore_mem>>)
        } else {
        }
      }
      %scan3A_68 = arith.constant 32 : i32
    } else {
    }
    %eq3A_14 = arith.constant 1 : i32
    %eq3A_15 = arith.cmpi eq, %arg0, %eq3A_14 : i32
    %convert_element_type3A_16 = arith.extui %eq3A_15 : i1 to i32
    %cond3A_17 = arith.constant 0 : i32
    %cond3A_18 = arith.cmpi ne, %convert_element_type3A_16, %cond3A_17 : i32
    scf.if %cond3A_18 {
      %dma_start3A = arith.constant 0 : i32
      %dma_start3A_30 = arith.constant 0 : i32
      %dma_start3A_31 = tpu.memref_slice %arg8[%dma_start3A, %dma_start3A_30] : memref<160x128xi32, #tpu.memory_space<vmem>> -> memref<1x128xi32, #tpu.memory_space<vmem>>
      %dma_start3A_32 = tpu.memref_squeeze %dma_start3A_31 : memref<1x128xi32, #tpu.memory_space<vmem>> -> memref<128xi32, #tpu.memory_space<vmem>>
      %dma_start3A_33 = arith.constant 0 : i32
      %dma_start3A_34 = arith.constant 0 : i32
      %dma_start3A_35 = tpu.memref_slice %arg3[%dma_start3A_33, %dma_start3A_34] : memref<10240x64xf32, #tpu.memory_space<hbm>> -> memref<10240x64xf32, #tpu.memory_space<hbm>>
      tpu.enqueue_indirect_dma source(%dma_start3A_35 : memref<10240x64xf32, #tpu.memory_space<hbm>>) target(%arg10 : memref<128x64xf32, #tpu.memory_space<vmem>>) offsets(%dma_start3A_32 : memref<128xi32, #tpu.memory_space<vmem>>) semaphore(%arg16 : memref<!tpu.dma_semaphore, #tpu.memory_space<semaphore_mem>>)
      %dma_start3A_36 = arith.constant 1 : i32
      %dma_start3A_37 = arith.constant 0 : i32
      %dma_start3A_38 = tpu.memref_slice %arg8[%dma_start3A_36, %dma_start3A_37] : memref<160x128xi32, #tpu.memory_space<vmem>> -> memref<1x128xi32, #tpu.memory_space<vmem>>
      %dma_start3A_39 = tpu.memref_squeeze %dma_start3A_38 : memref<1x128xi32, #tpu.memory_space<vmem>> -> memref<128xi32, #tpu.memory_space<vmem>>
      %dma_start3A_40 = arith.constant 0 : i32
      %dma_start3A_41 = arith.constant 0 : i32
      %dma_start3A_42 = tpu.memref_slice %arg3[%dma_start3A_40, %dma_start3A_41] : memref<10240x64xf32, #tpu.memory_space<hbm>> -> memref<10240x64xf32, #tpu.memory_space<hbm>>
      tpu.enqueue_indirect_dma source(%dma_start3A_42 : memref<10240x64xf32, #tpu.memory_space<hbm>>) target(%arg11 : memref<128x64xf32, #tpu.memory_space<vmem>>) offsets(%dma_start3A_39 : memref<128xi32, #tpu.memory_space<vmem>>) semaphore(%arg17 : memref<!tpu.dma_semaphore, #tpu.memory_space<semaphore_mem>>)
      %dma_start3A_43 = arith.constant 2 : i32
      %dma_start3A_44 = arith.constant 0 : i32
      %dma_start3A_45 = tpu.memref_slice %arg8[%dma_start3A_43, %dma_start3A_44] : memref<160x128xi32, #tpu.memory_space<vmem>> -> memref<1x128xi32, #tpu.memory_space<vmem>>
      %dma_start3A_46 = tpu.memref_squeeze %dma_start3A_45 : memref<1x128xi32, #tpu.memory_space<vmem>> -> memref<128xi32, #tpu.memory_space<vmem>>
      %dma_start3A_47 = arith.constant 0 : i32
      %dma_start3A_48 = arith.constant 0 : i32
      %dma_start3A_49 = tpu.memref_slice %arg3[%dma_start3A_47, %dma_start3A_48] : memref<10240x64xf32, #tpu.memory_space<hbm>> -> memref<10240x64xf32, #tpu.memory_space<hbm>>
      tpu.enqueue_indirect_dma source(%dma_start3A_49 : memref<10240x64xf32, #tpu.memory_space<hbm>>) target(%arg12 : memref<128x64xf32, #tpu.memory_space<vmem>>) offsets(%dma_start3A_46 : memref<128xi32, #tpu.memory_space<vmem>>) semaphore(%arg18 : memref<!tpu.dma_semaphore, #tpu.memory_space<semaphore_mem>>)
      %dma_start3A_50 = arith.constant 3 : i32
      %dma_start3A_51 = arith.constant 0 : i32
      %dma_start3A_52 = tpu.memref_slice %arg8[%dma_start3A_50, %dma_start3A_51] : memref<160x128xi32, #tpu.memory_space<vmem>> -> memref<1x128xi32, #tpu.memory_space<vmem>>
      %dma_start3A_53 = tpu.memref_squeeze %dma_start3A_52 : memref<1x128xi32, #tpu.memory_space<vmem>> -> memref<128xi32, #tpu.memory_space<vmem>>
      %dma_start3A_54 = arith.constant 0 : i32
      %dma_start3A_55 = arith.constant 0 : i32
      %dma_start3A_56 = tpu.memref_slice %arg3[%dma_start3A_54, %dma_start3A_55] : memref<10240x64xf32, #tpu.memory_space<hbm>> -> memref<10240x64xf32, #tpu.memory_space<hbm>>
      tpu.enqueue_indirect_dma source(%dma_start3A_56 : memref<10240x64xf32, #tpu.memory_space<hbm>>) target(%arg13 : memref<128x64xf32, #tpu.memory_space<vmem>>) offsets(%dma_start3A_53 : memref<128xi32, #tpu.memory_space<vmem>>) semaphore(%arg19 : memref<!tpu.dma_semaphore, #tpu.memory_space<semaphore_mem>>)
      %dma_start3A_57 = arith.constant 4 : i32
      %dma_start3A_58 = arith.constant 0 : i32
      %dma_start3A_59 = tpu.memref_slice %arg8[%dma_start3A_57, %dma_start3A_58] : memref<160x128xi32, #tpu.memory_space<vmem>> -> memref<1x128xi32, #tpu.memory_space<vmem>>
      %dma_start3A_60 = tpu.memref_squeeze %dma_start3A_59 : memref<1x128xi32, #tpu.memory_space<vmem>> -> memref<128xi32, #tpu.memory_space<vmem>>
      %dma_start3A_61 = arith.constant 0 : i32
      %dma_start3A_62 = arith.constant 0 : i32
      %dma_start3A_63 = tpu.memref_slice %arg3[%dma_start3A_61, %dma_start3A_62] : memref<10240x64xf32, #tpu.memory_space<hbm>> -> memref<10240x64xf32, #tpu.memory_space<hbm>>
      tpu.enqueue_indirect_dma source(%dma_start3A_63 : memref<10240x64xf32, #tpu.memory_space<hbm>>) target(%arg14 : memref<128x64xf32, #tpu.memory_space<vmem>>) offsets(%dma_start3A_60 : memref<128xi32, #tpu.memory_space<vmem>>) semaphore(%arg20 : memref<!tpu.dma_semaphore, #tpu.memory_space<semaphore_mem>>)
      %scan3A_64 = arith.constant 0 : i32
      %scan3A_65 = arith.constant 32 : i32
      %scan3A_66 = arith.addi %scan3A_64, %scan3A_65 : i32
      %scan3A_67 = arith.constant 1 : i32
      scf.for %scan3A_69 = %scan3A_64 to %scan3A_66 step %scan3A_67  : i32 {
        %mul3A_70 = arith.constant 5 : i32
        %mul3A_71 = arith.muli %scan3A_69, %mul3A_70 : i32
        %add3A = arith.constant 0 : i32
        %add3A_72 = arith.addi %add3A, %mul3A_71 : i32
        %dma_wait3A = arith.constant 0 : i32
        %dma_wait3A_73 = arith.constant 0 : i32
        %dma_wait3A_74 = tpu.memref_slice %arg3[%dma_wait3A, %dma_wait3A_73] : memref<10240x64xf32, #tpu.memory_space<hbm>> -> memref<128x64xf32, #tpu.memory_space<hbm>>
        %dma_wait3A_75 = arith.constant 0 : i32
        %dma_wait3A_76 = arith.constant 0 : i32
        %dma_wait3A_77 = tpu.memref_slice %arg3[%dma_wait3A_75, %dma_wait3A_76] : memref<10240x64xf32, #tpu.memory_space<hbm>> -> memref<128x64xf32, #tpu.memory_space<hbm>>
        tpu.wait_dma2 semaphore(%arg16 : memref<!tpu.dma_semaphore, #tpu.memory_space<semaphore_mem>>) src(%dma_wait3A_77 : memref<128x64xf32, #tpu.memory_space<hbm>>) dst(%arg10 : memref<128x64xf32, #tpu.memory_space<vmem>>)
        %add3A_78 = arith.constant 0 : i32
        %add3A_79 = arith.addi %add3A_72, %add3A_78 : i32
        %dma_start3A_80 = arith.constant 0 : i32
        %dma_start3A_81 = tpu.memref_slice %arg9[%add3A_79, %dma_start3A_80] : memref<160x128xi32, #tpu.memory_space<vmem>> -> memref<1x128xi32, #tpu.memory_space<vmem>>
        %dma_start3A_82 = tpu.memref_squeeze %dma_start3A_81 : memref<1x128xi32, #tpu.memory_space<vmem>> -> memref<128xi32, #tpu.memory_space<vmem>>
        %dma_start3A_83 = arith.constant 0 : i32
        %dma_start3A_84 = arith.constant 0 : i32
        %dma_start3A_85 = tpu.memref_slice %arg15[%dma_start3A_83, %dma_start3A_84] : memref<10240x64xf32, #tpu.memory_space<vmem_shared>> -> memref<10240x64xf32, #tpu.memory_space<vmem_shared>>
        tpu.enqueue_indirect_dma source(%arg10 : memref<128x64xf32, #tpu.memory_space<vmem>>) target(%dma_start3A_85 : memref<10240x64xf32, #tpu.memory_space<vmem_shared>>) offsets(%dma_start3A_82 : memref<128xi32, #tpu.memory_space<vmem>>) semaphore(%arg21 : memref<!tpu.dma_semaphore, #tpu.memory_space<semaphore_mem>>) {add = true}
        %dma_wait3A_86 = arith.constant 0 : i32
        %dma_wait3A_87 = arith.constant 0 : i32
        %dma_wait3A_88 = tpu.memref_slice %arg3[%dma_wait3A_86, %dma_wait3A_87] : memref<10240x64xf32, #tpu.memory_space<hbm>> -> memref<128x64xf32, #tpu.memory_space<hbm>>
        %dma_wait3A_89 = arith.constant 0 : i32
        %dma_wait3A_90 = arith.constant 0 : i32
        %dma_wait3A_91 = tpu.memref_slice %arg3[%dma_wait3A_89, %dma_wait3A_90] : memref<10240x64xf32, #tpu.memory_space<hbm>> -> memref<128x64xf32, #tpu.memory_space<hbm>>
        tpu.wait_dma2 semaphore(%arg17 : memref<!tpu.dma_semaphore, #tpu.memory_space<semaphore_mem>>) src(%dma_wait3A_91 : memref<128x64xf32, #tpu.memory_space<hbm>>) dst(%arg11 : memref<128x64xf32, #tpu.memory_space<vmem>>)
        %add3A_92 = arith.constant 1 : i32
        %add3A_93 = arith.addi %add3A_72, %add3A_92 : i32
        %dma_start3A_94 = arith.constant 0 : i32
        %dma_start3A_95 = tpu.memref_slice %arg9[%add3A_93, %dma_start3A_94] : memref<160x128xi32, #tpu.memory_space<vmem>> -> memref<1x128xi32, #tpu.memory_space<vmem>>
        %dma_start3A_96 = tpu.memref_squeeze %dma_start3A_95 : memref<1x128xi32, #tpu.memory_space<vmem>> -> memref<128xi32, #tpu.memory_space<vmem>>
        %dma_start3A_97 = arith.constant 0 : i32
        %dma_start3A_98 = arith.constant 0 : i32
        %dma_start3A_99 = tpu.memref_slice %arg15[%dma_start3A_97, %dma_start3A_98] : memref<10240x64xf32, #tpu.memory_space<vmem_shared>> -> memref<10240x64xf32, #tpu.memory_space<vmem_shared>>
        tpu.enqueue_indirect_dma source(%arg11 : memref<128x64xf32, #tpu.memory_space<vmem>>) target(%dma_start3A_99 : memref<10240x64xf32, #tpu.memory_space<vmem_shared>>) offsets(%dma_start3A_96 : memref<128xi32, #tpu.memory_space<vmem>>) semaphore(%arg22 : memref<!tpu.dma_semaphore, #tpu.memory_space<semaphore_mem>>) {add = true}
        %dma_wait3A_100 = arith.constant 0 : i32
        %dma_wait3A_101 = arith.constant 0 : i32
        %dma_wait3A_102 = tpu.memref_slice %arg3[%dma_wait3A_100, %dma_wait3A_101] : memref<10240x64xf32, #tpu.memory_space<hbm>> -> memref<128x64xf32, #tpu.memory_space<hbm>>
        %dma_wait3A_103 = arith.constant 0 : i32
        %dma_wait3A_104 = arith.constant 0 : i32
        %dma_wait3A_105 = tpu.memref_slice %arg3[%dma_wait3A_103, %dma_wait3A_104] : memref<10240x64xf32, #tpu.memory_space<hbm>> -> memref<128x64xf32, #tpu.memory_space<hbm>>
        tpu.wait_dma2 semaphore(%arg18 : memref<!tpu.dma_semaphore, #tpu.memory_space<semaphore_mem>>) src(%dma_wait3A_105 : memref<128x64xf32, #tpu.memory_space<hbm>>) dst(%arg12 : memref<128x64xf32, #tpu.memory_space<vmem>>)
        %add3A_106 = arith.constant 2 : i32
        %add3A_107 = arith.addi %add3A_72, %add3A_106 : i32
        %dma_start3A_108 = arith.constant 0 : i32
        %dma_start3A_109 = tpu.memref_slice %arg9[%add3A_107, %dma_start3A_108] : memref<160x128xi32, #tpu.memory_space<vmem>> -> memref<1x128xi32, #tpu.memory_space<vmem>>
        %dma_start3A_110 = tpu.memref_squeeze %dma_start3A_109 : memref<1x128xi32, #tpu.memory_space<vmem>> -> memref<128xi32, #tpu.memory_space<vmem>>
        %dma_start3A_111 = arith.constant 0 : i32
        %dma_start3A_112 = arith.constant 0 : i32
        %dma_start3A_113 = tpu.memref_slice %arg15[%dma_start3A_111, %dma_start3A_112] : memref<10240x64xf32, #tpu.memory_space<vmem_shared>> -> memref<10240x64xf32, #tpu.memory_space<vmem_shared>>
        tpu.enqueue_indirect_dma source(%arg12 : memref<128x64xf32, #tpu.memory_space<vmem>>) target(%dma_start3A_113 : memref<10240x64xf32, #tpu.memory_space<vmem_shared>>) offsets(%dma_start3A_110 : memref<128xi32, #tpu.memory_space<vmem>>) semaphore(%arg23 : memref<!tpu.dma_semaphore, #tpu.memory_space<semaphore_mem>>) {add = true}
        %dma_wait3A_114 = arith.constant 0 : i32
        %dma_wait3A_115 = arith.constant 0 : i32
        %dma_wait3A_116 = tpu.memref_slice %arg3[%dma_wait3A_114, %dma_wait3A_115] : memref<10240x64xf32, #tpu.memory_space<hbm>> -> memref<128x64xf32, #tpu.memory_space<hbm>>
        %dma_wait3A_117 = arith.constant 0 : i32
        %dma_wait3A_118 = arith.constant 0 : i32
        %dma_wait3A_119 = tpu.memref_slice %arg3[%dma_wait3A_117, %dma_wait3A_118] : memref<10240x64xf32, #tpu.memory_space<hbm>> -> memref<128x64xf32, #tpu.memory_space<hbm>>
        tpu.wait_dma2 semaphore(%arg19 : memref<!tpu.dma_semaphore, #tpu.memory_space<semaphore_mem>>) src(%dma_wait3A_119 : memref<128x64xf32, #tpu.memory_space<hbm>>) dst(%arg13 : memref<128x64xf32, #tpu.memory_space<vmem>>)
        %add3A_120 = arith.constant 3 : i32
        %add3A_121 = arith.addi %add3A_72, %add3A_120 : i32
        %dma_start3A_122 = arith.constant 0 : i32
        %dma_start3A_123 = tpu.memref_slice %arg9[%add3A_121, %dma_start3A_122] : memref<160x128xi32, #tpu.memory_space<vmem>> -> memref<1x128xi32, #tpu.memory_space<vmem>>
        %dma_start3A_124 = tpu.memref_squeeze %dma_start3A_123 : memref<1x128xi32, #tpu.memory_space<vmem>> -> memref<128xi32, #tpu.memory_space<vmem>>
        %dma_start3A_125 = arith.constant 0 : i32
        %dma_start3A_126 = arith.constant 0 : i32
        %dma_start3A_127 = tpu.memref_slice %arg15[%dma_start3A_125, %dma_start3A_126] : memref<10240x64xf32, #tpu.memory_space<vmem_shared>> -> memref<10240x64xf32, #tpu.memory_space<vmem_shared>>
        tpu.enqueue_indirect_dma source(%arg13 : memref<128x64xf32, #tpu.memory_space<vmem>>) target(%dma_start3A_127 : memref<10240x64xf32, #tpu.memory_space<vmem_shared>>) offsets(%dma_start3A_124 : memref<128xi32, #tpu.memory_space<vmem>>) semaphore(%arg24 : memref<!tpu.dma_semaphore, #tpu.memory_space<semaphore_mem>>) {add = true}
        %dma_wait3A_128 = arith.constant 0 : i32
        %dma_wait3A_129 = arith.constant 0 : i32
        %dma_wait3A_130 = tpu.memref_slice %arg3[%dma_wait3A_128, %dma_wait3A_129] : memref<10240x64xf32, #tpu.memory_space<hbm>> -> memref<128x64xf32, #tpu.memory_space<hbm>>
        %dma_wait3A_131 = arith.constant 0 : i32
        %dma_wait3A_132 = arith.constant 0 : i32
        %dma_wait3A_133 = tpu.memref_slice %arg3[%dma_wait3A_131, %dma_wait3A_132] : memref<10240x64xf32, #tpu.memory_space<hbm>> -> memref<128x64xf32, #tpu.memory_space<hbm>>
        tpu.wait_dma2 semaphore(%arg20 : memref<!tpu.dma_semaphore, #tpu.memory_space<semaphore_mem>>) src(%dma_wait3A_133 : memref<128x64xf32, #tpu.memory_space<hbm>>) dst(%arg14 : memref<128x64xf32, #tpu.memory_space<vmem>>)
        %add3A_134 = arith.constant 4 : i32
        %add3A_135 = arith.addi %add3A_72, %add3A_134 : i32
        %dma_start3A_136 = arith.constant 0 : i32
        %dma_start3A_137 = tpu.memref_slice %arg9[%add3A_135, %dma_start3A_136] : memref<160x128xi32, #tpu.memory_space<vmem>> -> memref<1x128xi32, #tpu.memory_space<vmem>>
        %dma_start3A_138 = tpu.memref_squeeze %dma_start3A_137 : memref<1x128xi32, #tpu.memory_space<vmem>> -> memref<128xi32, #tpu.memory_space<vmem>>
        %dma_start3A_139 = arith.constant 0 : i32
        %dma_start3A_140 = arith.constant 0 : i32
        %dma_start3A_141 = tpu.memref_slice %arg15[%dma_start3A_139, %dma_start3A_140] : memref<10240x64xf32, #tpu.memory_space<vmem_shared>> -> memref<10240x64xf32, #tpu.memory_space<vmem_shared>>
        tpu.enqueue_indirect_dma source(%arg14 : memref<128x64xf32, #tpu.memory_space<vmem>>) target(%dma_start3A_141 : memref<10240x64xf32, #tpu.memory_space<vmem_shared>>) offsets(%dma_start3A_138 : memref<128xi32, #tpu.memory_space<vmem>>) semaphore(%arg25 : memref<!tpu.dma_semaphore, #tpu.memory_space<semaphore_mem>>) {add = true}
        %dma_wait3A_142 = arith.constant 0 : i32
        %dma_wait3A_143 = arith.constant 0 : i32
        %dma_wait3A_144 = tpu.memref_slice %arg15[%dma_wait3A_142, %dma_wait3A_143] : memref<10240x64xf32, #tpu.memory_space<vmem_shared>> -> memref<128x64xf32, #tpu.memory_space<vmem_shared>>
        %dma_wait3A_145 = arith.constant 0 : i32
        %dma_wait3A_146 = arith.constant 0 : i32
        %dma_wait3A_147 = tpu.memref_slice %arg15[%dma_wait3A_145, %dma_wait3A_146] : memref<10240x64xf32, #tpu.memory_space<vmem_shared>> -> memref<128x64xf32, #tpu.memory_space<vmem_shared>>
        tpu.wait_dma2 semaphore(%arg21 : memref<!tpu.dma_semaphore, #tpu.memory_space<semaphore_mem>>) src(%arg10 : memref<128x64xf32, #tpu.memory_space<vmem>>) dst(%dma_wait3A_147 : memref<128x64xf32, #tpu.memory_space<vmem_shared>>)
        %add3A_148 = arith.constant 5 : i32
        %add3A_149 = arith.addi %add3A_72, %add3A_148 : i32
        %lt3A = arith.constant 160 : i32
        %lt3A_150 = arith.cmpi slt, %add3A_149, %lt3A : i32
        %convert_element_type3A_151 = arith.extui %lt3A_150 : i1 to i32
        %cond3A_152 = arith.constant 0 : i32
        %cond3A_153 = arith.cmpi ne, %convert_element_type3A_151, %cond3A_152 : i32
        scf.if %cond3A_153 {
          %add3A_206 = arith.constant 5 : i32
          %add3A_207 = arith.addi %add3A_72, %add3A_206 : i32
          %dma_start3A_208 = arith.constant 0 : i32
          %dma_start3A_209 = tpu.memref_slice %arg8[%add3A_207, %dma_start3A_208] : memref<160x128xi32, #tpu.memory_space<vmem>> -> memref<1x128xi32, #tpu.memory_space<vmem>>
          %dma_start3A_210 = tpu.memref_squeeze %dma_start3A_209 : memref<1x128xi32, #tpu.memory_space<vmem>> -> memref<128xi32, #tpu.memory_space<vmem>>
          %dma_start3A_211 = arith.constant 0 : i32
          %dma_start3A_212 = arith.constant 0 : i32
          %dma_start3A_213 = tpu.memref_slice %arg3[%dma_start3A_211, %dma_start3A_212] : memref<10240x64xf32, #tpu.memory_space<hbm>> -> memref<10240x64xf32, #tpu.memory_space<hbm>>
          tpu.enqueue_indirect_dma source(%dma_start3A_213 : memref<10240x64xf32, #tpu.memory_space<hbm>>) target(%arg10 : memref<128x64xf32, #tpu.memory_space<vmem>>) offsets(%dma_start3A_210 : memref<128xi32, #tpu.memory_space<vmem>>) semaphore(%arg16 : memref<!tpu.dma_semaphore, #tpu.memory_space<semaphore_mem>>)
        } else {
        }
        %dma_wait3A_154 = arith.constant 0 : i32
        %dma_wait3A_155 = arith.constant 0 : i32
        %dma_wait3A_156 = tpu.memref_slice %arg15[%dma_wait3A_154, %dma_wait3A_155] : memref<10240x64xf32, #tpu.memory_space<vmem_shared>> -> memref<128x64xf32, #tpu.memory_space<vmem_shared>>
        %dma_wait3A_157 = arith.constant 0 : i32
        %dma_wait3A_158 = arith.constant 0 : i32
        %dma_wait3A_159 = tpu.memref_slice %arg15[%dma_wait3A_157, %dma_wait3A_158] : memref<10240x64xf32, #tpu.memory_space<vmem_shared>> -> memref<128x64xf32, #tpu.memory_space<vmem_shared>>
        tpu.wait_dma2 semaphore(%arg22 : memref<!tpu.dma_semaphore, #tpu.memory_space<semaphore_mem>>) src(%arg11 : memref<128x64xf32, #tpu.memory_space<vmem>>) dst(%dma_wait3A_159 : memref<128x64xf32, #tpu.memory_space<vmem_shared>>)
        %add3A_160 = arith.constant 6 : i32
        %add3A_161 = arith.addi %add3A_72, %add3A_160 : i32
        %lt3A_162 = arith.constant 160 : i32
        %lt3A_163 = arith.cmpi slt, %add3A_161, %lt3A_162 : i32
        %convert_element_type3A_164 = arith.extui %lt3A_163 : i1 to i32
        %cond3A_165 = arith.constant 0 : i32
        %cond3A_166 = arith.cmpi ne, %convert_element_type3A_164, %cond3A_165 : i32
        scf.if %cond3A_166 {
          %add3A_206 = arith.constant 6 : i32
          %add3A_207 = arith.addi %add3A_72, %add3A_206 : i32
          %dma_start3A_208 = arith.constant 0 : i32
          %dma_start3A_209 = tpu.memref_slice %arg8[%add3A_207, %dma_start3A_208] : memref<160x128xi32, #tpu.memory_space<vmem>> -> memref<1x128xi32, #tpu.memory_space<vmem>>
          %dma_start3A_210 = tpu.memref_squeeze %dma_start3A_209 : memref<1x128xi32, #tpu.memory_space<vmem>> -> memref<128xi32, #tpu.memory_space<vmem>>
          %dma_start3A_211 = arith.constant 0 : i32
          %dma_start3A_212 = arith.constant 0 : i32
          %dma_start3A_213 = tpu.memref_slice %arg3[%dma_start3A_211, %dma_start3A_212] : memref<10240x64xf32, #tpu.memory_space<hbm>> -> memref<10240x64xf32, #tpu.memory_space<hbm>>
          tpu.enqueue_indirect_dma source(%dma_start3A_213 : memref<10240x64xf32, #tpu.memory_space<hbm>>) target(%arg11 : memref<128x64xf32, #tpu.memory_space<vmem>>) offsets(%dma_start3A_210 : memref<128xi32, #tpu.memory_space<vmem>>) semaphore(%arg17 : memref<!tpu.dma_semaphore, #tpu.memory_space<semaphore_mem>>)
        } else {
        }
        %dma_wait3A_167 = arith.constant 0 : i32
        %dma_wait3A_168 = arith.constant 0 : i32
        %dma_wait3A_169 = tpu.memref_slice %arg15[%dma_wait3A_167, %dma_wait3A_168] : memref<10240x64xf32, #tpu.memory_space<vmem_shared>> -> memref<128x64xf32, #tpu.memory_space<vmem_shared>>
        %dma_wait3A_170 = arith.constant 0 : i32
        %dma_wait3A_171 = arith.constant 0 : i32
        %dma_wait3A_172 = tpu.memref_slice %arg15[%dma_wait3A_170, %dma_wait3A_171] : memref<10240x64xf32, #tpu.memory_space<vmem_shared>> -> memref<128x64xf32, #tpu.memory_space<vmem_shared>>
        tpu.wait_dma2 semaphore(%arg23 : memref<!tpu.dma_semaphore, #tpu.memory_space<semaphore_mem>>) src(%arg12 : memref<128x64xf32, #tpu.memory_space<vmem>>) dst(%dma_wait3A_172 : memref<128x64xf32, #tpu.memory_space<vmem_shared>>)
        %add3A_173 = arith.constant 7 : i32
        %add3A_174 = arith.addi %add3A_72, %add3A_173 : i32
        %lt3A_175 = arith.constant 160 : i32
        %lt3A_176 = arith.cmpi slt, %add3A_174, %lt3A_175 : i32
        %convert_element_type3A_177 = arith.extui %lt3A_176 : i1 to i32
        %cond3A_178 = arith.constant 0 : i32
        %cond3A_179 = arith.cmpi ne, %convert_element_type3A_177, %cond3A_178 : i32
        scf.if %cond3A_179 {
          %add3A_206 = arith.constant 7 : i32
          %add3A_207 = arith.addi %add3A_72, %add3A_206 : i32
          %dma_start3A_208 = arith.constant 0 : i32
          %dma_start3A_209 = tpu.memref_slice %arg8[%add3A_207, %dma_start3A_208] : memref<160x128xi32, #tpu.memory_space<vmem>> -> memref<1x128xi32, #tpu.memory_space<vmem>>
          %dma_start3A_210 = tpu.memref_squeeze %dma_start3A_209 : memref<1x128xi32, #tpu.memory_space<vmem>> -> memref<128xi32, #tpu.memory_space<vmem>>
          %dma_start3A_211 = arith.constant 0 : i32
          %dma_start3A_212 = arith.constant 0 : i32
          %dma_start3A_213 = tpu.memref_slice %arg3[%dma_start3A_211, %dma_start3A_212] : memref<10240x64xf32, #tpu.memory_space<hbm>> -> memref<10240x64xf32, #tpu.memory_space<hbm>>
          tpu.enqueue_indirect_dma source(%dma_start3A_213 : memref<10240x64xf32, #tpu.memory_space<hbm>>) target(%arg12 : memref<128x64xf32, #tpu.memory_space<vmem>>) offsets(%dma_start3A_210 : memref<128xi32, #tpu.memory_space<vmem>>) semaphore(%arg18 : memref<!tpu.dma_semaphore, #tpu.memory_space<semaphore_mem>>)
        } else {
        }
        %dma_wait3A_180 = arith.constant 0 : i32
        %dma_wait3A_181 = arith.constant 0 : i32
        %dma_wait3A_182 = tpu.memref_slice %arg15[%dma_wait3A_180, %dma_wait3A_181] : memref<10240x64xf32, #tpu.memory_space<vmem_shared>> -> memref<128x64xf32, #tpu.memory_space<vmem_shared>>
        %dma_wait3A_183 = arith.constant 0 : i32
        %dma_wait3A_184 = arith.constant 0 : i32
        %dma_wait3A_185 = tpu.memref_slice %arg15[%dma_wait3A_183, %dma_wait3A_184] : memref<10240x64xf32, #tpu.memory_space<vmem_shared>> -> memref<128x64xf32, #tpu.memory_space<vmem_shared>>
        tpu.wait_dma2 semaphore(%arg24 : memref<!tpu.dma_semaphore, #tpu.memory_space<semaphore_mem>>) src(%arg13 : memref<128x64xf32, #tpu.memory_space<vmem>>) dst(%dma_wait3A_185 : memref<128x64xf32, #tpu.memory_space<vmem_shared>>)
        %add3A_186 = arith.constant 8 : i32
        %add3A_187 = arith.addi %add3A_72, %add3A_186 : i32
        %lt3A_188 = arith.constant 160 : i32
        %lt3A_189 = arith.cmpi slt, %add3A_187, %lt3A_188 : i32
        %convert_element_type3A_190 = arith.extui %lt3A_189 : i1 to i32
        %cond3A_191 = arith.constant 0 : i32
        %cond3A_192 = arith.cmpi ne, %convert_element_type3A_190, %cond3A_191 : i32
        scf.if %cond3A_192 {
          %add3A_206 = arith.constant 8 : i32
          %add3A_207 = arith.addi %add3A_72, %add3A_206 : i32
          %dma_start3A_208 = arith.constant 0 : i32
          %dma_start3A_209 = tpu.memref_slice %arg8[%add3A_207, %dma_start3A_208] : memref<160x128xi32, #tpu.memory_space<vmem>> -> memref<1x128xi32, #tpu.memory_space<vmem>>
          %dma_start3A_210 = tpu.memref_squeeze %dma_start3A_209 : memref<1x128xi32, #tpu.memory_space<vmem>> -> memref<128xi32, #tpu.memory_space<vmem>>
          %dma_start3A_211 = arith.constant 0 : i32
          %dma_start3A_212 = arith.constant 0 : i32
          %dma_start3A_213 = tpu.memref_slice %arg3[%dma_start3A_211, %dma_start3A_212] : memref<10240x64xf32, #tpu.memory_space<hbm>> -> memref<10240x64xf32, #tpu.memory_space<hbm>>
          tpu.enqueue_indirect_dma source(%dma_start3A_213 : memref<10240x64xf32, #tpu.memory_space<hbm>>) target(%arg13 : memref<128x64xf32, #tpu.memory_space<vmem>>) offsets(%dma_start3A_210 : memref<128xi32, #tpu.memory_space<vmem>>) semaphore(%arg19 : memref<!tpu.dma_semaphore, #tpu.memory_space<semaphore_mem>>)
        } else {
        }
        %dma_wait3A_193 = arith.constant 0 : i32
        %dma_wait3A_194 = arith.constant 0 : i32
        %dma_wait3A_195 = tpu.memref_slice %arg15[%dma_wait3A_193, %dma_wait3A_194] : memref<10240x64xf32, #tpu.memory_space<vmem_shared>> -> memref<128x64xf32, #tpu.memory_space<vmem_shared>>
        %dma_wait3A_196 = arith.constant 0 : i32
        %dma_wait3A_197 = arith.constant 0 : i32
        %dma_wait3A_198 = tpu.memref_slice %arg15[%dma_wait3A_196, %dma_wait3A_197] : memref<10240x64xf32, #tpu.memory_space<vmem_shared>> -> memref<128x64xf32, #tpu.memory_space<vmem_shared>>
        tpu.wait_dma2 semaphore(%arg25 : memref<!tpu.dma_semaphore, #tpu.memory_space<semaphore_mem>>) src(%arg14 : memref<128x64xf32, #tpu.memory_space<vmem>>) dst(%dma_wait3A_198 : memref<128x64xf32, #tpu.memory_space<vmem_shared>>)
        %add3A_199 = arith.constant 9 : i32
        %add3A_200 = arith.addi %add3A_72, %add3A_199 : i32
        %lt3A_201 = arith.constant 160 : i32
        %lt3A_202 = arith.cmpi slt, %add3A_200, %lt3A_201 : i32
        %convert_element_type3A_203 = arith.extui %lt3A_202 : i1 to i32
        %cond3A_204 = arith.constant 0 : i32
        %cond3A_205 = arith.cmpi ne, %convert_element_type3A_203, %cond3A_204 : i32
        scf.if %cond3A_205 {
          %add3A_206 = arith.constant 9 : i32
          %add3A_207 = arith.addi %add3A_72, %add3A_206 : i32
          %dma_start3A_208 = arith.constant 0 : i32
          %dma_start3A_209 = tpu.memref_slice %arg8[%add3A_207, %dma_start3A_208] : memref<160x128xi32, #tpu.memory_space<vmem>> -> memref<1x128xi32, #tpu.memory_space<vmem>>
          %dma_start3A_210 = tpu.memref_squeeze %dma_start3A_209 : memref<1x128xi32, #tpu.memory_space<vmem>> -> memref<128xi32, #tpu.memory_space<vmem>>
          %dma_start3A_211 = arith.constant 0 : i32
          %dma_start3A_212 = arith.constant 0 : i32
          %dma_start3A_213 = tpu.memref_slice %arg3[%dma_start3A_211, %dma_start3A_212] : memref<10240x64xf32, #tpu.memory_space<hbm>> -> memref<10240x64xf32, #tpu.memory_space<hbm>>
          tpu.enqueue_indirect_dma source(%dma_start3A_213 : memref<10240x64xf32, #tpu.memory_space<hbm>>) target(%arg14 : memref<128x64xf32, #tpu.memory_space<vmem>>) offsets(%dma_start3A_210 : memref<128xi32, #tpu.memory_space<vmem>>) semaphore(%arg20 : memref<!tpu.dma_semaphore, #tpu.memory_space<semaphore_mem>>)
        } else {
        }
      }
      %scan3A_68 = arith.constant 32 : i32
    } else {
    }
    %barrier3A_19 = arith.constant 0 : index
    tpu.barrier barrier_id(%barrier3A_19)
    %eq3A_20 = arith.constant 0 : i32
    %eq3A_21 = arith.cmpi eq, %arg0, %eq3A_20 : i32
    %convert_element_type3A_22 = arith.extui %eq3A_21 : i1 to i32
    %cond3A_23 = arith.constant 0 : i32
    %cond3A_24 = arith.cmpi ne, %convert_element_type3A_22, %cond3A_23 : i32
    scf.if %cond3A_24 {
      %mul3A_30 = arith.constant 640 : i32
      %mul3A_31 = arith.muli %arg1, %mul3A_30 : i32
      %mul3A_32 = arith.constant 640 : i32
      %mul3A_33 = arith.muli %arg1, %mul3A_32 : i32
      "tpu.region"() ({
        %run_scoped3A = tpu.sem_alloc : memref<!tpu.dma_semaphore, #tpu.memory_space<semaphore_mem>>
        %dma_start3A = arith.constant 0 : i32
        %dma_start3A_34 = tpu.memref_slice %arg6[%mul3A_33, %dma_start3A] : memref<10240x64xf32, #tpu.memory_space<hbm>> -> memref<640x64xf32, #tpu.memory_space<hbm>>
        %dma_start3A_35 = arith.constant 0 : i32
        %dma_start3A_36 = tpu.memref_slice %arg15[%mul3A_31, %dma_start3A_35] : memref<10240x64xf32, #tpu.memory_space<vmem_shared>> -> memref<640x64xf32, #tpu.memory_space<vmem_shared>>
        tpu.enqueue_dma source(%dma_start3A_36 : memref<640x64xf32, #tpu.memory_space<vmem_shared>>) target(%dma_start3A_34 : memref<640x64xf32, #tpu.memory_space<hbm>>) target_semaphore(%run_scoped3A : memref<!tpu.dma_semaphore, #tpu.memory_space<semaphore_mem>>)
        %dma_wait3A = arith.constant 0 : i32
        %dma_wait3A_37 = tpu.memref_slice %arg6[%mul3A_33, %dma_wait3A] : memref<10240x64xf32, #tpu.memory_space<hbm>> -> memref<640x64xf32, #tpu.memory_space<hbm>>
        %dma_wait3A_38 = arith.constant 0 : i32
        %dma_wait3A_39 = tpu.memref_slice %arg15[%mul3A_31, %dma_wait3A_38] : memref<10240x64xf32, #tpu.memory_space<vmem_shared>> -> memref<640x64xf32, #tpu.memory_space<vmem_shared>>
        tpu.wait_dma2 semaphore(%run_scoped3A : memref<!tpu.dma_semaphore, #tpu.memory_space<semaphore_mem>>) src(%dma_wait3A_39 : memref<640x64xf32, #tpu.memory_space<vmem_shared>>) dst(%dma_wait3A_37 : memref<640x64xf32, #tpu.memory_space<hbm>>)
        tpu.yield
      }) : () -> ()
    } else {
    }
    %eq3A_25 = arith.constant 1 : i32
    %eq3A_26 = arith.cmpi eq, %arg0, %eq3A_25 : i32
    %convert_element_type3A_27 = arith.extui %eq3A_26 : i1 to i32
    %cond3A_28 = arith.constant 0 : i32
    %cond3A_29 = arith.cmpi ne, %convert_element_type3A_27, %cond3A_28 : i32
    scf.if %cond3A_29 {
      %mul3A_30 = arith.constant 640 : i32
      %mul3A_31 = arith.muli %arg1, %mul3A_30 : i32
      %mul3A_32 = arith.constant 640 : i32
      %mul3A_33 = arith.muli %arg1, %mul3A_32 : i32
      "tpu.region"() ({
        %run_scoped3A = tpu.sem_alloc : memref<!tpu.dma_semaphore, #tpu.memory_space<semaphore_mem>>
        %dma_start3A = arith.constant 0 : i32
        %dma_start3A_34 = tpu.memref_slice %arg7[%mul3A_33, %dma_start3A] : memref<10240x64xf32, #tpu.memory_space<hbm>> -> memref<640x64xf32, #tpu.memory_space<hbm>>
        %dma_start3A_35 = arith.constant 0 : i32
        %dma_start3A_36 = tpu.memref_slice %arg15[%mul3A_31, %dma_start3A_35] : memref<10240x64xf32, #tpu.memory_space<vmem_shared>> -> memref<640x64xf32, #tpu.memory_space<vmem_shared>>
        tpu.enqueue_dma source(%dma_start3A_36 : memref<640x64xf32, #tpu.memory_space<vmem_shared>>) target(%dma_start3A_34 : memref<640x64xf32, #tpu.memory_space<hbm>>) target_semaphore(%run_scoped3A : memref<!tpu.dma_semaphore, #tpu.memory_space<semaphore_mem>>)
        %dma_wait3A = arith.constant 0 : i32
        %dma_wait3A_37 = tpu.memref_slice %arg7[%mul3A_33, %dma_wait3A] : memref<10240x64xf32, #tpu.memory_space<hbm>> -> memref<640x64xf32, #tpu.memory_space<hbm>>
        %dma_wait3A_38 = arith.constant 0 : i32
        %dma_wait3A_39 = tpu.memref_slice %arg15[%mul3A_31, %dma_wait3A_38] : memref<10240x64xf32, #tpu.memory_space<vmem_shared>> -> memref<640x64xf32, #tpu.memory_space<vmem_shared>>
        tpu.wait_dma2 semaphore(%run_scoped3A : memref<!tpu.dma_semaphore, #tpu.memory_space<semaphore_mem>>) src(%dma_wait3A_39 : memref<640x64xf32, #tpu.memory_space<vmem_shared>>) dst(%dma_wait3A_37 : memref<640x64xf32, #tpu.memory_space<hbm>>)
        tpu.yield
      }) : () -> ()
    } else {
    }
    return
  }
}

#map = affine_map<(d0, d1) -> (0, 0)>
module attributes {stable_mosaic.version = 14 : i64} {
  func.func @_sc_agg_body(%arg0: i32, %arg1: i32, %arg2: memref<10240x64xf32, #tpu.memory_space<hbm>>, %arg3: memref<10240x64xf32, #tpu.memory_space<hbm>>, %arg4: memref<2560x128xi32, #tpu.memory_space<hbm>>, %arg5: memref<2560x128xi32, #tpu.memory_space<hbm>>, %arg6: memref<10240x64xf32, #tpu.memory_space<hbm>>, %arg7: memref<10240x64xf32, #tpu.memory_space<hbm>>, %arg8: memref<160x128xi32, #tpu.memory_space<vmem>>, %arg9: memref<160x128xi32, #tpu.memory_space<vmem>>, %arg10: memref<128x64xf32, #tpu.memory_space<vmem>>, %arg11: memref<128x64xf32, #tpu.memory_space<vmem>>, %arg12: memref<128x64xf32, #tpu.memory_space<vmem>>, %arg13: memref<128x64xf32, #tpu.memory_space<vmem>>, %arg14: memref<128x64xf32, #tpu.memory_space<vmem>>, %arg15: memref<10240x64xf32, #tpu.memory_space<vmem_shared>>, %arg16: memref<!tpu.dma_semaphore, #tpu.memory_space<semaphore_mem>>, %arg17: memref<!tpu.dma_semaphore, #tpu.memory_space<semaphore_mem>>, %arg18: memref<!tpu.dma_semaphore, #tpu.memory_space<semaphore_mem>>, %arg19: memref<!tpu.dma_semaphore, #tpu.memory_space<semaphore_mem>>, %arg20: memref<!tpu.dma_semaphore, #tpu.memory_space<semaphore_mem>>, %arg21: memref<!tpu.dma_semaphore, #tpu.memory_space<semaphore_mem>>, %arg22: memref<!tpu.dma_semaphore, #tpu.memory_space<semaphore_mem>>, %arg23: memref<!tpu.dma_semaphore, #tpu.memory_space<semaphore_mem>>, %arg24: memref<!tpu.dma_semaphore, #tpu.memory_space<semaphore_mem>>, %arg25: memref<!tpu.dma_semaphore, #tpu.memory_space<semaphore_mem>>) attributes {dimension_semantics = [#tpu.dimension_semantics<core_parallel>, #tpu.dimension_semantics<subcore_parallel>], iteration_bounds = array<i64: 2, 16>, scalar_prefetch = 0 : i64, scratch_operands = 18 : i64, tpu.core_type = #tpu.core_type<sc_vector_subcore>, window_params = [{transform_indices = #map}, {transform_indices = #map}, {transform_indices = #map}, {transform_indices = #map}, {transform_indices = #map}, {transform_indices = #map}]} {
    %mul3A = arith.constant 160 : i32
    %mul3A_0 = arith.muli %arg1, %mul3A : i32
    "tpu.region"() ({
      %run_scoped3A = tpu.sem_alloc : memref<!tpu.dma_semaphore, #tpu.memory_space<semaphore_mem>>
      %dma_start3A = arith.constant 0 : i32
      %dma_start3A_30 = tpu.memref_slice %arg4[%mul3A_0, %dma_start3A] : memref<2560x128xi32, #tpu.memory_space<hbm>> -> memref<160x128xi32, #tpu.memory_space<hbm>>
      %dma_start3A_31 = arith.constant 0 : i32
      %dma_start3A_32 = tpu.memref_slice %arg4[%mul3A_0, %dma_start3A_31] : memref<2560x128xi32, #tpu.memory_space<hbm>> -> memref<160x128xi32, #tpu.memory_space<hbm>>
      tpu.enqueue_dma source(%dma_start3A_32 : memref<160x128xi32, #tpu.memory_space<hbm>>) target(%arg8 : memref<160x128xi32, #tpu.memory_space<vmem>>) target_semaphore(%run_scoped3A : memref<!tpu.dma_semaphore, #tpu.memory_space<semaphore_mem>>)
      %dma_wait3A = arith.constant 0 : i32
      %dma_wait3A_33 = tpu.memref_slice %arg4[%mul3A_0, %dma_wait3A] : memref<2560x128xi32, #tpu.memory_space<hbm>> -> memref<160x128xi32, #tpu.memory_space<hbm>>
      %dma_wait3A_34 = arith.constant 0 : i32
      %dma_wait3A_35 = tpu.memref_slice %arg4[%mul3A_0, %dma_wait3A_34] : memref<2560x128xi32, #tpu.memory_space<hbm>> -> memref<160x128xi32, #tpu.memory_space<hbm>>
      tpu.wait_dma2 semaphore(%run_scoped3A : memref<!tpu.dma_semaphore, #tpu.memory_space<semaphore_mem>>) src(%dma_wait3A_35 : memref<160x128xi32, #tpu.memory_space<hbm>>) dst(%arg8 : memref<160x128xi32, #tpu.memory_space<vmem>>)
      tpu.yield
    }) : () -> ()
    %mul3A_1 = arith.constant 160 : i32
    %mul3A_2 = arith.muli %arg1, %mul3A_1 : i32
    "tpu.region"() ({
      %run_scoped3A = tpu.sem_alloc : memref<!tpu.dma_semaphore, #tpu.memory_space<semaphore_mem>>
      %dma_start3A = arith.constant 0 : i32
      %dma_start3A_30 = tpu.memref_slice %arg5[%mul3A_2, %dma_start3A] : memref<2560x128xi32, #tpu.memory_space<hbm>> -> memref<160x128xi32, #tpu.memory_space<hbm>>
      %dma_start3A_31 = arith.constant 0 : i32
      %dma_start3A_32 = tpu.memref_slice %arg5[%mul3A_2, %dma_start3A_31] : memref<2560x128xi32, #tpu.memory_space<hbm>> -> memref<160x128xi32, #tpu.memory_space<hbm>>
      tpu.enqueue_dma source(%dma_start3A_32 : memref<160x128xi32, #tpu.memory_space<hbm>>) target(%arg9 : memref<160x128xi32, #tpu.memory_space<vmem>>) target_semaphore(%run_scoped3A : memref<!tpu.dma_semaphore, #tpu.memory_space<semaphore_mem>>)
      %dma_wait3A = arith.constant 0 : i32
      %dma_wait3A_33 = tpu.memref_slice %arg5[%mul3A_2, %dma_wait3A] : memref<2560x128xi32, #tpu.memory_space<hbm>> -> memref<160x128xi32, #tpu.memory_space<hbm>>
      %dma_wait3A_34 = arith.constant 0 : i32
      %dma_wait3A_35 = tpu.memref_slice %arg5[%mul3A_2, %dma_wait3A_34] : memref<2560x128xi32, #tpu.memory_space<hbm>> -> memref<160x128xi32, #tpu.memory_space<hbm>>
      tpu.wait_dma2 semaphore(%run_scoped3A : memref<!tpu.dma_semaphore, #tpu.memory_space<semaphore_mem>>) src(%dma_wait3A_35 : memref<160x128xi32, #tpu.memory_space<hbm>>) dst(%arg9 : memref<160x128xi32, #tpu.memory_space<vmem>>)
      tpu.yield
    }) : () -> ()
    %scan3A = arith.constant 0 : i32
    %scan3A_3 = arith.constant 128 : i32
    %scan3A_4 = arith.addi %scan3A, %scan3A_3 : i32
    %scan3A_5 = arith.constant 1 : i32
    scf.for %scan3A_30 = %scan3A to %scan3A_4 step %scan3A_5  : i32 {
      %mul3A_31 = arith.constant 1 : i32
      %mul3A_32 = arith.muli %scan3A_30, %mul3A_31 : i32
      %add3A = arith.constant 0 : i32
      %add3A_33 = arith.addi %add3A, %mul3A_32 : i32
      %scan3A_34 = arith.constant 0 : i32
      %scan3A_35 = arith.constant 4 : i32
      %scan3A_36 = arith.addi %scan3A_34, %scan3A_35 : i32
      %scan3A_37 = arith.constant 1 : i32
      scf.for %scan3A_39 = %scan3A_34 to %scan3A_36 step %scan3A_37  : i32 {
        %mul3A_40 = arith.constant 16 : i32
        %mul3A_41 = arith.muli %scan3A_39, %mul3A_40 : i32
        %add3A_42 = arith.constant 0 : i32
        %add3A_43 = arith.addi %add3A_42, %mul3A_41 : i32
        %broadcast_in_dim3A = arith.constant 0.000000e+00 : f32
        %broadcast_in_dim3A_44 = vector.broadcast %broadcast_in_dim3A : f32 to vector<16xf32>
        %swap3A = arith.index_cast %add3A_33 : i32 to index
        %swap3A_45 = arith.index_cast %add3A_43 : i32 to index
        %swap3A_46 = tpu.vector_load %arg10[%swap3A, %swap3A_45] {strides = array<i32>} : memref<128x64xf32, #tpu.memory_space<vmem>>, vector<1x16xf32>,
        %swap3A_47 = vector.shape_cast %swap3A_46 : vector<1x16xf32> to vector<16xf32>
        %swap3A_48 = vector.shape_cast %broadcast_in_dim3A_44 : vector<16xf32> to vector<1x16xf32>
        tpu.vector_store %arg10[%swap3A, %swap3A_45], %swap3A_48 {strides = array<i32>} : memref<128x64xf32, #tpu.memory_space<vmem>>, vector<1x16xf32>,
      }
      %scan3A_38 = arith.constant 4 : i32
    }
    %scan3A_6 = arith.constant 128 : i32
    %scan3A_7 = arith.constant 0 : i32
    %scan3A_8 = arith.constant 5 : i32
    %scan3A_9 = arith.addi %scan3A_7, %scan3A_8 : i32
    %scan3A_10 = arith.constant 1 : i32
    scf.for %scan3A_30 = %scan3A_7 to %scan3A_9 step %scan3A_10  : i32 {
      %mul3A_31 = arith.constant 1 : i32
      %mul3A_32 = arith.muli %scan3A_30, %mul3A_31 : i32
      %add3A = arith.constant 0 : i32
      %add3A_33 = arith.addi %add3A, %mul3A_32 : i32
      %mul3A_34 = arith.constant 640 : i32
      %mul3A_35 = arith.muli %arg1, %mul3A_34 : i32
      %mul3A_36 = arith.constant 128 : i32
      %mul3A_37 = arith.muli %add3A_33, %mul3A_36 : i32
      %add3A_38 = arith.addi %mul3A_35, %mul3A_37 : i32
      "tpu.region"() ({
        %run_scoped3A = tpu.sem_alloc : memref<!tpu.dma_semaphore, #tpu.memory_space<semaphore_mem>>
        %dma_start3A = arith.constant 0 : i32
        %dma_start3A_39 = tpu.memref_slice %arg15[%add3A_38, %dma_start3A] : memref<10240x64xf32, #tpu.memory_space<vmem_shared>> -> memref<128x64xf32, #tpu.memory_space<vmem_shared>>
        %dma_start3A_40 = arith.constant 0 : i32
        %dma_start3A_41 = tpu.memref_slice %arg15[%add3A_38, %dma_start3A_40] : memref<10240x64xf32, #tpu.memory_space<vmem_shared>> -> memref<128x64xf32, #tpu.memory_space<vmem_shared>>
        tpu.enqueue_dma source(%arg10 : memref<128x64xf32, #tpu.memory_space<vmem>>) target(%dma_start3A_41 : memref<128x64xf32, #tpu.memory_space<vmem_shared>>) target_semaphore(%run_scoped3A : memref<!tpu.dma_semaphore, #tpu.memory_space<semaphore_mem>>)
        %dma_wait3A = arith.constant 0 : i32
        %dma_wait3A_42 = tpu.memref_slice %arg15[%add3A_38, %dma_wait3A] : memref<10240x64xf32, #tpu.memory_space<vmem_shared>> -> memref<128x64xf32, #tpu.memory_space<vmem_shared>>
        %dma_wait3A_43 = arith.constant 0 : i32
        %dma_wait3A_44 = tpu.memref_slice %arg15[%add3A_38, %dma_wait3A_43] : memref<10240x64xf32, #tpu.memory_space<vmem_shared>> -> memref<128x64xf32, #tpu.memory_space<vmem_shared>>
        tpu.wait_dma2 semaphore(%run_scoped3A : memref<!tpu.dma_semaphore, #tpu.memory_space<semaphore_mem>>) src(%arg10 : memref<128x64xf32, #tpu.memory_space<vmem>>) dst(%dma_wait3A_44 : memref<128x64xf32, #tpu.memory_space<vmem_shared>>)
        tpu.yield
      }) : () -> ()
    }
    %scan3A_11 = arith.constant 5 : i32
    %barrier3A = arith.constant 0 : index
    tpu.barrier barrier_id(%barrier3A)
    %eq3A = arith.constant 0 : i32
    %eq3A_12 = arith.cmpi eq, %arg0, %eq3A : i32
    %convert_element_type3A = arith.extui %eq3A_12 : i1 to i32
    %cond3A = arith.constant 0 : i32
    %cond3A_13 = arith.cmpi ne, %convert_element_type3A, %cond3A : i32
    scf.if %cond3A_13 {
      %dma_start3A = arith.constant 0 : i32
      %dma_start3A_30 = arith.constant 0 : i32
      %dma_start3A_31 = tpu.memref_slice %arg8[%dma_start3A, %dma_start3A_30] : memref<160x128xi32, #tpu.memory_space<vmem>> -> memref<1x128xi32, #tpu.memory_space<vmem>>
      %dma_start3A_32 = tpu.memref_squeeze %dma_start3A_31 : memref<1x128xi32, #tpu.memory_space<vmem>> -> memref<128xi32, #tpu.memory_space<vmem>>
      %dma_start3A_33 = arith.constant 0 : i32
      %dma_start3A_34 = arith.constant 0 : i32
      %dma_start3A_35 = tpu.memref_slice %arg2[%dma_start3A_33, %dma_start3A_34] : memref<10240x64xf32, #tpu.memory_space<hbm>> -> memref<10240x64xf32, #tpu.memory_space<hbm>>
      tpu.enqueue_indirect_dma source(%dma_start3A_35 : memref<10240x64xf32, #tpu.memory_space<hbm>>) target(%arg10 : memref<128x64xf32, #tpu.memory_space<vmem>>) offsets(%dma_start3A_32 : memref<128xi32, #tpu.memory_space<vmem>>) semaphore(%arg16 : memref<!tpu.dma_semaphore, #tpu.memory_space<semaphore_mem>>)
      %dma_start3A_36 = arith.constant 1 : i32
      %dma_start3A_37 = arith.constant 0 : i32
      %dma_start3A_38 = tpu.memref_slice %arg8[%dma_start3A_36, %dma_start3A_37] : memref<160x128xi32, #tpu.memory_space<vmem>> -> memref<1x128xi32, #tpu.memory_space<vmem>>
      %dma_start3A_39 = tpu.memref_squeeze %dma_start3A_38 : memref<1x128xi32, #tpu.memory_space<vmem>> -> memref<128xi32, #tpu.memory_space<vmem>>
      %dma_start3A_40 = arith.constant 0 : i32
      %dma_start3A_41 = arith.constant 0 : i32
      %dma_start3A_42 = tpu.memref_slice %arg2[%dma_start3A_40, %dma_start3A_41] : memref<10240x64xf32, #tpu.memory_space<hbm>> -> memref<10240x64xf32, #tpu.memory_space<hbm>>
      tpu.enqueue_indirect_dma source(%dma_start3A_42 : memref<10240x64xf32, #tpu.memory_space<hbm>>) target(%arg11 : memref<128x64xf32, #tpu.memory_space<vmem>>) offsets(%dma_start3A_39 : memref<128xi32, #tpu.memory_space<vmem>>) semaphore(%arg17 : memref<!tpu.dma_semaphore, #tpu.memory_space<semaphore_mem>>)
      %dma_start3A_43 = arith.constant 2 : i32
      %dma_start3A_44 = arith.constant 0 : i32
      %dma_start3A_45 = tpu.memref_slice %arg8[%dma_start3A_43, %dma_start3A_44] : memref<160x128xi32, #tpu.memory_space<vmem>> -> memref<1x128xi32, #tpu.memory_space<vmem>>
      %dma_start3A_46 = tpu.memref_squeeze %dma_start3A_45 : memref<1x128xi32, #tpu.memory_space<vmem>> -> memref<128xi32, #tpu.memory_space<vmem>>
      %dma_start3A_47 = arith.constant 0 : i32
      %dma_start3A_48 = arith.constant 0 : i32
      %dma_start3A_49 = tpu.memref_slice %arg2[%dma_start3A_47, %dma_start3A_48] : memref<10240x64xf32, #tpu.memory_space<hbm>> -> memref<10240x64xf32, #tpu.memory_space<hbm>>
      tpu.enqueue_indirect_dma source(%dma_start3A_49 : memref<10240x64xf32, #tpu.memory_space<hbm>>) target(%arg12 : memref<128x64xf32, #tpu.memory_space<vmem>>) offsets(%dma_start3A_46 : memref<128xi32, #tpu.memory_space<vmem>>) semaphore(%arg18 : memref<!tpu.dma_semaphore, #tpu.memory_space<semaphore_mem>>)
      %dma_start3A_50 = arith.constant 3 : i32
      %dma_start3A_51 = arith.constant 0 : i32
      %dma_start3A_52 = tpu.memref_slice %arg8[%dma_start3A_50, %dma_start3A_51] : memref<160x128xi32, #tpu.memory_space<vmem>> -> memref<1x128xi32, #tpu.memory_space<vmem>>
      %dma_start3A_53 = tpu.memref_squeeze %dma_start3A_52 : memref<1x128xi32, #tpu.memory_space<vmem>> -> memref<128xi32, #tpu.memory_space<vmem>>
      %dma_start3A_54 = arith.constant 0 : i32
      %dma_start3A_55 = arith.constant 0 : i32
      %dma_start3A_56 = tpu.memref_slice %arg2[%dma_start3A_54, %dma_start3A_55] : memref<10240x64xf32, #tpu.memory_space<hbm>> -> memref<10240x64xf32, #tpu.memory_space<hbm>>
      tpu.enqueue_indirect_dma source(%dma_start3A_56 : memref<10240x64xf32, #tpu.memory_space<hbm>>) target(%arg13 : memref<128x64xf32, #tpu.memory_space<vmem>>) offsets(%dma_start3A_53 : memref<128xi32, #tpu.memory_space<vmem>>) semaphore(%arg19 : memref<!tpu.dma_semaphore, #tpu.memory_space<semaphore_mem>>)
      %dma_start3A_57 = arith.constant 4 : i32
      %dma_start3A_58 = arith.constant 0 : i32
      %dma_start3A_59 = tpu.memref_slice %arg8[%dma_start3A_57, %dma_start3A_58] : memref<160x128xi32, #tpu.memory_space<vmem>> -> memref<1x128xi32, #tpu.memory_space<vmem>>
      %dma_start3A_60 = tpu.memref_squeeze %dma_start3A_59 : memref<1x128xi32, #tpu.memory_space<vmem>> -> memref<128xi32, #tpu.memory_space<vmem>>
      %dma_start3A_61 = arith.constant 0 : i32
      %dma_start3A_62 = arith.constant 0 : i32
      %dma_start3A_63 = tpu.memref_slice %arg2[%dma_start3A_61, %dma_start3A_62] : memref<10240x64xf32, #tpu.memory_space<hbm>> -> memref<10240x64xf32, #tpu.memory_space<hbm>>
      tpu.enqueue_indirect_dma source(%dma_start3A_63 : memref<10240x64xf32, #tpu.memory_space<hbm>>) target(%arg14 : memref<128x64xf32, #tpu.memory_space<vmem>>) offsets(%dma_start3A_60 : memref<128xi32, #tpu.memory_space<vmem>>) semaphore(%arg20 : memref<!tpu.dma_semaphore, #tpu.memory_space<semaphore_mem>>)
      %scan3A_64 = arith.constant 0 : i32
      %scan3A_65 = arith.constant 32 : i32
      %scan3A_66 = arith.addi %scan3A_64, %scan3A_65 : i32
      %scan3A_67 = arith.constant 1 : i32
      scf.for %scan3A_69 = %scan3A_64 to %scan3A_66 step %scan3A_67  : i32 {
        %mul3A_70 = arith.constant 5 : i32
        %mul3A_71 = arith.muli %scan3A_69, %mul3A_70 : i32
        %add3A = arith.constant 0 : i32
        %add3A_72 = arith.addi %add3A, %mul3A_71 : i32
        %dma_wait3A = arith.constant 0 : i32
        %dma_wait3A_73 = arith.constant 0 : i32
        %dma_wait3A_74 = tpu.memref_slice %arg2[%dma_wait3A, %dma_wait3A_73] : memref<10240x64xf32, #tpu.memory_space<hbm>> -> memref<128x64xf32, #tpu.memory_space<hbm>>
        %dma_wait3A_75 = arith.constant 0 : i32
        %dma_wait3A_76 = arith.constant 0 : i32
        %dma_wait3A_77 = tpu.memref_slice %arg2[%dma_wait3A_75, %dma_wait3A_76] : memref<10240x64xf32, #tpu.memory_space<hbm>> -> memref<128x64xf32, #tpu.memory_space<hbm>>
        tpu.wait_dma2 semaphore(%arg16 : memref<!tpu.dma_semaphore, #tpu.memory_space<semaphore_mem>>) src(%dma_wait3A_77 : memref<128x64xf32, #tpu.memory_space<hbm>>) dst(%arg10 : memref<128x64xf32, #tpu.memory_space<vmem>>)
        %add3A_78 = arith.constant 0 : i32
        %add3A_79 = arith.addi %add3A_72, %add3A_78 : i32
        %dma_start3A_80 = arith.constant 0 : i32
        %dma_start3A_81 = tpu.memref_slice %arg9[%add3A_79, %dma_start3A_80] : memref<160x128xi32, #tpu.memory_space<vmem>> -> memref<1x128xi32, #tpu.memory_space<vmem>>
        %dma_start3A_82 = tpu.memref_squeeze %dma_start3A_81 : memref<1x128xi32, #tpu.memory_space<vmem>> -> memref<128xi32, #tpu.memory_space<vmem>>
        %dma_start3A_83 = arith.constant 0 : i32
        %dma_start3A_84 = arith.constant 0 : i32
        %dma_start3A_85 = tpu.memref_slice %arg15[%dma_start3A_83, %dma_start3A_84] : memref<10240x64xf32, #tpu.memory_space<vmem_shared>> -> memref<10240x64xf32, #tpu.memory_space<vmem_shared>>
        tpu.enqueue_indirect_dma source(%arg10 : memref<128x64xf32, #tpu.memory_space<vmem>>) target(%dma_start3A_85 : memref<10240x64xf32, #tpu.memory_space<vmem_shared>>) offsets(%dma_start3A_82 : memref<128xi32, #tpu.memory_space<vmem>>) semaphore(%arg21 : memref<!tpu.dma_semaphore, #tpu.memory_space<semaphore_mem>>) {add = true}
        %dma_wait3A_86 = arith.constant 0 : i32
        %dma_wait3A_87 = arith.constant 0 : i32
        %dma_wait3A_88 = tpu.memref_slice %arg2[%dma_wait3A_86, %dma_wait3A_87] : memref<10240x64xf32, #tpu.memory_space<hbm>> -> memref<128x64xf32, #tpu.memory_space<hbm>>
        %dma_wait3A_89 = arith.constant 0 : i32
        %dma_wait3A_90 = arith.constant 0 : i32
        %dma_wait3A_91 = tpu.memref_slice %arg2[%dma_wait3A_89, %dma_wait3A_90] : memref<10240x64xf32, #tpu.memory_space<hbm>> -> memref<128x64xf32, #tpu.memory_space<hbm>>
        tpu.wait_dma2 semaphore(%arg17 : memref<!tpu.dma_semaphore, #tpu.memory_space<semaphore_mem>>) src(%dma_wait3A_91 : memref<128x64xf32, #tpu.memory_space<hbm>>) dst(%arg11 : memref<128x64xf32, #tpu.memory_space<vmem>>)
        %add3A_92 = arith.constant 1 : i32
        %add3A_93 = arith.addi %add3A_72, %add3A_92 : i32
        %dma_start3A_94 = arith.constant 0 : i32
        %dma_start3A_95 = tpu.memref_slice %arg9[%add3A_93, %dma_start3A_94] : memref<160x128xi32, #tpu.memory_space<vmem>> -> memref<1x128xi32, #tpu.memory_space<vmem>>
        %dma_start3A_96 = tpu.memref_squeeze %dma_start3A_95 : memref<1x128xi32, #tpu.memory_space<vmem>> -> memref<128xi32, #tpu.memory_space<vmem>>
        %dma_start3A_97 = arith.constant 0 : i32
        %dma_start3A_98 = arith.constant 0 : i32
        %dma_start3A_99 = tpu.memref_slice %arg15[%dma_start3A_97, %dma_start3A_98] : memref<10240x64xf32, #tpu.memory_space<vmem_shared>> -> memref<10240x64xf32, #tpu.memory_space<vmem_shared>>
        tpu.enqueue_indirect_dma source(%arg11 : memref<128x64xf32, #tpu.memory_space<vmem>>) target(%dma_start3A_99 : memref<10240x64xf32, #tpu.memory_space<vmem_shared>>) offsets(%dma_start3A_96 : memref<128xi32, #tpu.memory_space<vmem>>) semaphore(%arg22 : memref<!tpu.dma_semaphore, #tpu.memory_space<semaphore_mem>>) {add = true}
        %dma_wait3A_100 = arith.constant 0 : i32
        %dma_wait3A_101 = arith.constant 0 : i32
        %dma_wait3A_102 = tpu.memref_slice %arg2[%dma_wait3A_100, %dma_wait3A_101] : memref<10240x64xf32, #tpu.memory_space<hbm>> -> memref<128x64xf32, #tpu.memory_space<hbm>>
        %dma_wait3A_103 = arith.constant 0 : i32
        %dma_wait3A_104 = arith.constant 0 : i32
        %dma_wait3A_105 = tpu.memref_slice %arg2[%dma_wait3A_103, %dma_wait3A_104] : memref<10240x64xf32, #tpu.memory_space<hbm>> -> memref<128x64xf32, #tpu.memory_space<hbm>>
        tpu.wait_dma2 semaphore(%arg18 : memref<!tpu.dma_semaphore, #tpu.memory_space<semaphore_mem>>) src(%dma_wait3A_105 : memref<128x64xf32, #tpu.memory_space<hbm>>) dst(%arg12 : memref<128x64xf32, #tpu.memory_space<vmem>>)
        %add3A_106 = arith.constant 2 : i32
        %add3A_107 = arith.addi %add3A_72, %add3A_106 : i32
        %dma_start3A_108 = arith.constant 0 : i32
        %dma_start3A_109 = tpu.memref_slice %arg9[%add3A_107, %dma_start3A_108] : memref<160x128xi32, #tpu.memory_space<vmem>> -> memref<1x128xi32, #tpu.memory_space<vmem>>
        %dma_start3A_110 = tpu.memref_squeeze %dma_start3A_109 : memref<1x128xi32, #tpu.memory_space<vmem>> -> memref<128xi32, #tpu.memory_space<vmem>>
        %dma_start3A_111 = arith.constant 0 : i32
        %dma_start3A_112 = arith.constant 0 : i32
        %dma_start3A_113 = tpu.memref_slice %arg15[%dma_start3A_111, %dma_start3A_112] : memref<10240x64xf32, #tpu.memory_space<vmem_shared>> -> memref<10240x64xf32, #tpu.memory_space<vmem_shared>>
        tpu.enqueue_indirect_dma source(%arg12 : memref<128x64xf32, #tpu.memory_space<vmem>>) target(%dma_start3A_113 : memref<10240x64xf32, #tpu.memory_space<vmem_shared>>) offsets(%dma_start3A_110 : memref<128xi32, #tpu.memory_space<vmem>>) semaphore(%arg23 : memref<!tpu.dma_semaphore, #tpu.memory_space<semaphore_mem>>) {add = true}
        %dma_wait3A_114 = arith.constant 0 : i32
        %dma_wait3A_115 = arith.constant 0 : i32
        %dma_wait3A_116 = tpu.memref_slice %arg2[%dma_wait3A_114, %dma_wait3A_115] : memref<10240x64xf32, #tpu.memory_space<hbm>> -> memref<128x64xf32, #tpu.memory_space<hbm>>
        %dma_wait3A_117 = arith.constant 0 : i32
        %dma_wait3A_118 = arith.constant 0 : i32
        %dma_wait3A_119 = tpu.memref_slice %arg2[%dma_wait3A_117, %dma_wait3A_118] : memref<10240x64xf32, #tpu.memory_space<hbm>> -> memref<128x64xf32, #tpu.memory_space<hbm>>
        tpu.wait_dma2 semaphore(%arg19 : memref<!tpu.dma_semaphore, #tpu.memory_space<semaphore_mem>>) src(%dma_wait3A_119 : memref<128x64xf32, #tpu.memory_space<hbm>>) dst(%arg13 : memref<128x64xf32, #tpu.memory_space<vmem>>)
        %add3A_120 = arith.constant 3 : i32
        %add3A_121 = arith.addi %add3A_72, %add3A_120 : i32
        %dma_start3A_122 = arith.constant 0 : i32
        %dma_start3A_123 = tpu.memref_slice %arg9[%add3A_121, %dma_start3A_122] : memref<160x128xi32, #tpu.memory_space<vmem>> -> memref<1x128xi32, #tpu.memory_space<vmem>>
        %dma_start3A_124 = tpu.memref_squeeze %dma_start3A_123 : memref<1x128xi32, #tpu.memory_space<vmem>> -> memref<128xi32, #tpu.memory_space<vmem>>
        %dma_start3A_125 = arith.constant 0 : i32
        %dma_start3A_126 = arith.constant 0 : i32
        %dma_start3A_127 = tpu.memref_slice %arg15[%dma_start3A_125, %dma_start3A_126] : memref<10240x64xf32, #tpu.memory_space<vmem_shared>> -> memref<10240x64xf32, #tpu.memory_space<vmem_shared>>
        tpu.enqueue_indirect_dma source(%arg13 : memref<128x64xf32, #tpu.memory_space<vmem>>) target(%dma_start3A_127 : memref<10240x64xf32, #tpu.memory_space<vmem_shared>>) offsets(%dma_start3A_124 : memref<128xi32, #tpu.memory_space<vmem>>) semaphore(%arg24 : memref<!tpu.dma_semaphore, #tpu.memory_space<semaphore_mem>>) {add = true}
        %dma_wait3A_128 = arith.constant 0 : i32
        %dma_wait3A_129 = arith.constant 0 : i32
        %dma_wait3A_130 = tpu.memref_slice %arg2[%dma_wait3A_128, %dma_wait3A_129] : memref<10240x64xf32, #tpu.memory_space<hbm>> -> memref<128x64xf32, #tpu.memory_space<hbm>>
        %dma_wait3A_131 = arith.constant 0 : i32
        %dma_wait3A_132 = arith.constant 0 : i32
        %dma_wait3A_133 = tpu.memref_slice %arg2[%dma_wait3A_131, %dma_wait3A_132] : memref<10240x64xf32, #tpu.memory_space<hbm>> -> memref<128x64xf32, #tpu.memory_space<hbm>>
        tpu.wait_dma2 semaphore(%arg20 : memref<!tpu.dma_semaphore, #tpu.memory_space<semaphore_mem>>) src(%dma_wait3A_133 : memref<128x64xf32, #tpu.memory_space<hbm>>) dst(%arg14 : memref<128x64xf32, #tpu.memory_space<vmem>>)
        %add3A_134 = arith.constant 4 : i32
        %add3A_135 = arith.addi %add3A_72, %add3A_134 : i32
        %dma_start3A_136 = arith.constant 0 : i32
        %dma_start3A_137 = tpu.memref_slice %arg9[%add3A_135, %dma_start3A_136] : memref<160x128xi32, #tpu.memory_space<vmem>> -> memref<1x128xi32, #tpu.memory_space<vmem>>
        %dma_start3A_138 = tpu.memref_squeeze %dma_start3A_137 : memref<1x128xi32, #tpu.memory_space<vmem>> -> memref<128xi32, #tpu.memory_space<vmem>>
        %dma_start3A_139 = arith.constant 0 : i32
        %dma_start3A_140 = arith.constant 0 : i32
        %dma_start3A_141 = tpu.memref_slice %arg15[%dma_start3A_139, %dma_start3A_140] : memref<10240x64xf32, #tpu.memory_space<vmem_shared>> -> memref<10240x64xf32, #tpu.memory_space<vmem_shared>>
        tpu.enqueue_indirect_dma source(%arg14 : memref<128x64xf32, #tpu.memory_space<vmem>>) target(%dma_start3A_141 : memref<10240x64xf32, #tpu.memory_space<vmem_shared>>) offsets(%dma_start3A_138 : memref<128xi32, #tpu.memory_space<vmem>>) semaphore(%arg25 : memref<!tpu.dma_semaphore, #tpu.memory_space<semaphore_mem>>) {add = true}
        %dma_wait3A_142 = arith.constant 0 : i32
        %dma_wait3A_143 = arith.constant 0 : i32
        %dma_wait3A_144 = tpu.memref_slice %arg15[%dma_wait3A_142, %dma_wait3A_143] : memref<10240x64xf32, #tpu.memory_space<vmem_shared>> -> memref<128x64xf32, #tpu.memory_space<vmem_shared>>
        %dma_wait3A_145 = arith.constant 0 : i32
        %dma_wait3A_146 = arith.constant 0 : i32
        %dma_wait3A_147 = tpu.memref_slice %arg15[%dma_wait3A_145, %dma_wait3A_146] : memref<10240x64xf32, #tpu.memory_space<vmem_shared>> -> memref<128x64xf32, #tpu.memory_space<vmem_shared>>
        tpu.wait_dma2 semaphore(%arg21 : memref<!tpu.dma_semaphore, #tpu.memory_space<semaphore_mem>>) src(%arg10 : memref<128x64xf32, #tpu.memory_space<vmem>>) dst(%dma_wait3A_147 : memref<128x64xf32, #tpu.memory_space<vmem_shared>>)
        %add3A_148 = arith.constant 5 : i32
        %add3A_149 = arith.addi %add3A_72, %add3A_148 : i32
        %lt3A = arith.constant 160 : i32
        %lt3A_150 = arith.cmpi slt, %add3A_149, %lt3A : i32
        %convert_element_type3A_151 = arith.extui %lt3A_150 : i1 to i32
        %cond3A_152 = arith.constant 0 : i32
        %cond3A_153 = arith.cmpi ne, %convert_element_type3A_151, %cond3A_152 : i32
        scf.if %cond3A_153 {
          %add3A_206 = arith.constant 5 : i32
          %add3A_207 = arith.addi %add3A_72, %add3A_206 : i32
          %dma_start3A_208 = arith.constant 0 : i32
          %dma_start3A_209 = tpu.memref_slice %arg8[%add3A_207, %dma_start3A_208] : memref<160x128xi32, #tpu.memory_space<vmem>> -> memref<1x128xi32, #tpu.memory_space<vmem>>
          %dma_start3A_210 = tpu.memref_squeeze %dma_start3A_209 : memref<1x128xi32, #tpu.memory_space<vmem>> -> memref<128xi32, #tpu.memory_space<vmem>>
          %dma_start3A_211 = arith.constant 0 : i32
          %dma_start3A_212 = arith.constant 0 : i32
          %dma_start3A_213 = tpu.memref_slice %arg2[%dma_start3A_211, %dma_start3A_212] : memref<10240x64xf32, #tpu.memory_space<hbm>> -> memref<10240x64xf32, #tpu.memory_space<hbm>>
          tpu.enqueue_indirect_dma source(%dma_start3A_213 : memref<10240x64xf32, #tpu.memory_space<hbm>>) target(%arg10 : memref<128x64xf32, #tpu.memory_space<vmem>>) offsets(%dma_start3A_210 : memref<128xi32, #tpu.memory_space<vmem>>) semaphore(%arg16 : memref<!tpu.dma_semaphore, #tpu.memory_space<semaphore_mem>>)
        } else {
        }
        %dma_wait3A_154 = arith.constant 0 : i32
        %dma_wait3A_155 = arith.constant 0 : i32
        %dma_wait3A_156 = tpu.memref_slice %arg15[%dma_wait3A_154, %dma_wait3A_155] : memref<10240x64xf32, #tpu.memory_space<vmem_shared>> -> memref<128x64xf32, #tpu.memory_space<vmem_shared>>
        %dma_wait3A_157 = arith.constant 0 : i32
        %dma_wait3A_158 = arith.constant 0 : i32
        %dma_wait3A_159 = tpu.memref_slice %arg15[%dma_wait3A_157, %dma_wait3A_158] : memref<10240x64xf32, #tpu.memory_space<vmem_shared>> -> memref<128x64xf32, #tpu.memory_space<vmem_shared>>
        tpu.wait_dma2 semaphore(%arg22 : memref<!tpu.dma_semaphore, #tpu.memory_space<semaphore_mem>>) src(%arg11 : memref<128x64xf32, #tpu.memory_space<vmem>>) dst(%dma_wait3A_159 : memref<128x64xf32, #tpu.memory_space<vmem_shared>>)
        %add3A_160 = arith.constant 6 : i32
        %add3A_161 = arith.addi %add3A_72, %add3A_160 : i32
        %lt3A_162 = arith.constant 160 : i32
        %lt3A_163 = arith.cmpi slt, %add3A_161, %lt3A_162 : i32
        %convert_element_type3A_164 = arith.extui %lt3A_163 : i1 to i32
        %cond3A_165 = arith.constant 0 : i32
        %cond3A_166 = arith.cmpi ne, %convert_element_type3A_164, %cond3A_165 : i32
        scf.if %cond3A_166 {
          %add3A_206 = arith.constant 6 : i32
          %add3A_207 = arith.addi %add3A_72, %add3A_206 : i32
          %dma_start3A_208 = arith.constant 0 : i32
          %dma_start3A_209 = tpu.memref_slice %arg8[%add3A_207, %dma_start3A_208] : memref<160x128xi32, #tpu.memory_space<vmem>> -> memref<1x128xi32, #tpu.memory_space<vmem>>
          %dma_start3A_210 = tpu.memref_squeeze %dma_start3A_209 : memref<1x128xi32, #tpu.memory_space<vmem>> -> memref<128xi32, #tpu.memory_space<vmem>>
          %dma_start3A_211 = arith.constant 0 : i32
          %dma_start3A_212 = arith.constant 0 : i32
          %dma_start3A_213 = tpu.memref_slice %arg2[%dma_start3A_211, %dma_start3A_212] : memref<10240x64xf32, #tpu.memory_space<hbm>> -> memref<10240x64xf32, #tpu.memory_space<hbm>>
          tpu.enqueue_indirect_dma source(%dma_start3A_213 : memref<10240x64xf32, #tpu.memory_space<hbm>>) target(%arg11 : memref<128x64xf32, #tpu.memory_space<vmem>>) offsets(%dma_start3A_210 : memref<128xi32, #tpu.memory_space<vmem>>) semaphore(%arg17 : memref<!tpu.dma_semaphore, #tpu.memory_space<semaphore_mem>>)
        } else {
        }
        %dma_wait3A_167 = arith.constant 0 : i32
        %dma_wait3A_168 = arith.constant 0 : i32
        %dma_wait3A_169 = tpu.memref_slice %arg15[%dma_wait3A_167, %dma_wait3A_168] : memref<10240x64xf32, #tpu.memory_space<vmem_shared>> -> memref<128x64xf32, #tpu.memory_space<vmem_shared>>
        %dma_wait3A_170 = arith.constant 0 : i32
        %dma_wait3A_171 = arith.constant 0 : i32
        %dma_wait3A_172 = tpu.memref_slice %arg15[%dma_wait3A_170, %dma_wait3A_171] : memref<10240x64xf32, #tpu.memory_space<vmem_shared>> -> memref<128x64xf32, #tpu.memory_space<vmem_shared>>
        tpu.wait_dma2 semaphore(%arg23 : memref<!tpu.dma_semaphore, #tpu.memory_space<semaphore_mem>>) src(%arg12 : memref<128x64xf32, #tpu.memory_space<vmem>>) dst(%dma_wait3A_172 : memref<128x64xf32, #tpu.memory_space<vmem_shared>>)
        %add3A_173 = arith.constant 7 : i32
        %add3A_174 = arith.addi %add3A_72, %add3A_173 : i32
        %lt3A_175 = arith.constant 160 : i32
        %lt3A_176 = arith.cmpi slt, %add3A_174, %lt3A_175 : i32
        %convert_element_type3A_177 = arith.extui %lt3A_176 : i1 to i32
        %cond3A_178 = arith.constant 0 : i32
        %cond3A_179 = arith.cmpi ne, %convert_element_type3A_177, %cond3A_178 : i32
        scf.if %cond3A_179 {
          %add3A_206 = arith.constant 7 : i32
          %add3A_207 = arith.addi %add3A_72, %add3A_206 : i32
          %dma_start3A_208 = arith.constant 0 : i32
          %dma_start3A_209 = tpu.memref_slice %arg8[%add3A_207, %dma_start3A_208] : memref<160x128xi32, #tpu.memory_space<vmem>> -> memref<1x128xi32, #tpu.memory_space<vmem>>
          %dma_start3A_210 = tpu.memref_squeeze %dma_start3A_209 : memref<1x128xi32, #tpu.memory_space<vmem>> -> memref<128xi32, #tpu.memory_space<vmem>>
          %dma_start3A_211 = arith.constant 0 : i32
          %dma_start3A_212 = arith.constant 0 : i32
          %dma_start3A_213 = tpu.memref_slice %arg2[%dma_start3A_211, %dma_start3A_212] : memref<10240x64xf32, #tpu.memory_space<hbm>> -> memref<10240x64xf32, #tpu.memory_space<hbm>>
          tpu.enqueue_indirect_dma source(%dma_start3A_213 : memref<10240x64xf32, #tpu.memory_space<hbm>>) target(%arg12 : memref<128x64xf32, #tpu.memory_space<vmem>>) offsets(%dma_start3A_210 : memref<128xi32, #tpu.memory_space<vmem>>) semaphore(%arg18 : memref<!tpu.dma_semaphore, #tpu.memory_space<semaphore_mem>>)
        } else {
        }
        %dma_wait3A_180 = arith.constant 0 : i32
        %dma_wait3A_181 = arith.constant 0 : i32
        %dma_wait3A_182 = tpu.memref_slice %arg15[%dma_wait3A_180, %dma_wait3A_181] : memref<10240x64xf32, #tpu.memory_space<vmem_shared>> -> memref<128x64xf32, #tpu.memory_space<vmem_shared>>
        %dma_wait3A_183 = arith.constant 0 : i32
        %dma_wait3A_184 = arith.constant 0 : i32
        %dma_wait3A_185 = tpu.memref_slice %arg15[%dma_wait3A_183, %dma_wait3A_184] : memref<10240x64xf32, #tpu.memory_space<vmem_shared>> -> memref<128x64xf32, #tpu.memory_space<vmem_shared>>
        tpu.wait_dma2 semaphore(%arg24 : memref<!tpu.dma_semaphore, #tpu.memory_space<semaphore_mem>>) src(%arg13 : memref<128x64xf32, #tpu.memory_space<vmem>>) dst(%dma_wait3A_185 : memref<128x64xf32, #tpu.memory_space<vmem_shared>>)
        %add3A_186 = arith.constant 8 : i32
        %add3A_187 = arith.addi %add3A_72, %add3A_186 : i32
        %lt3A_188 = arith.constant 160 : i32
        %lt3A_189 = arith.cmpi slt, %add3A_187, %lt3A_188 : i32
        %convert_element_type3A_190 = arith.extui %lt3A_189 : i1 to i32
        %cond3A_191 = arith.constant 0 : i32
        %cond3A_192 = arith.cmpi ne, %convert_element_type3A_190, %cond3A_191 : i32
        scf.if %cond3A_192 {
          %add3A_206 = arith.constant 8 : i32
          %add3A_207 = arith.addi %add3A_72, %add3A_206 : i32
          %dma_start3A_208 = arith.constant 0 : i32
          %dma_start3A_209 = tpu.memref_slice %arg8[%add3A_207, %dma_start3A_208] : memref<160x128xi32, #tpu.memory_space<vmem>> -> memref<1x128xi32, #tpu.memory_space<vmem>>
          %dma_start3A_210 = tpu.memref_squeeze %dma_start3A_209 : memref<1x128xi32, #tpu.memory_space<vmem>> -> memref<128xi32, #tpu.memory_space<vmem>>
          %dma_start3A_211 = arith.constant 0 : i32
          %dma_start3A_212 = arith.constant 0 : i32
          %dma_start3A_213 = tpu.memref_slice %arg2[%dma_start3A_211, %dma_start3A_212] : memref<10240x64xf32, #tpu.memory_space<hbm>> -> memref<10240x64xf32, #tpu.memory_space<hbm>>
          tpu.enqueue_indirect_dma source(%dma_start3A_213 : memref<10240x64xf32, #tpu.memory_space<hbm>>) target(%arg13 : memref<128x64xf32, #tpu.memory_space<vmem>>) offsets(%dma_start3A_210 : memref<128xi32, #tpu.memory_space<vmem>>) semaphore(%arg19 : memref<!tpu.dma_semaphore, #tpu.memory_space<semaphore_mem>>)
        } else {
        }
        %dma_wait3A_193 = arith.constant 0 : i32
        %dma_wait3A_194 = arith.constant 0 : i32
        %dma_wait3A_195 = tpu.memref_slice %arg15[%dma_wait3A_193, %dma_wait3A_194] : memref<10240x64xf32, #tpu.memory_space<vmem_shared>> -> memref<128x64xf32, #tpu.memory_space<vmem_shared>>
        %dma_wait3A_196 = arith.constant 0 : i32
        %dma_wait3A_197 = arith.constant 0 : i32
        %dma_wait3A_198 = tpu.memref_slice %arg15[%dma_wait3A_196, %dma_wait3A_197] : memref<10240x64xf32, #tpu.memory_space<vmem_shared>> -> memref<128x64xf32, #tpu.memory_space<vmem_shared>>
        tpu.wait_dma2 semaphore(%arg25 : memref<!tpu.dma_semaphore, #tpu.memory_space<semaphore_mem>>) src(%arg14 : memref<128x64xf32, #tpu.memory_space<vmem>>) dst(%dma_wait3A_198 : memref<128x64xf32, #tpu.memory_space<vmem_shared>>)
        %add3A_199 = arith.constant 9 : i32
        %add3A_200 = arith.addi %add3A_72, %add3A_199 : i32
        %lt3A_201 = arith.constant 160 : i32
        %lt3A_202 = arith.cmpi slt, %add3A_200, %lt3A_201 : i32
        %convert_element_type3A_203 = arith.extui %lt3A_202 : i1 to i32
        %cond3A_204 = arith.constant 0 : i32
        %cond3A_205 = arith.cmpi ne, %convert_element_type3A_203, %cond3A_204 : i32
        scf.if %cond3A_205 {
          %add3A_206 = arith.constant 9 : i32
          %add3A_207 = arith.addi %add3A_72, %add3A_206 : i32
          %dma_start3A_208 = arith.constant 0 : i32
          %dma_start3A_209 = tpu.memref_slice %arg8[%add3A_207, %dma_start3A_208] : memref<160x128xi32, #tpu.memory_space<vmem>> -> memref<1x128xi32, #tpu.memory_space<vmem>>
          %dma_start3A_210 = tpu.memref_squeeze %dma_start3A_209 : memref<1x128xi32, #tpu.memory_space<vmem>> -> memref<128xi32, #tpu.memory_space<vmem>>
          %dma_start3A_211 = arith.constant 0 : i32
          %dma_start3A_212 = arith.constant 0 : i32
          %dma_start3A_213 = tpu.memref_slice %arg2[%dma_start3A_211, %dma_start3A_212] : memref<10240x64xf32, #tpu.memory_space<hbm>> -> memref<10240x64xf32, #tpu.memory_space<hbm>>
          tpu.enqueue_indirect_dma source(%dma_start3A_213 : memref<10240x64xf32, #tpu.memory_space<hbm>>) target(%arg14 : memref<128x64xf32, #tpu.memory_space<vmem>>) offsets(%dma_start3A_210 : memref<128xi32, #tpu.memory_space<vmem>>) semaphore(%arg20 : memref<!tpu.dma_semaphore, #tpu.memory_space<semaphore_mem>>)
        } else {
        }
      }
      %scan3A_68 = arith.constant 32 : i32
    } else {
    }
    %eq3A_14 = arith.constant 1 : i32
    %eq3A_15 = arith.cmpi eq, %arg0, %eq3A_14 : i32
    %convert_element_type3A_16 = arith.extui %eq3A_15 : i1 to i32
    %cond3A_17 = arith.constant 0 : i32
    %cond3A_18 = arith.cmpi ne, %convert_element_type3A_16, %cond3A_17 : i32
    scf.if %cond3A_18 {
      %dma_start3A = arith.constant 0 : i32
      %dma_start3A_30 = arith.constant 0 : i32
      %dma_start3A_31 = tpu.memref_slice %arg8[%dma_start3A, %dma_start3A_30] : memref<160x128xi32, #tpu.memory_space<vmem>> -> memref<1x128xi32, #tpu.memory_space<vmem>>
      %dma_start3A_32 = tpu.memref_squeeze %dma_start3A_31 : memref<1x128xi32, #tpu.memory_space<vmem>> -> memref<128xi32, #tpu.memory_space<vmem>>
      %dma_start3A_33 = arith.constant 0 : i32
      %dma_start3A_34 = arith.constant 0 : i32
      %dma_start3A_35 = tpu.memref_slice %arg3[%dma_start3A_33, %dma_start3A_34] : memref<10240x64xf32, #tpu.memory_space<hbm>> -> memref<10240x64xf32, #tpu.memory_space<hbm>>
      tpu.enqueue_indirect_dma source(%dma_start3A_35 : memref<10240x64xf32, #tpu.memory_space<hbm>>) target(%arg10 : memref<128x64xf32, #tpu.memory_space<vmem>>) offsets(%dma_start3A_32 : memref<128xi32, #tpu.memory_space<vmem>>) semaphore(%arg16 : memref<!tpu.dma_semaphore, #tpu.memory_space<semaphore_mem>>)
      %dma_start3A_36 = arith.constant 1 : i32
      %dma_start3A_37 = arith.constant 0 : i32
      %dma_start3A_38 = tpu.memref_slice %arg8[%dma_start3A_36, %dma_start3A_37] : memref<160x128xi32, #tpu.memory_space<vmem>> -> memref<1x128xi32, #tpu.memory_space<vmem>>
      %dma_start3A_39 = tpu.memref_squeeze %dma_start3A_38 : memref<1x128xi32, #tpu.memory_space<vmem>> -> memref<128xi32, #tpu.memory_space<vmem>>
      %dma_start3A_40 = arith.constant 0 : i32
      %dma_start3A_41 = arith.constant 0 : i32
      %dma_start3A_42 = tpu.memref_slice %arg3[%dma_start3A_40, %dma_start3A_41] : memref<10240x64xf32, #tpu.memory_space<hbm>> -> memref<10240x64xf32, #tpu.memory_space<hbm>>
      tpu.enqueue_indirect_dma source(%dma_start3A_42 : memref<10240x64xf32, #tpu.memory_space<hbm>>) target(%arg11 : memref<128x64xf32, #tpu.memory_space<vmem>>) offsets(%dma_start3A_39 : memref<128xi32, #tpu.memory_space<vmem>>) semaphore(%arg17 : memref<!tpu.dma_semaphore, #tpu.memory_space<semaphore_mem>>)
      %dma_start3A_43 = arith.constant 2 : i32
      %dma_start3A_44 = arith.constant 0 : i32
      %dma_start3A_45 = tpu.memref_slice %arg8[%dma_start3A_43, %dma_start3A_44] : memref<160x128xi32, #tpu.memory_space<vmem>> -> memref<1x128xi32, #tpu.memory_space<vmem>>
      %dma_start3A_46 = tpu.memref_squeeze %dma_start3A_45 : memref<1x128xi32, #tpu.memory_space<vmem>> -> memref<128xi32, #tpu.memory_space<vmem>>
      %dma_start3A_47 = arith.constant 0 : i32
      %dma_start3A_48 = arith.constant 0 : i32
      %dma_start3A_49 = tpu.memref_slice %arg3[%dma_start3A_47, %dma_start3A_48] : memref<10240x64xf32, #tpu.memory_space<hbm>> -> memref<10240x64xf32, #tpu.memory_space<hbm>>
      tpu.enqueue_indirect_dma source(%dma_start3A_49 : memref<10240x64xf32, #tpu.memory_space<hbm>>) target(%arg12 : memref<128x64xf32, #tpu.memory_space<vmem>>) offsets(%dma_start3A_46 : memref<128xi32, #tpu.memory_space<vmem>>) semaphore(%arg18 : memref<!tpu.dma_semaphore, #tpu.memory_space<semaphore_mem>>)
      %dma_start3A_50 = arith.constant 3 : i32
      %dma_start3A_51 = arith.constant 0 : i32
      %dma_start3A_52 = tpu.memref_slice %arg8[%dma_start3A_50, %dma_start3A_51] : memref<160x128xi32, #tpu.memory_space<vmem>> -> memref<1x128xi32, #tpu.memory_space<vmem>>
      %dma_start3A_53 = tpu.memref_squeeze %dma_start3A_52 : memref<1x128xi32, #tpu.memory_space<vmem>> -> memref<128xi32, #tpu.memory_space<vmem>>
      %dma_start3A_54 = arith.constant 0 : i32
      %dma_start3A_55 = arith.constant 0 : i32
      %dma_start3A_56 = tpu.memref_slice %arg3[%dma_start3A_54, %dma_start3A_55] : memref<10240x64xf32, #tpu.memory_space<hbm>> -> memref<10240x64xf32, #tpu.memory_space<hbm>>
      tpu.enqueue_indirect_dma source(%dma_start3A_56 : memref<10240x64xf32, #tpu.memory_space<hbm>>) target(%arg13 : memref<128x64xf32, #tpu.memory_space<vmem>>) offsets(%dma_start3A_53 : memref<128xi32, #tpu.memory_space<vmem>>) semaphore(%arg19 : memref<!tpu.dma_semaphore, #tpu.memory_space<semaphore_mem>>)
      %dma_start3A_57 = arith.constant 4 : i32
      %dma_start3A_58 = arith.constant 0 : i32
      %dma_start3A_59 = tpu.memref_slice %arg8[%dma_start3A_57, %dma_start3A_58] : memref<160x128xi32, #tpu.memory_space<vmem>> -> memref<1x128xi32, #tpu.memory_space<vmem>>
      %dma_start3A_60 = tpu.memref_squeeze %dma_start3A_59 : memref<1x128xi32, #tpu.memory_space<vmem>> -> memref<128xi32, #tpu.memory_space<vmem>>
      %dma_start3A_61 = arith.constant 0 : i32
      %dma_start3A_62 = arith.constant 0 : i32
      %dma_start3A_63 = tpu.memref_slice %arg3[%dma_start3A_61, %dma_start3A_62] : memref<10240x64xf32, #tpu.memory_space<hbm>> -> memref<10240x64xf32, #tpu.memory_space<hbm>>
      tpu.enqueue_indirect_dma source(%dma_start3A_63 : memref<10240x64xf32, #tpu.memory_space<hbm>>) target(%arg14 : memref<128x64xf32, #tpu.memory_space<vmem>>) offsets(%dma_start3A_60 : memref<128xi32, #tpu.memory_space<vmem>>) semaphore(%arg20 : memref<!tpu.dma_semaphore, #tpu.memory_space<semaphore_mem>>)
      %scan3A_64 = arith.constant 0 : i32
      %scan3A_65 = arith.constant 32 : i32
      %scan3A_66 = arith.addi %scan3A_64, %scan3A_65 : i32
      %scan3A_67 = arith.constant 1 : i32
      scf.for %scan3A_69 = %scan3A_64 to %scan3A_66 step %scan3A_67  : i32 {
        %mul3A_70 = arith.constant 5 : i32
        %mul3A_71 = arith.muli %scan3A_69, %mul3A_70 : i32
        %add3A = arith.constant 0 : i32
        %add3A_72 = arith.addi %add3A, %mul3A_71 : i32
        %dma_wait3A = arith.constant 0 : i32
        %dma_wait3A_73 = arith.constant 0 : i32
        %dma_wait3A_74 = tpu.memref_slice %arg3[%dma_wait3A, %dma_wait3A_73] : memref<10240x64xf32, #tpu.memory_space<hbm>> -> memref<128x64xf32, #tpu.memory_space<hbm>>
        %dma_wait3A_75 = arith.constant 0 : i32
        %dma_wait3A_76 = arith.constant 0 : i32
        %dma_wait3A_77 = tpu.memref_slice %arg3[%dma_wait3A_75, %dma_wait3A_76] : memref<10240x64xf32, #tpu.memory_space<hbm>> -> memref<128x64xf32, #tpu.memory_space<hbm>>
        tpu.wait_dma2 semaphore(%arg16 : memref<!tpu.dma_semaphore, #tpu.memory_space<semaphore_mem>>) src(%dma_wait3A_77 : memref<128x64xf32, #tpu.memory_space<hbm>>) dst(%arg10 : memref<128x64xf32, #tpu.memory_space<vmem>>)
        %add3A_78 = arith.constant 0 : i32
        %add3A_79 = arith.addi %add3A_72, %add3A_78 : i32
        %dma_start3A_80 = arith.constant 0 : i32
        %dma_start3A_81 = tpu.memref_slice %arg9[%add3A_79, %dma_start3A_80] : memref<160x128xi32, #tpu.memory_space<vmem>> -> memref<1x128xi32, #tpu.memory_space<vmem>>
        %dma_start3A_82 = tpu.memref_squeeze %dma_start3A_81 : memref<1x128xi32, #tpu.memory_space<vmem>> -> memref<128xi32, #tpu.memory_space<vmem>>
        %dma_start3A_83 = arith.constant 0 : i32
        %dma_start3A_84 = arith.constant 0 : i32
        %dma_start3A_85 = tpu.memref_slice %arg15[%dma_start3A_83, %dma_start3A_84] : memref<10240x64xf32, #tpu.memory_space<vmem_shared>> -> memref<10240x64xf32, #tpu.memory_space<vmem_shared>>
        tpu.enqueue_indirect_dma source(%arg10 : memref<128x64xf32, #tpu.memory_space<vmem>>) target(%dma_start3A_85 : memref<10240x64xf32, #tpu.memory_space<vmem_shared>>) offsets(%dma_start3A_82 : memref<128xi32, #tpu.memory_space<vmem>>) semaphore(%arg21 : memref<!tpu.dma_semaphore, #tpu.memory_space<semaphore_mem>>) {add = true}
        %dma_wait3A_86 = arith.constant 0 : i32
        %dma_wait3A_87 = arith.constant 0 : i32
        %dma_wait3A_88 = tpu.memref_slice %arg3[%dma_wait3A_86, %dma_wait3A_87] : memref<10240x64xf32, #tpu.memory_space<hbm>> -> memref<128x64xf32, #tpu.memory_space<hbm>>
        %dma_wait3A_89 = arith.constant 0 : i32
        %dma_wait3A_90 = arith.constant 0 : i32
        %dma_wait3A_91 = tpu.memref_slice %arg3[%dma_wait3A_89, %dma_wait3A_90] : memref<10240x64xf32, #tpu.memory_space<hbm>> -> memref<128x64xf32, #tpu.memory_space<hbm>>
        tpu.wait_dma2 semaphore(%arg17 : memref<!tpu.dma_semaphore, #tpu.memory_space<semaphore_mem>>) src(%dma_wait3A_91 : memref<128x64xf32, #tpu.memory_space<hbm>>) dst(%arg11 : memref<128x64xf32, #tpu.memory_space<vmem>>)
        %add3A_92 = arith.constant 1 : i32
        %add3A_93 = arith.addi %add3A_72, %add3A_92 : i32
        %dma_start3A_94 = arith.constant 0 : i32
        %dma_start3A_95 = tpu.memref_slice %arg9[%add3A_93, %dma_start3A_94] : memref<160x128xi32, #tpu.memory_space<vmem>> -> memref<1x128xi32, #tpu.memory_space<vmem>>
        %dma_start3A_96 = tpu.memref_squeeze %dma_start3A_95 : memref<1x128xi32, #tpu.memory_space<vmem>> -> memref<128xi32, #tpu.memory_space<vmem>>
        %dma_start3A_97 = arith.constant 0 : i32
        %dma_start3A_98 = arith.constant 0 : i32
        %dma_start3A_99 = tpu.memref_slice %arg15[%dma_start3A_97, %dma_start3A_98] : memref<10240x64xf32, #tpu.memory_space<vmem_shared>> -> memref<10240x64xf32, #tpu.memory_space<vmem_shared>>
        tpu.enqueue_indirect_dma source(%arg11 : memref<128x64xf32, #tpu.memory_space<vmem>>) target(%dma_start3A_99 : memref<10240x64xf32, #tpu.memory_space<vmem_shared>>) offsets(%dma_start3A_96 : memref<128xi32, #tpu.memory_space<vmem>>) semaphore(%arg22 : memref<!tpu.dma_semaphore, #tpu.memory_space<semaphore_mem>>) {add = true}
        %dma_wait3A_100 = arith.constant 0 : i32
        %dma_wait3A_101 = arith.constant 0 : i32
        %dma_wait3A_102 = tpu.memref_slice %arg3[%dma_wait3A_100, %dma_wait3A_101] : memref<10240x64xf32, #tpu.memory_space<hbm>> -> memref<128x64xf32, #tpu.memory_space<hbm>>
        %dma_wait3A_103 = arith.constant 0 : i32
        %dma_wait3A_104 = arith.constant 0 : i32
        %dma_wait3A_105 = tpu.memref_slice %arg3[%dma_wait3A_103, %dma_wait3A_104] : memref<10240x64xf32, #tpu.memory_space<hbm>> -> memref<128x64xf32, #tpu.memory_space<hbm>>
        tpu.wait_dma2 semaphore(%arg18 : memref<!tpu.dma_semaphore, #tpu.memory_space<semaphore_mem>>) src(%dma_wait3A_105 : memref<128x64xf32, #tpu.memory_space<hbm>>) dst(%arg12 : memref<128x64xf32, #tpu.memory_space<vmem>>)
        %add3A_106 = arith.constant 2 : i32
        %add3A_107 = arith.addi %add3A_72, %add3A_106 : i32
        %dma_start3A_108 = arith.constant 0 : i32
        %dma_start3A_109 = tpu.memref_slice %arg9[%add3A_107, %dma_start3A_108] : memref<160x128xi32, #tpu.memory_space<vmem>> -> memref<1x128xi32, #tpu.memory_space<vmem>>
        %dma_start3A_110 = tpu.memref_squeeze %dma_start3A_109 : memref<1x128xi32, #tpu.memory_space<vmem>> -> memref<128xi32, #tpu.memory_space<vmem>>
        %dma_start3A_111 = arith.constant 0 : i32
        %dma_start3A_112 = arith.constant 0 : i32
        %dma_start3A_113 = tpu.memref_slice %arg15[%dma_start3A_111, %dma_start3A_112] : memref<10240x64xf32, #tpu.memory_space<vmem_shared>> -> memref<10240x64xf32, #tpu.memory_space<vmem_shared>>
        tpu.enqueue_indirect_dma source(%arg12 : memref<128x64xf32, #tpu.memory_space<vmem>>) target(%dma_start3A_113 : memref<10240x64xf32, #tpu.memory_space<vmem_shared>>) offsets(%dma_start3A_110 : memref<128xi32, #tpu.memory_space<vmem>>) semaphore(%arg23 : memref<!tpu.dma_semaphore, #tpu.memory_space<semaphore_mem>>) {add = true}
        %dma_wait3A_114 = arith.constant 0 : i32
        %dma_wait3A_115 = arith.constant 0 : i32
        %dma_wait3A_116 = tpu.memref_slice %arg3[%dma_wait3A_114, %dma_wait3A_115] : memref<10240x64xf32, #tpu.memory_space<hbm>> -> memref<128x64xf32, #tpu.memory_space<hbm>>
        %dma_wait3A_117 = arith.constant 0 : i32
        %dma_wait3A_118 = arith.constant 0 : i32
        %dma_wait3A_119 = tpu.memref_slice %arg3[%dma_wait3A_117, %dma_wait3A_118] : memref<10240x64xf32, #tpu.memory_space<hbm>> -> memref<128x64xf32, #tpu.memory_space<hbm>>
        tpu.wait_dma2 semaphore(%arg19 : memref<!tpu.dma_semaphore, #tpu.memory_space<semaphore_mem>>) src(%dma_wait3A_119 : memref<128x64xf32, #tpu.memory_space<hbm>>) dst(%arg13 : memref<128x64xf32, #tpu.memory_space<vmem>>)
        %add3A_120 = arith.constant 3 : i32
        %add3A_121 = arith.addi %add3A_72, %add3A_120 : i32
        %dma_start3A_122 = arith.constant 0 : i32
        %dma_start3A_123 = tpu.memref_slice %arg9[%add3A_121, %dma_start3A_122] : memref<160x128xi32, #tpu.memory_space<vmem>> -> memref<1x128xi32, #tpu.memory_space<vmem>>
        %dma_start3A_124 = tpu.memref_squeeze %dma_start3A_123 : memref<1x128xi32, #tpu.memory_space<vmem>> -> memref<128xi32, #tpu.memory_space<vmem>>
        %dma_start3A_125 = arith.constant 0 : i32
        %dma_start3A_126 = arith.constant 0 : i32
        %dma_start3A_127 = tpu.memref_slice %arg15[%dma_start3A_125, %dma_start3A_126] : memref<10240x64xf32, #tpu.memory_space<vmem_shared>> -> memref<10240x64xf32, #tpu.memory_space<vmem_shared>>
        tpu.enqueue_indirect_dma source(%arg13 : memref<128x64xf32, #tpu.memory_space<vmem>>) target(%dma_start3A_127 : memref<10240x64xf32, #tpu.memory_space<vmem_shared>>) offsets(%dma_start3A_124 : memref<128xi32, #tpu.memory_space<vmem>>) semaphore(%arg24 : memref<!tpu.dma_semaphore, #tpu.memory_space<semaphore_mem>>) {add = true}
        %dma_wait3A_128 = arith.constant 0 : i32
        %dma_wait3A_129 = arith.constant 0 : i32
        %dma_wait3A_130 = tpu.memref_slice %arg3[%dma_wait3A_128, %dma_wait3A_129] : memref<10240x64xf32, #tpu.memory_space<hbm>> -> memref<128x64xf32, #tpu.memory_space<hbm>>
        %dma_wait3A_131 = arith.constant 0 : i32
        %dma_wait3A_132 = arith.constant 0 : i32
        %dma_wait3A_133 = tpu.memref_slice %arg3[%dma_wait3A_131, %dma_wait3A_132] : memref<10240x64xf32, #tpu.memory_space<hbm>> -> memref<128x64xf32, #tpu.memory_space<hbm>>
        tpu.wait_dma2 semaphore(%arg20 : memref<!tpu.dma_semaphore, #tpu.memory_space<semaphore_mem>>) src(%dma_wait3A_133 : memref<128x64xf32, #tpu.memory_space<hbm>>) dst(%arg14 : memref<128x64xf32, #tpu.memory_space<vmem>>)
        %add3A_134 = arith.constant 4 : i32
        %add3A_135 = arith.addi %add3A_72, %add3A_134 : i32
        %dma_start3A_136 = arith.constant 0 : i32
        %dma_start3A_137 = tpu.memref_slice %arg9[%add3A_135, %dma_start3A_136] : memref<160x128xi32, #tpu.memory_space<vmem>> -> memref<1x128xi32, #tpu.memory_space<vmem>>
        %dma_start3A_138 = tpu.memref_squeeze %dma_start3A_137 : memref<1x128xi32, #tpu.memory_space<vmem>> -> memref<128xi32, #tpu.memory_space<vmem>>
        %dma_start3A_139 = arith.constant 0 : i32
        %dma_start3A_140 = arith.constant 0 : i32
        %dma_start3A_141 = tpu.memref_slice %arg15[%dma_start3A_139, %dma_start3A_140] : memref<10240x64xf32, #tpu.memory_space<vmem_shared>> -> memref<10240x64xf32, #tpu.memory_space<vmem_shared>>
        tpu.enqueue_indirect_dma source(%arg14 : memref<128x64xf32, #tpu.memory_space<vmem>>) target(%dma_start3A_141 : memref<10240x64xf32, #tpu.memory_space<vmem_shared>>) offsets(%dma_start3A_138 : memref<128xi32, #tpu.memory_space<vmem>>) semaphore(%arg25 : memref<!tpu.dma_semaphore, #tpu.memory_space<semaphore_mem>>) {add = true}
        %dma_wait3A_142 = arith.constant 0 : i32
        %dma_wait3A_143 = arith.constant 0 : i32
        %dma_wait3A_144 = tpu.memref_slice %arg15[%dma_wait3A_142, %dma_wait3A_143] : memref<10240x64xf32, #tpu.memory_space<vmem_shared>> -> memref<128x64xf32, #tpu.memory_space<vmem_shared>>
        %dma_wait3A_145 = arith.constant 0 : i32
        %dma_wait3A_146 = arith.constant 0 : i32
        %dma_wait3A_147 = tpu.memref_slice %arg15[%dma_wait3A_145, %dma_wait3A_146] : memref<10240x64xf32, #tpu.memory_space<vmem_shared>> -> memref<128x64xf32, #tpu.memory_space<vmem_shared>>
        tpu.wait_dma2 semaphore(%arg21 : memref<!tpu.dma_semaphore, #tpu.memory_space<semaphore_mem>>) src(%arg10 : memref<128x64xf32, #tpu.memory_space<vmem>>) dst(%dma_wait3A_147 : memref<128x64xf32, #tpu.memory_space<vmem_shared>>)
        %add3A_148 = arith.constant 5 : i32
        %add3A_149 = arith.addi %add3A_72, %add3A_148 : i32
        %lt3A = arith.constant 160 : i32
        %lt3A_150 = arith.cmpi slt, %add3A_149, %lt3A : i32
        %convert_element_type3A_151 = arith.extui %lt3A_150 : i1 to i32
        %cond3A_152 = arith.constant 0 : i32
        %cond3A_153 = arith.cmpi ne, %convert_element_type3A_151, %cond3A_152 : i32
        scf.if %cond3A_153 {
          %add3A_206 = arith.constant 5 : i32
          %add3A_207 = arith.addi %add3A_72, %add3A_206 : i32
          %dma_start3A_208 = arith.constant 0 : i32
          %dma_start3A_209 = tpu.memref_slice %arg8[%add3A_207, %dma_start3A_208] : memref<160x128xi32, #tpu.memory_space<vmem>> -> memref<1x128xi32, #tpu.memory_space<vmem>>
          %dma_start3A_210 = tpu.memref_squeeze %dma_start3A_209 : memref<1x128xi32, #tpu.memory_space<vmem>> -> memref<128xi32, #tpu.memory_space<vmem>>
          %dma_start3A_211 = arith.constant 0 : i32
          %dma_start3A_212 = arith.constant 0 : i32
          %dma_start3A_213 = tpu.memref_slice %arg3[%dma_start3A_211, %dma_start3A_212] : memref<10240x64xf32, #tpu.memory_space<hbm>> -> memref<10240x64xf32, #tpu.memory_space<hbm>>
          tpu.enqueue_indirect_dma source(%dma_start3A_213 : memref<10240x64xf32, #tpu.memory_space<hbm>>) target(%arg10 : memref<128x64xf32, #tpu.memory_space<vmem>>) offsets(%dma_start3A_210 : memref<128xi32, #tpu.memory_space<vmem>>) semaphore(%arg16 : memref<!tpu.dma_semaphore, #tpu.memory_space<semaphore_mem>>)
        } else {
        }
        %dma_wait3A_154 = arith.constant 0 : i32
        %dma_wait3A_155 = arith.constant 0 : i32
        %dma_wait3A_156 = tpu.memref_slice %arg15[%dma_wait3A_154, %dma_wait3A_155] : memref<10240x64xf32, #tpu.memory_space<vmem_shared>> -> memref<128x64xf32, #tpu.memory_space<vmem_shared>>
        %dma_wait3A_157 = arith.constant 0 : i32
        %dma_wait3A_158 = arith.constant 0 : i32
        %dma_wait3A_159 = tpu.memref_slice %arg15[%dma_wait3A_157, %dma_wait3A_158] : memref<10240x64xf32, #tpu.memory_space<vmem_shared>> -> memref<128x64xf32, #tpu.memory_space<vmem_shared>>
        tpu.wait_dma2 semaphore(%arg22 : memref<!tpu.dma_semaphore, #tpu.memory_space<semaphore_mem>>) src(%arg11 : memref<128x64xf32, #tpu.memory_space<vmem>>) dst(%dma_wait3A_159 : memref<128x64xf32, #tpu.memory_space<vmem_shared>>)
        %add3A_160 = arith.constant 6 : i32
        %add3A_161 = arith.addi %add3A_72, %add3A_160 : i32
        %lt3A_162 = arith.constant 160 : i32
        %lt3A_163 = arith.cmpi slt, %add3A_161, %lt3A_162 : i32
        %convert_element_type3A_164 = arith.extui %lt3A_163 : i1 to i32
        %cond3A_165 = arith.constant 0 : i32
        %cond3A_166 = arith.cmpi ne, %convert_element_type3A_164, %cond3A_165 : i32
        scf.if %cond3A_166 {
          %add3A_206 = arith.constant 6 : i32
          %add3A_207 = arith.addi %add3A_72, %add3A_206 : i32
          %dma_start3A_208 = arith.constant 0 : i32
          %dma_start3A_209 = tpu.memref_slice %arg8[%add3A_207, %dma_start3A_208] : memref<160x128xi32, #tpu.memory_space<vmem>> -> memref<1x128xi32, #tpu.memory_space<vmem>>
          %dma_start3A_210 = tpu.memref_squeeze %dma_start3A_209 : memref<1x128xi32, #tpu.memory_space<vmem>> -> memref<128xi32, #tpu.memory_space<vmem>>
          %dma_start3A_211 = arith.constant 0 : i32
          %dma_start3A_212 = arith.constant 0 : i32
          %dma_start3A_213 = tpu.memref_slice %arg3[%dma_start3A_211, %dma_start3A_212] : memref<10240x64xf32, #tpu.memory_space<hbm>> -> memref<10240x64xf32, #tpu.memory_space<hbm>>
          tpu.enqueue_indirect_dma source(%dma_start3A_213 : memref<10240x64xf32, #tpu.memory_space<hbm>>) target(%arg11 : memref<128x64xf32, #tpu.memory_space<vmem>>) offsets(%dma_start3A_210 : memref<128xi32, #tpu.memory_space<vmem>>) semaphore(%arg17 : memref<!tpu.dma_semaphore, #tpu.memory_space<semaphore_mem>>)
        } else {
        }
        %dma_wait3A_167 = arith.constant 0 : i32
        %dma_wait3A_168 = arith.constant 0 : i32
        %dma_wait3A_169 = tpu.memref_slice %arg15[%dma_wait3A_167, %dma_wait3A_168] : memref<10240x64xf32, #tpu.memory_space<vmem_shared>> -> memref<128x64xf32, #tpu.memory_space<vmem_shared>>
        %dma_wait3A_170 = arith.constant 0 : i32
        %dma_wait3A_171 = arith.constant 0 : i32
        %dma_wait3A_172 = tpu.memref_slice %arg15[%dma_wait3A_170, %dma_wait3A_171] : memref<10240x64xf32, #tpu.memory_space<vmem_shared>> -> memref<128x64xf32, #tpu.memory_space<vmem_shared>>
        tpu.wait_dma2 semaphore(%arg23 : memref<!tpu.dma_semaphore, #tpu.memory_space<semaphore_mem>>) src(%arg12 : memref<128x64xf32, #tpu.memory_space<vmem>>) dst(%dma_wait3A_172 : memref<128x64xf32, #tpu.memory_space<vmem_shared>>)
        %add3A_173 = arith.constant 7 : i32
        %add3A_174 = arith.addi %add3A_72, %add3A_173 : i32
        %lt3A_175 = arith.constant 160 : i32
        %lt3A_176 = arith.cmpi slt, %add3A_174, %lt3A_175 : i32
        %convert_element_type3A_177 = arith.extui %lt3A_176 : i1 to i32
        %cond3A_178 = arith.constant 0 : i32
        %cond3A_179 = arith.cmpi ne, %convert_element_type3A_177, %cond3A_178 : i32
        scf.if %cond3A_179 {
          %add3A_206 = arith.constant 7 : i32
          %add3A_207 = arith.addi %add3A_72, %add3A_206 : i32
          %dma_start3A_208 = arith.constant 0 : i32
          %dma_start3A_209 = tpu.memref_slice %arg8[%add3A_207, %dma_start3A_208] : memref<160x128xi32, #tpu.memory_space<vmem>> -> memref<1x128xi32, #tpu.memory_space<vmem>>
          %dma_start3A_210 = tpu.memref_squeeze %dma_start3A_209 : memref<1x128xi32, #tpu.memory_space<vmem>> -> memref<128xi32, #tpu.memory_space<vmem>>
          %dma_start3A_211 = arith.constant 0 : i32
          %dma_start3A_212 = arith.constant 0 : i32
          %dma_start3A_213 = tpu.memref_slice %arg3[%dma_start3A_211, %dma_start3A_212] : memref<10240x64xf32, #tpu.memory_space<hbm>> -> memref<10240x64xf32, #tpu.memory_space<hbm>>
          tpu.enqueue_indirect_dma source(%dma_start3A_213 : memref<10240x64xf32, #tpu.memory_space<hbm>>) target(%arg12 : memref<128x64xf32, #tpu.memory_space<vmem>>) offsets(%dma_start3A_210 : memref<128xi32, #tpu.memory_space<vmem>>) semaphore(%arg18 : memref<!tpu.dma_semaphore, #tpu.memory_space<semaphore_mem>>)
        } else {
        }
        %dma_wait3A_180 = arith.constant 0 : i32
        %dma_wait3A_181 = arith.constant 0 : i32
        %dma_wait3A_182 = tpu.memref_slice %arg15[%dma_wait3A_180, %dma_wait3A_181] : memref<10240x64xf32, #tpu.memory_space<vmem_shared>> -> memref<128x64xf32, #tpu.memory_space<vmem_shared>>
        %dma_wait3A_183 = arith.constant 0 : i32
        %dma_wait3A_184 = arith.constant 0 : i32
        %dma_wait3A_185 = tpu.memref_slice %arg15[%dma_wait3A_183, %dma_wait3A_184] : memref<10240x64xf32, #tpu.memory_space<vmem_shared>> -> memref<128x64xf32, #tpu.memory_space<vmem_shared>>
        tpu.wait_dma2 semaphore(%arg24 : memref<!tpu.dma_semaphore, #tpu.memory_space<semaphore_mem>>) src(%arg13 : memref<128x64xf32, #tpu.memory_space<vmem>>) dst(%dma_wait3A_185 : memref<128x64xf32, #tpu.memory_space<vmem_shared>>)
        %add3A_186 = arith.constant 8 : i32
        %add3A_187 = arith.addi %add3A_72, %add3A_186 : i32
        %lt3A_188 = arith.constant 160 : i32
        %lt3A_189 = arith.cmpi slt, %add3A_187, %lt3A_188 : i32
        %convert_element_type3A_190 = arith.extui %lt3A_189 : i1 to i32
        %cond3A_191 = arith.constant 0 : i32
        %cond3A_192 = arith.cmpi ne, %convert_element_type3A_190, %cond3A_191 : i32
        scf.if %cond3A_192 {
          %add3A_206 = arith.constant 8 : i32
          %add3A_207 = arith.addi %add3A_72, %add3A_206 : i32
          %dma_start3A_208 = arith.constant 0 : i32
          %dma_start3A_209 = tpu.memref_slice %arg8[%add3A_207, %dma_start3A_208] : memref<160x128xi32, #tpu.memory_space<vmem>> -> memref<1x128xi32, #tpu.memory_space<vmem>>
          %dma_start3A_210 = tpu.memref_squeeze %dma_start3A_209 : memref<1x128xi32, #tpu.memory_space<vmem>> -> memref<128xi32, #tpu.memory_space<vmem>>
          %dma_start3A_211 = arith.constant 0 : i32
          %dma_start3A_212 = arith.constant 0 : i32
          %dma_start3A_213 = tpu.memref_slice %arg3[%dma_start3A_211, %dma_start3A_212] : memref<10240x64xf32, #tpu.memory_space<hbm>> -> memref<10240x64xf32, #tpu.memory_space<hbm>>
          tpu.enqueue_indirect_dma source(%dma_start3A_213 : memref<10240x64xf32, #tpu.memory_space<hbm>>) target(%arg13 : memref<128x64xf32, #tpu.memory_space<vmem>>) offsets(%dma_start3A_210 : memref<128xi32, #tpu.memory_space<vmem>>) semaphore(%arg19 : memref<!tpu.dma_semaphore, #tpu.memory_space<semaphore_mem>>)
        } else {
        }
        %dma_wait3A_193 = arith.constant 0 : i32
        %dma_wait3A_194 = arith.constant 0 : i32
        %dma_wait3A_195 = tpu.memref_slice %arg15[%dma_wait3A_193, %dma_wait3A_194] : memref<10240x64xf32, #tpu.memory_space<vmem_shared>> -> memref<128x64xf32, #tpu.memory_space<vmem_shared>>
        %dma_wait3A_196 = arith.constant 0 : i32
        %dma_wait3A_197 = arith.constant 0 : i32
        %dma_wait3A_198 = tpu.memref_slice %arg15[%dma_wait3A_196, %dma_wait3A_197] : memref<10240x64xf32, #tpu.memory_space<vmem_shared>> -> memref<128x64xf32, #tpu.memory_space<vmem_shared>>
        tpu.wait_dma2 semaphore(%arg25 : memref<!tpu.dma_semaphore, #tpu.memory_space<semaphore_mem>>) src(%arg14 : memref<128x64xf32, #tpu.memory_space<vmem>>) dst(%dma_wait3A_198 : memref<128x64xf32, #tpu.memory_space<vmem_shared>>)
        %add3A_199 = arith.constant 9 : i32
        %add3A_200 = arith.addi %add3A_72, %add3A_199 : i32
        %lt3A_201 = arith.constant 160 : i32
        %lt3A_202 = arith.cmpi slt, %add3A_200, %lt3A_201 : i32
        %convert_element_type3A_203 = arith.extui %lt3A_202 : i1 to i32
        %cond3A_204 = arith.constant 0 : i32
        %cond3A_205 = arith.cmpi ne, %convert_element_type3A_203, %cond3A_204 : i32
        scf.if %cond3A_205 {
          %add3A_206 = arith.constant 9 : i32
          %add3A_207 = arith.addi %add3A_72, %add3A_206 : i32
          %dma_start3A_208 = arith.constant 0 : i32
          %dma_start3A_209 = tpu.memref_slice %arg8[%add3A_207, %dma_start3A_208] : memref<160x128xi32, #tpu.memory_space<vmem>> -> memref<1x128xi32, #tpu.memory_space<vmem>>
          %dma_start3A_210 = tpu.memref_squeeze %dma_start3A_209 : memref<1x128xi32, #tpu.memory_space<vmem>> -> memref<128xi32, #tpu.memory_space<vmem>>
          %dma_start3A_211 = arith.constant 0 : i32
          %dma_start3A_212 = arith.constant 0 : i32
          %dma_start3A_213 = tpu.memref_slice %arg3[%dma_start3A_211, %dma_start3A_212] : memref<10240x64xf32, #tpu.memory_space<hbm>> -> memref<10240x64xf32, #tpu.memory_space<hbm>>
          tpu.enqueue_indirect_dma source(%dma_start3A_213 : memref<10240x64xf32, #tpu.memory_space<hbm>>) target(%arg14 : memref<128x64xf32, #tpu.memory_space<vmem>>) offsets(%dma_start3A_210 : memref<128xi32, #tpu.memory_space<vmem>>) semaphore(%arg20 : memref<!tpu.dma_semaphore, #tpu.memory_space<semaphore_mem>>)
        } else {
        }
      }
      %scan3A_68 = arith.constant 32 : i32
    } else {
    }
    %barrier3A_19 = arith.constant 0 : index
    tpu.barrier barrier_id(%barrier3A_19)
    %eq3A_20 = arith.constant 0 : i32
    %eq3A_21 = arith.cmpi eq, %arg0, %eq3A_20 : i32
    %convert_element_type3A_22 = arith.extui %eq3A_21 : i1 to i32
    %cond3A_23 = arith.constant 0 : i32
    %cond3A_24 = arith.cmpi ne, %convert_element_type3A_22, %cond3A_23 : i32
    scf.if %cond3A_24 {
      %mul3A_30 = arith.constant 640 : i32
      %mul3A_31 = arith.muli %arg1, %mul3A_30 : i32
      %mul3A_32 = arith.constant 640 : i32
      %mul3A_33 = arith.muli %arg1, %mul3A_32 : i32
      "tpu.region"() ({
        %run_scoped3A = tpu.sem_alloc : memref<!tpu.dma_semaphore, #tpu.memory_space<semaphore_mem>>
        %dma_start3A = arith.constant 0 : i32
        %dma_start3A_34 = tpu.memref_slice %arg6[%mul3A_33, %dma_start3A] : memref<10240x64xf32, #tpu.memory_space<hbm>> -> memref<640x64xf32, #tpu.memory_space<hbm>>
        %dma_start3A_35 = arith.constant 0 : i32
        %dma_start3A_36 = tpu.memref_slice %arg15[%mul3A_31, %dma_start3A_35] : memref<10240x64xf32, #tpu.memory_space<vmem_shared>> -> memref<640x64xf32, #tpu.memory_space<vmem_shared>>
        tpu.enqueue_dma source(%dma_start3A_36 : memref<640x64xf32, #tpu.memory_space<vmem_shared>>) target(%dma_start3A_34 : memref<640x64xf32, #tpu.memory_space<hbm>>) target_semaphore(%run_scoped3A : memref<!tpu.dma_semaphore, #tpu.memory_space<semaphore_mem>>)
        %dma_wait3A = arith.constant 0 : i32
        %dma_wait3A_37 = tpu.memref_slice %arg6[%mul3A_33, %dma_wait3A] : memref<10240x64xf32, #tpu.memory_space<hbm>> -> memref<640x64xf32, #tpu.memory_space<hbm>>
        %dma_wait3A_38 = arith.constant 0 : i32
        %dma_wait3A_39 = tpu.memref_slice %arg15[%mul3A_31, %dma_wait3A_38] : memref<10240x64xf32, #tpu.memory_space<vmem_shared>> -> memref<640x64xf32, #tpu.memory_space<vmem_shared>>
        tpu.wait_dma2 semaphore(%run_scoped3A : memref<!tpu.dma_semaphore, #tpu.memory_space<semaphore_mem>>) src(%dma_wait3A_39 : memref<640x64xf32, #tpu.memory_space<vmem_shared>>) dst(%dma_wait3A_37 : memref<640x64xf32, #tpu.memory_space<hbm>>)
        tpu.yield
      }) : () -> ()
    } else {
    }
    %eq3A_25 = arith.constant 1 : i32
    %eq3A_26 = arith.cmpi eq, %arg0, %eq3A_25 : i32
    %convert_element_type3A_27 = arith.extui %eq3A_26 : i1 to i32
    %cond3A_28 = arith.constant 0 : i32
    %cond3A_29 = arith.cmpi ne, %convert_element_type3A_27, %cond3A_28 : i32
    scf.if %cond3A_29 {
      %mul3A_30 = arith.constant 640 : i32
      %mul3A_31 = arith.muli %arg1, %mul3A_30 : i32
      %mul3A_32 = arith.constant 640 : i32
      %mul3A_33 = arith.muli %arg1, %mul3A_32 : i32
      "tpu.region"() ({
        %run_scoped3A = tpu.sem_alloc : memref<!tpu.dma_semaphore, #tpu.memory_space<semaphore_mem>>
        %dma_start3A = arith.constant 0 : i32
        %dma_start3A_34 = tpu.memref_slice %arg7[%mul3A_33, %dma_start3A] : memref<10240x64xf32, #tpu.memory_space<hbm>> -> memref<640x64xf32, #tpu.memory_space<hbm>>
        %dma_start3A_35 = arith.constant 0 : i32
        %dma_start3A_36 = tpu.memref_slice %arg15[%mul3A_31, %dma_start3A_35] : memref<10240x64xf32, #tpu.memory_space<vmem_shared>> -> memref<640x64xf32, #tpu.memory_space<vmem_shared>>
        tpu.enqueue_dma source(%dma_start3A_36 : memref<640x64xf32, #tpu.memory_space<vmem_shared>>) target(%dma_start3A_34 : memref<640x64xf32, #tpu.memory_space<hbm>>) target_semaphore(%run_scoped3A : memref<!tpu.dma_semaphore, #tpu.memory_space<semaphore_mem>>)
        %dma_wait3A = arith.constant 0 : i32
        %dma_wait3A_37 = tpu.memref_slice %arg7[%mul3A_33, %dma_wait3A] : memref<10240x64xf32, #tpu.memory_space<hbm>> -> memref<640x64xf32, #tpu.memory_space<hbm>>
        %dma_wait3A_38 = arith.constant 0 : i32
        %dma_wait3A_39 = tpu.memref_slice %arg15[%mul3A_31, %dma_wait3A_38] : memref<10240x64xf32, #tpu.memory_space<vmem_shared>> -> memref<640x64xf32, #tpu.memory_space<vmem_shared>>
        tpu.wait_dma2 semaphore(%run_scoped3A : memref<!tpu.dma_semaphore, #tpu.memory_space<semaphore_mem>>) src(%dma_wait3A_39 : memref<640x64xf32, #tpu.memory_space<vmem_shared>>) dst(%dma_wait3A_37 : memref<640x64xf32, #tpu.memory_space<hbm>>)
        tpu.yield
      }) : () -> ()
    } else {
    }
    return
  }
}

#map = affine_map<(d0, d1) -> (0, 0)>
module attributes {stable_mosaic.version = 14 : i64} {
  func.func @_sc_score_body(%arg0: i32, %arg1: i32, %arg2: memref<10240x16xf32, #tpu.memory_space<hbm>>, %arg3: memref<2560x128xi32, #tpu.memory_space<hbm>>, %arg4: memref<2560x128xi32, #tpu.memory_space<hbm>>, %arg5: memref<10240x16xf32, #tpu.memory_space<hbm>>, %arg6: memref<10240x16xf32, #tpu.memory_space<hbm>>, %arg7: memref<80x128xi32, #tpu.memory_space<vmem>>, %arg8: memref<80x128xi32, #tpu.memory_space<vmem>>, %arg9: memref<128x16xf32, #tpu.memory_space<vmem>>, %arg10: memref<128x16xf32, #tpu.memory_space<vmem>>, %arg11: memref<128x16xf32, #tpu.memory_space<vmem>>, %arg12: memref<128x16xf32, #tpu.memory_space<vmem>>, %arg13: memref<128x16xf32, #tpu.memory_space<vmem>>, %arg14: memref<10240x16xf32, #tpu.memory_space<vmem_shared>>, %arg15: memref<!tpu.dma_semaphore, #tpu.memory_space<semaphore_mem>>, %arg16: memref<!tpu.dma_semaphore, #tpu.memory_space<semaphore_mem>>, %arg17: memref<!tpu.dma_semaphore, #tpu.memory_space<semaphore_mem>>, %arg18: memref<!tpu.dma_semaphore, #tpu.memory_space<semaphore_mem>>, %arg19: memref<!tpu.dma_semaphore, #tpu.memory_space<semaphore_mem>>, %arg20: memref<!tpu.dma_semaphore, #tpu.memory_space<semaphore_mem>>, %arg21: memref<!tpu.dma_semaphore, #tpu.memory_space<semaphore_mem>>, %arg22: memref<!tpu.dma_semaphore, #tpu.memory_space<semaphore_mem>>, %arg23: memref<!tpu.dma_semaphore, #tpu.memory_space<semaphore_mem>>, %arg24: memref<!tpu.dma_semaphore, #tpu.memory_space<semaphore_mem>>) attributes {dimension_semantics = [#tpu.dimension_semantics<core_parallel>, #tpu.dimension_semantics<subcore_parallel>], iteration_bounds = array<i64: 2, 16>, scalar_prefetch = 0 : i64, scratch_operands = 18 : i64, tpu.core_type = #tpu.core_type<sc_vector_subcore>, window_params = [{transform_indices = #map}, {transform_indices = #map}, {transform_indices = #map}, {transform_indices = #map}, {transform_indices = #map}]} {
    %mul3A = arith.constant 1280 : i32
    %mul3A_0 = arith.muli %arg0, %mul3A : i32
    %mul3A_1 = arith.constant 80 : i32
    %mul3A_2 = arith.muli %arg1, %mul3A_1 : i32
    %add3A = arith.addi %mul3A_0, %mul3A_2 : i32
    "tpu.region"() ({
      %run_scoped3A = tpu.sem_alloc : memref<!tpu.dma_semaphore, #tpu.memory_space<semaphore_mem>>
      %dma_start3A_59 = arith.constant 0 : i32
      %dma_start3A_60 = tpu.memref_slice %arg3[%add3A, %dma_start3A_59] : memref<2560x128xi32, #tpu.memory_space<hbm>> -> memref<80x128xi32, #tpu.memory_space<hbm>>
      %dma_start3A_61 = arith.constant 0 : i32
      %dma_start3A_62 = tpu.memref_slice %arg3[%add3A, %dma_start3A_61] : memref<2560x128xi32, #tpu.memory_space<hbm>> -> memref<80x128xi32, #tpu.memory_space<hbm>>
      tpu.enqueue_dma source(%dma_start3A_62 : memref<80x128xi32, #tpu.memory_space<hbm>>) target(%arg7 : memref<80x128xi32, #tpu.memory_space<vmem>>) target_semaphore(%run_scoped3A : memref<!tpu.dma_semaphore, #tpu.memory_space<semaphore_mem>>)
      %dma_wait3A = arith.constant 0 : i32
      %dma_wait3A_63 = tpu.memref_slice %arg3[%add3A, %dma_wait3A] : memref<2560x128xi32, #tpu.memory_space<hbm>> -> memref<80x128xi32, #tpu.memory_space<hbm>>
      %dma_wait3A_64 = arith.constant 0 : i32
      %dma_wait3A_65 = tpu.memref_slice %arg3[%add3A, %dma_wait3A_64] : memref<2560x128xi32, #tpu.memory_space<hbm>> -> memref<80x128xi32, #tpu.memory_space<hbm>>
      tpu.wait_dma2 semaphore(%run_scoped3A : memref<!tpu.dma_semaphore, #tpu.memory_space<semaphore_mem>>) src(%dma_wait3A_65 : memref<80x128xi32, #tpu.memory_space<hbm>>) dst(%arg7 : memref<80x128xi32, #tpu.memory_space<vmem>>)
      tpu.yield
    }) : () -> ()
    "tpu.region"() ({
      %run_scoped3A = tpu.sem_alloc : memref<!tpu.dma_semaphore, #tpu.memory_space<semaphore_mem>>
      %dma_start3A_59 = arith.constant 0 : i32
      %dma_start3A_60 = tpu.memref_slice %arg4[%add3A, %dma_start3A_59] : memref<2560x128xi32, #tpu.memory_space<hbm>> -> memref<80x128xi32, #tpu.memory_space<hbm>>
      %dma_start3A_61 = arith.constant 0 : i32
      %dma_start3A_62 = tpu.memref_slice %arg4[%add3A, %dma_start3A_61] : memref<2560x128xi32, #tpu.memory_space<hbm>> -> memref<80x128xi32, #tpu.memory_space<hbm>>
      tpu.enqueue_dma source(%dma_start3A_62 : memref<80x128xi32, #tpu.memory_space<hbm>>) target(%arg8 : memref<80x128xi32, #tpu.memory_space<vmem>>) target_semaphore(%run_scoped3A : memref<!tpu.dma_semaphore, #tpu.memory_space<semaphore_mem>>)
      %dma_wait3A = arith.constant 0 : i32
      %dma_wait3A_63 = tpu.memref_slice %arg4[%add3A, %dma_wait3A] : memref<2560x128xi32, #tpu.memory_space<hbm>> -> memref<80x128xi32, #tpu.memory_space<hbm>>
      %dma_wait3A_64 = arith.constant 0 : i32
      %dma_wait3A_65 = tpu.memref_slice %arg4[%add3A, %dma_wait3A_64] : memref<2560x128xi32, #tpu.memory_space<hbm>> -> memref<80x128xi32, #tpu.memory_space<hbm>>
      tpu.wait_dma2 semaphore(%run_scoped3A : memref<!tpu.dma_semaphore, #tpu.memory_space<semaphore_mem>>) src(%dma_wait3A_65 : memref<80x128xi32, #tpu.memory_space<hbm>>) dst(%arg8 : memref<80x128xi32, #tpu.memory_space<vmem>>)
      tpu.yield
    }) : () -> ()
    %scan3A = arith.constant 0 : i32
    %scan3A_3 = arith.constant 128 : i32
    %scan3A_4 = arith.addi %scan3A, %scan3A_3 : i32
    %scan3A_5 = arith.constant 1 : i32
    scf.for %scan3A_59 = %scan3A to %scan3A_4 step %scan3A_5  : i32 {
      %mul3A_60 = arith.constant 1 : i32
      %mul3A_61 = arith.muli %scan3A_59, %mul3A_60 : i32
      %add3A_62 = arith.constant 0 : i32
      %add3A_63 = arith.addi %add3A_62, %mul3A_61 : i32
      %scan3A_64 = arith.constant 0 : i32
      %mul3A_65 = arith.constant 16 : i32
      %mul3A_66 = arith.muli %scan3A_64, %mul3A_65 : i32
      %add3A_67 = arith.constant 0 : i32
      %add3A_68 = arith.addi %add3A_67, %mul3A_66 : i32
      %broadcast_in_dim3A = arith.constant 0.000000e+00 : f32
      %broadcast_in_dim3A_69 = vector.broadcast %broadcast_in_dim3A : f32 to vector<16xf32>
      %swap3A = arith.index_cast %add3A_63 : i32 to index
      %swap3A_70 = arith.index_cast %add3A_68 : i32 to index
      %swap3A_71 = tpu.vector_load %arg9[%swap3A, %swap3A_70] {strides = array<i32>} : memref<128x16xf32, #tpu.memory_space<vmem>>, vector<1x16xf32>,
      %swap3A_72 = vector.shape_cast %swap3A_71 : vector<1x16xf32> to vector<16xf32>
      %swap3A_73 = vector.shape_cast %broadcast_in_dim3A_69 : vector<16xf32> to vector<1x16xf32>
      tpu.vector_store %arg9[%swap3A, %swap3A_70], %swap3A_73 {strides = array<i32>} : memref<128x16xf32, #tpu.memory_space<vmem>>, vector<1x16xf32>,
      %scan3A_74 = arith.constant 1 : i32
    }
    %scan3A_6 = arith.constant 128 : i32
    %scan3A_7 = arith.constant 0 : i32
    %scan3A_8 = arith.constant 5 : i32
    %scan3A_9 = arith.addi %scan3A_7, %scan3A_8 : i32
    %scan3A_10 = arith.constant 1 : i32
    scf.for %scan3A_59 = %scan3A_7 to %scan3A_9 step %scan3A_10  : i32 {
      %mul3A_60 = arith.constant 1 : i32
      %mul3A_61 = arith.muli %scan3A_59, %mul3A_60 : i32
      %add3A_62 = arith.constant 0 : i32
      %add3A_63 = arith.addi %add3A_62, %mul3A_61 : i32
      %mul3A_64 = arith.constant 640 : i32
      %mul3A_65 = arith.muli %arg1, %mul3A_64 : i32
      %mul3A_66 = arith.constant 128 : i32
      %mul3A_67 = arith.muli %add3A_63, %mul3A_66 : i32
      %add3A_68 = arith.addi %mul3A_65, %mul3A_67 : i32
      "tpu.region"() ({
        %run_scoped3A = tpu.sem_alloc : memref<!tpu.dma_semaphore, #tpu.memory_space<semaphore_mem>>
        %dma_start3A_69 = arith.constant 0 : i32
        %dma_start3A_70 = tpu.memref_slice %arg14[%add3A_68, %dma_start3A_69] : memref<10240x16xf32, #tpu.memory_space<vmem_shared>> -> memref<128x16xf32, #tpu.memory_space<vmem_shared>>
        %dma_start3A_71 = arith.constant 0 : i32
        %dma_start3A_72 = tpu.memref_slice %arg14[%add3A_68, %dma_start3A_71] : memref<10240x16xf32, #tpu.memory_space<vmem_shared>> -> memref<128x16xf32, #tpu.memory_space<vmem_shared>>
        tpu.enqueue_dma source(%arg9 : memref<128x16xf32, #tpu.memory_space<vmem>>) target(%dma_start3A_72 : memref<128x16xf32, #tpu.memory_space<vmem_shared>>) target_semaphore(%run_scoped3A : memref<!tpu.dma_semaphore, #tpu.memory_space<semaphore_mem>>)
        %dma_wait3A = arith.constant 0 : i32
        %dma_wait3A_73 = tpu.memref_slice %arg14[%add3A_68, %dma_wait3A] : memref<10240x16xf32, #tpu.memory_space<vmem_shared>> -> memref<128x16xf32, #tpu.memory_space<vmem_shared>>
        %dma_wait3A_74 = arith.constant 0 : i32
        %dma_wait3A_75 = tpu.memref_slice %arg14[%add3A_68, %dma_wait3A_74] : memref<10240x16xf32, #tpu.memory_space<vmem_shared>> -> memref<128x16xf32, #tpu.memory_space<vmem_shared>>
        tpu.wait_dma2 semaphore(%run_scoped3A : memref<!tpu.dma_semaphore, #tpu.memory_space<semaphore_mem>>) src(%arg9 : memref<128x16xf32, #tpu.memory_space<vmem>>) dst(%dma_wait3A_75 : memref<128x16xf32, #tpu.memory_space<vmem_shared>>)
        tpu.yield
      }) : () -> ()
    }
    %scan3A_11 = arith.constant 5 : i32
    %barrier3A = arith.constant 0 : index
    tpu.barrier barrier_id(%barrier3A)
    %dma_start3A = arith.constant 0 : i32
    %dma_start3A_12 = arith.constant 0 : i32
    %dma_start3A_13 = tpu.memref_slice %arg7[%dma_start3A, %dma_start3A_12] : memref<80x128xi32, #tpu.memory_space<vmem>> -> memref<1x128xi32, #tpu.memory_space<vmem>>
    %dma_start3A_14 = tpu.memref_squeeze %dma_start3A_13 : memref<1x128xi32, #tpu.memory_space<vmem>> -> memref<128xi32, #tpu.memory_space<vmem>>
    %dma_start3A_15 = arith.constant 0 : i32
    %dma_start3A_16 = arith.constant 0 : i32
    %dma_start3A_17 = tpu.memref_slice %arg2[%dma_start3A_15, %dma_start3A_16] : memref<10240x16xf32, #tpu.memory_space<hbm>> -> memref<10240x16xf32, #tpu.memory_space<hbm>>
    tpu.enqueue_indirect_dma source(%dma_start3A_17 : memref<10240x16xf32, #tpu.memory_space<hbm>>) target(%arg9 : memref<128x16xf32, #tpu.memory_space<vmem>>) offsets(%dma_start3A_14 : memref<128xi32, #tpu.memory_space<vmem>>) semaphore(%arg15 : memref<!tpu.dma_semaphore, #tpu.memory_space<semaphore_mem>>)
    %dma_start3A_18 = arith.constant 1 : i32
    %dma_start3A_19 = arith.constant 0 : i32
    %dma_start3A_20 = tpu.memref_slice %arg7[%dma_start3A_18, %dma_start3A_19] : memref<80x128xi32, #tpu.memory_space<vmem>> -> memref<1x128xi32, #tpu.memory_space<vmem>>
    %dma_start3A_21 = tpu.memref_squeeze %dma_start3A_20 : memref<1x128xi32, #tpu.memory_space<vmem>> -> memref<128xi32, #tpu.memory_space<vmem>>
    %dma_start3A_22 = arith.constant 0 : i32
    %dma_start3A_23 = arith.constant 0 : i32
    %dma_start3A_24 = tpu.memref_slice %arg2[%dma_start3A_22, %dma_start3A_23] : memref<10240x16xf32, #tpu.memory_space<hbm>> -> memref<10240x16xf32, #tpu.memory_space<hbm>>
    tpu.enqueue_indirect_dma source(%dma_start3A_24 : memref<10240x16xf32, #tpu.memory_space<hbm>>) target(%arg10 : memref<128x16xf32, #tpu.memory_space<vmem>>) offsets(%dma_start3A_21 : memref<128xi32, #tpu.memory_space<vmem>>) semaphore(%arg16 : memref<!tpu.dma_semaphore, #tpu.memory_space<semaphore_mem>>)
    %dma_start3A_25 = arith.constant 2 : i32
    %dma_start3A_26 = arith.constant 0 : i32
    %dma_start3A_27 = tpu.memref_slice %arg7[%dma_start3A_25, %dma_start3A_26] : memref<80x128xi32, #tpu.memory_space<vmem>> -> memref<1x128xi32, #tpu.memory_space<vmem>>
    %dma_start3A_28 = tpu.memref_squeeze %dma_start3A_27 : memref<1x128xi32, #tpu.memory_space<vmem>> -> memref<128xi32, #tpu.memory_space<vmem>>
    %dma_start3A_29 = arith.constant 0 : i32
    %dma_start3A_30 = arith.constant 0 : i32
    %dma_start3A_31 = tpu.memref_slice %arg2[%dma_start3A_29, %dma_start3A_30] : memref<10240x16xf32, #tpu.memory_space<hbm>> -> memref<10240x16xf32, #tpu.memory_space<hbm>>
    tpu.enqueue_indirect_dma source(%dma_start3A_31 : memref<10240x16xf32, #tpu.memory_space<hbm>>) target(%arg11 : memref<128x16xf32, #tpu.memory_space<vmem>>) offsets(%dma_start3A_28 : memref<128xi32, #tpu.memory_space<vmem>>) semaphore(%arg17 : memref<!tpu.dma_semaphore, #tpu.memory_space<semaphore_mem>>)
    %dma_start3A_32 = arith.constant 3 : i32
    %dma_start3A_33 = arith.constant 0 : i32
    %dma_start3A_34 = tpu.memref_slice %arg7[%dma_start3A_32, %dma_start3A_33] : memref<80x128xi32, #tpu.memory_space<vmem>> -> memref<1x128xi32, #tpu.memory_space<vmem>>
    %dma_start3A_35 = tpu.memref_squeeze %dma_start3A_34 : memref<1x128xi32, #tpu.memory_space<vmem>> -> memref<128xi32, #tpu.memory_space<vmem>>
    %dma_start3A_36 = arith.constant 0 : i32
    %dma_start3A_37 = arith.constant 0 : i32
    %dma_start3A_38 = tpu.memref_slice %arg2[%dma_start3A_36, %dma_start3A_37] : memref<10240x16xf32, #tpu.memory_space<hbm>> -> memref<10240x16xf32, #tpu.memory_space<hbm>>
    tpu.enqueue_indirect_dma source(%dma_start3A_38 : memref<10240x16xf32, #tpu.memory_space<hbm>>) target(%arg12 : memref<128x16xf32, #tpu.memory_space<vmem>>) offsets(%dma_start3A_35 : memref<128xi32, #tpu.memory_space<vmem>>) semaphore(%arg18 : memref<!tpu.dma_semaphore, #tpu.memory_space<semaphore_mem>>)
    %dma_start3A_39 = arith.constant 4 : i32
    %dma_start3A_40 = arith.constant 0 : i32
    %dma_start3A_41 = tpu.memref_slice %arg7[%dma_start3A_39, %dma_start3A_40] : memref<80x128xi32, #tpu.memory_space<vmem>> -> memref<1x128xi32, #tpu.memory_space<vmem>>
    %dma_start3A_42 = tpu.memref_squeeze %dma_start3A_41 : memref<1x128xi32, #tpu.memory_space<vmem>> -> memref<128xi32, #tpu.memory_space<vmem>>
    %dma_start3A_43 = arith.constant 0 : i32
    %dma_start3A_44 = arith.constant 0 : i32
    %dma_start3A_45 = tpu.memref_slice %arg2[%dma_start3A_43, %dma_start3A_44] : memref<10240x16xf32, #tpu.memory_space<hbm>> -> memref<10240x16xf32, #tpu.memory_space<hbm>>
    tpu.enqueue_indirect_dma source(%dma_start3A_45 : memref<10240x16xf32, #tpu.memory_space<hbm>>) target(%arg13 : memref<128x16xf32, #tpu.memory_space<vmem>>) offsets(%dma_start3A_42 : memref<128xi32, #tpu.memory_space<vmem>>) semaphore(%arg19 : memref<!tpu.dma_semaphore, #tpu.memory_space<semaphore_mem>>)
    %scan3A_46 = arith.constant 0 : i32
    %scan3A_47 = arith.constant 16 : i32
    %scan3A_48 = arith.addi %scan3A_46, %scan3A_47 : i32
    %scan3A_49 = arith.constant 1 : i32
    scf.for %scan3A_59 = %scan3A_46 to %scan3A_48 step %scan3A_49  : i32 {
      %mul3A_60 = arith.constant 5 : i32
      %mul3A_61 = arith.muli %scan3A_59, %mul3A_60 : i32
      %add3A_62 = arith.constant 0 : i32
      %add3A_63 = arith.addi %add3A_62, %mul3A_61 : i32
      %dma_wait3A = arith.constant 0 : i32
      %dma_wait3A_64 = arith.constant 0 : i32
      %dma_wait3A_65 = tpu.memref_slice %arg2[%dma_wait3A, %dma_wait3A_64] : memref<10240x16xf32, #tpu.memory_space<hbm>> -> memref<128x16xf32, #tpu.memory_space<hbm>>
      %dma_wait3A_66 = arith.constant 0 : i32
      %dma_wait3A_67 = arith.constant 0 : i32
      %dma_wait3A_68 = tpu.memref_slice %arg2[%dma_wait3A_66, %dma_wait3A_67] : memref<10240x16xf32, #tpu.memory_space<hbm>> -> memref<128x16xf32, #tpu.memory_space<hbm>>
      tpu.wait_dma2 semaphore(%arg15 : memref<!tpu.dma_semaphore, #tpu.memory_space<semaphore_mem>>) src(%dma_wait3A_68 : memref<128x16xf32, #tpu.memory_space<hbm>>) dst(%arg9 : memref<128x16xf32, #tpu.memory_space<vmem>>)
      %add3A_69 = arith.constant 0 : i32
      %add3A_70 = arith.addi %add3A_63, %add3A_69 : i32
      %dma_start3A_71 = arith.constant 0 : i32
      %dma_start3A_72 = tpu.memref_slice %arg8[%add3A_70, %dma_start3A_71] : memref<80x128xi32, #tpu.memory_space<vmem>> -> memref<1x128xi32, #tpu.memory_space<vmem>>
      %dma_start3A_73 = tpu.memref_squeeze %dma_start3A_72 : memref<1x128xi32, #tpu.memory_space<vmem>> -> memref<128xi32, #tpu.memory_space<vmem>>
      %dma_start3A_74 = arith.constant 0 : i32
      %dma_start3A_75 = arith.constant 0 : i32
      %dma_start3A_76 = tpu.memref_slice %arg14[%dma_start3A_74, %dma_start3A_75] : memref<10240x16xf32, #tpu.memory_space<vmem_shared>> -> memref<10240x16xf32, #tpu.memory_space<vmem_shared>>
      tpu.enqueue_indirect_dma source(%arg9 : memref<128x16xf32, #tpu.memory_space<vmem>>) target(%dma_start3A_76 : memref<10240x16xf32, #tpu.memory_space<vmem_shared>>) offsets(%dma_start3A_73 : memref<128xi32, #tpu.memory_space<vmem>>) semaphore(%arg20 : memref<!tpu.dma_semaphore, #tpu.memory_space<semaphore_mem>>) {add = true}
      %dma_wait3A_77 = arith.constant 0 : i32
      %dma_wait3A_78 = arith.constant 0 : i32
      %dma_wait3A_79 = tpu.memref_slice %arg2[%dma_wait3A_77, %dma_wait3A_78] : memref<10240x16xf32, #tpu.memory_space<hbm>> -> memref<128x16xf32, #tpu.memory_space<hbm>>
      %dma_wait3A_80 = arith.constant 0 : i32
      %dma_wait3A_81 = arith.constant 0 : i32
      %dma_wait3A_82 = tpu.memref_slice %arg2[%dma_wait3A_80, %dma_wait3A_81] : memref<10240x16xf32, #tpu.memory_space<hbm>> -> memref<128x16xf32, #tpu.memory_space<hbm>>
      tpu.wait_dma2 semaphore(%arg16 : memref<!tpu.dma_semaphore, #tpu.memory_space<semaphore_mem>>) src(%dma_wait3A_82 : memref<128x16xf32, #tpu.memory_space<hbm>>) dst(%arg10 : memref<128x16xf32, #tpu.memory_space<vmem>>)
      %add3A_83 = arith.constant 1 : i32
      %add3A_84 = arith.addi %add3A_63, %add3A_83 : i32
      %dma_start3A_85 = arith.constant 0 : i32
      %dma_start3A_86 = tpu.memref_slice %arg8[%add3A_84, %dma_start3A_85] : memref<80x128xi32, #tpu.memory_space<vmem>> -> memref<1x128xi32, #tpu.memory_space<vmem>>
      %dma_start3A_87 = tpu.memref_squeeze %dma_start3A_86 : memref<1x128xi32, #tpu.memory_space<vmem>> -> memref<128xi32, #tpu.memory_space<vmem>>
      %dma_start3A_88 = arith.constant 0 : i32
      %dma_start3A_89 = arith.constant 0 : i32
      %dma_start3A_90 = tpu.memref_slice %arg14[%dma_start3A_88, %dma_start3A_89] : memref<10240x16xf32, #tpu.memory_space<vmem_shared>> -> memref<10240x16xf32, #tpu.memory_space<vmem_shared>>
      tpu.enqueue_indirect_dma source(%arg10 : memref<128x16xf32, #tpu.memory_space<vmem>>) target(%dma_start3A_90 : memref<10240x16xf32, #tpu.memory_space<vmem_shared>>) offsets(%dma_start3A_87 : memref<128xi32, #tpu.memory_space<vmem>>) semaphore(%arg21 : memref<!tpu.dma_semaphore, #tpu.memory_space<semaphore_mem>>) {add = true}
      %dma_wait3A_91 = arith.constant 0 : i32
      %dma_wait3A_92 = arith.constant 0 : i32
      %dma_wait3A_93 = tpu.memref_slice %arg2[%dma_wait3A_91, %dma_wait3A_92] : memref<10240x16xf32, #tpu.memory_space<hbm>> -> memref<128x16xf32, #tpu.memory_space<hbm>>
      %dma_wait3A_94 = arith.constant 0 : i32
      %dma_wait3A_95 = arith.constant 0 : i32
      %dma_wait3A_96 = tpu.memref_slice %arg2[%dma_wait3A_94, %dma_wait3A_95] : memref<10240x16xf32, #tpu.memory_space<hbm>> -> memref<128x16xf32, #tpu.memory_space<hbm>>
      tpu.wait_dma2 semaphore(%arg17 : memref<!tpu.dma_semaphore, #tpu.memory_space<semaphore_mem>>) src(%dma_wait3A_96 : memref<128x16xf32, #tpu.memory_space<hbm>>) dst(%arg11 : memref<128x16xf32, #tpu.memory_space<vmem>>)
      %add3A_97 = arith.constant 2 : i32
      %add3A_98 = arith.addi %add3A_63, %add3A_97 : i32
      %dma_start3A_99 = arith.constant 0 : i32
      %dma_start3A_100 = tpu.memref_slice %arg8[%add3A_98, %dma_start3A_99] : memref<80x128xi32, #tpu.memory_space<vmem>> -> memref<1x128xi32, #tpu.memory_space<vmem>>
      %dma_start3A_101 = tpu.memref_squeeze %dma_start3A_100 : memref<1x128xi32, #tpu.memory_space<vmem>> -> memref<128xi32, #tpu.memory_space<vmem>>
      %dma_start3A_102 = arith.constant 0 : i32
      %dma_start3A_103 = arith.constant 0 : i32
      %dma_start3A_104 = tpu.memref_slice %arg14[%dma_start3A_102, %dma_start3A_103] : memref<10240x16xf32, #tpu.memory_space<vmem_shared>> -> memref<10240x16xf32, #tpu.memory_space<vmem_shared>>
      tpu.enqueue_indirect_dma source(%arg11 : memref<128x16xf32, #tpu.memory_space<vmem>>) target(%dma_start3A_104 : memref<10240x16xf32, #tpu.memory_space<vmem_shared>>) offsets(%dma_start3A_101 : memref<128xi32, #tpu.memory_space<vmem>>) semaphore(%arg22 : memref<!tpu.dma_semaphore, #tpu.memory_space<semaphore_mem>>) {add = true}
      %dma_wait3A_105 = arith.constant 0 : i32
      %dma_wait3A_106 = arith.constant 0 : i32
      %dma_wait3A_107 = tpu.memref_slice %arg2[%dma_wait3A_105, %dma_wait3A_106] : memref<10240x16xf32, #tpu.memory_space<hbm>> -> memref<128x16xf32, #tpu.memory_space<hbm>>
      %dma_wait3A_108 = arith.constant 0 : i32
      %dma_wait3A_109 = arith.constant 0 : i32
      %dma_wait3A_110 = tpu.memref_slice %arg2[%dma_wait3A_108, %dma_wait3A_109] : memref<10240x16xf32, #tpu.memory_space<hbm>> -> memref<128x16xf32, #tpu.memory_space<hbm>>
      tpu.wait_dma2 semaphore(%arg18 : memref<!tpu.dma_semaphore, #tpu.memory_space<semaphore_mem>>) src(%dma_wait3A_110 : memref<128x16xf32, #tpu.memory_space<hbm>>) dst(%arg12 : memref<128x16xf32, #tpu.memory_space<vmem>>)
      %add3A_111 = arith.constant 3 : i32
      %add3A_112 = arith.addi %add3A_63, %add3A_111 : i32
      %dma_start3A_113 = arith.constant 0 : i32
      %dma_start3A_114 = tpu.memref_slice %arg8[%add3A_112, %dma_start3A_113] : memref<80x128xi32, #tpu.memory_space<vmem>> -> memref<1x128xi32, #tpu.memory_space<vmem>>
      %dma_start3A_115 = tpu.memref_squeeze %dma_start3A_114 : memref<1x128xi32, #tpu.memory_space<vmem>> -> memref<128xi32, #tpu.memory_space<vmem>>
      %dma_start3A_116 = arith.constant 0 : i32
      %dma_start3A_117 = arith.constant 0 : i32
      %dma_start3A_118 = tpu.memref_slice %arg14[%dma_start3A_116, %dma_start3A_117] : memref<10240x16xf32, #tpu.memory_space<vmem_shared>> -> memref<10240x16xf32, #tpu.memory_space<vmem_shared>>
      tpu.enqueue_indirect_dma source(%arg12 : memref<128x16xf32, #tpu.memory_space<vmem>>) target(%dma_start3A_118 : memref<10240x16xf32, #tpu.memory_space<vmem_shared>>) offsets(%dma_start3A_115 : memref<128xi32, #tpu.memory_space<vmem>>) semaphore(%arg23 : memref<!tpu.dma_semaphore, #tpu.memory_space<semaphore_mem>>) {add = true}
      %dma_wait3A_119 = arith.constant 0 : i32
      %dma_wait3A_120 = arith.constant 0 : i32
      %dma_wait3A_121 = tpu.memref_slice %arg2[%dma_wait3A_119, %dma_wait3A_120] : memref<10240x16xf32, #tpu.memory_space<hbm>> -> memref<128x16xf32, #tpu.memory_space<hbm>>
      %dma_wait3A_122 = arith.constant 0 : i32
      %dma_wait3A_123 = arith.constant 0 : i32
      %dma_wait3A_124 = tpu.memref_slice %arg2[%dma_wait3A_122, %dma_wait3A_123] : memref<10240x16xf32, #tpu.memory_space<hbm>> -> memref<128x16xf32, #tpu.memory_space<hbm>>
      tpu.wait_dma2 semaphore(%arg19 : memref<!tpu.dma_semaphore, #tpu.memory_space<semaphore_mem>>) src(%dma_wait3A_124 : memref<128x16xf32, #tpu.memory_space<hbm>>) dst(%arg13 : memref<128x16xf32, #tpu.memory_space<vmem>>)
      %add3A_125 = arith.constant 4 : i32
      %add3A_126 = arith.addi %add3A_63, %add3A_125 : i32
      %dma_start3A_127 = arith.constant 0 : i32
      %dma_start3A_128 = tpu.memref_slice %arg8[%add3A_126, %dma_start3A_127] : memref<80x128xi32, #tpu.memory_space<vmem>> -> memref<1x128xi32, #tpu.memory_space<vmem>>
      %dma_start3A_129 = tpu.memref_squeeze %dma_start3A_128 : memref<1x128xi32, #tpu.memory_space<vmem>> -> memref<128xi32, #tpu.memory_space<vmem>>
      %dma_start3A_130 = arith.constant 0 : i32
      %dma_start3A_131 = arith.constant 0 : i32
      %dma_start3A_132 = tpu.memref_slice %arg14[%dma_start3A_130, %dma_start3A_131] : memref<10240x16xf32, #tpu.memory_space<vmem_shared>> -> memref<10240x16xf32, #tpu.memory_space<vmem_shared>>
      tpu.enqueue_indirect_dma source(%arg13 : memref<128x16xf32, #tpu.memory_space<vmem>>) target(%dma_start3A_132 : memref<10240x16xf32, #tpu.memory_space<vmem_shared>>) offsets(%dma_start3A_129 : memref<128xi32, #tpu.memory_space<vmem>>) semaphore(%arg24 : memref<!tpu.dma_semaphore, #tpu.memory_space<semaphore_mem>>) {add = true}
      %dma_wait3A_133 = arith.constant 0 : i32
      %dma_wait3A_134 = arith.constant 0 : i32
      %dma_wait3A_135 = tpu.memref_slice %arg14[%dma_wait3A_133, %dma_wait3A_134] : memref<10240x16xf32, #tpu.memory_space<vmem_shared>> -> memref<128x16xf32, #tpu.memory_space<vmem_shared>>
      %dma_wait3A_136 = arith.constant 0 : i32
      %dma_wait3A_137 = arith.constant 0 : i32
      %dma_wait3A_138 = tpu.memref_slice %arg14[%dma_wait3A_136, %dma_wait3A_137] : memref<10240x16xf32, #tpu.memory_space<vmem_shared>> -> memref<128x16xf32, #tpu.memory_space<vmem_shared>>
      tpu.wait_dma2 semaphore(%arg20 : memref<!tpu.dma_semaphore, #tpu.memory_space<semaphore_mem>>) src(%arg9 : memref<128x16xf32, #tpu.memory_space<vmem>>) dst(%dma_wait3A_138 : memref<128x16xf32, #tpu.memory_space<vmem_shared>>)
      %add3A_139 = arith.constant 5 : i32
      %add3A_140 = arith.addi %add3A_63, %add3A_139 : i32
      %lt3A = arith.constant 80 : i32
      %lt3A_141 = arith.cmpi slt, %add3A_140, %lt3A : i32
      %convert_element_type3A_142 = arith.extui %lt3A_141 : i1 to i32
      %cond3A_143 = arith.constant 0 : i32
      %cond3A_144 = arith.cmpi ne, %convert_element_type3A_142, %cond3A_143 : i32
      scf.if %cond3A_144 {
        %add3A_197 = arith.constant 5 : i32
        %add3A_198 = arith.addi %add3A_63, %add3A_197 : i32
        %dma_start3A_199 = arith.constant 0 : i32
        %dma_start3A_200 = tpu.memref_slice %arg7[%add3A_198, %dma_start3A_199] : memref<80x128xi32, #tpu.memory_space<vmem>> -> memref<1x128xi32, #tpu.memory_space<vmem>>
        %dma_start3A_201 = tpu.memref_squeeze %dma_start3A_200 : memref<1x128xi32, #tpu.memory_space<vmem>> -> memref<128xi32, #tpu.memory_space<vmem>>
        %dma_start3A_202 = arith.constant 0 : i32
        %dma_start3A_203 = arith.constant 0 : i32
        %dma_start3A_204 = tpu.memref_slice %arg2[%dma_start3A_202, %dma_start3A_203] : memref<10240x16xf32, #tpu.memory_space<hbm>> -> memref<10240x16xf32, #tpu.memory_space<hbm>>
        tpu.enqueue_indirect_dma source(%dma_start3A_204 : memref<10240x16xf32, #tpu.memory_space<hbm>>) target(%arg9 : memref<128x16xf32, #tpu.memory_space<vmem>>) offsets(%dma_start3A_201 : memref<128xi32, #tpu.memory_space<vmem>>) semaphore(%arg15 : memref<!tpu.dma_semaphore, #tpu.memory_space<semaphore_mem>>)
      } else {
      }
      %dma_wait3A_145 = arith.constant 0 : i32
      %dma_wait3A_146 = arith.constant 0 : i32
      %dma_wait3A_147 = tpu.memref_slice %arg14[%dma_wait3A_145, %dma_wait3A_146] : memref<10240x16xf32, #tpu.memory_space<vmem_shared>> -> memref<128x16xf32, #tpu.memory_space<vmem_shared>>
      %dma_wait3A_148 = arith.constant 0 : i32
      %dma_wait3A_149 = arith.constant 0 : i32
      %dma_wait3A_150 = tpu.memref_slice %arg14[%dma_wait3A_148, %dma_wait3A_149] : memref<10240x16xf32, #tpu.memory_space<vmem_shared>> -> memref<128x16xf32, #tpu.memory_space<vmem_shared>>
      tpu.wait_dma2 semaphore(%arg21 : memref<!tpu.dma_semaphore, #tpu.memory_space<semaphore_mem>>) src(%arg10 : memref<128x16xf32, #tpu.memory_space<vmem>>) dst(%dma_wait3A_150 : memref<128x16xf32, #tpu.memory_space<vmem_shared>>)
      %add3A_151 = arith.constant 6 : i32
      %add3A_152 = arith.addi %add3A_63, %add3A_151 : i32
      %lt3A_153 = arith.constant 80 : i32
      %lt3A_154 = arith.cmpi slt, %add3A_152, %lt3A_153 : i32
      %convert_element_type3A_155 = arith.extui %lt3A_154 : i1 to i32
      %cond3A_156 = arith.constant 0 : i32
      %cond3A_157 = arith.cmpi ne, %convert_element_type3A_155, %cond3A_156 : i32
      scf.if %cond3A_157 {
        %add3A_197 = arith.constant 6 : i32
        %add3A_198 = arith.addi %add3A_63, %add3A_197 : i32
        %dma_start3A_199 = arith.constant 0 : i32
        %dma_start3A_200 = tpu.memref_slice %arg7[%add3A_198, %dma_start3A_199] : memref<80x128xi32, #tpu.memory_space<vmem>> -> memref<1x128xi32, #tpu.memory_space<vmem>>
        %dma_start3A_201 = tpu.memref_squeeze %dma_start3A_200 : memref<1x128xi32, #tpu.memory_space<vmem>> -> memref<128xi32, #tpu.memory_space<vmem>>
        %dma_start3A_202 = arith.constant 0 : i32
        %dma_start3A_203 = arith.constant 0 : i32
        %dma_start3A_204 = tpu.memref_slice %arg2[%dma_start3A_202, %dma_start3A_203] : memref<10240x16xf32, #tpu.memory_space<hbm>> -> memref<10240x16xf32, #tpu.memory_space<hbm>>
        tpu.enqueue_indirect_dma source(%dma_start3A_204 : memref<10240x16xf32, #tpu.memory_space<hbm>>) target(%arg10 : memref<128x16xf32, #tpu.memory_space<vmem>>) offsets(%dma_start3A_201 : memref<128xi32, #tpu.memory_space<vmem>>) semaphore(%arg16 : memref<!tpu.dma_semaphore, #tpu.memory_space<semaphore_mem>>)
      } else {
      }
      %dma_wait3A_158 = arith.constant 0 : i32
      %dma_wait3A_159 = arith.constant 0 : i32
      %dma_wait3A_160 = tpu.memref_slice %arg14[%dma_wait3A_158, %dma_wait3A_159] : memref<10240x16xf32, #tpu.memory_space<vmem_shared>> -> memref<128x16xf32, #tpu.memory_space<vmem_shared>>
      %dma_wait3A_161 = arith.constant 0 : i32
      %dma_wait3A_162 = arith.constant 0 : i32
      %dma_wait3A_163 = tpu.memref_slice %arg14[%dma_wait3A_161, %dma_wait3A_162] : memref<10240x16xf32, #tpu.memory_space<vmem_shared>> -> memref<128x16xf32, #tpu.memory_space<vmem_shared>>
      tpu.wait_dma2 semaphore(%arg22 : memref<!tpu.dma_semaphore, #tpu.memory_space<semaphore_mem>>) src(%arg11 : memref<128x16xf32, #tpu.memory_space<vmem>>) dst(%dma_wait3A_163 : memref<128x16xf32, #tpu.memory_space<vmem_shared>>)
      %add3A_164 = arith.constant 7 : i32
      %add3A_165 = arith.addi %add3A_63, %add3A_164 : i32
      %lt3A_166 = arith.constant 80 : i32
      %lt3A_167 = arith.cmpi slt, %add3A_165, %lt3A_166 : i32
      %convert_element_type3A_168 = arith.extui %lt3A_167 : i1 to i32
      %cond3A_169 = arith.constant 0 : i32
      %cond3A_170 = arith.cmpi ne, %convert_element_type3A_168, %cond3A_169 : i32
      scf.if %cond3A_170 {
        %add3A_197 = arith.constant 7 : i32
        %add3A_198 = arith.addi %add3A_63, %add3A_197 : i32
        %dma_start3A_199 = arith.constant 0 : i32
        %dma_start3A_200 = tpu.memref_slice %arg7[%add3A_198, %dma_start3A_199] : memref<80x128xi32, #tpu.memory_space<vmem>> -> memref<1x128xi32, #tpu.memory_space<vmem>>
        %dma_start3A_201 = tpu.memref_squeeze %dma_start3A_200 : memref<1x128xi32, #tpu.memory_space<vmem>> -> memref<128xi32, #tpu.memory_space<vmem>>
        %dma_start3A_202 = arith.constant 0 : i32
        %dma_start3A_203 = arith.constant 0 : i32
        %dma_start3A_204 = tpu.memref_slice %arg2[%dma_start3A_202, %dma_start3A_203] : memref<10240x16xf32, #tpu.memory_space<hbm>> -> memref<10240x16xf32, #tpu.memory_space<hbm>>
        tpu.enqueue_indirect_dma source(%dma_start3A_204 : memref<10240x16xf32, #tpu.memory_space<hbm>>) target(%arg11 : memref<128x16xf32, #tpu.memory_space<vmem>>) offsets(%dma_start3A_201 : memref<128xi32, #tpu.memory_space<vmem>>) semaphore(%arg17 : memref<!tpu.dma_semaphore, #tpu.memory_space<semaphore_mem>>)
      } else {
      }
      %dma_wait3A_171 = arith.constant 0 : i32
      %dma_wait3A_172 = arith.constant 0 : i32
      %dma_wait3A_173 = tpu.memref_slice %arg14[%dma_wait3A_171, %dma_wait3A_172] : memref<10240x16xf32, #tpu.memory_space<vmem_shared>> -> memref<128x16xf32, #tpu.memory_space<vmem_shared>>
      %dma_wait3A_174 = arith.constant 0 : i32
      %dma_wait3A_175 = arith.constant 0 : i32
      %dma_wait3A_176 = tpu.memref_slice %arg14[%dma_wait3A_174, %dma_wait3A_175] : memref<10240x16xf32, #tpu.memory_space<vmem_shared>> -> memref<128x16xf32, #tpu.memory_space<vmem_shared>>
      tpu.wait_dma2 semaphore(%arg23 : memref<!tpu.dma_semaphore, #tpu.memory_space<semaphore_mem>>) src(%arg12 : memref<128x16xf32, #tpu.memory_space<vmem>>) dst(%dma_wait3A_176 : memref<128x16xf32, #tpu.memory_space<vmem_shared>>)
      %add3A_177 = arith.constant 8 : i32
      %add3A_178 = arith.addi %add3A_63, %add3A_177 : i32
      %lt3A_179 = arith.constant 80 : i32
      %lt3A_180 = arith.cmpi slt, %add3A_178, %lt3A_179 : i32
      %convert_element_type3A_181 = arith.extui %lt3A_180 : i1 to i32
      %cond3A_182 = arith.constant 0 : i32
      %cond3A_183 = arith.cmpi ne, %convert_element_type3A_181, %cond3A_182 : i32
      scf.if %cond3A_183 {
        %add3A_197 = arith.constant 8 : i32
        %add3A_198 = arith.addi %add3A_63, %add3A_197 : i32
        %dma_start3A_199 = arith.constant 0 : i32
        %dma_start3A_200 = tpu.memref_slice %arg7[%add3A_198, %dma_start3A_199] : memref<80x128xi32, #tpu.memory_space<vmem>> -> memref<1x128xi32, #tpu.memory_space<vmem>>
        %dma_start3A_201 = tpu.memref_squeeze %dma_start3A_200 : memref<1x128xi32, #tpu.memory_space<vmem>> -> memref<128xi32, #tpu.memory_space<vmem>>
        %dma_start3A_202 = arith.constant 0 : i32
        %dma_start3A_203 = arith.constant 0 : i32
        %dma_start3A_204 = tpu.memref_slice %arg2[%dma_start3A_202, %dma_start3A_203] : memref<10240x16xf32, #tpu.memory_space<hbm>> -> memref<10240x16xf32, #tpu.memory_space<hbm>>
        tpu.enqueue_indirect_dma source(%dma_start3A_204 : memref<10240x16xf32, #tpu.memory_space<hbm>>) target(%arg12 : memref<128x16xf32, #tpu.memory_space<vmem>>) offsets(%dma_start3A_201 : memref<128xi32, #tpu.memory_space<vmem>>) semaphore(%arg18 : memref<!tpu.dma_semaphore, #tpu.memory_space<semaphore_mem>>)
      } else {
      }
      %dma_wait3A_184 = arith.constant 0 : i32
      %dma_wait3A_185 = arith.constant 0 : i32
      %dma_wait3A_186 = tpu.memref_slice %arg14[%dma_wait3A_184, %dma_wait3A_185] : memref<10240x16xf32, #tpu.memory_space<vmem_shared>> -> memref<128x16xf32, #tpu.memory_space<vmem_shared>>
      %dma_wait3A_187 = arith.constant 0 : i32
      %dma_wait3A_188 = arith.constant 0 : i32
      %dma_wait3A_189 = tpu.memref_slice %arg14[%dma_wait3A_187, %dma_wait3A_188] : memref<10240x16xf32, #tpu.memory_space<vmem_shared>> -> memref<128x16xf32, #tpu.memory_space<vmem_shared>>
      tpu.wait_dma2 semaphore(%arg24 : memref<!tpu.dma_semaphore, #tpu.memory_space<semaphore_mem>>) src(%arg13 : memref<128x16xf32, #tpu.memory_space<vmem>>) dst(%dma_wait3A_189 : memref<128x16xf32, #tpu.memory_space<vmem_shared>>)
      %add3A_190 = arith.constant 9 : i32
      %add3A_191 = arith.addi %add3A_63, %add3A_190 : i32
      %lt3A_192 = arith.constant 80 : i32
      %lt3A_193 = arith.cmpi slt, %add3A_191, %lt3A_192 : i32
      %convert_element_type3A_194 = arith.extui %lt3A_193 : i1 to i32
      %cond3A_195 = arith.constant 0 : i32
      %cond3A_196 = arith.cmpi ne, %convert_element_type3A_194, %cond3A_195 : i32
      scf.if %cond3A_196 {
        %add3A_197 = arith.constant 9 : i32
        %add3A_198 = arith.addi %add3A_63, %add3A_197 : i32
        %dma_start3A_199 = arith.constant 0 : i32
        %dma_start3A_200 = tpu.memref_slice %arg7[%add3A_198, %dma_start3A_199] : memref<80x128xi32, #tpu.memory_space<vmem>> -> memref<1x128xi32, #tpu.memory_space<vmem>>
        %dma_start3A_201 = tpu.memref_squeeze %dma_start3A_200 : memref<1x128xi32, #tpu.memory_space<vmem>> -> memref<128xi32, #tpu.memory_space<vmem>>
        %dma_start3A_202 = arith.constant 0 : i32
        %dma_start3A_203 = arith.constant 0 : i32
        %dma_start3A_204 = tpu.memref_slice %arg2[%dma_start3A_202, %dma_start3A_203] : memref<10240x16xf32, #tpu.memory_space<hbm>> -> memref<10240x16xf32, #tpu.memory_space<hbm>>
        tpu.enqueue_indirect_dma source(%dma_start3A_204 : memref<10240x16xf32, #tpu.memory_space<hbm>>) target(%arg13 : memref<128x16xf32, #tpu.memory_space<vmem>>) offsets(%dma_start3A_201 : memref<128xi32, #tpu.memory_space<vmem>>) semaphore(%arg19 : memref<!tpu.dma_semaphore, #tpu.memory_space<semaphore_mem>>)
      } else {
      }
    }
    %scan3A_50 = arith.constant 16 : i32
    %barrier3A_51 = arith.constant 0 : index
    tpu.barrier barrier_id(%barrier3A_51)
    %eq3A = arith.constant 0 : i32
    %eq3A_52 = arith.cmpi eq, %arg0, %eq3A : i32
    %convert_element_type3A = arith.extui %eq3A_52 : i1 to i32
    %cond3A = arith.constant 0 : i32
    %cond3A_53 = arith.cmpi ne, %convert_element_type3A, %cond3A : i32
    scf.if %cond3A_53 {
      %mul3A_59 = arith.constant 640 : i32
      %mul3A_60 = arith.muli %arg1, %mul3A_59 : i32
      %mul3A_61 = arith.constant 640 : i32
      %mul3A_62 = arith.muli %arg1, %mul3A_61 : i32
      "tpu.region"() ({
        %run_scoped3A = tpu.sem_alloc : memref<!tpu.dma_semaphore, #tpu.memory_space<semaphore_mem>>
        %dma_start3A_63 = arith.constant 0 : i32
        %dma_start3A_64 = tpu.memref_slice %arg5[%mul3A_62, %dma_start3A_63] : memref<10240x16xf32, #tpu.memory_space<hbm>> -> memref<640x16xf32, #tpu.memory_space<hbm>>
        %dma_start3A_65 = arith.constant 0 : i32
        %dma_start3A_66 = tpu.memref_slice %arg14[%mul3A_60, %dma_start3A_65] : memref<10240x16xf32, #tpu.memory_space<vmem_shared>> -> memref<640x16xf32, #tpu.memory_space<vmem_shared>>
        tpu.enqueue_dma source(%dma_start3A_66 : memref<640x16xf32, #tpu.memory_space<vmem_shared>>) target(%dma_start3A_64 : memref<640x16xf32, #tpu.memory_space<hbm>>) target_semaphore(%run_scoped3A : memref<!tpu.dma_semaphore, #tpu.memory_space<semaphore_mem>>)
        %dma_wait3A = arith.constant 0 : i32
        %dma_wait3A_67 = tpu.memref_slice %arg5[%mul3A_62, %dma_wait3A] : memref<10240x16xf32, #tpu.memory_space<hbm>> -> memref<640x16xf32, #tpu.memory_space<hbm>>
        %dma_wait3A_68 = arith.constant 0 : i32
        %dma_wait3A_69 = tpu.memref_slice %arg14[%mul3A_60, %dma_wait3A_68] : memref<10240x16xf32, #tpu.memory_space<vmem_shared>> -> memref<640x16xf32, #tpu.memory_space<vmem_shared>>
        tpu.wait_dma2 semaphore(%run_scoped3A : memref<!tpu.dma_semaphore, #tpu.memory_space<semaphore_mem>>) src(%dma_wait3A_69 : memref<640x16xf32, #tpu.memory_space<vmem_shared>>) dst(%dma_wait3A_67 : memref<640x16xf32, #tpu.memory_space<hbm>>)
        tpu.yield
      }) : () -> ()
    } else {
    }
    %eq3A_54 = arith.constant 1 : i32
    %eq3A_55 = arith.cmpi eq, %arg0, %eq3A_54 : i32
    %convert_element_type3A_56 = arith.extui %eq3A_55 : i1 to i32
    %cond3A_57 = arith.constant 0 : i32
    %cond3A_58 = arith.cmpi ne, %convert_element_type3A_56, %cond3A_57 : i32
    scf.if %cond3A_58 {
      %mul3A_59 = arith.constant 640 : i32
      %mul3A_60 = arith.muli %arg1, %mul3A_59 : i32
      %mul3A_61 = arith.constant 640 : i32
      %mul3A_62 = arith.muli %arg1, %mul3A_61 : i32
      "tpu.region"() ({
        %run_scoped3A = tpu.sem_alloc : memref<!tpu.dma_semaphore, #tpu.memory_space<semaphore_mem>>
        %dma_start3A_63 = arith.constant 0 : i32
        %dma_start3A_64 = tpu.memref_slice %arg6[%mul3A_62, %dma_start3A_63] : memref<10240x16xf32, #tpu.memory_space<hbm>> -> memref<640x16xf32, #tpu.memory_space<hbm>>
        %dma_start3A_65 = arith.constant 0 : i32
        %dma_start3A_66 = tpu.memref_slice %arg14[%mul3A_60, %dma_start3A_65] : memref<10240x16xf32, #tpu.memory_space<vmem_shared>> -> memref<640x16xf32, #tpu.memory_space<vmem_shared>>
        tpu.enqueue_dma source(%dma_start3A_66 : memref<640x16xf32, #tpu.memory_space<vmem_shared>>) target(%dma_start3A_64 : memref<640x16xf32, #tpu.memory_space<hbm>>) target_semaphore(%run_scoped3A : memref<!tpu.dma_semaphore, #tpu.memory_space<semaphore_mem>>)
        %dma_wait3A = arith.constant 0 : i32
        %dma_wait3A_67 = tpu.memref_slice %arg6[%mul3A_62, %dma_wait3A] : memref<10240x16xf32, #tpu.memory_space<hbm>> -> memref<640x16xf32, #tpu.memory_space<hbm>>
        %dma_wait3A_68 = arith.constant 0 : i32
        %dma_wait3A_69 = tpu.memref_slice %arg14[%mul3A_60, %dma_wait3A_68] : memref<10240x16xf32, #tpu.memory_space<vmem_shared>> -> memref<640x16xf32, #tpu.memory_space<vmem_shared>>
        tpu.wait_dma2 semaphore(%run_scoped3A : memref<!tpu.dma_semaphore, #tpu.memory_space<semaphore_mem>>) src(%dma_wait3A_69 : memref<640x16xf32, #tpu.memory_space<vmem_shared>>) dst(%dma_wait3A_67 : memref<640x16xf32, #tpu.memory_space<hbm>>)
        tpu.yield
      }) : () -> ()
    } else {
    }
    return
  }
}

module attributes {stable_mosaic.version = 14 : i64} {
  func.func @_tc_pre(%arg0: memref<5120x256xf32, #tpu.memory_space<vmem>>, %arg1: memref<5120x32xf32, #tpu.memory_space<vmem>>, %arg2: memref<5120x32xf32, #tpu.memory_space<vmem>>, %arg3: memref<5120x32xf32, #tpu.memory_space<vmem>>, %arg4: memref<5120x32xf32, #tpu.memory_space<vmem>>, %arg5: memref<5120x128xf32, #tpu.memory_space<vmem>>, %arg6: memref<5120x128xf32, #tpu.memory_space<vmem>>, %arg7: memref<5120x1xf32, #tpu.memory_space<vmem>>, %arg8: memref<5120x1xf32, #tpu.memory_space<vmem>>, %arg9: memref<5120x1xf32, #tpu.memory_space<vmem>>, %arg10: memref<5120x1xf32, #tpu.memory_space<vmem>>) attributes {dimension_semantics = [], scalar_prefetch = 0 : i64, scratch_operands = 0 : i64, tpu.core_type = #tpu.core_type<tc>} {
    %get3A = arith.constant 0 : index
    %get3A_0 = arith.constant 0 : index
    %get3A_1 = vector.load %arg1[%get3A, %get3A_0] : memref<5120x32xf32, #tpu.memory_space<vmem>>, vector<5120x32xf32>
    %get3A_2 = arith.constant 0 : index
    %get3A_3 = arith.constant 0 : index
    %get3A_4 = vector.load %arg2[%get3A_2, %get3A_3] : memref<5120x32xf32, #tpu.memory_space<vmem>>, vector<5120x32xf32>
    %add3A = arith.addf %get3A_1, %get3A_4 : vector<5120x32xf32>
    %get3A_5 = arith.constant 0 : index
    %get3A_6 = arith.constant 0 : index
    %get3A_7 = vector.load %arg3[%get3A_5, %get3A_6] : memref<5120x32xf32, #tpu.memory_space<vmem>>, vector<5120x32xf32>
    %get3A_8 = arith.constant 0 : index
    %get3A_9 = arith.constant 0 : index
    %get3A_10 = vector.load %arg4[%get3A_8, %get3A_9] : memref<5120x32xf32, #tpu.memory_space<vmem>>, vector<5120x32xf32>
    %add3A_11 = arith.addf %get3A_7, %get3A_10 : vector<5120x32xf32>
    %slice3A = vector.extract_strided_slice %add3A {offsets = [0, 0], sizes = [5120, 1], strides = [1, 1]} : vector<5120x32xf32> to vector<5120x1xf32>
    %max3A = arith.constant 1.000000e+00 : f32
    %max3A_12 = vector.broadcast %max3A : f32 to vector<5120x1xf32>
    %max3A_13 = arith.maximumf %slice3A, %max3A_12 : vector<5120x1xf32>
    %rsqrt3A = math.rsqrt %max3A_13 : vector<5120x1xf32>
    %slice3A_14 = vector.extract_strided_slice %add3A {offsets = [0, 16], sizes = [5120, 1], strides = [1, 1]} : vector<5120x32xf32> to vector<5120x1xf32>
    %max3A_15 = arith.constant 1.000000e+00 : f32
    %max3A_16 = vector.broadcast %max3A_15 : f32 to vector<5120x1xf32>
    %max3A_17 = arith.maximumf %slice3A_14, %max3A_16 : vector<5120x1xf32>
    %rsqrt3A_18 = math.rsqrt %max3A_17 : vector<5120x1xf32>
    %slice3A_19 = vector.extract_strided_slice %add3A_11 {offsets = [0, 0], sizes = [5120, 1], strides = [1, 1]} : vector<5120x32xf32> to vector<5120x1xf32>
    %max3A_20 = arith.constant 1.000000e+00 : f32
    %max3A_21 = vector.broadcast %max3A_20 : f32 to vector<5120x1xf32>
    %max3A_22 = arith.maximumf %slice3A_19, %max3A_21 : vector<5120x1xf32>
    %rsqrt3A_23 = math.rsqrt %max3A_22 : vector<5120x1xf32>
    %slice3A_24 = vector.extract_strided_slice %add3A_11 {offsets = [0, 16], sizes = [5120, 1], strides = [1, 1]} : vector<5120x32xf32> to vector<5120x1xf32>
    %max3A_25 = arith.constant 1.000000e+00 : f32
    %max3A_26 = vector.broadcast %max3A_25 : f32 to vector<5120x1xf32>
    %max3A_27 = arith.maximumf %slice3A_24, %max3A_26 : vector<5120x1xf32>
    %rsqrt3A_28 = math.rsqrt %max3A_27 : vector<5120x1xf32>
    %get3A_29 = arith.constant 0 : index
    %get3A_30 = arith.constant 0 : index
    %get3A_31 = vector.load %arg0[%get3A_29, %get3A_30] : memref<5120x256xf32, #tpu.memory_space<vmem>>, vector<5120x256xf32>
    %slice3A_32 = vector.extract_strided_slice %get3A_31 {offsets = [0, 0], sizes = [5120, 128], strides = [1, 1]} : vector<5120x256xf32> to vector<5120x128xf32>
    %mul3A = vector.broadcast %rsqrt3A : vector<5120x1xf32> to vector<5120x128xf32>
    %mul3A_33 = arith.mulf %slice3A_32, %mul3A : vector<5120x128xf32>
    %slice3A_34 = vector.extract_strided_slice %get3A_31 {offsets = [0, 128], sizes = [5120, 128], strides = [1, 1]} : vector<5120x256xf32> to vector<5120x128xf32>
    %mul3A_35 = vector.broadcast %rsqrt3A_18 : vector<5120x1xf32> to vector<5120x128xf32>
    %mul3A_36 = arith.mulf %slice3A_34, %mul3A_35 : vector<5120x128xf32>
    %slice3A_37 = vector.extract_strided_slice %mul3A_33 {offsets = [0, 0], sizes = [5120, 64], strides = [1, 1]} : vector<5120x128xf32> to vector<5120x64xf32>
    %slice3A_38 = vector.extract_strided_slice %mul3A_36 {offsets = [0, 0], sizes = [5120, 64], strides = [1, 1]} : vector<5120x128xf32> to vector<5120x64xf32>
    %concatenate3A = tpu.concatenate %slice3A_37, %slice3A_38 in 1 : vector<5120x64xf32>, vector<5120x64xf32> -> vector<5120x128xf32>
    %swap3A = arith.constant 0 : index
    %swap3A_39 = arith.constant 0 : index
    %swap3A_40 = vector.load %arg5[%swap3A, %swap3A_39] : memref<5120x128xf32, #tpu.memory_space<vmem>>, vector<5120x128xf32>
    tpu.vector_store %arg5[%swap3A, %swap3A_39], %concatenate3A {strides = array<i32>} : memref<5120x128xf32, #tpu.memory_space<vmem>>, vector<5120x128xf32>,
    %slice3A_41 = vector.extract_strided_slice %mul3A_33 {offsets = [0, 64], sizes = [5120, 64], strides = [1, 1]} : vector<5120x128xf32> to vector<5120x64xf32>
    %slice3A_42 = vector.extract_strided_slice %mul3A_36 {offsets = [0, 64], sizes = [5120, 64], strides = [1, 1]} : vector<5120x128xf32> to vector<5120x64xf32>
    %concatenate3A_43 = tpu.concatenate %slice3A_41, %slice3A_42 in 1 : vector<5120x64xf32>, vector<5120x64xf32> -> vector<5120x128xf32>
    %swap3A_44 = arith.constant 0 : index
    %swap3A_45 = arith.constant 0 : index
    %swap3A_46 = vector.load %arg6[%swap3A_44, %swap3A_45] : memref<5120x128xf32, #tpu.memory_space<vmem>>, vector<5120x128xf32>
    tpu.vector_store %arg6[%swap3A_44, %swap3A_45], %concatenate3A_43 {strides = array<i32>} : memref<5120x128xf32, #tpu.memory_space<vmem>>, vector<5120x128xf32>,
    %swap3A_47 = arith.constant 0 : index
    %swap3A_48 = arith.constant 0 : index
    %swap3A_49 = vector.load %arg7[%swap3A_47, %swap3A_48] : memref<5120x1xf32, #tpu.memory_space<vmem>>, vector<5120x1xf32>
    tpu.vector_store %arg7[%swap3A_47, %swap3A_48], %rsqrt3A {strides = array<i32>} : memref<5120x1xf32, #tpu.memory_space<vmem>>, vector<5120x1xf32>,
    %swap3A_50 = arith.constant 0 : index
    %swap3A_51 = arith.constant 0 : index
    %swap3A_52 = vector.load %arg8[%swap3A_50, %swap3A_51] : memref<5120x1xf32, #tpu.memory_space<vmem>>, vector<5120x1xf32>
    tpu.vector_store %arg8[%swap3A_50, %swap3A_51], %rsqrt3A_18 {strides = array<i32>} : memref<5120x1xf32, #tpu.memory_space<vmem>>, vector<5120x1xf32>,
    %swap3A_53 = arith.constant 0 : index
    %swap3A_54 = arith.constant 0 : index
    %swap3A_55 = vector.load %arg9[%swap3A_53, %swap3A_54] : memref<5120x1xf32, #tpu.memory_space<vmem>>, vector<5120x1xf32>
    tpu.vector_store %arg9[%swap3A_53, %swap3A_54], %rsqrt3A_23 {strides = array<i32>} : memref<5120x1xf32, #tpu.memory_space<vmem>>, vector<5120x1xf32>,
    %swap3A_56 = arith.constant 0 : index
    %swap3A_57 = arith.constant 0 : index
    %swap3A_58 = vector.load %arg10[%swap3A_56, %swap3A_57] : memref<5120x1xf32, #tpu.memory_space<vmem>>, vector<5120x1xf32>
    tpu.vector_store %arg10[%swap3A_56, %swap3A_57], %rsqrt3A_28 {strides = array<i32>} : memref<5120x1xf32, #tpu.memory_space<vmem>>, vector<5120x1xf32>,
    return
  }
}

module attributes {stable_mosaic.version = 14 : i64} {
  func.func @_tc_layer3(%arg0: memref<5120x128xf32, #tpu.memory_space<vmem>>, %arg1: memref<5120x128xf32, #tpu.memory_space<vmem>>, %arg2: memref<5120x1xf32, #tpu.memory_space<vmem>>, %arg3: memref<5120x1xf32, #tpu.memory_space<vmem>>, %arg4: memref<5120x1xf32, #tpu.memory_space<vmem>>, %arg5: memref<5120x1xf32, #tpu.memory_space<vmem>>, %arg6: memref<128x128xf32, #tpu.memory_space<vmem>>, %arg7: memref<1x128xf32, #tpu.memory_space<vmem>>, %arg8: memref<1x128xf32, #tpu.memory_space<vmem>>, %arg9: memref<1x128xf32, #tpu.memory_space<vmem>>, %arg10: memref<1x128xf32, #tpu.memory_space<vmem>>, %arg11: memref<5120x128xf32, #tpu.memory_space<vmem>>, %arg12: memref<5120x128xf32, #tpu.memory_space<vmem>>, %arg13: memref<5120x32xf32, #tpu.memory_space<vmem>>) attributes {dimension_semantics = [], scalar_prefetch = 0 : i64, scratch_operands = 0 : i64, tpu.core_type = #tpu.core_type<tc>} {
    %get3A = arith.constant 0 : index
    %get3A_0 = arith.constant 0 : index
    %get3A_1 = vector.load %arg0[%get3A, %get3A_0] : memref<5120x128xf32, #tpu.memory_space<vmem>>, vector<5120x128xf32>
    %get3A_2 = arith.constant 0 : index
    %get3A_3 = arith.constant 0 : index
    %get3A_4 = vector.load %arg1[%get3A_2, %get3A_3] : memref<5120x128xf32, #tpu.memory_space<vmem>>, vector<5120x128xf32>
    %slice3A = vector.extract_strided_slice %get3A_1 {offsets = [0, 0], sizes = [5120, 64], strides = [1, 1]} : vector<5120x128xf32> to vector<5120x64xf32>
    %slice3A_5 = vector.extract_strided_slice %get3A_4 {offsets = [0, 0], sizes = [5120, 64], strides = [1, 1]} : vector<5120x128xf32> to vector<5120x64xf32>
    %concatenate3A = tpu.concatenate %slice3A, %slice3A_5 in 1 : vector<5120x64xf32>, vector<5120x64xf32> -> vector<5120x128xf32>
    %get3A_6 = arith.constant 0 : index
    %get3A_7 = arith.constant 0 : index
    %get3A_8 = vector.load %arg2[%get3A_6, %get3A_7] : memref<5120x1xf32, #tpu.memory_space<vmem>>, vector<5120x1xf32>
    %mul3A = vector.broadcast %get3A_8 : vector<5120x1xf32> to vector<5120x128xf32>
    %mul3A_9 = arith.mulf %concatenate3A, %mul3A : vector<5120x128xf32>
    %slice3A_10 = vector.extract_strided_slice %get3A_1 {offsets = [0, 64], sizes = [5120, 64], strides = [1, 1]} : vector<5120x128xf32> to vector<5120x64xf32>
    %slice3A_11 = vector.extract_strided_slice %get3A_4 {offsets = [0, 64], sizes = [5120, 64], strides = [1, 1]} : vector<5120x128xf32> to vector<5120x64xf32>
    %concatenate3A_12 = tpu.concatenate %slice3A_10, %slice3A_11 in 1 : vector<5120x64xf32>, vector<5120x64xf32> -> vector<5120x128xf32>
    %get3A_13 = arith.constant 0 : index
    %get3A_14 = arith.constant 0 : index
    %get3A_15 = vector.load %arg3[%get3A_13, %get3A_14] : memref<5120x1xf32, #tpu.memory_space<vmem>>, vector<5120x1xf32>
    %mul3A_16 = vector.broadcast %get3A_15 : vector<5120x1xf32> to vector<5120x128xf32>
    %mul3A_17 = arith.mulf %concatenate3A_12, %mul3A_16 : vector<5120x128xf32>
    %get3A_18 = arith.constant 0 : index
    %get3A_19 = arith.constant 0 : index
    %get3A_20 = vector.load %arg6[%get3A_18, %get3A_19] : memref<128x128xf32, #tpu.memory_space<vmem>>, vector<128x128xf32>
    %dot_general3A = arith.constant dense<0.000000e+00> : vector<5120x128xf32>
    %dot_general3A_21 = tpu.matmul %mul3A_9, %get3A_20, %dot_general3A {dimension_numbers = #tpu.dot_dimension_numbers<[1], [0], [0], [1], [0, 0, 1, 1], [], []>, transpose_lhs_hint = false} : vector<5120x128xf32>, vector<128x128xf32>, vector<5120x128xf32> -> vector<5120x128xf32>
    %get3A_22 = arith.constant 0 : index
    %get3A_23 = arith.constant 0 : index
    %get3A_24 = vector.load %arg7[%get3A_22, %get3A_23] : memref<1x128xf32, #tpu.memory_space<vmem>>, vector<1x128xf32>
    %add3A = vector.broadcast %get3A_24 : vector<1x128xf32> to vector<5120x128xf32>
    %add3A_25 = arith.addf %dot_general3A_21, %add3A : vector<5120x128xf32>
    %get3A_26 = arith.constant 0 : index
    %get3A_27 = arith.constant 0 : index
    %get3A_28 = vector.load %arg6[%get3A_26, %get3A_27] : memref<128x128xf32, #tpu.memory_space<vmem>>, vector<128x128xf32>
    %dot_general3A_29 = arith.constant dense<0.000000e+00> : vector<5120x128xf32>
    %dot_general3A_30 = tpu.matmul %mul3A_17, %get3A_28, %dot_general3A_29 {dimension_numbers = #tpu.dot_dimension_numbers<[1], [0], [0], [1], [0, 0, 1, 1], [], []>, transpose_lhs_hint = false} : vector<5120x128xf32>, vector<128x128xf32>, vector<5120x128xf32> -> vector<5120x128xf32>
    %get3A_31 = arith.constant 0 : index
    %get3A_32 = arith.constant 0 : index
    %get3A_33 = vector.load %arg7[%get3A_31, %get3A_32] : memref<1x128xf32, #tpu.memory_space<vmem>>, vector<1x128xf32>
    %add3A_34 = vector.broadcast %get3A_33 : vector<1x128xf32> to vector<5120x128xf32>
    %add3A_35 = arith.addf %dot_general3A_30, %add3A_34 : vector<5120x128xf32>
    %iota3A = tpu.iota {dimensions = array<i32: 0>} : vector<5120x1xi32>
    %lt3A = arith.constant 5000 : i32
    %lt3A_36 = vector.broadcast %lt3A : i32 to vector<5120x1xi32>
    %lt3A_37 = arith.cmpi slt, %iota3A, %lt3A_36 : vector<5120x1xi32>
    %convert_element_type3A = arith.extui %lt3A_37 : vector<5120x1xi1> to vector<5120x1xi32>
    %convert_element_type3A_38 = arith.sitofp %convert_element_type3A : vector<5120x1xi32> to vector<5120x1xf32>
    %mul3A_39 = vector.broadcast %convert_element_type3A_38 : vector<5120x1xf32> to vector<5120x128xf32>
    %mul3A_40 = arith.mulf %add3A_25, %mul3A_39 : vector<5120x128xf32>
    %mul3A_41 = vector.broadcast %convert_element_type3A_38 : vector<5120x1xf32> to vector<5120x128xf32>
    %mul3A_42 = arith.mulf %add3A_35, %mul3A_41 : vector<5120x128xf32>
    %reduce_sum3A = arith.constant dense<0.000000e+00> : vector<128xf32>
    %reduce_sum3A_43 = vector.multi_reduction <add>, %mul3A_40, %reduce_sum3A [0] : vector<5120x128xf32> to vector<128xf32>
    %broadcast_in_dim3A = vector.shape_cast %reduce_sum3A_43 : vector<128xf32> to vector<1x128xf32>
    %reduce_sum3A_44 = arith.constant dense<0.000000e+00> : vector<128xf32>
    %reduce_sum3A_45 = vector.multi_reduction <add>, %mul3A_42, %reduce_sum3A_44 [0] : vector<5120x128xf32> to vector<128xf32>
    %broadcast_in_dim3A_46 = vector.shape_cast %reduce_sum3A_45 : vector<128xf32> to vector<1x128xf32>
    %add3A_47 = arith.addf %broadcast_in_dim3A, %broadcast_in_dim3A_46 : vector<1x128xf32>
    %div3A = arith.constant 1.000000e+04 : f32
    %div3A_48 = vector.broadcast %div3A : f32 to vector<1x128xf32>
    %div3A_49 = arith.divf %add3A_47, %div3A_48 : vector<1x128xf32>
    %mul3A_50 = arith.mulf %add3A_25, %mul3A_40 : vector<5120x128xf32>
    %reduce_sum3A_51 = arith.constant dense<0.000000e+00> : vector<128xf32>
    %reduce_sum3A_52 = vector.multi_reduction <add>, %mul3A_50, %reduce_sum3A_51 [0] : vector<5120x128xf32> to vector<128xf32>
    %broadcast_in_dim3A_53 = vector.shape_cast %reduce_sum3A_52 : vector<128xf32> to vector<1x128xf32>
    %mul3A_54 = arith.mulf %add3A_35, %mul3A_42 : vector<5120x128xf32>
    %reduce_sum3A_55 = arith.constant dense<0.000000e+00> : vector<128xf32>
    %reduce_sum3A_56 = vector.multi_reduction <add>, %mul3A_54, %reduce_sum3A_55 [0] : vector<5120x128xf32> to vector<128xf32>
    %broadcast_in_dim3A_57 = vector.shape_cast %reduce_sum3A_56 : vector<128xf32> to vector<1x128xf32>
    %add3A_58 = arith.addf %broadcast_in_dim3A_53, %broadcast_in_dim3A_57 : vector<1x128xf32>
    %div3A_59 = arith.constant 1.000000e+04 : f32
    %div3A_60 = vector.broadcast %div3A_59 : f32 to vector<1x128xf32>
    %div3A_61 = arith.divf %add3A_58, %div3A_60 : vector<1x128xf32>
    %mul3A_62 = arith.mulf %div3A_49, %div3A_49 : vector<1x128xf32>
    %sub3A = arith.subf %div3A_61, %mul3A_62 : vector<1x128xf32>
    %add3A_63 = arith.constant 9.99999974E-6 : f32
    %add3A_64 = vector.broadcast %add3A_63 : f32 to vector<1x128xf32>
    %add3A_65 = arith.addf %sub3A, %add3A_64 : vector<1x128xf32>
    %rsqrt3A = math.rsqrt %add3A_65 : vector<1x128xf32>
    %sub3A_66 = vector.broadcast %div3A_49 : vector<1x128xf32> to vector<5120x128xf32>
    %sub3A_67 = arith.subf %add3A_25, %sub3A_66 : vector<5120x128xf32>
    %mul3A_68 = vector.broadcast %rsqrt3A : vector<1x128xf32> to vector<5120x128xf32>
    %mul3A_69 = arith.mulf %sub3A_67, %mul3A_68 : vector<5120x128xf32>
    %get3A_70 = arith.constant 0 : index
    %get3A_71 = arith.constant 0 : index
    %get3A_72 = vector.load %arg8[%get3A_70, %get3A_71] : memref<1x128xf32, #tpu.memory_space<vmem>>, vector<1x128xf32>
    %mul3A_73 = vector.broadcast %get3A_72 : vector<1x128xf32> to vector<5120x128xf32>
    %mul3A_74 = arith.mulf %mul3A_69, %mul3A_73 : vector<5120x128xf32>
    %get3A_75 = arith.constant 0 : index
    %get3A_76 = arith.constant 0 : index
    %get3A_77 = vector.load %arg9[%get3A_75, %get3A_76] : memref<1x128xf32, #tpu.memory_space<vmem>>, vector<1x128xf32>
    %add3A_78 = vector.broadcast %get3A_77 : vector<1x128xf32> to vector<5120x128xf32>
    %add3A_79 = arith.addf %mul3A_74, %add3A_78 : vector<5120x128xf32>
    %max3A = arith.constant 0.000000e+00 : f32
    %max3A_80 = vector.broadcast %max3A : f32 to vector<5120x128xf32>
    %max3A_81 = arith.maximumf %add3A_79, %max3A_80 : vector<5120x128xf32>
    %sub3A_82 = vector.broadcast %div3A_49 : vector<1x128xf32> to vector<5120x128xf32>
    %sub3A_83 = arith.subf %add3A_35, %sub3A_82 : vector<5120x128xf32>
    %mul3A_84 = vector.broadcast %rsqrt3A : vector<1x128xf32> to vector<5120x128xf32>
    %mul3A_85 = arith.mulf %sub3A_83, %mul3A_84 : vector<5120x128xf32>
    %get3A_86 = arith.constant 0 : index
    %get3A_87 = arith.constant 0 : index
    %get3A_88 = vector.load %arg8[%get3A_86, %get3A_87] : memref<1x128xf32, #tpu.memory_space<vmem>>, vector<1x128xf32>
    %mul3A_89 = vector.broadcast %get3A_88 : vector<1x128xf32> to vector<5120x128xf32>
    %mul3A_90 = arith.mulf %mul3A_85, %mul3A_89 : vector<5120x128xf32>
    %get3A_91 = arith.constant 0 : index
    %get3A_92 = arith.constant 0 : index
    %get3A_93 = vector.load %arg9[%get3A_91, %get3A_92] : memref<1x128xf32, #tpu.memory_space<vmem>>, vector<1x128xf32>
    %add3A_94 = vector.broadcast %get3A_93 : vector<1x128xf32> to vector<5120x128xf32>
    %add3A_95 = arith.addf %mul3A_90, %add3A_94 : vector<5120x128xf32>
    %max3A_96 = arith.constant 0.000000e+00 : f32
    %max3A_97 = vector.broadcast %max3A_96 : f32 to vector<5120x128xf32>
    %max3A_98 = arith.maximumf %add3A_95, %max3A_97 : vector<5120x128xf32>
    %swap3A = arith.constant 0 : index
    %swap3A_99 = arith.constant 0 : index
    %swap3A_100 = vector.load %arg11[%swap3A, %swap3A_99] : memref<5120x128xf32, #tpu.memory_space<vmem>>, vector<5120x128xf32>
    tpu.vector_store %arg11[%swap3A, %swap3A_99], %max3A_81 {strides = array<i32>} : memref<5120x128xf32, #tpu.memory_space<vmem>>, vector<5120x128xf32>,
    %swap3A_101 = arith.constant 0 : index
    %swap3A_102 = arith.constant 0 : index
    %swap3A_103 = vector.load %arg12[%swap3A_101, %swap3A_102] : memref<5120x128xf32, #tpu.memory_space<vmem>>, vector<5120x128xf32>
    tpu.vector_store %arg12[%swap3A_101, %swap3A_102], %max3A_98 {strides = array<i32>} : memref<5120x128xf32, #tpu.memory_space<vmem>>, vector<5120x128xf32>,
    %get3A_104 = arith.constant 0 : index
    %get3A_105 = arith.constant 0 : index
    %get3A_106 = vector.load %arg10[%get3A_104, %get3A_105] : memref<1x128xf32, #tpu.memory_space<vmem>>, vector<1x128xf32>
    %get3A_107 = arith.constant 0 : index
    %get3A_108 = arith.constant 0 : index
    %get3A_109 = vector.load %arg4[%get3A_107, %get3A_108] : memref<5120x1xf32, #tpu.memory_space<vmem>>, vector<5120x1xf32>
    %mul3A_110 = vector.broadcast %get3A_109 : vector<5120x1xf32> to vector<5120x128xf32>
    %mul3A_111 = arith.mulf %max3A_81, %mul3A_110 : vector<5120x128xf32>
    %mul3A_112 = vector.broadcast %get3A_106 : vector<1x128xf32> to vector<5120x128xf32>
    %mul3A_113 = arith.mulf %mul3A_111, %mul3A_112 : vector<5120x128xf32>
    %reduce_sum3A_114 = arith.constant dense<0.000000e+00> : vector<5120xf32>
    %reduce_sum3A_115 = vector.multi_reduction <add>, %mul3A_113, %reduce_sum3A_114 [1] : vector<5120x128xf32> to vector<5120xf32>
    %broadcast_in_dim3A_116 = vector.shape_cast %reduce_sum3A_115 : vector<5120xf32> to vector<5120x1xf32>
    %get3A_117 = arith.constant 0 : index
    %get3A_118 = arith.constant 0 : index
    %get3A_119 = vector.load %arg5[%get3A_117, %get3A_118] : memref<5120x1xf32, #tpu.memory_space<vmem>>, vector<5120x1xf32>
    %mul3A_120 = vector.broadcast %get3A_119 : vector<5120x1xf32> to vector<5120x128xf32>
    %mul3A_121 = arith.mulf %max3A_98, %mul3A_120 : vector<5120x128xf32>
    %mul3A_122 = vector.broadcast %get3A_106 : vector<1x128xf32> to vector<5120x128xf32>
    %mul3A_123 = arith.mulf %mul3A_121, %mul3A_122 : vector<5120x128xf32>
    %reduce_sum3A_124 = arith.constant dense<0.000000e+00> : vector<5120xf32>
    %reduce_sum3A_125 = vector.multi_reduction <add>, %mul3A_123, %reduce_sum3A_124 [1] : vector<5120x128xf32> to vector<5120xf32>
    %broadcast_in_dim3A_126 = vector.shape_cast %reduce_sum3A_125 : vector<5120xf32> to vector<5120x1xf32>
    %broadcast_in_dim3A_127 = vector.shape_cast %broadcast_in_dim3A_116 : vector<5120x1xf32> to vector<5120x1xf32>
    %broadcast_in_dim3A_128 = vector.broadcast %broadcast_in_dim3A_127 : vector<5120x1xf32> to vector<5120x16xf32>
    %broadcast_in_dim3A_129 = vector.shape_cast %broadcast_in_dim3A_126 : vector<5120x1xf32> to vector<5120x1xf32>
    %broadcast_in_dim3A_130 = vector.broadcast %broadcast_in_dim3A_129 : vector<5120x1xf32> to vector<5120x16xf32>
    %concatenate3A_131 = tpu.concatenate %broadcast_in_dim3A_128, %broadcast_in_dim3A_130 in 1 : vector<5120x16xf32>, vector<5120x16xf32> -> vector<5120x32xf32>
    %swap3A_132 = arith.constant 0 : index
    %swap3A_133 = arith.constant 0 : index
    %swap3A_134 = vector.load %arg13[%swap3A_132, %swap3A_133] : memref<5120x32xf32, #tpu.memory_space<vmem>>, vector<5120x32xf32>
    tpu.vector_store %arg13[%swap3A_132, %swap3A_133], %concatenate3A_131 {strides = array<i32>} : memref<5120x32xf32, #tpu.memory_space<vmem>>, vector<5120x32xf32>,
    return
  }
}

module attributes {stable_mosaic.version = 14 : i64} {
  func.func @_tc_layer(%arg0: memref<5120x128xf32, #tpu.memory_space<vmem>>, %arg1: memref<5120x128xf32, #tpu.memory_space<vmem>>, %arg2: memref<5120x1xf32, #tpu.memory_space<vmem>>, %arg3: memref<5120x1xf32, #tpu.memory_space<vmem>>, %arg4: memref<5120x1xf32, #tpu.memory_space<vmem>>, %arg5: memref<5120x1xf32, #tpu.memory_space<vmem>>, %arg6: memref<128x128xf32, #tpu.memory_space<vmem>>, %arg7: memref<1x128xf32, #tpu.memory_space<vmem>>, %arg8: memref<1x128xf32, #tpu.memory_space<vmem>>, %arg9: memref<1x128xf32, #tpu.memory_space<vmem>>, %arg10: memref<5120x128xf32, #tpu.memory_space<vmem>>, %arg11: memref<5120x128xf32, #tpu.memory_space<vmem>>) attributes {dimension_semantics = [], scalar_prefetch = 0 : i64, scratch_operands = 0 : i64, tpu.core_type = #tpu.core_type<tc>} {
    %get3A = arith.constant 0 : index
    %get3A_0 = arith.constant 0 : index
    %get3A_1 = vector.load %arg0[%get3A, %get3A_0] : memref<5120x128xf32, #tpu.memory_space<vmem>>, vector<5120x128xf32>
    %get3A_2 = arith.constant 0 : index
    %get3A_3 = arith.constant 0 : index
    %get3A_4 = vector.load %arg1[%get3A_2, %get3A_3] : memref<5120x128xf32, #tpu.memory_space<vmem>>, vector<5120x128xf32>
    %slice3A = vector.extract_strided_slice %get3A_1 {offsets = [0, 0], sizes = [5120, 64], strides = [1, 1]} : vector<5120x128xf32> to vector<5120x64xf32>
    %slice3A_5 = vector.extract_strided_slice %get3A_4 {offsets = [0, 0], sizes = [5120, 64], strides = [1, 1]} : vector<5120x128xf32> to vector<5120x64xf32>
    %concatenate3A = tpu.concatenate %slice3A, %slice3A_5 in 1 : vector<5120x64xf32>, vector<5120x64xf32> -> vector<5120x128xf32>
    %get3A_6 = arith.constant 0 : index
    %get3A_7 = arith.constant 0 : index
    %get3A_8 = vector.load %arg2[%get3A_6, %get3A_7] : memref<5120x1xf32, #tpu.memory_space<vmem>>, vector<5120x1xf32>
    %mul3A = vector.broadcast %get3A_8 : vector<5120x1xf32> to vector<5120x128xf32>
    %mul3A_9 = arith.mulf %concatenate3A, %mul3A : vector<5120x128xf32>
    %slice3A_10 = vector.extract_strided_slice %get3A_1 {offsets = [0, 64], sizes = [5120, 64], strides = [1, 1]} : vector<5120x128xf32> to vector<5120x64xf32>
    %slice3A_11 = vector.extract_strided_slice %get3A_4 {offsets = [0, 64], sizes = [5120, 64], strides = [1, 1]} : vector<5120x128xf32> to vector<5120x64xf32>
    %concatenate3A_12 = tpu.concatenate %slice3A_10, %slice3A_11 in 1 : vector<5120x64xf32>, vector<5120x64xf32> -> vector<5120x128xf32>
    %get3A_13 = arith.constant 0 : index
    %get3A_14 = arith.constant 0 : index
    %get3A_15 = vector.load %arg3[%get3A_13, %get3A_14] : memref<5120x1xf32, #tpu.memory_space<vmem>>, vector<5120x1xf32>
    %mul3A_16 = vector.broadcast %get3A_15 : vector<5120x1xf32> to vector<5120x128xf32>
    %mul3A_17 = arith.mulf %concatenate3A_12, %mul3A_16 : vector<5120x128xf32>
    %get3A_18 = arith.constant 0 : index
    %get3A_19 = arith.constant 0 : index
    %get3A_20 = vector.load %arg6[%get3A_18, %get3A_19] : memref<128x128xf32, #tpu.memory_space<vmem>>, vector<128x128xf32>
    %dot_general3A = arith.constant dense<0.000000e+00> : vector<5120x128xf32>
    %dot_general3A_21 = tpu.matmul %mul3A_9, %get3A_20, %dot_general3A {dimension_numbers = #tpu.dot_dimension_numbers<[1], [0], [0], [1], [0, 0, 1, 1], [], []>, transpose_lhs_hint = false} : vector<5120x128xf32>, vector<128x128xf32>, vector<5120x128xf32> -> vector<5120x128xf32>
    %get3A_22 = arith.constant 0 : index
    %get3A_23 = arith.constant 0 : index
    %get3A_24 = vector.load %arg7[%get3A_22, %get3A_23] : memref<1x128xf32, #tpu.memory_space<vmem>>, vector<1x128xf32>
    %add3A = vector.broadcast %get3A_24 : vector<1x128xf32> to vector<5120x128xf32>
    %add3A_25 = arith.addf %dot_general3A_21, %add3A : vector<5120x128xf32>
    %get3A_26 = arith.constant 0 : index
    %get3A_27 = arith.constant 0 : index
    %get3A_28 = vector.load %arg6[%get3A_26, %get3A_27] : memref<128x128xf32, #tpu.memory_space<vmem>>, vector<128x128xf32>
    %dot_general3A_29 = arith.constant dense<0.000000e+00> : vector<5120x128xf32>
    %dot_general3A_30 = tpu.matmul %mul3A_17, %get3A_28, %dot_general3A_29 {dimension_numbers = #tpu.dot_dimension_numbers<[1], [0], [0], [1], [0, 0, 1, 1], [], []>, transpose_lhs_hint = false} : vector<5120x128xf32>, vector<128x128xf32>, vector<5120x128xf32> -> vector<5120x128xf32>
    %get3A_31 = arith.constant 0 : index
    %get3A_32 = arith.constant 0 : index
    %get3A_33 = vector.load %arg7[%get3A_31, %get3A_32] : memref<1x128xf32, #tpu.memory_space<vmem>>, vector<1x128xf32>
    %add3A_34 = vector.broadcast %get3A_33 : vector<1x128xf32> to vector<5120x128xf32>
    %add3A_35 = arith.addf %dot_general3A_30, %add3A_34 : vector<5120x128xf32>
    %iota3A = tpu.iota {dimensions = array<i32: 0>} : vector<5120x1xi32>
    %lt3A = arith.constant 5000 : i32
    %lt3A_36 = vector.broadcast %lt3A : i32 to vector<5120x1xi32>
    %lt3A_37 = arith.cmpi slt, %iota3A, %lt3A_36 : vector<5120x1xi32>
    %convert_element_type3A = arith.extui %lt3A_37 : vector<5120x1xi1> to vector<5120x1xi32>
    %convert_element_type3A_38 = arith.sitofp %convert_element_type3A : vector<5120x1xi32> to vector<5120x1xf32>
    %mul3A_39 = vector.broadcast %convert_element_type3A_38 : vector<5120x1xf32> to vector<5120x128xf32>
    %mul3A_40 = arith.mulf %add3A_25, %mul3A_39 : vector<5120x128xf32>
    %mul3A_41 = vector.broadcast %convert_element_type3A_38 : vector<5120x1xf32> to vector<5120x128xf32>
    %mul3A_42 = arith.mulf %add3A_35, %mul3A_41 : vector<5120x128xf32>
    %reduce_sum3A = arith.constant dense<0.000000e+00> : vector<128xf32>
    %reduce_sum3A_43 = vector.multi_reduction <add>, %mul3A_40, %reduce_sum3A [0] : vector<5120x128xf32> to vector<128xf32>
    %broadcast_in_dim3A = vector.shape_cast %reduce_sum3A_43 : vector<128xf32> to vector<1x128xf32>
    %reduce_sum3A_44 = arith.constant dense<0.000000e+00> : vector<128xf32>
    %reduce_sum3A_45 = vector.multi_reduction <add>, %mul3A_42, %reduce_sum3A_44 [0] : vector<5120x128xf32> to vector<128xf32>
    %broadcast_in_dim3A_46 = vector.shape_cast %reduce_sum3A_45 : vector<128xf32> to vector<1x128xf32>
    %add3A_47 = arith.addf %broadcast_in_dim3A, %broadcast_in_dim3A_46 : vector<1x128xf32>
    %div3A = arith.constant 1.000000e+04 : f32
    %div3A_48 = vector.broadcast %div3A : f32 to vector<1x128xf32>
    %div3A_49 = arith.divf %add3A_47, %div3A_48 : vector<1x128xf32>
    %mul3A_50 = arith.mulf %add3A_25, %mul3A_40 : vector<5120x128xf32>
    %reduce_sum3A_51 = arith.constant dense<0.000000e+00> : vector<128xf32>
    %reduce_sum3A_52 = vector.multi_reduction <add>, %mul3A_50, %reduce_sum3A_51 [0] : vector<5120x128xf32> to vector<128xf32>
    %broadcast_in_dim3A_53 = vector.shape_cast %reduce_sum3A_52 : vector<128xf32> to vector<1x128xf32>
    %mul3A_54 = arith.mulf %add3A_35, %mul3A_42 : vector<5120x128xf32>
    %reduce_sum3A_55 = arith.constant dense<0.000000e+00> : vector<128xf32>
    %reduce_sum3A_56 = vector.multi_reduction <add>, %mul3A_54, %reduce_sum3A_55 [0] : vector<5120x128xf32> to vector<128xf32>
    %broadcast_in_dim3A_57 = vector.shape_cast %reduce_sum3A_56 : vector<128xf32> to vector<1x128xf32>
    %add3A_58 = arith.addf %broadcast_in_dim3A_53, %broadcast_in_dim3A_57 : vector<1x128xf32>
    %div3A_59 = arith.constant 1.000000e+04 : f32
    %div3A_60 = vector.broadcast %div3A_59 : f32 to vector<1x128xf32>
    %div3A_61 = arith.divf %add3A_58, %div3A_60 : vector<1x128xf32>
    %mul3A_62 = arith.mulf %div3A_49, %div3A_49 : vector<1x128xf32>
    %sub3A = arith.subf %div3A_61, %mul3A_62 : vector<1x128xf32>
    %add3A_63 = arith.constant 9.99999974E-6 : f32
    %add3A_64 = vector.broadcast %add3A_63 : f32 to vector<1x128xf32>
    %add3A_65 = arith.addf %sub3A, %add3A_64 : vector<1x128xf32>
    %rsqrt3A = math.rsqrt %add3A_65 : vector<1x128xf32>
    %sub3A_66 = vector.broadcast %div3A_49 : vector<1x128xf32> to vector<5120x128xf32>
    %sub3A_67 = arith.subf %add3A_25, %sub3A_66 : vector<5120x128xf32>
    %mul3A_68 = vector.broadcast %rsqrt3A : vector<1x128xf32> to vector<5120x128xf32>
    %mul3A_69 = arith.mulf %sub3A_67, %mul3A_68 : vector<5120x128xf32>
    %get3A_70 = arith.constant 0 : index
    %get3A_71 = arith.constant 0 : index
    %get3A_72 = vector.load %arg8[%get3A_70, %get3A_71] : memref<1x128xf32, #tpu.memory_space<vmem>>, vector<1x128xf32>
    %mul3A_73 = vector.broadcast %get3A_72 : vector<1x128xf32> to vector<5120x128xf32>
    %mul3A_74 = arith.mulf %mul3A_69, %mul3A_73 : vector<5120x128xf32>
    %get3A_75 = arith.constant 0 : index
    %get3A_76 = arith.constant 0 : index
    %get3A_77 = vector.load %arg9[%get3A_75, %get3A_76] : memref<1x128xf32, #tpu.memory_space<vmem>>, vector<1x128xf32>
    %add3A_78 = vector.broadcast %get3A_77 : vector<1x128xf32> to vector<5120x128xf32>
    %add3A_79 = arith.addf %mul3A_74, %add3A_78 : vector<5120x128xf32>
    %max3A = arith.constant 0.000000e+00 : f32
    %max3A_80 = vector.broadcast %max3A : f32 to vector<5120x128xf32>
    %max3A_81 = arith.maximumf %add3A_79, %max3A_80 : vector<5120x128xf32>
    %sub3A_82 = vector.broadcast %div3A_49 : vector<1x128xf32> to vector<5120x128xf32>
    %sub3A_83 = arith.subf %add3A_35, %sub3A_82 : vector<5120x128xf32>
    %mul3A_84 = vector.broadcast %rsqrt3A : vector<1x128xf32> to vector<5120x128xf32>
    %mul3A_85 = arith.mulf %sub3A_83, %mul3A_84 : vector<5120x128xf32>
    %get3A_86 = arith.constant 0 : index
    %get3A_87 = arith.constant 0 : index
    %get3A_88 = vector.load %arg8[%get3A_86, %get3A_87] : memref<1x128xf32, #tpu.memory_space<vmem>>, vector<1x128xf32>
    %mul3A_89 = vector.broadcast %get3A_88 : vector<1x128xf32> to vector<5120x128xf32>
    %mul3A_90 = arith.mulf %mul3A_85, %mul3A_89 : vector<5120x128xf32>
    %get3A_91 = arith.constant 0 : index
    %get3A_92 = arith.constant 0 : index
    %get3A_93 = vector.load %arg9[%get3A_91, %get3A_92] : memref<1x128xf32, #tpu.memory_space<vmem>>, vector<1x128xf32>
    %add3A_94 = vector.broadcast %get3A_93 : vector<1x128xf32> to vector<5120x128xf32>
    %add3A_95 = arith.addf %mul3A_90, %add3A_94 : vector<5120x128xf32>
    %max3A_96 = arith.constant 0.000000e+00 : f32
    %max3A_97 = vector.broadcast %max3A_96 : f32 to vector<5120x128xf32>
    %max3A_98 = arith.maximumf %add3A_95, %max3A_97 : vector<5120x128xf32>
    %get3A_99 = arith.constant 0 : index
    %get3A_100 = arith.constant 0 : index
    %get3A_101 = vector.load %arg4[%get3A_99, %get3A_100] : memref<5120x1xf32, #tpu.memory_space<vmem>>, vector<5120x1xf32>
    %mul3A_102 = vector.broadcast %get3A_101 : vector<5120x1xf32> to vector<5120x128xf32>
    %mul3A_103 = arith.mulf %max3A_81, %mul3A_102 : vector<5120x128xf32>
    %get3A_104 = arith.constant 0 : index
    %get3A_105 = arith.constant 0 : index
    %get3A_106 = vector.load %arg5[%get3A_104, %get3A_105] : memref<5120x1xf32, #tpu.memory_space<vmem>>, vector<5120x1xf32>
    %mul3A_107 = vector.broadcast %get3A_106 : vector<5120x1xf32> to vector<5120x128xf32>
    %mul3A_108 = arith.mulf %max3A_98, %mul3A_107 : vector<5120x128xf32>
    %slice3A_109 = vector.extract_strided_slice %mul3A_103 {offsets = [0, 0], sizes = [5120, 64], strides = [1, 1]} : vector<5120x128xf32> to vector<5120x64xf32>
    %slice3A_110 = vector.extract_strided_slice %mul3A_108 {offsets = [0, 0], sizes = [5120, 64], strides = [1, 1]} : vector<5120x128xf32> to vector<5120x64xf32>
    %concatenate3A_111 = tpu.concatenate %slice3A_109, %slice3A_110 in 1 : vector<5120x64xf32>, vector<5120x64xf32> -> vector<5120x128xf32>
    %swap3A = arith.constant 0 : index
    %swap3A_112 = arith.constant 0 : index
    %swap3A_113 = vector.load %arg10[%swap3A, %swap3A_112] : memref<5120x128xf32, #tpu.memory_space<vmem>>, vector<5120x128xf32>
    tpu.vector_store %arg10[%swap3A, %swap3A_112], %concatenate3A_111 {strides = array<i32>} : memref<5120x128xf32, #tpu.memory_space<vmem>>, vector<5120x128xf32>,
    %slice3A_114 = vector.extract_strided_slice %mul3A_103 {offsets = [0, 64], sizes = [5120, 64], strides = [1, 1]} : vector<5120x128xf32> to vector<5120x64xf32>
    %slice3A_115 = vector.extract_strided_slice %mul3A_108 {offsets = [0, 64], sizes = [5120, 64], strides = [1, 1]} : vector<5120x128xf32> to vector<5120x64xf32>
    %concatenate3A_116 = tpu.concatenate %slice3A_114, %slice3A_115 in 1 : vector<5120x64xf32>, vector<5120x64xf32> -> vector<5120x128xf32>
    %swap3A_117 = arith.constant 0 : index
    %swap3A_118 = arith.constant 0 : index
    %swap3A_119 = vector.load %arg11[%swap3A_117, %swap3A_118] : memref<5120x128xf32, #tpu.memory_space<vmem>>, vector<5120x128xf32>
    tpu.vector_store %arg11[%swap3A_117, %swap3A_118], %concatenate3A_116 {strides = array<i32>} : memref<5120x128xf32, #tpu.memory_space<vmem>>, vector<5120x128xf32>,
    return
  }
}

module attributes {stable_mosaic.version = 14 : i64} {
  func.func @_tc_top(%arg0: memref<5120x32xf32, #tpu.memory_space<vmem>>, %arg1: memref<5120x32xf32, #tpu.memory_space<vmem>>, %arg2: memref<5120x1xf32, #tpu.memory_space<vmem>>, %arg3: memref<5120x1xf32, #tpu.memory_space<vmem>>, %arg4: memref<1x1xf32, #tpu.memory_space<vmem>>, %arg5: memref<5120x2xf32, #tpu.memory_space<vmem>>) attributes {dimension_semantics = [], scalar_prefetch = 0 : i64, scratch_operands = 0 : i64, tpu.core_type = #tpu.core_type<tc>} {
    %get3A = arith.constant 0 : index
    %get3A_0 = arith.constant 0 : index
    %get3A_1 = vector.load %arg4[%get3A, %get3A_0] : memref<1x1xf32, #tpu.memory_space<vmem>>, vector<1x1xf32>
    %get3A_2 = vector.extract %get3A_1[0, 0] : f32 from vector<1x1xf32>
    %get3A_3 = arith.constant 0 : index
    %get3A_4 = arith.constant 0 : index
    %get3A_5 = vector.load %arg0[%get3A_3, %get3A_4] : memref<5120x32xf32, #tpu.memory_space<vmem>>, vector<5120x1xf32>
    %get3A_6 = arith.constant 0 : index
    %get3A_7 = arith.constant 0 : index
    %get3A_8 = vector.load %arg1[%get3A_6, %get3A_7] : memref<5120x32xf32, #tpu.memory_space<vmem>>, vector<5120x1xf32>
    %add3A = arith.addf %get3A_5, %get3A_8 : vector<5120x1xf32>
    %get3A_9 = arith.constant 0 : index
    %get3A_10 = arith.constant 0 : index
    %get3A_11 = vector.load %arg2[%get3A_9, %get3A_10] : memref<5120x1xf32, #tpu.memory_space<vmem>>, vector<5120x1xf32>
    %mul3A = arith.mulf %add3A, %get3A_11 : vector<5120x1xf32>
    %add3A_12 = vector.broadcast %get3A_2 : f32 to vector<5120x1xf32>
    %add3A_13 = arith.addf %mul3A, %add3A_12 : vector<5120x1xf32>
    %get3A_14 = arith.constant 0 : index
    %get3A_15 = arith.constant 16 : index
    %get3A_16 = vector.load %arg0[%get3A_14, %get3A_15] : memref<5120x32xf32, #tpu.memory_space<vmem>>, vector<5120x1xf32>
    %get3A_17 = arith.constant 0 : index
    %get3A_18 = arith.constant 16 : index
    %get3A_19 = vector.load %arg1[%get3A_17, %get3A_18] : memref<5120x32xf32, #tpu.memory_space<vmem>>, vector<5120x1xf32>
    %add3A_20 = arith.addf %get3A_16, %get3A_19 : vector<5120x1xf32>
    %get3A_21 = arith.constant 0 : index
    %get3A_22 = arith.constant 0 : index
    %get3A_23 = vector.load %arg3[%get3A_21, %get3A_22] : memref<5120x1xf32, #tpu.memory_space<vmem>>, vector<5120x1xf32>
    %mul3A_24 = arith.mulf %add3A_20, %get3A_23 : vector<5120x1xf32>
    %add3A_25 = vector.broadcast %get3A_2 : f32 to vector<5120x1xf32>
    %add3A_26 = arith.addf %mul3A_24, %add3A_25 : vector<5120x1xf32>
    %iota3A = tpu.iota {dimensions = array<i32: 0>} : vector<5120x1xi32>
    %lt3A = arith.constant 5000 : i32
    %lt3A_27 = vector.broadcast %lt3A : i32 to vector<5120x1xi32>
    %lt3A_28 = arith.cmpi slt, %iota3A, %lt3A_27 : vector<5120x1xi32>
    %jit3A = arith.constant 0xFF800000 : f32
    %broadcast_in_dim3A = vector.broadcast %jit3A : f32 to vector<5120x1xf32>
    %select_n3A = arith.select %lt3A_28, %add3A_13, %broadcast_in_dim3A : vector<5120x1xi1>, vector<5120x1xf32>
    %jit3A_29 = arith.constant 0xFF800000 : f32
    %broadcast_in_dim3A_30 = vector.broadcast %jit3A_29 : f32 to vector<5120x1xf32>
    %select_n3A_31 = arith.select %lt3A_28, %add3A_26, %broadcast_in_dim3A_30 : vector<5120x1xi1>, vector<5120x1xf32>
    %concatenate3A = tpu.concatenate %select_n3A, %select_n3A_31 in 1 : vector<5120x1xf32>, vector<5120x1xf32> -> vector<5120x2xf32>
    %swap3A = arith.constant 0 : index
    %swap3A_32 = arith.constant 0 : index
    %swap3A_33 = vector.load %arg5[%swap3A, %swap3A_32] : memref<5120x2xf32, #tpu.memory_space<vmem>>, vector<5120x2xf32>
    tpu.vector_store %arg5[%swap3A, %swap3A_32], %concatenate3A {strides = array<i32>} : memref<5120x2xf32, #tpu.memory_space<vmem>>, vector<5120x2xf32>,
    return
  }
}

module attributes {stable_mosaic.version = 14 : i64} {
  func.func @_tc_sel(%arg0: memref<80x128xf32, #tpu.memory_space<vmem>>, %arg1: memref<80x128xf32, #tpu.memory_space<vmem>>, %arg2: memref<80x128xf32, #tpu.memory_space<vmem>>) attributes {dimension_semantics = [], scalar_prefetch = 0 : i64, scratch_operands = 0 : i64, tpu.core_type = #tpu.core_type<tc>} {
    %get3A = arith.constant 0 : index
    %get3A_0 = arith.constant 0 : index
    %get3A_1 = vector.load %arg0[%get3A, %get3A_0] : memref<80x128xf32, #tpu.memory_space<vmem>>, vector<80x128xf32>
    %bitcast_convert_type3A = tpu.bitcast %get3A_1 : vector<80x128xf32> -> vector<80x128xi32>
    %ge3A = arith.constant 0 : i32
    %ge3A_2 = vector.broadcast %ge3A : i32 to vector<80x128xi32>
    %ge3A_3 = arith.cmpi sge, %bitcast_convert_type3A, %ge3A_2 : vector<80x128xi32>
    %xor3A = arith.constant -2147483648 : i32
    %xor3A_4 = vector.broadcast %xor3A : i32 to vector<80x128xi32>
    %xor3A_5 = arith.xori %bitcast_convert_type3A, %xor3A_4 : vector<80x128xi32>
    %not3A = arith.constant dense<-1> : vector<80x128xi32>
    %not3A_6 = arith.xori %bitcast_convert_type3A, %not3A : vector<80x128xi32>
    %select_n3A = arith.select %ge3A_3, %xor3A_5, %not3A_6 : vector<80x128xi1>, vector<80x128xi32>
    %broadcast_in_dim3A = arith.constant 0 : i32
    %broadcast_in_dim3A_7 = vector.broadcast %broadcast_in_dim3A : i32 to vector<80x128xi32>
    %broadcast_in_dim3A_8 = arith.constant 1 : i32
    %broadcast_in_dim3A_9 = vector.broadcast %broadcast_in_dim3A_8 : i32 to vector<80x128xi32>
    %scan3A = arith.constant 5.000000e+03 : f32
    %scan3A_10 = arith.constant 0 : i32
    %scan3A_11 = arith.constant 32 : i32
    %scan3A_12 = arith.addi %scan3A_10, %scan3A_11 : i32
    %scan3A_13 = arith.constant 1 : i32
    %scan3A_14:3 = scf.for %scan3A_31 = %scan3A_10 to %scan3A_12 step %scan3A_13 iter_args(%scan3A_32 = %scan3A, %scan3A_33 = %broadcast_in_dim3A_7, %scan3A_34 = %broadcast_in_dim3A_9) -> (f32, vector<80x128xi32>, vector<80x128xi32>)  : i32 {
      %sub3A = arith.constant 31 : i32
      %sub3A_35 = arith.subi %sub3A, %scan3A_31 : i32
      %shift_right_logical3A = vector.broadcast %sub3A_35 : i32 to vector<80x128xi32>
      %shift_right_logical3A_36 = arith.shrui %select_n3A, %shift_right_logical3A : vector<80x128xi32>
      %and3A = arith.constant 1 : i32
      %and3A_37 = vector.broadcast %and3A : i32 to vector<80x128xi32>
      %and3A_38 = arith.andi %shift_right_logical3A_36, %and3A_37 : vector<80x128xi32>
      %mul3A_39 = arith.muli %scan3A_34, %and3A_38 : vector<80x128xi32>
      %convert_element_type3A_40 = arith.sitofp %mul3A_39 : vector<80x128xi32> to vector<80x128xf32>
      %reduce_sum3A = vector.shape_cast %convert_element_type3A_40 : vector<80x128xf32> to vector<1x80x128xf32>
      %reduce_sum3A_41 = arith.constant dense<0.000000e+00> : vector<1xf32>
      %reduce_sum3A_42 = vector.multi_reduction <add>, %reduce_sum3A, %reduce_sum3A_41 [1, 2] : vector<1x80x128xf32> to vector<1xf32>
      %reduce_sum3A_43 = vector.shape_cast %reduce_sum3A_42 : vector<1xf32> to vector<1x1x1xf32>
      %reduce_sum3A_44 = vector.extract %reduce_sum3A_43[0, 0, 0] : f32 from vector<1x1x1xf32>
      %le3A = arith.cmpf ole, %scan3A_32, %reduce_sum3A_44 : f32
      %or3A_45 = arith.ori %scan3A_33, %mul3A_39 : vector<80x128xi32>
      %select_n3A_46 = arith.select %le3A, %scan3A_33, %or3A_45 : vector<80x128xi32>
      %sub3A_47 = arith.subf %scan3A_32, %reduce_sum3A_44 : f32
      %select_n3A_48 = arith.select %le3A, %scan3A_32, %sub3A_47 : f32
      %sub3A_49 = arith.constant 1 : i32
      %sub3A_50 = vector.broadcast %sub3A_49 : i32 to vector<80x128xi32>
      %sub3A_51 = arith.subi %sub3A_50, %and3A_38 : vector<80x128xi32>
      %select_n3A_52 = arith.select %le3A, %and3A_38, %sub3A_51 : vector<80x128xi32>
      %mul3A_53 = arith.muli %scan3A_34, %select_n3A_52 : vector<80x128xi32>
      scf.yield %select_n3A_48, %select_n3A_46, %mul3A_53 : f32, vector<80x128xi32>, vector<80x128xi32>
    }
    %scan3A_15 = arith.constant 32 : i32
    %iota3A = tpu.iota {dimensions = array<i32: 0>} : vector<80x128xi32>
    %mul3A = arith.constant 128 : i32
    %mul3A_16 = vector.broadcast %mul3A : i32 to vector<80x128xi32>
    %mul3A_17 = arith.muli %iota3A, %mul3A_16 : vector<80x128xi32>
    %iota3A_18 = tpu.iota {dimensions = array<i32: 1>} : vector<80x128xi32>
    %add3A = arith.addi %mul3A_17, %iota3A_18 : vector<80x128xi32>
    %scan3A_19 = arith.constant 0 : i32
    %scan3A_20 = arith.constant 14 : i32
    %scan3A_21 = arith.addi %scan3A_19, %scan3A_20 : i32
    %scan3A_22 = arith.constant 1 : i32
    %scan3A_23:3 = scf.for %scan3A_31 = %scan3A_19 to %scan3A_21 step %scan3A_22 iter_args(%scan3A_32 = %scan3A_14#0, %scan3A_33 = %scan3A_14#1, %scan3A_34 = %scan3A_14#2) -> (f32, vector<80x128xi32>, vector<80x128xi32>)  : i32 {
      %sub3A = arith.constant 13 : i32
      %sub3A_35 = arith.subi %sub3A, %scan3A_31 : i32
      %shift_right_logical3A = vector.broadcast %sub3A_35 : i32 to vector<80x128xi32>
      %shift_right_logical3A_36 = arith.shrui %add3A, %shift_right_logical3A : vector<80x128xi32>
      %and3A = arith.constant 1 : i32
      %and3A_37 = vector.broadcast %and3A : i32 to vector<80x128xi32>
      %and3A_38 = arith.andi %shift_right_logical3A_36, %and3A_37 : vector<80x128xi32>
      %sub3A_39 = arith.constant 1 : i32
      %sub3A_40 = vector.broadcast %sub3A_39 : i32 to vector<80x128xi32>
      %sub3A_41 = arith.subi %sub3A_40, %and3A_38 : vector<80x128xi32>
      %mul3A_42 = arith.muli %scan3A_34, %sub3A_41 : vector<80x128xi32>
      %convert_element_type3A_43 = arith.sitofp %mul3A_42 : vector<80x128xi32> to vector<80x128xf32>
      %reduce_sum3A = vector.shape_cast %convert_element_type3A_43 : vector<80x128xf32> to vector<1x80x128xf32>
      %reduce_sum3A_44 = arith.constant dense<0.000000e+00> : vector<1xf32>
      %reduce_sum3A_45 = vector.multi_reduction <add>, %reduce_sum3A, %reduce_sum3A_44 [1, 2] : vector<1x80x128xf32> to vector<1xf32>
      %reduce_sum3A_46 = vector.shape_cast %reduce_sum3A_45 : vector<1xf32> to vector<1x1x1xf32>
      %reduce_sum3A_47 = vector.extract %reduce_sum3A_46[0, 0, 0] : f32 from vector<1x1x1xf32>
      %le3A = arith.cmpf ole, %scan3A_32, %reduce_sum3A_47 : f32
      %or3A_48 = arith.ori %scan3A_33, %mul3A_42 : vector<80x128xi32>
      %select_n3A_49 = arith.select %le3A, %scan3A_33, %or3A_48 : vector<80x128xi32>
      %sub3A_50 = arith.subf %scan3A_32, %reduce_sum3A_47 : f32
      %select_n3A_51 = arith.select %le3A, %scan3A_32, %sub3A_50 : f32
      %sub3A_52 = arith.constant 1 : i32
      %sub3A_53 = vector.broadcast %sub3A_52 : i32 to vector<80x128xi32>
      %sub3A_54 = arith.subi %sub3A_53, %and3A_38 : vector<80x128xi32>
      %select_n3A_55 = arith.select %le3A, %sub3A_54, %and3A_38 : vector<80x128xi32>
      %mul3A_56 = arith.muli %scan3A_34, %select_n3A_55 : vector<80x128xi32>
      scf.yield %select_n3A_51, %select_n3A_49, %mul3A_56 : f32, vector<80x128xi32>, vector<80x128xi32>
    }
    %scan3A_24 = arith.constant 14 : i32
    %or3A = arith.ori %scan3A_23#1, %scan3A_23#2 : vector<80x128xi32>
    %convert_element_type3A = arith.sitofp %or3A : vector<80x128xi32> to vector<80x128xf32>
    %swap3A = arith.constant 0 : index
    %swap3A_25 = arith.constant 0 : index
    %swap3A_26 = vector.load %arg2[%swap3A, %swap3A_25] : memref<80x128xf32, #tpu.memory_space<vmem>>, vector<80x128xf32>
    tpu.vector_store %arg2[%swap3A, %swap3A_25], %convert_element_type3A {strides = array<i32>} : memref<80x128xf32, #tpu.memory_space<vmem>>, vector<80x128xf32>,
    %tanh3A = math.tanh %get3A_1 : vector<80x128xf32>
    %mul3A_27 = arith.mulf %convert_element_type3A, %tanh3A : vector<80x128xf32>
    %swap3A_28 = arith.constant 0 : index
    %swap3A_29 = arith.constant 0 : index
    %swap3A_30 = vector.load %arg1[%swap3A_28, %swap3A_29] : memref<80x128xf32, #tpu.memory_space<vmem>>, vector<80x128xf32>
    tpu.vector_store %arg1[%swap3A_28, %swap3A_29], %mul3A_27 {strides = array<i32>} : memref<80x128xf32, #tpu.memory_space<vmem>>, vector<80x128xf32>,
    return
  }
}

module attributes {stable_mosaic.version = 14 : i64} {
  func.func @_tc_read(%arg0: memref<5120x128xf32, #tpu.memory_space<vmem>>, %arg1: memref<5120x128xf32, #tpu.memory_space<vmem>>, %arg2: memref<5120x4xf32, #tpu.memory_space<vmem>>, %arg3: memref<128x16xf32, #tpu.memory_space<vmem>>, %arg4: memref<128x16xf32, #tpu.memory_space<vmem>>, %arg5: memref<1x16xf32, #tpu.memory_space<vmem>>, %arg6: memref<16x32xf32, #tpu.memory_space<vmem>>, %arg7: memref<1x32xf32, #tpu.memory_space<vmem>>, %arg8: memref<32x128xf32, #tpu.memory_space<vmem>>, %arg9: memref<1x128xf32, #tpu.memory_space<vmem>>, %arg10: memref<128x2xf32, #tpu.memory_space<vmem>>, %arg11: memref<1x2xf32, #tpu.memory_space<vmem>>, %arg12: memref<1x2xf32, #tpu.memory_space<vmem>>) attributes {dimension_semantics = [], scalar_prefetch = 0 : i64, scratch_operands = 0 : i64, tpu.core_type = #tpu.core_type<tc>} {
    %get3A = arith.constant 0 : index
    %get3A_0 = arith.constant 0 : index
    %get3A_1 = vector.load %arg2[%get3A, %get3A_0] : memref<5120x4xf32, #tpu.memory_space<vmem>>, vector<5120x4xf32>
    %get3A_2 = arith.constant 0 : index
    %get3A_3 = arith.constant 0 : index
    %get3A_4 = vector.load %arg0[%get3A_2, %get3A_3] : memref<5120x128xf32, #tpu.memory_space<vmem>>, vector<5120x128xf32>
    %slice3A = vector.extract_strided_slice %get3A_1 {offsets = [0, 0], sizes = [5120, 1], strides = [1, 1]} : vector<5120x4xf32> to vector<5120x1xf32>
    %mul3A = vector.broadcast %slice3A : vector<5120x1xf32> to vector<5120x128xf32>
    %mul3A_5 = arith.mulf %get3A_4, %mul3A : vector<5120x128xf32>
    %get3A_6 = arith.constant 0 : index
    %get3A_7 = arith.constant 0 : index
    %get3A_8 = vector.load %arg1[%get3A_6, %get3A_7] : memref<5120x128xf32, #tpu.memory_space<vmem>>, vector<5120x128xf32>
    %slice3A_9 = vector.extract_strided_slice %get3A_1 {offsets = [0, 1], sizes = [5120, 1], strides = [1, 1]} : vector<5120x4xf32> to vector<5120x1xf32>
    %mul3A_10 = vector.broadcast %slice3A_9 : vector<5120x1xf32> to vector<5120x128xf32>
    %mul3A_11 = arith.mulf %get3A_8, %mul3A_10 : vector<5120x128xf32>
    %reduce_sum3A = arith.constant dense<0.000000e+00> : vector<128xf32>
    %reduce_sum3A_12 = vector.multi_reduction <add>, %mul3A_5, %reduce_sum3A [0] : vector<5120x128xf32> to vector<128xf32>
    %broadcast_in_dim3A = vector.shape_cast %reduce_sum3A_12 : vector<128xf32> to vector<1x128xf32>
    %reduce_sum3A_13 = arith.constant dense<0.000000e+00> : vector<128xf32>
    %reduce_sum3A_14 = vector.multi_reduction <add>, %mul3A_11, %reduce_sum3A_13 [0] : vector<5120x128xf32> to vector<128xf32>
    %broadcast_in_dim3A_15 = vector.shape_cast %reduce_sum3A_14 : vector<128xf32> to vector<1x128xf32>
    %add3A = arith.addf %broadcast_in_dim3A, %broadcast_in_dim3A_15 : vector<1x128xf32>
    %div3A = arith.constant 5.000000e+03 : f32
    %div3A_16 = vector.broadcast %div3A : f32 to vector<1x128xf32>
    %div3A_17 = arith.divf %add3A, %div3A_16 : vector<1x128xf32>
    %slice3A_18 = vector.extract_strided_slice %get3A_1 {offsets = [0, 2], sizes = [5120, 1], strides = [1, 1]} : vector<5120x4xf32> to vector<5120x1xf32>
    %gt3A = arith.constant 5.000000e-01 : f32
    %gt3A_19 = vector.broadcast %gt3A : f32 to vector<5120x1xf32>
    %gt3A_20 = arith.cmpf ogt, %slice3A_18, %gt3A_19 : vector<5120x1xf32>
    %jit3A = arith.constant 0xFF800000 : f32
    %broadcast_in_dim3A_21 = vector.shape_cast %gt3A_20 : vector<5120x1xi1> to vector<5120x1xi1>
    %broadcast_in_dim3A_22 = vector.broadcast %broadcast_in_dim3A_21 : vector<5120x1xi1> to vector<5120x128xi1>
    %broadcast_in_dim3A_23 = vector.broadcast %jit3A : f32 to vector<5120x128xf32>
    %select_n3A = arith.select %broadcast_in_dim3A_22, %mul3A_5, %broadcast_in_dim3A_23 : vector<5120x128xi1>, vector<5120x128xf32>
    %reduce_max3A = arith.constant dense<0xFF800000> : vector<128xf32>
    %reduce_max3A_24 = vector.multi_reduction <maximumf>, %select_n3A, %reduce_max3A [0] : vector<5120x128xf32> to vector<128xf32>
    %broadcast_in_dim3A_25 = vector.shape_cast %reduce_max3A_24 : vector<128xf32> to vector<1x128xf32>
    %slice3A_26 = vector.extract_strided_slice %get3A_1 {offsets = [0, 3], sizes = [5120, 1], strides = [1, 1]} : vector<5120x4xf32> to vector<5120x1xf32>
    %gt3A_27 = arith.constant 5.000000e-01 : f32
    %gt3A_28 = vector.broadcast %gt3A_27 : f32 to vector<5120x1xf32>
    %gt3A_29 = arith.cmpf ogt, %slice3A_26, %gt3A_28 : vector<5120x1xf32>
    %jit3A_30 = arith.constant 0xFF800000 : f32
    %broadcast_in_dim3A_31 = vector.shape_cast %gt3A_29 : vector<5120x1xi1> to vector<5120x1xi1>
    %broadcast_in_dim3A_32 = vector.broadcast %broadcast_in_dim3A_31 : vector<5120x1xi1> to vector<5120x128xi1>
    %broadcast_in_dim3A_33 = vector.broadcast %jit3A_30 : f32 to vector<5120x128xf32>
    %select_n3A_34 = arith.select %broadcast_in_dim3A_32, %mul3A_11, %broadcast_in_dim3A_33 : vector<5120x128xi1>, vector<5120x128xf32>
    %reduce_max3A_35 = arith.constant dense<0xFF800000> : vector<128xf32>
    %reduce_max3A_36 = vector.multi_reduction <maximumf>, %select_n3A_34, %reduce_max3A_35 [0] : vector<5120x128xf32> to vector<128xf32>
    %broadcast_in_dim3A_37 = vector.shape_cast %reduce_max3A_36 : vector<128xf32> to vector<1x128xf32>
    %max3A = arith.maximumf %broadcast_in_dim3A_25, %broadcast_in_dim3A_37 : vector<1x128xf32>
    %get3A_38 = arith.constant 0 : index
    %get3A_39 = arith.constant 0 : index
    %get3A_40 = vector.load %arg3[%get3A_38, %get3A_39] : memref<128x16xf32, #tpu.memory_space<vmem>>, vector<128x16xf32>
    %dot_general3A = arith.constant dense<0.000000e+00> : vector<1x16xf32>
    %dot_general3A_41 = tpu.matmul %div3A_17, %get3A_40, %dot_general3A {dimension_numbers = #tpu.dot_dimension_numbers<[1], [0], [0], [1], [0, 0, 1, 1], [], []>, transpose_lhs_hint = false} : vector<1x128xf32>, vector<128x16xf32>, vector<1x16xf32> -> vector<1x16xf32>
    %get3A_42 = arith.constant 0 : index
    %get3A_43 = arith.constant 0 : index
    %get3A_44 = vector.load %arg4[%get3A_42, %get3A_43] : memref<128x16xf32, #tpu.memory_space<vmem>>, vector<128x16xf32>
    %dot_general3A_45 = arith.constant dense<0.000000e+00> : vector<1x16xf32>
    %dot_general3A_46 = tpu.matmul %max3A, %get3A_44, %dot_general3A_45 {dimension_numbers = #tpu.dot_dimension_numbers<[1], [0], [0], [1], [0, 0, 1, 1], [], []>, transpose_lhs_hint = false} : vector<1x128xf32>, vector<128x16xf32>, vector<1x16xf32> -> vector<1x16xf32>
    %add3A_47 = arith.addf %dot_general3A_41, %dot_general3A_46 : vector<1x16xf32>
    %get3A_48 = arith.constant 0 : index
    %get3A_49 = arith.constant 0 : index
    %get3A_50 = vector.load %arg5[%get3A_48, %get3A_49] : memref<1x16xf32, #tpu.memory_space<vmem>>, vector<1x16xf32>
    %add3A_51 = arith.addf %add3A_47, %get3A_50 : vector<1x16xf32>
    %max3A_52 = arith.constant 0.000000e+00 : f32
    %max3A_53 = vector.broadcast %max3A_52 : f32 to vector<1x16xf32>
    %max3A_54 = arith.maximumf %add3A_51, %max3A_53 : vector<1x16xf32>
    %get3A_55 = arith.constant 0 : index
    %get3A_56 = arith.constant 0 : index
    %get3A_57 = vector.load %arg6[%get3A_55, %get3A_56] : memref<16x32xf32, #tpu.memory_space<vmem>>, vector<16x32xf32>
    %dot_general3A_58 = arith.constant dense<0.000000e+00> : vector<1x32xf32>
    %dot_general3A_59 = tpu.matmul %max3A_54, %get3A_57, %dot_general3A_58 {dimension_numbers = #tpu.dot_dimension_numbers<[1], [0], [0], [1], [0, 0, 1, 1], [], []>, transpose_lhs_hint = false} : vector<1x16xf32>, vector<16x32xf32>, vector<1x32xf32> -> vector<1x32xf32>
    %get3A_60 = arith.constant 0 : index
    %get3A_61 = arith.constant 0 : index
    %get3A_62 = vector.load %arg7[%get3A_60, %get3A_61] : memref<1x32xf32, #tpu.memory_space<vmem>>, vector<1x32xf32>
    %add3A_63 = arith.addf %dot_general3A_59, %get3A_62 : vector<1x32xf32>
    %max3A_64 = arith.constant 0.000000e+00 : f32
    %max3A_65 = vector.broadcast %max3A_64 : f32 to vector<1x32xf32>
    %max3A_66 = arith.maximumf %add3A_63, %max3A_65 : vector<1x32xf32>
    %get3A_67 = arith.constant 0 : index
    %get3A_68 = arith.constant 0 : index
    %get3A_69 = vector.load %arg8[%get3A_67, %get3A_68] : memref<32x128xf32, #tpu.memory_space<vmem>>, vector<32x128xf32>
    %dot_general3A_70 = arith.constant dense<0.000000e+00> : vector<1x128xf32>
    %dot_general3A_71 = tpu.matmul %max3A_66, %get3A_69, %dot_general3A_70 {dimension_numbers = #tpu.dot_dimension_numbers<[1], [0], [0], [1], [0, 0, 1, 1], [], []>, transpose_lhs_hint = false} : vector<1x32xf32>, vector<32x128xf32>, vector<1x128xf32> -> vector<1x128xf32>
    %get3A_72 = arith.constant 0 : index
    %get3A_73 = arith.constant 0 : index
    %get3A_74 = vector.load %arg9[%get3A_72, %get3A_73] : memref<1x128xf32, #tpu.memory_space<vmem>>, vector<1x128xf32>
    %add3A_75 = arith.addf %dot_general3A_71, %get3A_74 : vector<1x128xf32>
    %max3A_76 = arith.constant 0.000000e+00 : f32
    %max3A_77 = vector.broadcast %max3A_76 : f32 to vector<1x128xf32>
    %max3A_78 = arith.maximumf %add3A_75, %max3A_77 : vector<1x128xf32>
    %get3A_79 = arith.constant 0 : index
    %get3A_80 = arith.constant 0 : index
    %get3A_81 = vector.load %arg10[%get3A_79, %get3A_80] : memref<128x2xf32, #tpu.memory_space<vmem>>, vector<128x2xf32>
    %dot_general3A_82 = arith.constant dense<0.000000e+00> : vector<1x2xf32>
    %dot_general3A_83 = tpu.matmul %max3A_78, %get3A_81, %dot_general3A_82 {dimension_numbers = #tpu.dot_dimension_numbers<[1], [0], [0], [1], [0, 0, 1, 1], [], []>, transpose_lhs_hint = false} : vector<1x128xf32>, vector<128x2xf32>, vector<1x2xf32> -> vector<1x2xf32>
    %get3A_84 = arith.constant 0 : index
    %get3A_85 = arith.constant 0 : index
    %get3A_86 = vector.load %arg11[%get3A_84, %get3A_85] : memref<1x2xf32, #tpu.memory_space<vmem>>, vector<1x2xf32>
    %add3A_87 = arith.addf %dot_general3A_83, %get3A_86 : vector<1x2xf32>
    %reduce_max3A_88 = arith.constant dense<0xFF800000> : vector<1xf32>
    %reduce_max3A_89 = vector.multi_reduction <maximumf>, %add3A_87, %reduce_max3A_88 [1] : vector<1x2xf32> to vector<1xf32>
    %broadcast_in_dim3A_90 = vector.shape_cast %reduce_max3A_89 : vector<1xf32> to vector<1x1xf32>
    %sub3A = vector.broadcast %broadcast_in_dim3A_90 : vector<1x1xf32> to vector<1x2xf32>
    %sub3A_91 = arith.subf %add3A_87, %sub3A : vector<1x2xf32>
    %exp3A = math.exp %sub3A_91 : vector<1x2xf32>
    %reduce_sum3A_92 = arith.constant dense<0.000000e+00> : vector<1xf32>
    %reduce_sum3A_93 = vector.multi_reduction <add>, %exp3A, %reduce_sum3A_92 [1] : vector<1x2xf32> to vector<1xf32>
    %broadcast_in_dim3A_94 = vector.shape_cast %reduce_sum3A_93 : vector<1xf32> to vector<1x1xf32>
    %log3A = math.log %broadcast_in_dim3A_94 : vector<1x1xf32>
    %add3A_95 = arith.addf %log3A, %broadcast_in_dim3A_90 : vector<1x1xf32>
    %sub3A_96 = vector.broadcast %add3A_95 : vector<1x1xf32> to vector<1x2xf32>
    %sub3A_97 = arith.subf %add3A_87, %sub3A_96 : vector<1x2xf32>
    %swap3A = arith.constant 0 : index
    %swap3A_98 = arith.constant 0 : index
    %swap3A_99 = vector.load %arg12[%swap3A, %swap3A_98] : memref<1x2xf32, #tpu.memory_space<vmem>>, vector<1x2xf32>
    tpu.vector_store %arg12[%swap3A, %swap3A_98], %sub3A_97 {strides = array<i32>} : memref<1x2xf32, #tpu.memory_space<vmem>>, vector<1x2xf32>,
    return
  }
}

</mosaic_0001>

<sc_bundles>
// kernel: kernel.14.cloned.1.call-start
scs
__scs_entry_jumppad:
0x0: {  	(pc) =	sbr.rel $0x88, $3  }
0x1: {  	(tag) =	ssettag $0x0;
	lr =	simm.s32 $0x1  }
0x2: {  	[smem:$0x3F89] =	sst lr;
	_ =	strace $0xD0000000  }
0x3: {  	_ = 	snop  }
0x4: {  	_ = 	snop  }
0x5: {  	_ = 	snop  }
0x6: {  	_ = 	snop  }
0x7: {  	_ = 	snop  }
__scs_overlays_trampoline_lowered:
0x8: {  	[smem:$0x3F98] =	sst s0  }
0x9: {  	[smem:$0x3F99] =	sst s1  }
0xa: {  	[smem:$0x3F9A] =	sst s2  }
0xb: {  	[smem:$0x3F9B] =	sst s3  }
0xc: {  	[smem:$0x3F9C] =	sst s4  }
0xd: {  	[smem:$0x3F9D] =	sst s5  }
0xe: {  	[smem:$0x3F9E] =	sst s6  }
0xf: {  	[smem:$0x3F9F] =	sst s7  }
0x10: {  	[smem:$0x3FA0] =	sst s8  }
0x11: {  	[smem:$0x3FA1] =	sst s9;
	s0 =	simm.s32 @!p0 $0x0  }
0x12: {  	s1 =	sld [smem:$0x3F87];
	s0 =	simm.s32 @p0 $0x1  }
0x13: {  	[smem:$0x3FA2] =	sst s0;
	s0 =	simm.s32 @!p1 $0x0  }
0x14: {  	s2 =	sld [smem:$0x3F86];
	s0 =	simm.s32 @p1 $0x1  }
0x15: {  	[smem:$0x3FA3] =	sst s0;
	s0 =	simm.s32 @!p2 $0x0  }
0x16: {  	s3 =	sld [smem:$0x3FDB];
	s0 =	simm.s32 @p2 $0x1  }
0x17: {  	s4 =	simm.s32 $0x1BF5;
	[smem:$0x3FA5] =	sst s0  }
0x18: {  	s0 =	sld [smem:$0x3F88];
	_ =	swait.ge [sflag:s4], $0x0  }
0x19: {  	s7 =	sld [smem:$0x3F89]  }
0x1a: {  	s8 =	sadd.s32 $0xFFFFE003, lr  }
0x1b: {  	s9 =	sadd.s32 $0xFFFFFEF7, lr;
	s5 =	simm.s32 $0xFFFFFFFF;
	p2 =	slt.u32 s8, $0xFFFFF086  }
0x1c: {  	p1 =	slt.u32 s9, $0xF7A;
	s5 =	simm.s32 @!p2 $0x0  }
0x1d: {  	s5 =	simm.s32 @p1 $0x1;
	p0 =	seq.s32 s7, s2  }
0x1e: {  	s7 =	smul.u32 @!p0 $0xF7A, s2;
	p2 =	seq.s32 @!p0 s5, $0x0  }
0x1f: {  	s9 =	smul.u32 $0xF7A, s1;
	s8 =	simm.s32 @!p0 $0x1BF5;
	p2 =	por !p2, p0  }
0x20: {  	[sflag:s8] =	ssyncset.s32 @!p0 $0xFFFFF086;
	s6 =	sadd.s32 @!p0 s3, s7;
	s7 =	simm.s32 @!p0 $0x108  }
0x21: {  	s3 =	sadd.s32 s3, s9;
	s6 =	sadd.s32 @!p0 $0x88, s6;
	s7 =	simm.s32 @p2 $0x1082  }
0x22: {  	[simem:s7], [sflag:s8] =	dma.local @!p0 [hbm:s6], $0xF7A  }
0x23: {  	s9 =	sor.u32 $0xD0000000, s2;
	s6 =	simm.s32 $0x108;
	_ =	swait.ge @!p0 [sflag:s8], $0x0  }
0x24: {  	s3 =	sadd.s32 $0x88, s3;
	s6 =	simm.s32 @!p1 $0x1082;
	[sflag:s4] =	ssyncset.s32 $0xFFFFF086  }
0x25: {  	[simem:s6], [sflag:s4] =	dma.local [hbm:s3], $0xF7A  }
0x26: {  	[smem:$0x3F89] =	sst s1;
	(tag) =	ssettag s2;
	_ =	strace s9  }
0x27: {  	s1 =	sld [smem:$0x3F99]  }
0x28: {  	s2 =	sld [smem:$0x3F9A]  }
0x29: {  	s4 =	sld [smem:$0x3F9C]  }
0x2a: {  	p0 =	seq.s32 s5, $0x0;
	s5 =	sld [smem:$0x3F9D]  }
0x2b: {  	s6 =	sld [smem:$0x3F9E]  }
0x2c: {  	s7 =	sld [smem:$0x3F9F]  }
0x2d: {  	s3 =	simm.s32 $0x108;
	s8 =	sld [smem:$0x3FA0]  }
0x2e: {  	s3 =	simm.s32 @!p0 $0x1082;
	s9 =	sld [smem:$0x3FA1]  }
0x2f: {  	lr =	sadd.s32 s0, s3;
	s0 =	sld [smem:$0x3F98]  }
0x30: {  	s3 =	sld [smem:$0x3F9B]  }
0x31: {  	[smem:$0x3FA4] =	sst s10  }
0x32: {  	s10 =	sld [smem:$0x3FA2];
	_ =	sdelay $0x3  }
0x33: {  	p0 =	seq.s32 s10, $0x1;
	s10 =	sld [smem:$0x3FA4];
	_ =	sdelay $0x3  }
0x34: {  	[smem:$0x3FA4] =	sst s10  }
0x35: {  	s10 =	sld [smem:$0x3FA3];
	_ =	sdelay $0x3  }
0x36: {  	p1 =	seq.s32 s10, $0x1;
	s10 =	sld [smem:$0x3FA4];
	_ =	sdelay $0x3  }
0x37: {  	[smem:$0x3FA4] =	sst s10  }
0x38: {  	s10 =	sld [smem:$0x3FA5]  }
0x39: {  	_ = 	snop;
	(pc) =	sbr.ind lr, $3  }
0x3a: {  	_ = 	snop  }
0x3b: {  	_ = 	snop  }
0x3c: {  	p2 =	seq.s32 s10, $0x1;
	s10 =	sld [smem:$0x3FA4]  }
0x3d: {  	_ =	shalt  }
0x3e: {  	_ =	shalt  }
0x3f: {  	_ =	shalt  }
0x40: {  	_ =	shalt  }
0x41: {  	_ =	shalt  }
0x42: {  	_ =	shalt  }
0x43: {  	_ =	shalt  }
0x44: {  	_ =	shalt  }
0x45: {  	_ =	shalt  }
0x46: {  	_ =	shalt  }
0x47: {  	_ =	shalt  }
0x48: {  	_ =	shalt  }
0x49: {  	_ =	shalt  }
0x4a: {  	_ =	shalt  }
0x4b: {  	_ =	shalt  }
0x4c: {  	_ =	shalt  }
0x4d: {  	_ =	shalt  }
0x4e: {  	_ =	shalt  }
0x4f: {  	_ =	shalt  }
0x50: {  	_ =	shalt  }
0x51: {  	_ =	shalt  }
0x52: {  	_ =	shalt  }
0x53: {  	_ =	shalt  }
0x54: {  	_ =	shalt  }
0x55: {  	_ =	shalt  }
0x56: {  	_ =	shalt  }
0x57: {  	_ =	shalt  }
0x58: {  	_ =	shalt  }
0x59: {  	_ =	shalt  }
0x5a: {  	_ =	shalt  }
0x5b: {  	_ =	shalt  }
0x5c: {  	_ =	shalt  }
0x5d: {  	_ =	shalt  }
0x5e: {  	_ =	shalt  }
0x5f: {  	_ =	shalt  }
0x60: {  	_ =	shalt  }
0x61: {  	_ =	shalt  }
0x62: {  	_ =	shalt  }
0x63: {  	_ =	shalt  }
0x64: {  	_ =	shalt  }
0x65: {  	_ =	shalt  }
0x66: {  	_ =	shalt  }
0x67: {  	_ =	shalt  }
0x68: {  	_ =	shalt  }
0x69: {  	_ =	shalt  }
0x6a: {  	_ =	shalt  }
0x6b: {  	_ =	shalt  }
0x6c: {  	_ =	shalt  }
0x6d: {  	_ =	shalt  }
0x6e: {  	_ =	shalt  }
0x6f: {  	_ =	shalt  }
0x70: {  	_ =	shalt  }
0x71: {  	_ =	shalt  }
0x72: {  	_ =	shalt  }
0x73: {  	_ =	shalt  }
0x74: {  	_ =	shalt  }
0x75: {  	_ =	shalt  }
0x76: {  	_ =	shalt  }
0x77: {  	_ =	shalt  }
0x78: {  	_ =	shalt  }
0x79: {  	_ =	shalt  }
0x7a: {  	_ =	shalt  }
0x7b: {  	_ =	shalt  }
0x7c: {  	_ =	shalt  }
0x7d: {  	_ =	shalt  }
0x7e: {  	_ =	shalt  }
0x7f: {  	_ =	shalt  }
0x80: {  	_ =	shalt  }
0x81: {  	_ =	shalt  }
0x82: {  	_ =	shalt  }
0x83: {  	_ =	shalt  }
0x84: {  	_ =	shalt  }
0x85: {  	_ =	shalt  }
0x86: {  	_ =	shalt  }
0x87: {  	_ =	shalt  }
.Lfunc_end0:
.L_simem_size_0:
called_computation_lowered:
.L_overlay_start_0:
0x88: {  	s2 =	sld [smem:$0x3FD9]  }
0x89: {  	s3 =	sld [smem:$0x3FFE];
	_ =	sdelay $0x1  }
0x8a: {  	s1 =	srdreg.scid  }
0x8b: {  	s0 =	sand.u32 $0x1, s1  }
0x8c: {  	s16 =	sshll.u32 s0, $0xA;
	s2 =	sadd.s32 s3, s2  }
0x8d: {  	s2 =	sadd.s32 s2, s16  }
0x8e: {  	[smem:$0x3FB0] =	sst s2  }
0x8f: {  	_ = 	snop  }
0x90: {  	(tm) =	ssettm $0x1  }
0x91: {  	s17 =	sld [smem:$0x3FFB];
	_ =	sdelay $0x3  }
0x92: {  	_ =	strace s17  }
0x93: {  	s2 =	sld [smem:$0x3FFC];
	_ =	sdelay $0x3  }
0x94: {  	_ =	strace s2  }
0x95: {  	s2 =	sld [smem:$0x3FFD];
	_ =	sdelay $0x3  }
0x96: {  	_ =	strace s2  }
0x97: {  	_ =	strace $0x8FFFFFFF  }
0x98: {  	s18 =	sld [smem:$0x3FDB];
	_ =	sdelay $0x1  }
0x99: {  	s19 =	simm.s32 $_scs_section_size  }
0x9a: {  	s4 =	simm.s32 $_size__tile_overlayer_lowered;
	s5 =	simm.s32 $_tile_overlayer_lowered  }
0x9b: {  	s22 =	simm.s32 $0x1BFF;
	s21 =	sshll.u32 s5, $0x1;
	s2 =	sadd.s32 s19, s18  }
0x9c: {  	s6 =	simm.s32 $0x0;
	s20 =	sshll.u32 s4, $0x1;
	s4 =	sadd.s32 s21, s2  }
0x9d: {  	[timem:s6], [sflag:s22] =	dma.local [hbm:s4], s20  }
0x9e: {  	_ =	swait.ge [sflag:s22], s20  }
0x9f: {  	s3 =	ssub.s32 $0x0, s20;
	[sflag:s22] =	ssyncset.done $0x0  }
0xa0: {  	[sflag:s22] =	ssyncadd.s32 s3;
	_ =	sdelay $0x1  }
0xa1: {  	s23 =	simm.s32 $0x1B8B  }
0xa2: {  	_ =	swait.ge [sflag:s23], $0x1  }
0xa3: {  	[sflag:s23] =	ssyncset.done $0x0  }
0xa4: {  	s25 =	simm.s32 $0x1B8E;
	s24 =	sld [smem:$0x3FFE];
	[sflag:s23] =	ssyncadd.s32 $0xFFFFFFFF  }
0xa5: {  	s26 =	simm.s32 $execute0_lowered;
	[smem:$0x3FD2] =	sst s25  }
0xa6: {  	s4 =	sshll.u32 s26, $0x1;
	_ =	strace $0x80000046;
	[dreg:$0x1] =	wrdreg $0xFFFFFFFF  }
0xa7: {  	s28 =	simm.s32 $_size_execute0_lowered;
	s2 =	sadd.s32 s2, s4;
	[dreg:$0x0] =	wrdreg $0x0  }
0xa8: {  	s4 =	sshll.u32 s28, $0x1;
	[dreg:$0x2] =	wrdreg s2  }
0xa9: {  	[dreg:$0x3] =	wrdreg s4  }
0xaa: {  	[dreg:$0x4] =	wrdreg $0xC0  }
0xab: {  	_ =	task [dreg:s6], $0x5FFFF  }
0xac: {  	[dreg:$0x1] =	wrdreg $0xFFFFFFFF  }
0xad: {  	[dreg:$0x0] =	wrdreg $0x60  }
0xae: {  	[dreg:$0x2] =	wrdreg s24  }
0xaf: {  	[dreg:$0x3] =	wrdreg $0x58000  }
0xb0: {  	[dreg:$0x4] =	wrdreg $0x80000  }
0xb1: {  	[dreg:$0x5] =	wrdreg $0x9  }
0xb2: {  	_ =	task.clear_ibuf [dreg:s6], $0x6FFFF;
	_ =	strace $0x90000046  }
0xb3: {  	s29 =	simm.s32 $0x9;
	_ =	strace $0x80000048  }
0xb4: {  	_ =	swait.ge [sflag:s29], $0x1  }
0xb5: {  	[sflag:s29] =	ssyncadd.s32 $0xFFFFFFFF  }
0xb6: {  	_ =	strace $0x90000048  }
0xb7: {  	_ =	sfence  }
0xb8: {  	s30 =	sld [smem:$0x0];
	_ =	sdelay $0x2  }
0xb9: {  	s31 =	sshll.u32 s1, $0xD;
	s1 =	sshrl.u32 s1, $0x2  }
0xba: {  	s3 =	sand.u32 $0x4000, s31;
	s1 =	sadd.s32 s1, s30  }
0xbb: {  	s0 =	sor.u32 s3, s0;
	s1 =	sshll.u32 s1, $0x11  }
0xbc: {  	s0 =	sor.u32 s1, s0  }
0xbd: {  	s0 =	sadd.s32 $0x8F2B, s0  }
0xbe: {  	[sflag:s0] =	ssyncadd.remote.s32 $0x1  }
0xbf: {  	_ =	sfence.sel $0xFFFF  }
0xc0: {  	[dreg:$0x0] =	wrdreg $0xFFFFFFFF;
	(pc) =	sbr.abs _section_cstart, $3  }
0xc1: {  	[dreg:$0x1] =	wrdreg $0xFFFFFFFF  }
0xc2: {  	_ =	task.clear_ibuf [dreg:s6], $0x2FFFF;
	_ =	strace $0x9FFFFFFF  }
0xc3: {  	(tm) =	ssettm $0x7FFFFFFF  }
tec
execute0_lowered:
.L_overlay_start_1:
0x0: {  	(tag) =	ssettag $0x1  }
0x1: {  	s5 =	rddreg [dreg:$0x0]  }
0x2: {  	s2 =	rddreg [dreg:$0x1]  }
0x3: {  	s3 =	rddreg [dreg:$0x2]  }
0x4: {  	s0 =	srdreg.scid;
	s1 =	rddreg [dreg:$0x3]  }
0x5: {  	s4 =	simm.s32 $0x0;
	s23 =	simm.s32 $0x80;
	s24 =	simm.s32 $0x1  }
0x6: {  	s25 =	simm.s32 $0x2;
	s26 =	simm.s32 $0x0;
	s7 =	sand.u32 $0x1, s0  }
0x7: {  	s0 =	stileid.u32;
	[smem:$0x7FF] =	sst s4;
	s18 =	sadd.s32 $0x1C200, s5  }
0x8: {  	s19 =	sadd.s32 $0x21200, s5;
	s20 =	sadd.s32 $0x26200, s5;
	s6 =	smul.u32 $0x500, s7  }
0x9: {  	s21 =	sadd.s32 $0x2B200, s5;
	s8 =	smul.u32 $0x50, s0;
	_ =	strace $0x80000047  }
0xa: {  	s31 =	ssub.s32 $0x2, s7;
	s14 =	smul.u32 $0x2800, s0;
	p0 =	seq.s32 s7, $0x1  }
0xb: {  	s9 =	sshrl.u32 s31, $0x1;
	s18 =	smov.u32 @p0 s19;
	s20 =	smov.u32 @p0 s21  }
0xc: {  	s21 =	simm.s32 $0x2800;
	s6 =	sadd.s32 s8, s6;
	s9 =	ssub.s32 s31, s9  }
0xd: {  	s22 =	sshrl.u32 s14, $0x3;
	s7 =	sadd.s32 s14, s2;
	s8 =	sadd.s32 s14, s3  }
0xe: {  	s11 =	sadd.s32 $0x800, s14;
	s13 =	sadd.s32 $0x1000, s14;
	s15 =	sadd.s32 $0x1800, s14  }
0xf: {  	s17 =	sadd.s32 $0x2000, s14;
	s6 =	sshll.u32 s6, $0x4;
	s9 =	smax.u32 s9, $0x1  }
0x10: {  	s10 =	sadd.s32 s11, s2;
	s11 =	sadd.s32 s11, s3;
	s12 =	sadd.s32 s13, s2  }
0x11: {  	s13 =	sadd.s32 s13, s3;
	s14 =	sadd.s32 s15, s2;
	s15 =	sadd.s32 s15, s3  }
0x12: {  	s16 =	sadd.s32 s17, s2;
	s17 =	sadd.s32 s17, s3;
	s18 =	sadd.s32 s18, s22  }
0x13: {  	s19 =	sadd.s32 s20, s22;
	s20 =	simm.s32 $0x3;
	s6 =	sadd.s32 s6, s5  }
0x14: {  	v0 =	vimm.f32 $0.0e+00;
	v1 =	vimm.f32 $1.000000000e+00;
	s22 =	simm.s32 $0x5000;
	s5 =	sadd.s32 $0x12200, s6;
	s6 =	sadd.s32 $0x8200, s6  }
.LBB2_1:
0x15: {  	[tilespmem:s4], [sflag:$0x3] =	stream.linear.gather [hbm4b:s5+s4], $0x2800, $0x38;
	[tilespmem:$0xA800] =	vst v63  }
0x16: {  	_ =	swait.ge [sflag:s20], $0x2800  }
0x17: {  	[sflag:s20] =	ssyncset.done $0x0  }
0x18: {  	[sflag:s20] =	ssyncadd.s32 $0xFFFFD800  }
0x19: {  	[tilespmem:s21], [sflag:$0x3] =	stream.linear.gather [hbm4b:s6+s4], $0x2800, $0x38;
	[tilespmem:$0xA800] =	vst v63  }
0x1a: {  	_ =	swait.ge [sflag:s20], $0x2800  }
0x1b: {  	[sflag:s20] =	ssyncset.done $0x0  }
0x1c: {  	s28 =	simm.s32 $0x40;
	s29 =	simm.s32 $0x0;
	[sflag:s20] =	ssyncadd.s32 $0xFFFFD800  }
.LBB2_2:
0x1d: {  	p0 =	sne.s32 s28, $0x1FC0;
	[tilespmem:s29+$0x5000] =	vst v0;
	s29 =	smov.u32 s28;
	s28 =	sadd.s32 $0x40, s28  }
.Ltmp0:
0x1e: {  	(pc) =	sbr.rel @p0 .LBB2_2-.Ltmp0, $2  }
0x1f: {  	_ =	sdelay $0x2  }
0x20: {  	s29 =	sshra.s32 s29, $0x2  }
0x21: {  	[tilespmem:s29+$0x5000] =	vst v0  }
0x22: {  	[spmem:s7] =	stream.linear.scatter [tilespmem:s22], [sflag:$0x3], $0x800, $0x38;
	[tilespmem:$0xA800] =	vst v63  }
0x23: {  	_ =	swait.ge [sflag:s20], $0x800  }
0x24: {  	[sflag:s20] =	ssyncset.done $0x0  }
0x25: {  	[sflag:s20] =	ssyncadd.s32 $0xFFFFF800  }
0x26: {  	[spmem:s8] =	stream.linear.scatter [tilespmem:s22], [sflag:$0x3], $0x800, $0x38;
	[tilespmem:$0xA800] =	vst v63  }
0x27: {  	_ =	swait.ge [sflag:s20], $0x800  }
0x28: {  	[sflag:s20] =	ssyncset.done $0x0  }
0x29: {  	[sflag:s20] =	ssyncadd.s32 $0xFFFFF800  }
0x2a: {  	[spmem:s10] =	stream.linear.scatter [tilespmem:s22], [sflag:$0x3], $0x800, $0x38;
	[tilespmem:$0xA800] =	vst v63  }
0x2b: {  	_ =	swait.ge [sflag:s20], $0x800  }
0x2c: {  	[sflag:s20] =	ssyncset.done $0x0  }
0x2d: {  	[sflag:s20] =	ssyncadd.s32 $0xFFFFF800  }
0x2e: {  	[spmem:s11] =	stream.linear.scatter [tilespmem:s22], [sflag:$0x3], $0x800, $0x38;
	[tilespmem:$0xA800] =	vst v63  }
0x2f: {  	_ =	swait.ge [sflag:s20], $0x800  }
0x30: {  	[sflag:s20] =	ssyncset.done $0x0  }
0x31: {  	[sflag:s20] =	ssyncadd.s32 $0xFFFFF800  }
0x32: {  	[spmem:s12] =	stream.linear.scatter [tilespmem:s22], [sflag:$0x3], $0x800, $0x38;
	[tilespmem:$0xA800] =	vst v63  }
0x33: {  	_ =	swait.ge [sflag:s20], $0x800  }
0x34: {  	[sflag:s20] =	ssyncset.done $0x0  }
0x35: {  	[sflag:s20] =	ssyncadd.s32 $0xFFFFF800  }
0x36: {  	[spmem:s13] =	stream.linear.scatter [tilespmem:s22], [sflag:$0x3], $0x800, $0x38;
	[tilespmem:$0xA800] =	vst v63  }
0x37: {  	_ =	swait.ge [sflag:s20], $0x800  }
0x38: {  	[sflag:s20] =	ssyncset.done $0x0  }
0x39: {  	[sflag:s20] =	ssyncadd.s32 $0xFFFFF800  }
0x3a: {  	[spmem:s14] =	stream.linear.scatter [tilespmem:s22], [sflag:$0x3], $0x800, $0x38;
	[tilespmem:$0xA800] =	vst v63  }
0x3b: {  	_ =	swait.ge [sflag:s20], $0x800  }
0x3c: {  	[sflag:s20] =	ssyncset.done $0x0  }
0x3d: {  	[sflag:s20] =	ssyncadd.s32 $0xFFFFF800  }
0x3e: {  	[spmem:s15] =	stream.linear.scatter [tilespmem:s22], [sflag:$0x3], $0x800, $0x38;
	[tilespmem:$0xA800] =	vst v63  }
0x3f: {  	_ =	swait.ge [sflag:s20], $0x800  }
0x40: {  	[sflag:s20] =	ssyncset.done $0x0  }
0x41: {  	[sflag:s20] =	ssyncadd.s32 $0xFFFFF800  }
0x42: {  	[spmem:s16] =	stream.linear.scatter [tilespmem:s22], [sflag:$0x3], $0x800, $0x38;
	[tilespmem:$0xA800] =	vst v63  }
0x43: {  	_ =	swait.ge [sflag:s20], $0x800  }
0x44: {  	[sflag:s20] =	ssyncset.done $0x0  }
0x45: {  	[sflag:s20] =	ssyncadd.s32 $0xFFFFF800  }
0x46: {  	[spmem:s17] =	stream.linear.scatter [tilespmem:s22], [sflag:$0x3], $0x800, $0x38;
	[tilespmem:$0xA800] =	vst v63  }
0x47: {  	_ =	swait.ge [sflag:s20], $0x800  }
0x48: {  	[sflag:s20] =	ssyncset.done $0x0  }
0x49: {  	s28 =	simm.s32 $0x40;
	s29 =	simm.s32 $0x0;
	[sflag:s20] =	ssyncadd.s32 $0xFFFFF800  }
.LBB2_4:
0x4a: {  	p0 =	sne.s32 s28, $0x1FC0;
	[tilespmem:s29+$0x5000] =	vst v1;
	s29 =	smov.u32 s28;
	s28 =	sadd.s32 $0x40, s28  }
.Ltmp1:
0x4b: {  	(pc) =	sbr.rel @p0 .LBB2_4-.Ltmp1, $2  }
0x4c: {  	_ =	sdelay $0x2  }
0x4d: {  	s29 =	sshra.s32 s29, $0x2  }
0x4e: {  	[tilespmem:s29+$0x5000] =	vst v1  }
0x4f: {  	s28 =	simm.s32 $0x0;
	[bflag:$0x0] =	sbarrier.arrive $0xFFFF  }
0x50: {  	[spmem:s2] =	stream.indirect.scatter.add.f32 [tilespmem:s22], [sflag:$0x1], $0x10, s28, s23, $0xb8;
	[tilespmem:$0xA800] =	vst v63  }
0x51: {  	s28 =	simm.s32 $0x2800  }
0x52: {  	[spmem:s3] =	stream.indirect.scatter.add.f32 [tilespmem:s22], [sflag:$0x2], $0x10, s28, s23, $0xb8;
	[tilespmem:$0xA800] =	vst v63  }
0x53: {  	_ =	swait.ge [sflag:s24], $0x800  }
0x54: {  	[sflag:s24] =	ssyncset.done $0x0  }
0x55: {  	[sflag:s24] =	ssyncadd.s32 $0xFFFFF800  }
0x56: {  	_ =	swait.ge [sflag:s25], $0x800  }
0x57: {  	s29 =	simm.s32 $0x400;
	s28 =	simm.s32 $0x200;
	[sflag:s25] =	ssyncset.done $0x0  }
.LBB2_6:
0x58: {  	s30 =	sshra.s32 s28, $0x2  }
0x59: {  	[sflag:s25] =	ssyncadd.s32 $0xFFFFF800;
	s28 =	smov.u32 s29;
	s31 =	sadd.s32 $0x200, s29  }
0x5a: {  	[spmem:s2] =	stream.indirect.scatter.add.f32 [tilespmem:s22], [sflag:$0x1], $0x10, s30, s23, $0xb8;
	[tilespmem:$0xA800] =	vst v63  }
0x5b: {  	p0 =	sne.s32 s29, $0x9E00;
	s29 =	sadd.s32 $0x2800, s30  }
0x5c: {  	[spmem:s3] =	stream.indirect.scatter.add.f32 [tilespmem:s22], [sflag:$0x2], $0x10, s29, s23, $0xb8;
	[tilespmem:$0xA800] =	vst v63  }
.Ltmp2:
0x5d: {  	_ =	swait.ge [sflag:s24], $0x800;
	(pc) =	sbr.rel @p0 .LBB2_6-.Ltmp2, $4  }
0x5e: {  	[sflag:s24] =	ssyncset.done $0x0  }
0x5f: {  	[sflag:s24] =	ssyncadd.s32 $0xFFFFF800  }
0x60: {  	_ =	swait.ge [sflag:s25], $0x800  }
0x61: {  	s29 =	smov.u32 s31;
	[sflag:s25] =	ssyncset.done $0x0  }
0x62: {  	s28 =	sshra.s32 s28, $0x2;
	[sflag:s25] =	ssyncadd.s32 $0xFFFFF800  }
0x63: {  	[spmem:s2] =	stream.indirect.scatter.add.f32 [tilespmem:s22], [sflag:$0x1], $0x10, s28, s23, $0xb8;
	[tilespmem:$0xA800] =	vst v63  }
0x64: {  	s28 =	sadd.s32 $0x2800, s28  }
0x65: {  	[spmem:s3] =	stream.indirect.scatter.add.f32 [tilespmem:s22], [sflag:$0x2], $0x10, s28, s23, $0xb8;
	[tilespmem:$0xA800] =	vst v63  }
0x66: {  	_ =	swait.ge [sflag:s24], $0x800  }
0x67: {  	[sflag:s24] =	ssyncset.done $0x0  }
0x68: {  	[sflag:s24] =	ssyncadd.s32 $0xFFFFF800  }
0x69: {  	_ =	swait.ge [sflag:s25], $0x800  }
0x6a: {  	[sflag:s25] =	ssyncset.done $0x0  }
0x6b: {  	s30 =	sshll.u32 s0, $0x6;
	[sflag:s25] =	ssyncadd.s32 $0xFFFFF800  }
0x6c: {  	s29 =	sshrl.u32 s7, $0x3;
	s28 =	sor.u32 $0x1C03, s30;
	[bflag:$0x0] =	sbarrier.arrive $0xFFFF  }
0x6d: {  	[hbm:s18], [sflag:s28] =	dma.local [spmem:s29], $0x500  }
0x6e: {  	s26 =	sadd.s32 $0x1, s26;
	_ =	swait.ge [sflag:s20], $0x500  }
0x6f: {  	p0 =	sne.s32 s26, s9;
	[sflag:s20] =	ssyncset.done $0x0  }
.Ltmp3:
0x70: {  	s31 =	sshrl.u32 s8, $0x3;
	[sflag:s20] =	ssyncadd.s32 $0xFFFFFB00;
	(pc) =	sbr.rel @p0 .LBB2_1-.Ltmp3, $4  }
0x71: {  	[hbm:s19], [sflag:s28] =	dma.local [spmem:s31], $0x500  }
0x72: {  	_ =	swait.ge [sflag:s20], $0x500  }
0x73: {  	[sflag:s20] =	ssyncset.done $0x0  }
0x74: {  	[sflag:s20] =	ssyncadd.s32 $0xFFFFFB00  }
0x75: {  	_ =	sfence.sel $0x180000  }
0x76: {  	[bflag:$0x0] =	sbarrier.arrive $0xFFFF  }
0x77: {  	p0 =	sne.s32 s0, $0x0;
	_ =	strace $0x90000047  }
0x78: {  	s0 =	sadd.s32 @!p0 $0x100000, s1;
	[bflag:$0x2] =	sbarrier.arrive $0xFFFF  }
0x79: {  	[sflag:s0] =	ssyncadd.tile.s32 @!p0 $0x1;
	_ =	shalt  }
.Lfunc_end2:
_tile_overlayer_lowered:
.L_overlay_start_2:
0x7a: {  	(tag) =	ssettag $0x2  }
0x7b: {  	s0 =	rddreg [dreg:$0x0];
	s2 =	stileid.u32  }
0x7c: {  	s1 =	rddreg [dreg:$0x1];
	p0 =	sne.s32 s2, $0x0  }
0x7d: {  	s3 =	rddreg [dreg:$0x2];
	[bflag:$0x3] =	sbarrier.arrive $0xFFFF;
	s2 =	simm.s32 @!p0 $0x1C03  }
0x7e: {  	[timem:s3], [sflag:s2] =	dma.local @!p0 [hbm:s0], s1  }
0x7f: {  	s0 =	simm.s32 @!p0 $0x3  }
0x80: {  	_ =	swait.ge @!p0 [sflag:s0], s1  }
0x81: {  	s1 =	ssub.s32 @!p0 $0x0, s1;
	[sflag:s0] =	ssyncset.done @!p0 $0x0  }
0x82: {  	[sflag:s0] =	ssyncadd.s32 @!p0 s1  }
0x83: {  	[bflag:$0x3] =	sbarrier.arrive $0xFFFF  }
0x84: {  	_ =	shalt  }

// kernel: kernel.17.cloned.1.call-start
scs
__scs_entry_jumppad:
0x0: {  	(pc) =	sbr.rel $0x88, $3  }
0x1: {  	(tag) =	ssettag $0x0;
	lr =	simm.s32 $0x1  }
0x2: {  	[smem:$0x3F89] =	sst lr;
	_ =	strace $0xD0000000  }
0x3: {  	_ = 	snop  }
0x4: {  	_ = 	snop  }
0x5: {  	_ = 	snop  }
0x6: {  	_ = 	snop  }
0x7: {  	_ = 	snop  }
__scs_overlays_trampoline_lowered:
0x8: {  	[smem:$0x3F98] =	sst s0  }
0x9: {  	[smem:$0x3F99] =	sst s1  }
0xa: {  	[smem:$0x3F9A] =	sst s2  }
0xb: {  	[smem:$0x3F9B] =	sst s3  }
0xc: {  	[smem:$0x3F9C] =	sst s4  }
0xd: {  	[smem:$0x3F9D] =	sst s5  }
0xe: {  	[smem:$0x3F9E] =	sst s6  }
0xf: {  	[smem:$0x3F9F] =	sst s7  }
0x10: {  	[smem:$0x3FA0] =	sst s8  }
0x11: {  	[smem:$0x3FA1] =	sst s9;
	s0 =	simm.s32 @!p0 $0x0  }
0x12: {  	s1 =	sld [smem:$0x3F87];
	s0 =	simm.s32 @p0 $0x1  }
0x13: {  	[smem:$0x3FA2] =	sst s0;
	s0 =	simm.s32 @!p1 $0x0  }
0x14: {  	s2 =	sld [smem:$0x3F86];
	s0 =	simm.s32 @p1 $0x1  }
0x15: {  	[smem:$0x3FA3] =	sst s0;
	s0 =	simm.s32 @!p2 $0x0  }
0x16: {  	s3 =	sld [smem:$0x3FDB];
	s0 =	simm.s32 @p2 $0x1  }
0x17: {  	s4 =	simm.s32 $0x1BF5;
	[smem:$0x3FA5] =	sst s0  }
0x18: {  	s0 =	sld [smem:$0x3F88];
	_ =	swait.ge [sflag:s4], $0x0  }
0x19: {  	s7 =	sld [smem:$0x3F89]  }
0x1a: {  	s8 =	sadd.s32 $0xFFFFE003, lr  }
0x1b: {  	s9 =	sadd.s32 $0xFFFFFEF7, lr;
	s5 =	simm.s32 $0xFFFFFFFF;
	p2 =	slt.u32 s8, $0xFFFFF086  }
0x1c: {  	p1 =	slt.u32 s9, $0xF7A;
	s5 =	simm.s32 @!p2 $0x0  }
0x1d: {  	s5 =	simm.s32 @p1 $0x1;
	p0 =	seq.s32 s7, s2  }
0x1e: {  	s7 =	smul.u32 @!p0 $0xF7A, s2;
	p2 =	seq.s32 @!p0 s5, $0x0  }
0x1f: {  	s9 =	smul.u32 $0xF7A, s1;
	s8 =	simm.s32 @!p0 $0x1BF5;
	p2 =	por !p2, p0  }
0x20: {  	[sflag:s8] =	ssyncset.s32 @!p0 $0xFFFFF086;
	s6 =	sadd.s32 @!p0 s3, s7;
	s7 =	simm.s32 @!p0 $0x108  }
0x21: {  	s3 =	sadd.s32 s3, s9;
	s6 =	sadd.s32 @!p0 $0x88, s6;
	s7 =	simm.s32 @p2 $0x1082  }
0x22: {  	[simem:s7], [sflag:s8] =	dma.local @!p0 [hbm:s6], $0xF7A  }
0x23: {  	s9 =	sor.u32 $0xD0000000, s2;
	s6 =	simm.s32 $0x108;
	_ =	swait.ge @!p0 [sflag:s8], $0x0  }
0x24: {  	s3 =	sadd.s32 $0x88, s3;
	s6 =	simm.s32 @!p1 $0x1082;
	[sflag:s4] =	ssyncset.s32 $0xFFFFF086  }
0x25: {  	[simem:s6], [sflag:s4] =	dma.local [hbm:s3], $0xF7A  }
0x26: {  	[smem:$0x3F89] =	sst s1;
	(tag) =	ssettag s2;
	_ =	strace s9  }
0x27: {  	s1 =	sld [smem:$0x3F99]  }
0x28: {  	s2 =	sld [smem:$0x3F9A]  }
0x29: {  	s4 =	sld [smem:$0x3F9C]  }
0x2a: {  	p0 =	seq.s32 s5, $0x0;
	s5 =	sld [smem:$0x3F9D]  }
0x2b: {  	s6 =	sld [smem:$0x3F9E]  }
0x2c: {  	s7 =	sld [smem:$0x3F9F]  }
0x2d: {  	s3 =	simm.s32 $0x108;
	s8 =	sld [smem:$0x3FA0]  }
0x2e: {  	s3 =	simm.s32 @!p0 $0x1082;
	s9 =	sld [smem:$0x3FA1]  }
0x2f: {  	lr =	sadd.s32 s0, s3;
	s0 =	sld [smem:$0x3F98]  }
0x30: {  	s3 =	sld [smem:$0x3F9B]  }
0x31: {  	[smem:$0x3FA4] =	sst s10  }
0x32: {  	s10 =	sld [smem:$0x3FA2];
	_ =	sdelay $0x3  }
0x33: {  	p0 =	seq.s32 s10, $0x1;
	s10 =	sld [smem:$0x3FA4];
	_ =	sdelay $0x3  }
0x34: {  	[smem:$0x3FA4] =	sst s10  }
0x35: {  	s10 =	sld [smem:$0x3FA3];
	_ =	sdelay $0x3  }
0x36: {  	p1 =	seq.s32 s10, $0x1;
	s10 =	sld [smem:$0x3FA4];
	_ =	sdelay $0x3  }
0x37: {  	[smem:$0x3FA4] =	sst s10  }
0x38: {  	s10 =	sld [smem:$0x3FA5]  }
0x39: {  	_ = 	snop;
	(pc) =	sbr.ind lr, $3  }
0x3a: {  	_ = 	snop  }
0x3b: {  	_ = 	snop  }
0x3c: {  	p2 =	seq.s32 s10, $0x1;
	s10 =	sld [smem:$0x3FA4]  }
0x3d: {  	_ =	shalt  }
0x3e: {  	_ =	shalt  }
0x3f: {  	_ =	shalt  }
0x40: {  	_ =	shalt  }
0x41: {  	_ =	shalt  }
0x42: {  	_ =	shalt  }
0x43: {  	_ =	shalt  }
0x44: {  	_ =	shalt  }
0x45: {  	_ =	shalt  }
0x46: {  	_ =	shalt  }
0x47: {  	_ =	shalt  }
0x48: {  	_ =	shalt  }
0x49: {  	_ =	shalt  }
0x4a: {  	_ =	shalt  }
0x4b: {  	_ =	shalt  }
0x4c: {  	_ =	shalt  }
0x4d: {  	_ =	shalt  }
0x4e: {  	_ =	shalt  }
0x4f: {  	_ =	shalt  }
0x50: {  	_ =	shalt  }
0x51: {  	_ =	shalt  }
0x52: {  	_ =	shalt  }
0x53: {  	_ =	shalt  }
0x54: {  	_ =	shalt  }
0x55: {  	_ =	shalt  }
0x56: {  	_ =	shalt  }
0x57: {  	_ =	shalt  }
0x58: {  	_ =	shalt  }
0x59: {  	_ =	shalt  }
0x5a: {  	_ =	shalt  }
0x5b: {  	_ =	shalt  }
0x5c: {  	_ =	shalt  }
0x5d: {  	_ =	shalt  }
0x5e: {  	_ =	shalt  }
0x5f: {  	_ =	shalt  }
0x60: {  	_ =	shalt  }
0x61: {  	_ =	shalt  }
0x62: {  	_ =	shalt  }
0x63: {  	_ =	shalt  }
0x64: {  	_ =	shalt  }
0x65: {  	_ =	shalt  }
0x66: {  	_ =	shalt  }
0x67: {  	_ =	shalt  }
0x68: {  	_ =	shalt  }
0x69: {  	_ =	shalt  }
0x6a: {  	_ =	shalt  }
0x6b: {  	_ =	shalt  }
0x6c: {  	_ =	shalt  }
0x6d: {  	_ =	shalt  }
0x6e: {  	_ =	shalt  }
0x6f: {  	_ =	shalt  }
0x70: {  	_ =	shalt  }
0x71: {  	_ =	shalt  }
0x72: {  	_ =	shalt  }
0x73: {  	_ =	shalt  }
0x74: {  	_ =	shalt  }
0x75: {  	_ =	shalt  }
0x76: {  	_ =	shalt  }
0x77: {  	_ =	shalt  }
0x78: {  	_ =	shalt  }
0x79: {  	_ =	shalt  }
0x7a: {  	_ =	shalt  }
0x7b: {  	_ =	shalt  }
0x7c: {  	_ =	shalt  }
0x7d: {  	_ =	shalt  }
0x7e: {  	_ =	shalt  }
0x7f: {  	_ =	shalt  }
0x80: {  	_ =	shalt  }
0x81: {  	_ =	shalt  }
0x82: {  	_ =	shalt  }
0x83: {  	_ =	shalt  }
0x84: {  	_ =	shalt  }
0x85: {  	_ =	shalt  }
0x86: {  	_ =	shalt  }
0x87: {  	_ =	shalt  }
.Lfunc_end0:
.L_simem_size_0:
called_computation.1_lowered:
.L_overlay_start_0:
0x88: {  	s2 =	sld [smem:$0x3FD9]  }
0x89: {  	s3 =	sld [smem:$0x3FFE];
	_ =	sdelay $0x1  }
0x8a: {  	s1 =	srdreg.scid  }
0x8b: {  	s0 =	sand.u32 $0x1, s1  }
0x8c: {  	s16 =	sshll.u32 s0, $0xA;
	s2 =	sadd.s32 s3, s2  }
0x8d: {  	s2 =	sadd.s32 s2, s16  }
0x8e: {  	[smem:$0x3FB0] =	sst s2  }
0x8f: {  	_ = 	snop  }
0x90: {  	(tm) =	ssettm $0x1  }
0x91: {  	s17 =	sld [smem:$0x3FFB];
	_ =	sdelay $0x3  }
0x92: {  	_ =	strace s17  }
0x93: {  	s2 =	sld [smem:$0x3FFC];
	_ =	sdelay $0x3  }
0x94: {  	_ =	strace s2  }
0x95: {  	s2 =	sld [smem:$0x3FFD];
	_ =	sdelay $0x3  }
0x96: {  	_ =	strace s2  }
0x97: {  	_ =	strace $0x8FFFFFFF  }
0x98: {  	s18 =	sld [smem:$0x3FDB];
	_ =	sdelay $0x1  }
0x99: {  	s19 =	simm.s32 $_scs_section_size  }
0x9a: {  	s4 =	simm.s32 $_size__tile_overlayer_lowered;
	s5 =	simm.s32 $_tile_overlayer_lowered  }
0x9b: {  	s22 =	simm.s32 $0x1BFF;
	s21 =	sshll.u32 s5, $0x1;
	s2 =	sadd.s32 s19, s18  }
0x9c: {  	s6 =	simm.s32 $0x0;
	s20 =	sshll.u32 s4, $0x1;
	s4 =	sadd.s32 s21, s2  }
0x9d: {  	[timem:s6], [sflag:s22] =	dma.local [hbm:s4], s20  }
0x9e: {  	_ =	swait.ge [sflag:s22], s20  }
0x9f: {  	s3 =	ssub.s32 $0x0, s20;
	[sflag:s22] =	ssyncset.done $0x0  }
0xa0: {  	[sflag:s22] =	ssyncadd.s32 s3;
	_ =	sdelay $0x1  }
0xa1: {  	s23 =	simm.s32 $0x1B8B  }
0xa2: {  	_ =	swait.ge [sflag:s23], $0x1  }
0xa3: {  	[sflag:s23] =	ssyncset.done $0x0  }
0xa4: {  	s25 =	simm.s32 $0x1B8E;
	s24 =	sld [smem:$0x3FFE];
	[sflag:s23] =	ssyncadd.s32 $0xFFFFFFFF  }
0xa5: {  	s26 =	simm.s32 $execute0_lowered;
	[smem:$0x3FD2] =	sst s25  }
0xa6: {  	s4 =	sshll.u32 s26, $0x1;
	_ =	strace $0x80000049;
	[dreg:$0x1] =	wrdreg $0xFFFFFFFF  }
0xa7: {  	s28 =	simm.s32 $_size_execute0_lowered;
	s2 =	sadd.s32 s2, s4;
	[dreg:$0x0] =	wrdreg $0x0  }
0xa8: {  	s4 =	sshll.u32 s28, $0x1;
	[dreg:$0x2] =	wrdreg s2  }
0xa9: {  	[dreg:$0x3] =	wrdreg s4  }
0xaa: {  	[dreg:$0x4] =	wrdreg $0xC0  }
0xab: {  	_ =	task [dreg:s6], $0x5FFFF  }
0xac: {  	[dreg:$0x1] =	wrdreg $0xFFFFFFFF  }
0xad: {  	[dreg:$0x0] =	wrdreg $0x60  }
0xae: {  	[dreg:$0x2] =	wrdreg s24  }
0xaf: {  	[dreg:$0x3] =	wrdreg $0x140000  }
0xb0: {  	[dreg:$0x4] =	wrdreg $0x9  }
0xb1: {  	_ =	task.clear_ibuf [dreg:s6], $0x5FFFF;
	_ =	strace $0x90000049  }
0xb2: {  	s29 =	simm.s32 $0x9;
	_ =	strace $0x8000004B  }
0xb3: {  	_ =	swait.ge [sflag:s29], $0x1  }
0xb4: {  	[sflag:s29] =	ssyncadd.s32 $0xFFFFFFFF  }
0xb5: {  	_ =	strace $0x9000004B  }
0xb6: {  	_ =	sfence  }
0xb7: {  	s30 =	sld [smem:$0x0];
	_ =	sdelay $0x2  }
0xb8: {  	s31 =	sshll.u32 s1, $0xD;
	s1 =	sshrl.u32 s1, $0x2  }
0xb9: {  	s3 =	sand.u32 $0x4000, s31;
	s1 =	sadd.s32 s1, s30  }
0xba: {  	s0 =	sor.u32 s3, s0;
	s1 =	sshll.u32 s1, $0x11  }
0xbb: {  	s0 =	sor.u32 s1, s0  }
0xbc: {  	s0 =	sadd.s32 $0x8F2B, s0  }
0xbd: {  	[sflag:s0] =	ssyncadd.remote.s32 $0x1  }
0xbe: {  	_ =	sfence.sel $0xFFFF  }
0xbf: {  	[dreg:$0x0] =	wrdreg $0xFFFFFFFF;
	(pc) =	sbr.abs _section_cstart, $3  }
0xc0: {  	[dreg:$0x1] =	wrdreg $0xFFFFFFFF  }
0xc1: {  	_ =	task.clear_ibuf [dreg:s6], $0x2FFFF;
	_ =	strace $0x9FFFFFFF  }
0xc2: {  	(tm) =	ssettm $0x7FFFFFFF  }
0xc3: {  	_ =	shalt  }
tec
execute0_lowered:
.L_overlay_start_1:
0x0: {  	(tag) =	ssettag $0x1  }
0x1: {  	s0 =	rddreg [dreg:$0x0]  }
0x2: {  	s2 =	rddreg [dreg:$0x1]  }
0x3: {  	s1 =	simm.s32 $0x0;
	s8 =	stileid.u32;
	s3 =	srdreg.scid  }
0x4: {  	s17 =	simm.s32 $0xB;
	s19 =	simm.s32 $0xA000;
	s29 =	simm.s32 $0x12000  }
0x5: {  	s30 =	simm.s32 $0x1;
	s31 =	simm.s32 $0x2;
	s18 =	simm.s32 $0x4  }
0x6: {  	s28 =	simm.s32 $0x9;
	[smem:$0x7FF] =	sst s1;
	s20 =	smul.u32 $0xA00, s8  }
0x7: {  	s4 =	sadd.s32 $0x1C200, s0;
	s5 =	sadd.s32 $0x30200, s0;
	s7 =	smul.u32 $0x28000, s8  }
0x8: {  	s3 =	sand.u32 $0x1, s3;
	s9 =	sadd.s32 $0x58200, s0;
	s23 =	smul.u32 $0xA000, s8  }
0x9: {  	_ =	strace $0x8000004A;
	s6 =	ssub.s32 $0x2, s3;
	[dreg:$0x3] =	wrdreg s9  }
0xa: {  	p0 =	sne.s32 s3, $0x0;
	s3 =	simm.s32 $0x0;
	s1 =	sadd.s32 s20, s0  }
0xb: {  	s0 =	sadd.s32 $0x6C200, s0;
	s21 =	sshrl.u32 s6, $0x1;
	s22 =	sshrl.u32 s7, $0x2  }
0xc: {  	s25 =	sshrl.u32 s23, $0x3;
	s26 =	sadd.s32 s23, s2;
	s20 =	simm.s32 $0x80  }
0xd: {  	s23 =	simm.s32 $0xE000;
	s7 =	simm.s32 $0x6;
	[dreg:$0x4] =	wrdreg s0  }
0xe: {  	s0 =	ssub.s32 s6, s21;
	s24 =	sadd.s32 $0x12200, s1;
	s1 =	sadd.s32 $0x8200, s1  }
0xf: {  	s10 =	sadd.s32 s22, s2;
	[dreg:$0x7] =	wrdreg s25;
	s21 =	simm.s32 $0xC000  }
.Ltmp0:
0x10: {  	s25 =	sshrl.u32 s26, $0x3;
	s26 =	simm.s32 $0x10000;
	(pc) =	sbr.rel .LBB2_1-.Ltmp0, $4  }
0x11: {  	s6 =	simm.s32 $0x5;
	s22 =	simm.s32 $0x7;
	[dreg:$0x5] =	wrdreg s24  }
0x12: {  	[dreg:$0x6] =	wrdreg s1;
	s12 =	smax.u32 s0, $0x1;
	s13 =	sadd.s32 $0x2000, s10  }
0x13: {  	s14 =	sadd.s32 $0x4000, s10;
	s15 =	sadd.s32 $0x6000, s10;
	s16 =	sadd.s32 $0x8000, s10  }
0x14: {  	v0 =	vimm.f32 $0.0e+00;
	s0 =	simm.s32 $0x3;
	s24 =	simm.s32 $0x8;
	s1 =	simm.s32 $0xA  }
.LBB2_9:
0x15: {  	[tilespmem:s29], [sflag:$0x5] =	stream.indirect.gather [hbm4b:s5+s20], $0x40, s9, s20, $0xb8;
	[tilespmem:$0x1E000] =	vst v63  }
0x16: {  	s8 =	rddreg [dreg:$0x4]  }
.LBB2_10:
0x17: {  	_ =	swait.ge [sflag:s30], $0x2000  }
0x18: {  	[sflag:s30] =	ssyncset.done $0x0  }
0x19: {  	s9 =	simm.s32 $0x9D80;
	[sflag:s30] =	ssyncadd.s32 $0xFFFFE000  }
0x1a: {  	[spmem:s2] =	stream.indirect.scatter.add.f32 [tilespmem:s19], [sflag:$0x6], $0x40, s9, s20, $0xb8;
	[tilespmem:$0x1E000] =	vst v63  }
0x1b: {  	_ =	swait.ge [sflag:s31], $0x2000  }
0x1c: {  	[sflag:s31] =	ssyncset.done $0x0  }
0x1d: {  	s11 =	simm.s32 $0x9E00;
	[sflag:s31] =	ssyncadd.s32 $0xFFFFE000  }
0x1e: {  	[spmem:s2] =	stream.indirect.scatter.add.f32 [tilespmem:s21], [sflag:$0x7], $0x40, s11, s20, $0xb8;
	[tilespmem:$0x1E000] =	vst v63  }
0x1f: {  	_ =	swait.ge [sflag:s0], $0x2000  }
0x20: {  	[sflag:s0] =	ssyncset.done $0x0  }
0x21: {  	s11 =	simm.s32 $0x9E80;
	[sflag:s0] =	ssyncadd.s32 $0xFFFFE000  }
0x22: {  	[spmem:s2] =	stream.indirect.scatter.add.f32 [tilespmem:s23], [sflag:$0x8], $0x40, s11, s20, $0xb8;
	[tilespmem:$0x1E000] =	vst v63  }
0x23: {  	_ =	swait.ge [sflag:s18], $0x2000  }
0x24: {  	[sflag:s18] =	ssyncset.done $0x0  }
0x25: {  	s11 =	simm.s32 $0x9F00;
	[sflag:s18] =	ssyncadd.s32 $0xFFFFE000  }
0x26: {  	[spmem:s2] =	stream.indirect.scatter.add.f32 [tilespmem:s26], [sflag:$0x9], $0x40, s11, s20, $0xb8;
	[tilespmem:$0x1E000] =	vst v63  }
0x27: {  	_ =	swait.ge [sflag:s6], $0x2000  }
0x28: {  	[sflag:s6] =	ssyncset.done $0x0  }
0x29: {  	s11 =	simm.s32 $0x9F80;
	[sflag:s6] =	ssyncadd.s32 $0xFFFFE000  }
0x2a: {  	[spmem:s2] =	stream.indirect.scatter.add.f32 [tilespmem:s29], [sflag:$0xA], $0x40, s11, s20, $0xb8;
	[tilespmem:$0x1E000] =	vst v63  }
0x2b: {  	_ =	swait.ge [sflag:s7], $0x2000  }
0x2c: {  	[sflag:s7] =	ssyncset.done $0x0  }
0x2d: {  	[sflag:s7] =	ssyncadd.s32 $0xFFFFE000  }
0x2e: {  	_ =	swait.ge [sflag:s22], $0x2000  }
0x2f: {  	[sflag:s22] =	ssyncset.done $0x0  }
0x30: {  	[sflag:s22] =	ssyncadd.s32 $0xFFFFE000  }
0x31: {  	_ =	swait.ge [sflag:s24], $0x2000  }
0x32: {  	[sflag:s24] =	ssyncset.done $0x0  }
0x33: {  	[sflag:s24] =	ssyncadd.s32 $0xFFFFE000  }
0x34: {  	_ =	swait.ge [sflag:s28], $0x2000  }
0x35: {  	[sflag:s28] =	ssyncset.done $0x0  }
0x36: {  	[sflag:s28] =	ssyncadd.s32 $0xFFFFE000  }
0x37: {  	s3 =	sadd.s32 $0x1, s3;
	s11 =	stileid.u32;
	_ =	swait.ge [sflag:s1], $0x2000  }
0x38: {  	p1 =	sne.s32 s3, s12;
	s9 =	sshll.u32 s11, $0x6;
	[sflag:s1] =	ssyncset.done $0x0  }
0x39: {  	s9 =	sor.u32 $0x1C0B, s9;
	s11 =	rddreg [dreg:$0x7];
	[sflag:s1] =	ssyncadd.s32 $0xFFFFE000  }
.Ltmp1:
0x3a: {  	s8 =	sadd.s32 s8, s11;
	[bflag:$0x0] =	sbarrier.arrive $0xFFFF;
	(pc) =	sbr.rel @!p1 .LBB2_11-.Ltmp1, $4  }
0x3b: {  	[hbm:s8], [sflag:s9] =	dma.local [spmem:s25], $0x1400  }
0x3c: {  	_ =	swait.ge [sflag:s17], $0x1400  }
0x3d: {  	[sflag:s17] =	ssyncset.done $0x0  }
0x3e: {  	[sflag:s17] =	ssyncadd.s32 $0xFFFFEC00  }
.LBB2_1:
0x3f: {  	s8 =	simm.s32 $0x0;
	s9 =	rddreg [dreg:$0x5]  }
0x40: {  	[tilespmem:s8], [sflag:$0xB] =	stream.linear.gather [hbm4b:s9+s8], $0x5000, $0x38;
	[tilespmem:$0x1E000] =	vst v63  }
0x41: {  	_ =	swait.ge [sflag:s17], $0x5000  }
0x42: {  	[sflag:s17] =	ssyncset.done $0x0  }
0x43: {  	s11 =	simm.s32 $0x5000;
	s9 =	rddreg [dreg:$0x6];
	[sflag:s17] =	ssyncadd.s32 $0xFFFFB000  }
0x44: {  	[tilespmem:s11], [sflag:$0xB] =	stream.linear.gather [hbm4b:s9+s8], $0x5000, $0x38;
	[tilespmem:$0x1E000] =	vst v63  }
0x45: {  	_ =	swait.ge [sflag:s17], $0x5000  }
0x46: {  	[sflag:s17] =	ssyncset.done $0x0  }
0x47: {  	s9 =	simm.s32 $0x100;
	s8 =	simm.s32 $0x0;
	[sflag:s17] =	ssyncadd.s32 $0xFFFFB000  }
.LBB2_2:
0x48: {  	p1 =	sne.s32 s9, $0x7F00;
	[tilespmem:s8+$0xA030] =	vst v0;
	s11 =	smov.u32 s9;
	s9 =	sadd.s32 $0x100, s9  }
.Ltmp2:
0x49: {  	[tilespmem:s8+$0xA020] =	vst v0;
	(pc) =	sbr.rel @p1 .LBB2_2-.Ltmp2, $3  }
0x4a: {  	[tilespmem:s8+$0xA000] =	vst v0  }
0x4b: {  	[tilespmem:s8+$0xA010] =	vst v0;
	_ =	sdelay $0x1  }
0x4c: {  	s8 =	sshra.s32 s11, $0x2  }
0x4d: {  	[tilespmem:s8+$0xA030] =	vst v0  }
0x4e: {  	[tilespmem:s8+$0xA020] =	vst v0  }
0x4f: {  	[tilespmem:s8+$0xA000] =	vst v0  }
0x50: {  	[tilespmem:s8+$0xA010] =	vst v0  }
0x51: {  	[spmem:s10] =	stream.linear.scatter [tilespmem:s19], [sflag:$0xB], $0x2000, $0x38;
	[tilespmem:$0x1E000] =	vst v63  }
0x52: {  	_ =	swait.ge [sflag:s17], $0x2000  }
0x53: {  	[sflag:s17] =	ssyncset.done $0x0  }
0x54: {  	[sflag:s17] =	ssyncadd.s32 $0xFFFFE000  }
0x55: {  	[spmem:s13] =	stream.linear.scatter [tilespmem:s19], [sflag:$0xB], $0x2000, $0x38;
	[tilespmem:$0x1E000] =	vst v63  }
0x56: {  	_ =	swait.ge [sflag:s17], $0x2000  }
0x57: {  	[sflag:s17] =	ssyncset.done $0x0  }
0x58: {  	[sflag:s17] =	ssyncadd.s32 $0xFFFFE000  }
0x59: {  	[spmem:s14] =	stream.linear.scatter [tilespmem:s19], [sflag:$0xB], $0x2000, $0x38;
	[tilespmem:$0x1E000] =	vst v63  }
0x5a: {  	_ =	swait.ge [sflag:s17], $0x2000  }
0x5b: {  	[sflag:s17] =	ssyncset.done $0x0  }
0x5c: {  	[sflag:s17] =	ssyncadd.s32 $0xFFFFE000  }
0x5d: {  	[spmem:s15] =	stream.linear.scatter [tilespmem:s19], [sflag:$0xB], $0x2000, $0x38;
	[tilespmem:$0x1E000] =	vst v63  }
0x5e: {  	_ =	swait.ge [sflag:s17], $0x2000  }
0x5f: {  	[sflag:s17] =	ssyncset.done $0x0  }
0x60: {  	[sflag:s17] =	ssyncadd.s32 $0xFFFFE000  }
0x61: {  	[spmem:s16] =	stream.linear.scatter [tilespmem:s19], [sflag:$0xB], $0x2000, $0x38;
	[tilespmem:$0x1E000] =	vst v63  }
.Ltmp3:
0x62: {  	_ =	swait.ge [sflag:s17], $0x2000;
	(pc) =	sbr.rel @p0 .LBB2_7-.Ltmp3, $4  }
0x63: {  	[sflag:s17] =	ssyncset.done $0x0  }
0x64: {  	[sflag:s17] =	ssyncadd.s32 $0xFFFFE000  }
0x65: {  	[bflag:$0x0] =	sbarrier.arrive $0xFFFF  }
0x66: {  	s8 =	simm.s32 $0x0  }
0x67: {  	[tilespmem:s19], [sflag:$0x1] =	stream.indirect.gather [hbm4b:s4+s20], $0x40, s8, s20, $0xb8;
	[tilespmem:$0x1E000] =	vst v63  }
0x68: {  	_ = 	snop  }
0x69: {  	[tilespmem:s21], [sflag:$0x2] =	stream.indirect.gather [hbm4b:s4+s20], $0x40, s20, s20, $0xb8;
	[tilespmem:$0x1E000] =	vst v63  }
0x6a: {  	s9 =	simm.s32 $0x100  }
0x6b: {  	[tilespmem:s23], [sflag:$0x3] =	stream.indirect.gather [hbm4b:s4+s20], $0x40, s9, s20, $0xb8;
	[tilespmem:$0x1E000] =	vst v63  }
0x6c: {  	s11 =	simm.s32 $0x180  }
0x6d: {  	[tilespmem:s26], [sflag:$0x4] =	stream.indirect.gather [hbm4b:s4+s20], $0x40, s11, s20, $0xb8;
	[tilespmem:$0x1E000] =	vst v63  }
0x6e: {  	s9 =	simm.s32 $0x200  }
0x6f: {  	[tilespmem:s29], [sflag:$0x5] =	stream.indirect.gather [hbm4b:s4+s20], $0x40, s9, s20, $0xb8;
	[tilespmem:$0x1E000] =	vst v63  }
0x70: {  	_ =	swait.ge [sflag:s30], $0x2000  }
0x71: {  	[sflag:s30] =	ssyncset.done $0x0  }
0x72: {  	s11 =	simm.s32 $0x5000;
	[sflag:s30] =	ssyncadd.s32 $0xFFFFE000  }
0x73: {  	[spmem:s2] =	stream.indirect.scatter.add.f32 [tilespmem:s19], [sflag:$0x6], $0x40, s11, s20, $0xb8;
	[tilespmem:$0x1E000] =	vst v63  }
0x74: {  	_ =	swait.ge [sflag:s31], $0x2000  }
0x75: {  	[sflag:s31] =	ssyncset.done $0x0  }
0x76: {  	s9 =	simm.s32 $0x5080;
	[sflag:s31] =	ssyncadd.s32 $0xFFFFE000  }
0x77: {  	[spmem:s2] =	stream.indirect.scatter.add.f32 [tilespmem:s21], [sflag:$0x7], $0x40, s9, s20, $0xb8;
	[tilespmem:$0x1E000] =	vst v63  }
0x78: {  	_ =	swait.ge [sflag:s0], $0x2000  }
0x79: {  	[sflag:s0] =	ssyncset.done $0x0  }
0x7a: {  	s11 =	simm.s32 $0x5100;
	[sflag:s0] =	ssyncadd.s32 $0xFFFFE000  }
0x7b: {  	[spmem:s2] =	stream.indirect.scatter.add.f32 [tilespmem:s23], [sflag:$0x8], $0x40, s11, s20, $0xb8;
	[tilespmem:$0x1E000] =	vst v63  }
0x7c: {  	_ =	swait.ge [sflag:s18], $0x2000  }
0x7d: {  	[sflag:s18] =	ssyncset.done $0x0  }
0x7e: {  	s9 =	simm.s32 $0x5180;
	[sflag:s18] =	ssyncadd.s32 $0xFFFFE000  }
0x7f: {  	[spmem:s2] =	stream.indirect.scatter.add.f32 [tilespmem:s26], [sflag:$0x9], $0x40, s9, s20, $0xb8;
	[tilespmem:$0x1E000] =	vst v63  }
0x80: {  	_ =	swait.ge [sflag:s6], $0x2000  }
0x81: {  	[sflag:s6] =	ssyncset.done $0x0  }
0x82: {  	s11 =	simm.s32 $0x5200;
	[sflag:s6] =	ssyncadd.s32 $0xFFFFE000  }
0x83: {  	[spmem:s2] =	stream.indirect.scatter.add.f32 [tilespmem:s29], [sflag:$0xA], $0x40, s11, s20, $0xb8;
	[tilespmem:$0x1E000] =	vst v63  }
0x84: {  	_ =	swait.ge [sflag:s7], $0x2000  }
0x85: {  	[sflag:s7] =	ssyncset.done $0x0  }
0x86: {  	s9 =	simm.s32 $0x280;
	[sflag:s7] =	ssyncadd.s32 $0xFFFFE000  }
0x87: {  	[tilespmem:s19], [sflag:$0x1] =	stream.indirect.gather [hbm4b:s4+s20], $0x40, s9, s20, $0xb8;
	[tilespmem:$0x1E000] =	vst v63  }
0x88: {  	_ =	swait.ge [sflag:s22], $0x2000  }
0x89: {  	[sflag:s22] =	ssyncset.done $0x0  }
0x8a: {  	s11 =	simm.s32 $0x300;
	[sflag:s22] =	ssyncadd.s32 $0xFFFFE000  }
0x8b: {  	[tilespmem:s21], [sflag:$0x2] =	stream.indirect.gather [hbm4b:s4+s20], $0x40, s11, s20, $0xb8;
	[tilespmem:$0x1E000] =	vst v63  }
0x8c: {  	_ =	swait.ge [sflag:s24], $0x2000  }
0x8d: {  	[sflag:s24] =	ssyncset.done $0x0  }
0x8e: {  	s9 =	simm.s32 $0x380;
	[sflag:s24] =	ssyncadd.s32 $0xFFFFE000  }
0x8f: {  	[tilespmem:s23], [sflag:$0x3] =	stream.indirect.gather [hbm4b:s4+s20], $0x40, s9, s20, $0xb8;
	[tilespmem:$0x1E000] =	vst v63  }
0x90: {  	_ =	swait.ge [sflag:s28], $0x2000  }
0x91: {  	[sflag:s28] =	ssyncset.done $0x0  }
0x92: {  	s11 =	simm.s32 $0x400;
	[sflag:s28] =	ssyncadd.s32 $0xFFFFE000  }
0x93: {  	[tilespmem:s26], [sflag:$0x4] =	stream.indirect.gather [hbm4b:s4+s20], $0x40, s11, s20, $0xb8;
	[tilespmem:$0x1E000] =	vst v63  }
0x94: {  	_ =	swait.ge [sflag:s1], $0x2000  }
0x95: {  	[sflag:s1] =	ssyncset.done $0x0  }
0x96: {  	s8 =	simm.s32 $0xA00;
	s9 =	simm.s32 $0x480;
	[sflag:s1] =	ssyncadd.s32 $0xFFFFE000  }
.LBB2_5:
0x97: {  	[tilespmem:s29], [sflag:$0x5] =	stream.indirect.gather [hbm4b:s4+s20], $0x40, s9, s20, $0xb8;
	[tilespmem:$0x1E000] =	vst v63  }
0x98: {  	s9 =	smov.u32 s8  }
0x99: {  	p1 =	seq.s32 s8, $0x12C00;
	s8 =	sadd.s32 $0xA00, s8;
	_ =	swait.ge [sflag:s30], $0x2000  }
0x9a: {  	s9 =	sshra.s32 s9, $0x2;
	[sflag:s30] =	ssyncset.done $0x0  }
0x9b: {  	s11 =	sadd.s32 $0x5000, s9;
	[sflag:s30] =	ssyncadd.s32 $0xFFFFE000  }
0x9c: {  	[spmem:s2] =	stream.indirect.scatter.add.f32 [tilespmem:s19], [sflag:$0x6], $0x40, s11, s20, $0xb8;
	[tilespmem:$0x1E000] =	vst v63  }
0x9d: {  	_ =	swait.ge [sflag:s31], $0x2000  }
0x9e: {  	[sflag:s31] =	ssyncset.done $0x0  }
0x9f: {  	s11 =	sadd.s32 $0x5080, s9;
	[sflag:s31] =	ssyncadd.s32 $0xFFFFE000  }
0xa0: {  	[spmem:s2] =	stream.indirect.scatter.add.f32 [tilespmem:s21], [sflag:$0x7], $0x40, s11, s20, $0xb8;
	[tilespmem:$0x1E000] =	vst v63  }
0xa1: {  	_ =	swait.ge [sflag:s0], $0x2000  }
0xa2: {  	[sflag:s0] =	ssyncset.done $0x0  }
0xa3: {  	s11 =	sadd.s32 $0x5100, s9;
	[sflag:s0] =	ssyncadd.s32 $0xFFFFE000  }
0xa4: {  	[spmem:s2] =	stream.indirect.scatter.add.f32 [tilespmem:s23], [sflag:$0x8], $0x40, s11, s20, $0xb8;
	[tilespmem:$0x1E000] =	vst v63  }
0xa5: {  	_ =	swait.ge [sflag:s18], $0x2000  }
0xa6: {  	[sflag:s18] =	ssyncset.done $0x0  }
0xa7: {  	s11 =	sadd.s32 $0x5180, s9;
	[sflag:s18] =	ssyncadd.s32 $0xFFFFE000  }
0xa8: {  	[spmem:s2] =	stream.indirect.scatter.add.f32 [tilespmem:s26], [sflag:$0x9], $0x40, s11, s20, $0xb8;
	[tilespmem:$0x1E000] =	vst v63  }
0xa9: {  	_ =	swait.ge [sflag:s6], $0x2000  }
0xaa: {  	[sflag:s6] =	ssyncset.done $0x0  }
0xab: {  	s11 =	sadd.s32 $0x5200, s9;
	[sflag:s6] =	ssyncadd.s32 $0xFFFFE000  }
0xac: {  	[spmem:s2] =	stream.indirect.scatter.add.f32 [tilespmem:s29], [sflag:$0xA], $0x40, s11, s20, $0xb8;
	[tilespmem:$0x1E000] =	vst v63  }
0xad: {  	_ =	swait.ge [sflag:s7], $0x2000  }
0xae: {  	[sflag:s7] =	ssyncset.done $0x0  }
0xaf: {  	s11 =	sadd.s32 $0x280, s9;
	[sflag:s7] =	ssyncadd.s32 $0xFFFFE000  }
0xb0: {  	[tilespmem:s19], [sflag:$0x1] =	stream.indirect.gather [hbm4b:s4+s20], $0x40, s11, s20, $0xb8;
	[tilespmem:$0x1E000] =	vst v63  }
0xb1: {  	_ =	swait.ge [sflag:s22], $0x2000  }
0xb2: {  	[sflag:s22] =	ssyncset.done $0x0  }
0xb3: {  	s11 =	sadd.s32 $0x300, s9;
	[sflag:s22] =	ssyncadd.s32 $0xFFFFE000  }
0xb4: {  	[tilespmem:s21], [sflag:$0x2] =	stream.indirect.gather [hbm4b:s4+s20], $0x40, s11, s20, $0xb8;
	[tilespmem:$0x1E000] =	vst v63  }
0xb5: {  	_ =	swait.ge [sflag:s24], $0x2000  }
0xb6: {  	[sflag:s24] =	ssyncset.done $0x0  }
0xb7: {  	s11 =	sadd.s32 $0x380, s9;
	[sflag:s24] =	ssyncadd.s32 $0xFFFFE000  }
0xb8: {  	[tilespmem:s23], [sflag:$0x3] =	stream.indirect.gather [hbm4b:s4+s20], $0x40, s11, s20, $0xb8;
	[tilespmem:$0x1E000] =	vst v63  }
0xb9: {  	_ =	swait.ge [sflag:s28], $0x2000  }
0xba: {  	[sflag:s28] =	ssyncset.done $0x0  }
.Ltmp4:
0xbb: {  	s11 =	sadd.s32 $0x400, s9;
	[sflag:s28] =	ssyncadd.s32 $0xFFFFE000;
	(pc) =	sbr.rel @!p1 .LBB2_5-.Ltmp4, $4  }
0xbc: {  	[tilespmem:s26], [sflag:$0x4] =	stream.indirect.gather [hbm4b:s4+s20], $0x40, s11, s20, $0xb8;
	[tilespmem:$0x1E000] =	vst v63  }
0xbd: {  	_ =	swait.ge [sflag:s1], $0x2000  }
0xbe: {  	[sflag:s1] =	ssyncset.done $0x0  }
0xbf: {  	s9 =	sadd.s32 $0x480, s9;
	[sflag:s1] =	ssyncadd.s32 $0xFFFFE000  }
.Ltmp5:
0xc0: {  	(pc) =	sbr.rel .LBB2_10-.Ltmp5, $3  }
0xc1: {  	_ =	sdelay $0x1  }
0xc2: {  	[tilespmem:s29], [sflag:$0x5] =	stream.indirect.gather [hbm4b:s4+s20], $0x40, s9, s20, $0xb8;
	[tilespmem:$0x1E000] =	vst v63  }
0xc3: {  	s8 =	rddreg [dreg:$0x3]  }
.LBB2_7:
0xc4: {  	[tilespmem:s19], [sflag:$0x1] =	stream.indirect.gather [hbm4b:s5+s20], $0x40, s8, s20, $0xb8;
	[tilespmem:$0x1E000] =	vst v63  }
0xc5: {  	_ = 	snop  }
0xc6: {  	[tilespmem:s21], [sflag:$0x2] =	stream.indirect.gather [hbm4b:s5+s20], $0x40, s20, s20, $0xb8;
	[tilespmem:$0x1E000] =	vst v63  }
0xc7: {  	s9 =	simm.s32 $0x100  }
0xc8: {  	[tilespmem:s23], [sflag:$0x3] =	stream.indirect.gather [hbm4b:s5+s20], $0x40, s9, s20, $0xb8;
	[tilespmem:$0x1E000] =	vst v63  }
0xc9: {  	s11 =	simm.s32 $0x180  }
0xca: {  	[tilespmem:s26], [sflag:$0x4] =	stream.indirect.gather [hbm4b:s5+s20], $0x40, s11, s20, $0xb8;
	[tilespmem:$0x1E000] =	vst v63  }
0xcb: {  	s9 =	simm.s32 $0x200  }
0xcc: {  	[tilespmem:s29], [sflag:$0x5] =	stream.indirect.gather [hbm4b:s5+s20], $0x40, s9, s20, $0xb8;
	[tilespmem:$0x1E000] =	vst v63  }
0xcd: {  	_ =	swait.ge [sflag:s30], $0x2000  }
0xce: {  	[sflag:s30] =	ssyncset.done $0x0  }
0xcf: {  	s11 =	simm.s32 $0x5000;
	[sflag:s30] =	ssyncadd.s32 $0xFFFFE000  }
0xd0: {  	[spmem:s2] =	stream.indirect.scatter.add.f32 [tilespmem:s19], [sflag:$0x6], $0x40, s11, s20, $0xb8;
	[tilespmem:$0x1E000] =	vst v63  }
0xd1: {  	_ =	swait.ge [sflag:s31], $0x2000  }
0xd2: {  	[sflag:s31] =	ssyncset.done $0x0  }
0xd3: {  	s9 =	simm.s32 $0x5080;
	[sflag:s31] =	ssyncadd.s32 $0xFFFFE000  }
0xd4: {  	[spmem:s2] =	stream.indirect.scatter.add.f32 [tilespmem:s21], [sflag:$0x7], $0x40, s9, s20, $0xb8;
	[tilespmem:$0x1E000] =	vst v63  }
0xd5: {  	_ =	swait.ge [sflag:s0], $0x2000  }
0xd6: {  	[sflag:s0] =	ssyncset.done $0x0  }
0xd7: {  	s11 =	simm.s32 $0x5100;
	[sflag:s0] =	ssyncadd.s32 $0xFFFFE000  }
0xd8: {  	[spmem:s2] =	stream.indirect.scatter.add.f32 [tilespmem:s23], [sflag:$0x8], $0x40, s11, s20, $0xb8;
	[tilespmem:$0x1E000] =	vst v63  }
0xd9: {  	_ =	swait.ge [sflag:s18], $0x2000  }
0xda: {  	[sflag:s18] =	ssyncset.done $0x0  }
0xdb: {  	s9 =	simm.s32 $0x5180;
	[sflag:s18] =	ssyncadd.s32 $0xFFFFE000  }
0xdc: {  	[spmem:s2] =	stream.indirect.scatter.add.f32 [tilespmem:s26], [sflag:$0x9], $0x40, s9, s20, $0xb8;
	[tilespmem:$0x1E000] =	vst v63  }
0xdd: {  	_ =	swait.ge [sflag:s6], $0x2000  }
0xde: {  	[sflag:s6] =	ssyncset.done $0x0  }
0xdf: {  	s11 =	simm.s32 $0x5200;
	[sflag:s6] =	ssyncadd.s32 $0xFFFFE000  }
0xe0: {  	[spmem:s2] =	stream.indirect.scatter.add.f32 [tilespmem:s29], [sflag:$0xA], $0x40, s11, s20, $0xb8;
	[tilespmem:$0x1E000] =	vst v63  }
0xe1: {  	_ =	swait.ge [sflag:s7], $0x2000  }
0xe2: {  	[sflag:s7] =	ssyncset.done $0x0  }
0xe3: {  	s9 =	simm.s32 $0x280;
	[sflag:s7] =	ssyncadd.s32 $0xFFFFE000  }
0xe4: {  	[tilespmem:s19], [sflag:$0x1] =	stream.indirect.gather [hbm4b:s5+s20], $0x40, s9, s20, $0xb8;
	[tilespmem:$0x1E000] =	vst v63  }
0xe5: {  	_ =	swait.ge [sflag:s22], $0x2000  }
0xe6: {  	[sflag:s22] =	ssyncset.done $0x0  }
0xe7: {  	s11 =	simm.s32 $0x300;
	[sflag:s22] =	ssyncadd.s32 $0xFFFFE000  }
0xe8: {  	[tilespmem:s21], [sflag:$0x2] =	stream.indirect.gather [hbm4b:s5+s20], $0x40, s11, s20, $0xb8;
	[tilespmem:$0x1E000] =	vst v63  }
0xe9: {  	_ =	swait.ge [sflag:s24], $0x2000  }
0xea: {  	[sflag:s24] =	ssyncset.done $0x0  }
0xeb: {  	s9 =	simm.s32 $0x380;
	[sflag:s24] =	ssyncadd.s32 $0xFFFFE000  }
0xec: {  	[tilespmem:s23], [sflag:$0x3] =	stream.indirect.gather [hbm4b:s5+s20], $0x40, s9, s20, $0xb8;
	[tilespmem:$0x1E000] =	vst v63  }
0xed: {  	_ =	swait.ge [sflag:s28], $0x2000  }
0xee: {  	[sflag:s28] =	ssyncset.done $0x0  }
0xef: {  	s11 =	simm.s32 $0x400;
	[sflag:s28] =	ssyncadd.s32 $0xFFFFE000  }
0xf0: {  	[tilespmem:s26], [sflag:$0x4] =	stream.indirect.gather [hbm4b:s5+s20], $0x40, s11, s20, $0xb8;
	[tilespmem:$0x1E000] =	vst v63  }
0xf1: {  	_ =	swait.ge [sflag:s1], $0x2000  }
0xf2: {  	[sflag:s1] =	ssyncset.done $0x0  }
0xf3: {  	s8 =	simm.s32 $0xA00;
	s9 =	simm.s32 $0x480;
	[sflag:s1] =	ssyncadd.s32 $0xFFFFE000  }
.LBB2_8:
0xf4: {  	[tilespmem:s29], [sflag:$0x5] =	stream.indirect.gather [hbm4b:s5+s20], $0x40, s9, s20, $0xb8;
	[tilespmem:$0x1E000] =	vst v63  }
0xf5: {  	s9 =	smov.u32 s8  }
0xf6: {  	p1 =	sne.s32 s8, $0x12C00;
	s8 =	sadd.s32 $0xA00, s8;
	_ =	swait.ge [sflag:s30], $0x2000  }
0xf7: {  	s9 =	sshra.s32 s9, $0x2;
	[sflag:s30] =	ssyncset.done $0x0  }
0xf8: {  	s11 =	sadd.s32 $0x5000, s9;
	[sflag:s30] =	ssyncadd.s32 $0xFFFFE000  }
0xf9: {  	[spmem:s2] =	stream.indirect.scatter.add.f32 [tilespmem:s19], [sflag:$0x6], $0x40, s11, s20, $0xb8;
	[tilespmem:$0x1E000] =	vst v63  }
0xfa: {  	_ =	swait.ge [sflag:s31], $0x2000  }
0xfb: {  	[sflag:s31] =	ssyncset.done $0x0  }
0xfc: {  	s11 =	sadd.s32 $0x5080, s9;
	[sflag:s31] =	ssyncadd.s32 $0xFFFFE000  }
0xfd: {  	[spmem:s2] =	stream.indirect.scatter.add.f32 [tilespmem:s21], [sflag:$0x7], $0x40, s11, s20, $0xb8;
	[tilespmem:$0x1E000] =	vst v63  }
0xfe: {  	_ =	swait.ge [sflag:s0], $0x2000  }
0xff: {  	[sflag:s0] =	ssyncset.done $0x0  }
0x100: {  	s11 =	sadd.s32 $0x5100, s9;
	[sflag:s0] =	ssyncadd.s32 $0xFFFFE000  }
0x101: {  	[spmem:s2] =	stream.indirect.scatter.add.f32 [tilespmem:s23], [sflag:$0x8], $0x40, s11, s20, $0xb8;
	[tilespmem:$0x1E000] =	vst v63  }
0x102: {  	_ =	swait.ge [sflag:s18], $0x2000  }
0x103: {  	[sflag:s18] =	ssyncset.done $0x0  }
0x104: {  	s11 =	sadd.s32 $0x5180, s9;
	[sflag:s18] =	ssyncadd.s32 $0xFFFFE000  }
0x105: {  	[spmem:s2] =	stream.indirect.scatter.add.f32 [tilespmem:s26], [sflag:$0x9], $0x40, s11, s20, $0xb8;
	[tilespmem:$0x1E000] =	vst v63  }
0x106: {  	_ =	swait.ge [sflag:s6], $0x2000  }
0x107: {  	[sflag:s6] =	ssyncset.done $0x0  }
0x108: {  	s11 =	sadd.s32 $0x5200, s9;
	[sflag:s6] =	ssyncadd.s32 $0xFFFFE000  }
0x109: {  	[spmem:s2] =	stream.indirect.scatter.add.f32 [tilespmem:s29], [sflag:$0xA], $0x40, s11, s20, $0xb8;
	[tilespmem:$0x1E000] =	vst v63  }
0x10a: {  	_ =	swait.ge [sflag:s7], $0x2000  }
0x10b: {  	[sflag:s7] =	ssyncset.done $0x0  }
0x10c: {  	s11 =	sadd.s32 $0x280, s9;
	[sflag:s7] =	ssyncadd.s32 $0xFFFFE000  }
0x10d: {  	[tilespmem:s19], [sflag:$0x1] =	stream.indirect.gather [hbm4b:s5+s20], $0x40, s11, s20, $0xb8;
	[tilespmem:$0x1E000] =	vst v63  }
0x10e: {  	_ =	swait.ge [sflag:s22], $0x2000  }
0x10f: {  	[sflag:s22] =	ssyncset.done $0x0  }
0x110: {  	s11 =	sadd.s32 $0x300, s9;
	[sflag:s22] =	ssyncadd.s32 $0xFFFFE000  }
0x111: {  	[tilespmem:s21], [sflag:$0x2] =	stream.indirect.gather [hbm4b:s5+s20], $0x40, s11, s20, $0xb8;
	[tilespmem:$0x1E000] =	vst v63  }
0x112: {  	_ =	swait.ge [sflag:s24], $0x2000  }
0x113: {  	[sflag:s24] =	ssyncset.done $0x0  }
0x114: {  	s11 =	sadd.s32 $0x380, s9;
	[sflag:s24] =	ssyncadd.s32 $0xFFFFE000  }
0x115: {  	[tilespmem:s23], [sflag:$0x3] =	stream.indirect.gather [hbm4b:s5+s20], $0x40, s11, s20, $0xb8;
	[tilespmem:$0x1E000] =	vst v63  }
0x116: {  	_ =	swait.ge [sflag:s28], $0x2000  }
0x117: {  	[sflag:s28] =	ssyncset.done $0x0  }
.Ltmp6:
0x118: {  	s11 =	sadd.s32 $0x400, s9;
	[sflag:s28] =	ssyncadd.s32 $0xFFFFE000;
	(pc) =	sbr.rel @p1 .LBB2_8-.Ltmp6, $4  }
0x119: {  	[tilespmem:s26], [sflag:$0x4] =	stream.indirect.gather [hbm4b:s5+s20], $0x40, s11, s20, $0xb8;
	[tilespmem:$0x1E000] =	vst v63  }
0x11a: {  	_ =	swait.ge [sflag:s1], $0x2000  }
0x11b: {  	[sflag:s1] =	ssyncset.done $0x0  }
0x11c: {  	s9 =	sadd.s32 $0x480, s9;
	[sflag:s1] =	ssyncadd.s32 $0xFFFFE000  }
.Ltmp7:
0x11d: {  	_ = 	snop;
	(pc) =	sbr.rel .LBB2_9-.Ltmp7, $1  }
0x11e: {  	_ =	sdelay $0x3  }
.LBB2_11:
0x11f: {  	_ =	sfence.sel $0x180000  }
0x120: {  	[bflag:$0x0] =	sbarrier.arrive $0xFFFF  }
0x121: {  	_ =	strace $0x9000004A  }
0x122: {  	s0 =	stileid.u32;
	[bflag:$0x2] =	sbarrier.arrive $0xFFFF  }
0x123: {  	p0 =	sne.s32 s0, $0x0;
	s0 =	rddreg [dreg:$0x2]  }
0x124: {  	s0 =	sadd.s32 @!p0 $0x100000, s0  }
0x125: {  	[sflag:s0] =	ssyncadd.tile.s32 @!p0 $0x1;
	_ =	shalt  }
.Lfunc_end2:
_tile_overlayer_lowered:
.L_overlay_start_2:
0x126: {  	(tag) =	ssettag $0x2  }
0x127: {  	s0 =	rddreg [dreg:$0x0];
	s2 =	stileid.u32  }
0x128: {  	s1 =	rddreg [dreg:$0x1];
	p0 =	sne.s32 s2, $0x0  }
0x129: {  	s3 =	rddreg [dreg:$0x2];
	[bflag:$0x3] =	sbarrier.arrive $0xFFFF;
	s2 =	simm.s32 @!p0 $0x1C0B  }
0x12a: {  	[timem:s3], [sflag:s2] =	dma.local @!p0 [hbm:s0], s1  }
0x12b: {  	s0 =	simm.s32 @!p0 $0xB  }
0x12c: {  	_ =	swait.ge @!p0 [sflag:s0], s1  }
0x12d: {  	s1 =	ssub.s32 @!p0 $0x0, s1;
	[sflag:s0] =	ssyncset.done @!p0 $0x0  }
0x12e: {  	[sflag:s0] =	ssyncadd.s32 @!p0 s1  }
0x12f: {  	[bflag:$0x3] =	sbarrier.arrive $0xFFFF  }
0x130: {  	_ =	shalt  }

// kernel: kernel.20.cloned.1.call-start
scs
__scs_entry_jumppad:
0x0: {  	(pc) =	sbr.rel $0x88, $3  }
0x1: {  	(tag) =	ssettag $0x0;
	lr =	simm.s32 $0x1  }
0x2: {  	[smem:$0x3F89] =	sst lr;
	_ =	strace $0xD0000000  }
0x3: {  	_ = 	snop  }
0x4: {  	_ = 	snop  }
0x5: {  	_ = 	snop  }
0x6: {  	_ = 	snop  }
0x7: {  	_ = 	snop  }
__scs_overlays_trampoline_lowered:
0x8: {  	[smem:$0x3F98] =	sst s0  }
0x9: {  	[smem:$0x3F99] =	sst s1  }
0xa: {  	[smem:$0x3F9A] =	sst s2  }
0xb: {  	[smem:$0x3F9B] =	sst s3  }
0xc: {  	[smem:$0x3F9C] =	sst s4  }
0xd: {  	[smem:$0x3F9D] =	sst s5  }
0xe: {  	[smem:$0x3F9E] =	sst s6  }
0xf: {  	[smem:$0x3F9F] =	sst s7  }
0x10: {  	[smem:$0x3FA0] =	sst s8  }
0x11: {  	[smem:$0x3FA1] =	sst s9;
	s0 =	simm.s32 @!p0 $0x0  }
0x12: {  	s1 =	sld [smem:$0x3F87];
	s0 =	simm.s32 @p0 $0x1  }
0x13: {  	[smem:$0x3FA2] =	sst s0;
	s0 =	simm.s32 @!p1 $0x0  }
0x14: {  	s2 =	sld [smem:$0x3F86];
	s0 =	simm.s32 @p1 $0x1  }
0x15: {  	[smem:$0x3FA3] =	sst s0;
	s0 =	simm.s32 @!p2 $0x0  }
0x16: {  	s3 =	sld [smem:$0x3FDB];
	s0 =	simm.s32 @p2 $0x1  }
0x17: {  	s4 =	simm.s32 $0x1BF5;
	[smem:$0x3FA5] =	sst s0  }
0x18: {  	s0 =	sld [smem:$0x3F88];
	_ =	swait.ge [sflag:s4], $0x0  }
0x19: {  	s7 =	sld [smem:$0x3F89]  }
0x1a: {  	s8 =	sadd.s32 $0xFFFFE003, lr  }
0x1b: {  	s9 =	sadd.s32 $0xFFFFFEF7, lr;
	s5 =	simm.s32 $0xFFFFFFFF;
	p2 =	slt.u32 s8, $0xFFFFF086  }
0x1c: {  	p1 =	slt.u32 s9, $0xF7A;
	s5 =	simm.s32 @!p2 $0x0  }
0x1d: {  	s5 =	simm.s32 @p1 $0x1;
	p0 =	seq.s32 s7, s2  }
0x1e: {  	s7 =	smul.u32 @!p0 $0xF7A, s2;
	p2 =	seq.s32 @!p0 s5, $0x0  }
0x1f: {  	s9 =	smul.u32 $0xF7A, s1;
	s8 =	simm.s32 @!p0 $0x1BF5;
	p2 =	por !p2, p0  }
0x20: {  	[sflag:s8] =	ssyncset.s32 @!p0 $0xFFFFF086;
	s6 =	sadd.s32 @!p0 s3, s7;
	s7 =	simm.s32 @!p0 $0x108  }
0x21: {  	s3 =	sadd.s32 s3, s9;
	s6 =	sadd.s32 @!p0 $0x88, s6;
	s7 =	simm.s32 @p2 $0x1082  }
0x22: {  	[simem:s7], [sflag:s8] =	dma.local @!p0 [hbm:s6], $0xF7A  }
0x23: {  	s9 =	sor.u32 $0xD0000000, s2;
	s6 =	simm.s32 $0x108;
	_ =	swait.ge @!p0 [sflag:s8], $0x0  }
0x24: {  	s3 =	sadd.s32 $0x88, s3;
	s6 =	simm.s32 @!p1 $0x1082;
	[sflag:s4] =	ssyncset.s32 $0xFFFFF086  }
0x25: {  	[simem:s6], [sflag:s4] =	dma.local [hbm:s3], $0xF7A  }
0x26: {  	[smem:$0x3F89] =	sst s1;
	(tag) =	ssettag s2;
	_ =	strace s9  }
0x27: {  	s1 =	sld [smem:$0x3F99]  }
0x28: {  	s2 =	sld [smem:$0x3F9A]  }
0x29: {  	s4 =	sld [smem:$0x3F9C]  }
0x2a: {  	p0 =	seq.s32 s5, $0x0;
	s5 =	sld [smem:$0x3F9D]  }
0x2b: {  	s6 =	sld [smem:$0x3F9E]  }
0x2c: {  	s7 =	sld [smem:$0x3F9F]  }
0x2d: {  	s3 =	simm.s32 $0x108;
	s8 =	sld [smem:$0x3FA0]  }
0x2e: {  	s3 =	simm.s32 @!p0 $0x1082;
	s9 =	sld [smem:$0x3FA1]  }
0x2f: {  	lr =	sadd.s32 s0, s3;
	s0 =	sld [smem:$0x3F98]  }
0x30: {  	s3 =	sld [smem:$0x3F9B]  }
0x31: {  	[smem:$0x3FA4] =	sst s10  }
0x32: {  	s10 =	sld [smem:$0x3FA2];
	_ =	sdelay $0x3  }
0x33: {  	p0 =	seq.s32 s10, $0x1;
	s10 =	sld [smem:$0x3FA4];
	_ =	sdelay $0x3  }
0x34: {  	[smem:$0x3FA4] =	sst s10  }
0x35: {  	s10 =	sld [smem:$0x3FA3];
	_ =	sdelay $0x3  }
0x36: {  	p1 =	seq.s32 s10, $0x1;
	s10 =	sld [smem:$0x3FA4];
	_ =	sdelay $0x3  }
0x37: {  	[smem:$0x3FA4] =	sst s10  }
0x38: {  	s10 =	sld [smem:$0x3FA5]  }
0x39: {  	_ = 	snop;
	(pc) =	sbr.ind lr, $3  }
0x3a: {  	_ = 	snop  }
0x3b: {  	_ = 	snop  }
0x3c: {  	p2 =	seq.s32 s10, $0x1;
	s10 =	sld [smem:$0x3FA4]  }
0x3d: {  	_ =	shalt  }
0x3e: {  	_ =	shalt  }
0x3f: {  	_ =	shalt  }
0x40: {  	_ =	shalt  }
0x41: {  	_ =	shalt  }
0x42: {  	_ =	shalt  }
0x43: {  	_ =	shalt  }
0x44: {  	_ =	shalt  }
0x45: {  	_ =	shalt  }
0x46: {  	_ =	shalt  }
0x47: {  	_ =	shalt  }
0x48: {  	_ =	shalt  }
0x49: {  	_ =	shalt  }
0x4a: {  	_ =	shalt  }
0x4b: {  	_ =	shalt  }
0x4c: {  	_ =	shalt  }
0x4d: {  	_ =	shalt  }
0x4e: {  	_ =	shalt  }
0x4f: {  	_ =	shalt  }
0x50: {  	_ =	shalt  }
0x51: {  	_ =	shalt  }
0x52: {  	_ =	shalt  }
0x53: {  	_ =	shalt  }
0x54: {  	_ =	shalt  }
0x55: {  	_ =	shalt  }
0x56: {  	_ =	shalt  }
0x57: {  	_ =	shalt  }
0x58: {  	_ =	shalt  }
0x59: {  	_ =	shalt  }
0x5a: {  	_ =	shalt  }
0x5b: {  	_ =	shalt  }
0x5c: {  	_ =	shalt  }
0x5d: {  	_ =	shalt  }
0x5e: {  	_ =	shalt  }
0x5f: {  	_ =	shalt  }
0x60: {  	_ =	shalt  }
0x61: {  	_ =	shalt  }
0x62: {  	_ =	shalt  }
0x63: {  	_ =	shalt  }
0x64: {  	_ =	shalt  }
0x65: {  	_ =	shalt  }
0x66: {  	_ =	shalt  }
0x67: {  	_ =	shalt  }
0x68: {  	_ =	shalt  }
0x69: {  	_ =	shalt  }
0x6a: {  	_ =	shalt  }
0x6b: {  	_ =	shalt  }
0x6c: {  	_ =	shalt  }
0x6d: {  	_ =	shalt  }
0x6e: {  	_ =	shalt  }
0x6f: {  	_ =	shalt  }
0x70: {  	_ =	shalt  }
0x71: {  	_ =	shalt  }
0x72: {  	_ =	shalt  }
0x73: {  	_ =	shalt  }
0x74: {  	_ =	shalt  }
0x75: {  	_ =	shalt  }
0x76: {  	_ =	shalt  }
0x77: {  	_ =	shalt  }
0x78: {  	_ =	shalt  }
0x79: {  	_ =	shalt  }
0x7a: {  	_ =	shalt  }
0x7b: {  	_ =	shalt  }
0x7c: {  	_ =	shalt  }
0x7d: {  	_ =	shalt  }
0x7e: {  	_ =	shalt  }
0x7f: {  	_ =	shalt  }
0x80: {  	_ =	shalt  }
0x81: {  	_ =	shalt  }
0x82: {  	_ =	shalt  }
0x83: {  	_ =	shalt  }
0x84: {  	_ =	shalt  }
0x85: {  	_ =	shalt  }
0x86: {  	_ =	shalt  }
0x87: {  	_ =	shalt  }
.Lfunc_end0:
.L_simem_size_0:
called_computation.2_lowered:
.L_overlay_start_0:
0x88: {  	s2 =	sld [smem:$0x3FD9]  }
0x89: {  	s3 =	sld [smem:$0x3FFE];
	_ =	sdelay $0x1  }
0x8a: {  	s1 =	srdreg.scid  }
0x8b: {  	s0 =	sand.u32 $0x1, s1  }
0x8c: {  	s16 =	sshll.u32 s0, $0xA;
	s2 =	sadd.s32 s3, s2  }
0x8d: {  	s2 =	sadd.s32 s2, s16  }
0x8e: {  	[smem:$0x3FB0] =	sst s2  }
0x8f: {  	_ = 	snop  }
0x90: {  	(tm) =	ssettm $0x1  }
0x91: {  	s17 =	sld [smem:$0x3FFB];
	_ =	sdelay $0x3  }
0x92: {  	_ =	strace s17  }
0x93: {  	s2 =	sld [smem:$0x3FFC];
	_ =	sdelay $0x3  }
0x94: {  	_ =	strace s2  }
0x95: {  	s2 =	sld [smem:$0x3FFD];
	_ =	sdelay $0x3  }
0x96: {  	_ =	strace s2  }
0x97: {  	_ =	strace $0x8FFFFFFF  }
0x98: {  	s18 =	sld [smem:$0x3FDB];
	_ =	sdelay $0x1  }
0x99: {  	s19 =	simm.s32 $_scs_section_size  }
0x9a: {  	s4 =	simm.s32 $_size__tile_overlayer_lowered;
	s5 =	simm.s32 $_tile_overlayer_lowered  }
0x9b: {  	s22 =	simm.s32 $0x1BFF;
	s21 =	sshll.u32 s5, $0x1;
	s2 =	sadd.s32 s19, s18  }
0x9c: {  	s6 =	simm.s32 $0x0;
	s20 =	sshll.u32 s4, $0x1;
	s4 =	sadd.s32 s21, s2  }
0x9d: {  	[timem:s6], [sflag:s22] =	dma.local [hbm:s4], s20  }
0x9e: {  	_ =	swait.ge [sflag:s22], s20  }
0x9f: {  	s3 =	ssub.s32 $0x0, s20;
	[sflag:s22] =	ssyncset.done $0x0  }
0xa0: {  	[sflag:s22] =	ssyncadd.s32 s3;
	_ =	sdelay $0x1  }
0xa1: {  	s23 =	simm.s32 $0x1B8B  }
0xa2: {  	_ =	swait.ge [sflag:s23], $0x1  }
0xa3: {  	[sflag:s23] =	ssyncset.done $0x0  }
0xa4: {  	s25 =	simm.s32 $0x1B8E;
	s24 =	sld [smem:$0x3FFE];
	[sflag:s23] =	ssyncadd.s32 $0xFFFFFFFF  }
0xa5: {  	s26 =	simm.s32 $execute0_lowered;
	[smem:$0x3FD2] =	sst s25  }
0xa6: {  	s4 =	sshll.u32 s26, $0x1;
	_ =	strace $0x8000004C;
	[dreg:$0x1] =	wrdreg $0xFFFFFFFF  }
0xa7: {  	s28 =	simm.s32 $_size_execute0_lowered;
	s2 =	sadd.s32 s2, s4;
	[dreg:$0x0] =	wrdreg $0x0  }
0xa8: {  	s4 =	sshll.u32 s28, $0x1;
	[dreg:$0x2] =	wrdreg s2  }
0xa9: {  	[dreg:$0x3] =	wrdreg s4  }
0xaa: {  	[dreg:$0x4] =	wrdreg $0xC0  }
0xab: {  	_ =	task [dreg:s6], $0x5FFFF  }
0xac: {  	[dreg:$0x1] =	wrdreg $0xFFFFFFFF  }
0xad: {  	[dreg:$0x0] =	wrdreg $0x60  }
0xae: {  	[dreg:$0x2] =	wrdreg s24  }
0xaf: {  	[dreg:$0x3] =	wrdreg $0x140000  }
0xb0: {  	[dreg:$0x4] =	wrdreg $0x9  }
0xb1: {  	_ =	task.clear_ibuf [dreg:s6], $0x5FFFF;
	_ =	strace $0x9000004C  }
0xb2: {  	s29 =	simm.s32 $0x9;
	_ =	strace $0x8000004E  }
0xb3: {  	_ =	swait.ge [sflag:s29], $0x1  }
0xb4: {  	[sflag:s29] =	ssyncadd.s32 $0xFFFFFFFF  }
0xb5: {  	_ =	strace $0x9000004E  }
0xb6: {  	_ =	sfence  }
0xb7: {  	s30 =	sld [smem:$0x0];
	_ =	sdelay $0x2  }
0xb8: {  	s31 =	sshll.u32 s1, $0xD;
	s1 =	sshrl.u32 s1, $0x2  }
0xb9: {  	s3 =	sand.u32 $0x4000, s31;
	s1 =	sadd.s32 s1, s30  }
0xba: {  	s0 =	sor.u32 s3, s0;
	s1 =	sshll.u32 s1, $0x11  }
0xbb: {  	s0 =	sor.u32 s1, s0  }
0xbc: {  	s0 =	sadd.s32 $0x8F2B, s0  }
0xbd: {  	[sflag:s0] =	ssyncadd.remote.s32 $0x1  }
0xbe: {  	_ =	sfence.sel $0xFFFF  }
0xbf: {  	[dreg:$0x0] =	wrdreg $0xFFFFFFFF;
	(pc) =	sbr.abs _section_cstart, $3  }
0xc0: {  	[dreg:$0x1] =	wrdreg $0xFFFFFFFF  }
0xc1: {  	_ =	task.clear_ibuf [dreg:s6], $0x2FFFF;
	_ =	strace $0x9FFFFFFF  }
0xc2: {  	(tm) =	ssettm $0x7FFFFFFF  }
0xc3: {  	_ =	shalt  }
tec
execute0_lowered:
.L_overlay_start_1:
0x0: {  	(tag) =	ssettag $0x1  }
0x1: {  	s0 =	rddreg [dreg:$0x0]  }
0x2: {  	s2 =	rddreg [dreg:$0x1]  }
0x3: {  	s1 =	simm.s32 $0x0;
	s8 =	stileid.u32;
	s3 =	srdreg.scid  }
0x4: {  	s17 =	simm.s32 $0xB;
	s19 =	simm.s32 $0xA000;
	s29 =	simm.s32 $0x12000  }
0x5: {  	s30 =	simm.s32 $0x1;
	s31 =	simm.s32 $0x2;
	s18 =	simm.s32 $0x4  }
0x6: {  	s28 =	simm.s32 $0x9;
	[smem:$0x7FF] =	sst s1;
	s20 =	smul.u32 $0xA00, s8  }
0x7: {  	s4 =	sadd.s32 $0x1C200, s0;
	s5 =	sadd.s32 $0x30200, s0;
	s7 =	smul.u32 $0x28000, s8  }
0x8: {  	s3 =	sand.u32 $0x1, s3;
	s9 =	sadd.s32 $0x58200, s0;
	s23 =	smul.u32 $0xA000, s8  }
0x9: {  	_ =	strace $0x8000004D;
	s6 =	ssub.s32 $0x2, s3;
	[dreg:$0x3] =	wrdreg s9  }
0xa: {  	p0 =	sne.s32 s3, $0x0;
	s3 =	simm.s32 $0x0;
	s1 =	sadd.s32 s20, s0  }
0xb: {  	s0 =	sadd.s32 $0x6C200, s0;
	s21 =	sshrl.u32 s6, $0x1;
	s22 =	sshrl.u32 s7, $0x2  }
0xc: {  	s25 =	sshrl.u32 s23, $0x3;
	s26 =	sadd.s32 s23, s2;
	s20 =	simm.s32 $0x80  }
0xd: {  	s23 =	simm.s32 $0xE000;
	s7 =	simm.s32 $0x6;
	[dreg:$0x4] =	wrdreg s0  }
0xe: {  	s0 =	ssub.s32 s6, s21;
	s24 =	sadd.s32 $0x12200, s1;
	s1 =	sadd.s32 $0x8200, s1  }
0xf: {  	s10 =	sadd.s32 s22, s2;
	[dreg:$0x7] =	wrdreg s25;
	s21 =	simm.s32 $0xC000  }
.Ltmp0:
0x10: {  	s25 =	sshrl.u32 s26, $0x3;
	s26 =	simm.s32 $0x10000;
	(pc) =	sbr.rel .LBB2_1-.Ltmp0, $4  }
0x11: {  	s6 =	simm.s32 $0x5;
	s22 =	simm.s32 $0x7;
	[dreg:$0x5] =	wrdreg s24  }
0x12: {  	[dreg:$0x6] =	wrdreg s1;
	s12 =	smax.u32 s0, $0x1;
	s13 =	sadd.s32 $0x2000, s10  }
0x13: {  	s14 =	sadd.s32 $0x4000, s10;
	s15 =	sadd.s32 $0x6000, s10;
	s16 =	sadd.s32 $0x8000, s10  }
0x14: {  	v0 =	vimm.f32 $0.0e+00;
	s0 =	simm.s32 $0x3;
	s24 =	simm.s32 $0x8;
	s1 =	simm.s32 $0xA  }
.LBB2_9:
0x15: {  	[tilespmem:s29], [sflag:$0x5] =	stream.indirect.gather [hbm4b:s5+s20], $0x40, s9, s20, $0xb8;
	[tilespmem:$0x1E000] =	vst v63  }
0x16: {  	s8 =	rddreg [dreg:$0x4]  }
.LBB2_10:
0x17: {  	_ =	swait.ge [sflag:s30], $0x2000  }
0x18: {  	[sflag:s30] =	ssyncset.done $0x0  }
0x19: {  	s9 =	simm.s32 $0x9D80;
	[sflag:s30] =	ssyncadd.s32 $0xFFFFE000  }
0x1a: {  	[spmem:s2] =	stream.indirect.scatter.add.f32 [tilespmem:s19], [sflag:$0x6], $0x40, s9, s20, $0xb8;
	[tilespmem:$0x1E000] =	vst v63  }
0x1b: {  	_ =	swait.ge [sflag:s31], $0x2000  }
0x1c: {  	[sflag:s31] =	ssyncset.done $0x0  }
0x1d: {  	s11 =	simm.s32 $0x9E00;
	[sflag:s31] =	ssyncadd.s32 $0xFFFFE000  }
0x1e: {  	[spmem:s2] =	stream.indirect.scatter.add.f32 [tilespmem:s21], [sflag:$0x7], $0x40, s11, s20, $0xb8;
	[tilespmem:$0x1E000] =	vst v63  }
0x1f: {  	_ =	swait.ge [sflag:s0], $0x2000  }
0x20: {  	[sflag:s0] =	ssyncset.done $0x0  }
0x21: {  	s11 =	simm.s32 $0x9E80;
	[sflag:s0] =	ssyncadd.s32 $0xFFFFE000  }
0x22: {  	[spmem:s2] =	stream.indirect.scatter.add.f32 [tilespmem:s23], [sflag:$0x8], $0x40, s11, s20, $0xb8;
	[tilespmem:$0x1E000] =	vst v63  }
0x23: {  	_ =	swait.ge [sflag:s18], $0x2000  }
0x24: {  	[sflag:s18] =	ssyncset.done $0x0  }
0x25: {  	s11 =	simm.s32 $0x9F00;
	[sflag:s18] =	ssyncadd.s32 $0xFFFFE000  }
0x26: {  	[spmem:s2] =	stream.indirect.scatter.add.f32 [tilespmem:s26], [sflag:$0x9], $0x40, s11, s20, $0xb8;
	[tilespmem:$0x1E000] =	vst v63  }
0x27: {  	_ =	swait.ge [sflag:s6], $0x2000  }
0x28: {  	[sflag:s6] =	ssyncset.done $0x0  }
0x29: {  	s11 =	simm.s32 $0x9F80;
	[sflag:s6] =	ssyncadd.s32 $0xFFFFE000  }
0x2a: {  	[spmem:s2] =	stream.indirect.scatter.add.f32 [tilespmem:s29], [sflag:$0xA], $0x40, s11, s20, $0xb8;
	[tilespmem:$0x1E000] =	vst v63  }
0x2b: {  	_ =	swait.ge [sflag:s7], $0x2000  }
0x2c: {  	[sflag:s7] =	ssyncset.done $0x0  }
0x2d: {  	[sflag:s7] =	ssyncadd.s32 $0xFFFFE000  }
0x2e: {  	_ =	swait.ge [sflag:s22], $0x2000  }
0x2f: {  	[sflag:s22] =	ssyncset.done $0x0  }
0x30: {  	[sflag:s22] =	ssyncadd.s32 $0xFFFFE000  }
0x31: {  	_ =	swait.ge [sflag:s24], $0x2000  }
0x32: {  	[sflag:s24] =	ssyncset.done $0x0  }
0x33: {  	[sflag:s24] =	ssyncadd.s32 $0xFFFFE000  }
0x34: {  	_ =	swait.ge [sflag:s28], $0x2000  }
0x35: {  	[sflag:s28] =	ssyncset.done $0x0  }
0x36: {  	[sflag:s28] =	ssyncadd.s32 $0xFFFFE000  }
0x37: {  	s3 =	sadd.s32 $0x1, s3;
	s11 =	stileid.u32;
	_ =	swait.ge [sflag:s1], $0x2000  }
0x38: {  	p1 =	sne.s32 s3, s12;
	s9 =	sshll.u32 s11, $0x6;
	[sflag:s1] =	ssyncset.done $0x0  }
0x39: {  	s9 =	sor.u32 $0x1C0B, s9;
	s11 =	rddreg [dreg:$0x7];
	[sflag:s1] =	ssyncadd.s32 $0xFFFFE000  }
.Ltmp1:
0x3a: {  	s8 =	sadd.s32 s8, s11;
	[bflag:$0x0] =	sbarrier.arrive $0xFFFF;
	(pc) =	sbr.rel @!p1 .LBB2_11-.Ltmp1, $4  }
0x3b: {  	[hbm:s8], [sflag:s9] =	dma.local [spmem:s25], $0x1400  }
0x3c: {  	_ =	swait.ge [sflag:s17], $0x1400  }
0x3d: {  	[sflag:s17] =	ssyncset.done $0x0  }
0x3e: {  	[sflag:s17] =	ssyncadd.s32 $0xFFFFEC00  }
.LBB2_1:
0x3f: {  	s8 =	simm.s32 $0x0;
	s9 =	rddreg [dreg:$0x5]  }
0x40: {  	[tilespmem:s8], [sflag:$0xB] =	stream.linear.gather [hbm4b:s9+s8], $0x5000, $0x38;
	[tilespmem:$0x1E000] =	vst v63  }
0x41: {  	_ =	swait.ge [sflag:s17], $0x5000  }
0x42: {  	[sflag:s17] =	ssyncset.done $0x0  }
0x43: {  	s11 =	simm.s32 $0x5000;
	s9 =	rddreg [dreg:$0x6];
	[sflag:s17] =	ssyncadd.s32 $0xFFFFB000  }
0x44: {  	[tilespmem:s11], [sflag:$0xB] =	stream.linear.gather [hbm4b:s9+s8], $0x5000, $0x38;
	[tilespmem:$0x1E000] =	vst v63  }
0x45: {  	_ =	swait.ge [sflag:s17], $0x5000  }
0x46: {  	[sflag:s17] =	ssyncset.done $0x0  }
0x47: {  	s9 =	simm.s32 $0x100;
	s8 =	simm.s32 $0x0;
	[sflag:s17] =	ssyncadd.s32 $0xFFFFB000  }
.LBB2_2:
0x48: {  	p1 =	sne.s32 s9, $0x7F00;
	[tilespmem:s8+$0xA030] =	vst v0;
	s11 =	smov.u32 s9;
	s9 =	sadd.s32 $0x100, s9  }
.Ltmp2:
0x49: {  	[tilespmem:s8+$0xA020] =	vst v0;
	(pc) =	sbr.rel @p1 .LBB2_2-.Ltmp2, $3  }
0x4a: {  	[tilespmem:s8+$0xA000] =	vst v0  }
0x4b: {  	[tilespmem:s8+$0xA010] =	vst v0;
	_ =	sdelay $0x1  }
0x4c: {  	s8 =	sshra.s32 s11, $0x2  }
0x4d: {  	[tilespmem:s8+$0xA030] =	vst v0  }
0x4e: {  	[tilespmem:s8+$0xA020] =	vst v0  }
0x4f: {  	[tilespmem:s8+$0xA000] =	vst v0  }
0x50: {  	[tilespmem:s8+$0xA010] =	vst v0  }
0x51: {  	[spmem:s10] =	stream.linear.scatter [tilespmem:s19], [sflag:$0xB], $0x2000, $0x38;
	[tilespmem:$0x1E000] =	vst v63  }
0x52: {  	_ =	swait.ge [sflag:s17], $0x2000  }
0x53: {  	[sflag:s17] =	ssyncset.done $0x0  }
0x54: {  	[sflag:s17] =	ssyncadd.s32 $0xFFFFE000  }
0x55: {  	[spmem:s13] =	stream.linear.scatter [tilespmem:s19], [sflag:$0xB], $0x2000, $0x38;
	[tilespmem:$0x1E000] =	vst v63  }
0x56: {  	_ =	swait.ge [sflag:s17], $0x2000  }
0x57: {  	[sflag:s17] =	ssyncset.done $0x0  }
0x58: {  	[sflag:s17] =	ssyncadd.s32 $0xFFFFE000  }
0x59: {  	[spmem:s14] =	stream.linear.scatter [tilespmem:s19], [sflag:$0xB], $0x2000, $0x38;
	[tilespmem:$0x1E000] =	vst v63  }
0x5a: {  	_ =	swait.ge [sflag:s17], $0x2000  }
0x5b: {  	[sflag:s17] =	ssyncset.done $0x0  }
0x5c: {  	[sflag:s17] =	ssyncadd.s32 $0xFFFFE000  }
0x5d: {  	[spmem:s15] =	stream.linear.scatter [tilespmem:s19], [sflag:$0xB], $0x2000, $0x38;
	[tilespmem:$0x1E000] =	vst v63  }
0x5e: {  	_ =	swait.ge [sflag:s17], $0x2000  }
0x5f: {  	[sflag:s17] =	ssyncset.done $0x0  }
0x60: {  	[sflag:s17] =	ssyncadd.s32 $0xFFFFE000  }
0x61: {  	[spmem:s16] =	stream.linear.scatter [tilespmem:s19], [sflag:$0xB], $0x2000, $0x38;
	[tilespmem:$0x1E000] =	vst v63  }
.Ltmp3:
0x62: {  	_ =	swait.ge [sflag:s17], $0x2000;
	(pc) =	sbr.rel @p0 .LBB2_7-.Ltmp3, $4  }
0x63: {  	[sflag:s17] =	ssyncset.done $0x0  }
0x64: {  	[sflag:s17] =	ssyncadd.s32 $0xFFFFE000  }
0x65: {  	[bflag:$0x0] =	sbarrier.arrive $0xFFFF  }
0x66: {  	s8 =	simm.s32 $0x0  }
0x67: {  	[tilespmem:s19], [sflag:$0x1] =	stream.indirect.gather [hbm4b:s4+s20], $0x40, s8, s20, $0xb8;
	[tilespmem:$0x1E000] =	vst v63  }
0x68: {  	_ = 	snop  }
0x69: {  	[tilespmem:s21], [sflag:$0x2] =	stream.indirect.gather [hbm4b:s4+s20], $0x40, s20, s20, $0xb8;
	[tilespmem:$0x1E000] =	vst v63  }
0x6a: {  	s9 =	simm.s32 $0x100  }
0x6b: {  	[tilespmem:s23], [sflag:$0x3] =	stream.indirect.gather [hbm4b:s4+s20], $0x40, s9, s20, $0xb8;
	[tilespmem:$0x1E000] =	vst v63  }
0x6c: {  	s11 =	simm.s32 $0x180  }
0x6d: {  	[tilespmem:s26], [sflag:$0x4] =	stream.indirect.gather [hbm4b:s4+s20], $0x40, s11, s20, $0xb8;
	[tilespmem:$0x1E000] =	vst v63  }
0x6e: {  	s9 =	simm.s32 $0x200  }
0x6f: {  	[tilespmem:s29], [sflag:$0x5] =	stream.indirect.gather [hbm4b:s4+s20], $0x40, s9, s20, $0xb8;
	[tilespmem:$0x1E000] =	vst v63  }
0x70: {  	_ =	swait.ge [sflag:s30], $0x2000  }
0x71: {  	[sflag:s30] =	ssyncset.done $0x0  }
0x72: {  	s11 =	simm.s32 $0x5000;
	[sflag:s30] =	ssyncadd.s32 $0xFFFFE000  }
0x73: {  	[spmem:s2] =	stream.indirect.scatter.add.f32 [tilespmem:s19], [sflag:$0x6], $0x40, s11, s20, $0xb8;
	[tilespmem:$0x1E000] =	vst v63  }
0x74: {  	_ =	swait.ge [sflag:s31], $0x2000  }
0x75: {  	[sflag:s31] =	ssyncset.done $0x0  }
0x76: {  	s9 =	simm.s32 $0x5080;
	[sflag:s31] =	ssyncadd.s32 $0xFFFFE000  }
0x77: {  	[spmem:s2] =	stream.indirect.scatter.add.f32 [tilespmem:s21], [sflag:$0x7], $0x40, s9, s20, $0xb8;
	[tilespmem:$0x1E000] =	vst v63  }
0x78: {  	_ =	swait.ge [sflag:s0], $0x2000  }
0x79: {  	[sflag:s0] =	ssyncset.done $0x0  }
0x7a: {  	s11 =	simm.s32 $0x5100;
	[sflag:s0] =	ssyncadd.s32 $0xFFFFE000  }
0x7b: {  	[spmem:s2] =	stream.indirect.scatter.add.f32 [tilespmem:s23], [sflag:$0x8], $0x40, s11, s20, $0xb8;
	[tilespmem:$0x1E000] =	vst v63  }
0x7c: {  	_ =	swait.ge [sflag:s18], $0x2000  }
0x7d: {  	[sflag:s18] =	ssyncset.done $0x0  }
0x7e: {  	s9 =	simm.s32 $0x5180;
	[sflag:s18] =	ssyncadd.s32 $0xFFFFE000  }
0x7f: {  	[spmem:s2] =	stream.indirect.scatter.add.f32 [tilespmem:s26], [sflag:$0x9], $0x40, s9, s20, $0xb8;
	[tilespmem:$0x1E000] =	vst v63  }
0x80: {  	_ =	swait.ge [sflag:s6], $0x2000  }
0x81: {  	[sflag:s6] =	ssyncset.done $0x0  }
0x82: {  	s11 =	simm.s32 $0x5200;
	[sflag:s6] =	ssyncadd.s32 $0xFFFFE000  }
0x83: {  	[spmem:s2] =	stream.indirect.scatter.add.f32 [tilespmem:s29], [sflag:$0xA], $0x40, s11, s20, $0xb8;
	[tilespmem:$0x1E000] =	vst v63  }
0x84: {  	_ =	swait.ge [sflag:s7], $0x2000  }
0x85: {  	[sflag:s7] =	ssyncset.done $0x0  }
0x86: {  	s9 =	simm.s32 $0x280;
	[sflag:s7] =	ssyncadd.s32 $0xFFFFE000  }
0x87: {  	[tilespmem:s19], [sflag:$0x1] =	stream.indirect.gather [hbm4b:s4+s20], $0x40, s9, s20, $0xb8;
	[tilespmem:$0x1E000] =	vst v63  }
0x88: {  	_ =	swait.ge [sflag:s22], $0x2000  }
0x89: {  	[sflag:s22] =	ssyncset.done $0x0  }
0x8a: {  	s11 =	simm.s32 $0x300;
	[sflag:s22] =	ssyncadd.s32 $0xFFFFE000  }
0x8b: {  	[tilespmem:s21], [sflag:$0x2] =	stream.indirect.gather [hbm4b:s4+s20], $0x40, s11, s20, $0xb8;
	[tilespmem:$0x1E000] =	vst v63  }
0x8c: {  	_ =	swait.ge [sflag:s24], $0x2000  }
0x8d: {  	[sflag:s24] =	ssyncset.done $0x0  }
0x8e: {  	s9 =	simm.s32 $0x380;
	[sflag:s24] =	ssyncadd.s32 $0xFFFFE000  }
0x8f: {  	[tilespmem:s23], [sflag:$0x3] =	stream.indirect.gather [hbm4b:s4+s20], $0x40, s9, s20, $0xb8;
	[tilespmem:$0x1E000] =	vst v63  }
0x90: {  	_ =	swait.ge [sflag:s28], $0x2000  }
0x91: {  	[sflag:s28] =	ssyncset.done $0x0  }
0x92: {  	s11 =	simm.s32 $0x400;
	[sflag:s28] =	ssyncadd.s32 $0xFFFFE000  }
0x93: {  	[tilespmem:s26], [sflag:$0x4] =	stream.indirect.gather [hbm4b:s4+s20], $0x40, s11, s20, $0xb8;
	[tilespmem:$0x1E000] =	vst v63  }
0x94: {  	_ =	swait.ge [sflag:s1], $0x2000  }
0x95: {  	[sflag:s1] =	ssyncset.done $0x0  }
0x96: {  	s8 =	simm.s32 $0xA00;
	s9 =	simm.s32 $0x480;
	[sflag:s1] =	ssyncadd.s32 $0xFFFFE000  }
.LBB2_5:
0x97: {  	[tilespmem:s29], [sflag:$0x5] =	stream.indirect.gather [hbm4b:s4+s20], $0x40, s9, s20, $0xb8;
	[tilespmem:$0x1E000] =	vst v63  }
0x98: {  	s9 =	smov.u32 s8  }
0x99: {  	p1 =	seq.s32 s8, $0x12C00;
	s8 =	sadd.s32 $0xA00, s8;
	_ =	swait.ge [sflag:s30], $0x2000  }
0x9a: {  	s9 =	sshra.s32 s9, $0x2;
	[sflag:s30] =	ssyncset.done $0x0  }
0x9b: {  	s11 =	sadd.s32 $0x5000, s9;
	[sflag:s30] =	ssyncadd.s32 $0xFFFFE000  }
0x9c: {  	[spmem:s2] =	stream.indirect.scatter.add.f32 [tilespmem:s19], [sflag:$0x6], $0x40, s11, s20, $0xb8;
	[tilespmem:$0x1E000] =	vst v63  }
0x9d: {  	_ =	swait.ge [sflag:s31], $0x2000  }
0x9e: {  	[sflag:s31] =	ssyncset.done $0x0  }
0x9f: {  	s11 =	sadd.s32 $0x5080, s9;
	[sflag:s31] =	ssyncadd.s32 $0xFFFFE000  }
0xa0: {  	[spmem:s2] =	stream.indirect.scatter.add.f32 [tilespmem:s21], [sflag:$0x7], $0x40, s11, s20, $0xb8;
	[tilespmem:$0x1E000] =	vst v63  }
0xa1: {  	_ =	swait.ge [sflag:s0], $0x2000  }
0xa2: {  	[sflag:s0] =	ssyncset.done $0x0  }
0xa3: {  	s11 =	sadd.s32 $0x5100, s9;
	[sflag:s0] =	ssyncadd.s32 $0xFFFFE000  }
0xa4: {  	[spmem:s2] =	stream.indirect.scatter.add.f32 [tilespmem:s23], [sflag:$0x8], $0x40, s11, s20, $0xb8;
	[tilespmem:$0x1E000] =	vst v63  }
0xa5: {  	_ =	swait.ge [sflag:s18], $0x2000  }
0xa6: {  	[sflag:s18] =	ssyncset.done $0x0  }
0xa7: {  	s11 =	sadd.s32 $0x5180, s9;
	[sflag:s18] =	ssyncadd.s32 $0xFFFFE000  }
0xa8: {  	[spmem:s2] =	stream.indirect.scatter.add.f32 [tilespmem:s26], [sflag:$0x9], $0x40, s11, s20, $0xb8;
	[tilespmem:$0x1E000] =	vst v63  }
0xa9: {  	_ =	swait.ge [sflag:s6], $0x2000  }
0xaa: {  	[sflag:s6] =	ssyncset.done $0x0  }
0xab: {  	s11 =	sadd.s32 $0x5200, s9;
	[sflag:s6] =	ssyncadd.s32 $0xFFFFE000  }
0xac: {  	[spmem:s2] =	stream.indirect.scatter.add.f32 [tilespmem:s29], [sflag:$0xA], $0x40, s11, s20, $0xb8;
	[tilespmem:$0x1E000] =	vst v63  }
0xad: {  	_ =	swait.ge [sflag:s7], $0x2000  }
0xae: {  	[sflag:s7] =	ssyncset.done $0x0  }
0xaf: {  	s11 =	sadd.s32 $0x280, s9;
	[sflag:s7] =	ssyncadd.s32 $0xFFFFE000  }
0xb0: {  	[tilespmem:s19], [sflag:$0x1] =	stream.indirect.gather [hbm4b:s4+s20], $0x40, s11, s20, $0xb8;
	[tilespmem:$0x1E000] =	vst v63  }
0xb1: {  	_ =	swait.ge [sflag:s22], $0x2000  }
0xb2: {  	[sflag:s22] =	ssyncset.done $0x0  }
0xb3: {  	s11 =	sadd.s32 $0x300, s9;
	[sflag:s22] =	ssyncadd.s32 $0xFFFFE000  }
0xb4: {  	[tilespmem:s21], [sflag:$0x2] =	stream.indirect.gather [hbm4b:s4+s20], $0x40, s11, s20, $0xb8;
	[tilespmem:$0x1E000] =	vst v63  }
0xb5: {  	_ =	swait.ge [sflag:s24], $0x2000  }
0xb6: {  	[sflag:s24] =	ssyncset.done $0x0  }
0xb7: {  	s11 =	sadd.s32 $0x380, s9;
	[sflag:s24] =	ssyncadd.s32 $0xFFFFE000  }
0xb8: {  	[tilespmem:s23], [sflag:$0x3] =	stream.indirect.gather [hbm4b:s4+s20], $0x40, s11, s20, $0xb8;
	[tilespmem:$0x1E000] =	vst v63  }
0xb9: {  	_ =	swait.ge [sflag:s28], $0x2000  }
0xba: {  	[sflag:s28] =	ssyncset.done $0x0  }
.Ltmp4:
0xbb: {  	s11 =	sadd.s32 $0x400, s9;
	[sflag:s28] =	ssyncadd.s32 $0xFFFFE000;
	(pc) =	sbr.rel @!p1 .LBB2_5-.Ltmp4, $4  }
0xbc: {  	[tilespmem:s26], [sflag:$0x4] =	stream.indirect.gather [hbm4b:s4+s20], $0x40, s11, s20, $0xb8;
	[tilespmem:$0x1E000] =	vst v63  }
0xbd: {  	_ =	swait.ge [sflag:s1], $0x2000  }
0xbe: {  	[sflag:s1] =	ssyncset.done $0x0  }
0xbf: {  	s9 =	sadd.s32 $0x480, s9;
	[sflag:s1] =	ssyncadd.s32 $0xFFFFE000  }
.Ltmp5:
0xc0: {  	(pc) =	sbr.rel .LBB2_10-.Ltmp5, $3  }
0xc1: {  	_ =	sdelay $0x1  }
0xc2: {  	[tilespmem:s29], [sflag:$0x5] =	stream.indirect.gather [hbm4b:s4+s20], $0x40, s9, s20, $0xb8;
	[tilespmem:$0x1E000] =	vst v63  }
0xc3: {  	s8 =	rddreg [dreg:$0x3]  }
.LBB2_7:
0xc4: {  	[tilespmem:s19], [sflag:$0x1] =	stream.indirect.gather [hbm4b:s5+s20], $0x40, s8, s20, $0xb8;
	[tilespmem:$0x1E000] =	vst v63  }
0xc5: {  	_ = 	snop  }
0xc6: {  	[tilespmem:s21], [sflag:$0x2] =	stream.indirect.gather [hbm4b:s5+s20], $0x40, s20, s20, $0xb8;
	[tilespmem:$0x1E000] =	vst v63  }
0xc7: {  	s9 =	simm.s32 $0x100  }
0xc8: {  	[tilespmem:s23], [sflag:$0x3] =	stream.indirect.gather [hbm4b:s5+s20], $0x40, s9, s20, $0xb8;
	[tilespmem:$0x1E000] =	vst v63  }
0xc9: {  	s11 =	simm.s32 $0x180  }
0xca: {  	[tilespmem:s26], [sflag:$0x4] =	stream.indirect.gather [hbm4b:s5+s20], $0x40, s11, s20, $0xb8;
	[tilespmem:$0x1E000] =	vst v63  }
0xcb: {  	s9 =	simm.s32 $0x200  }
0xcc: {  	[tilespmem:s29], [sflag:$0x5] =	stream.indirect.gather [hbm4b:s5+s20], $0x40, s9, s20, $0xb8;
	[tilespmem:$0x1E000] =	vst v63  }
0xcd: {  	_ =	swait.ge [sflag:s30], $0x2000  }
0xce: {  	[sflag:s30] =	ssyncset.done $0x0  }
0xcf: {  	s11 =	simm.s32 $0x5000;
	[sflag:s30] =	ssyncadd.s32 $0xFFFFE000  }
0xd0: {  	[spmem:s2] =	stream.indirect.scatter.add.f32 [tilespmem:s19], [sflag:$0x6], $0x40, s11, s20, $0xb8;
	[tilespmem:$0x1E000] =	vst v63  }
0xd1: {  	_ =	swait.ge [sflag:s31], $0x2000  }
0xd2: {  	[sflag:s31] =	ssyncset.done $0x0  }
0xd3: {  	s9 =	simm.s32 $0x5080;
	[sflag:s31] =	ssyncadd.s32 $0xFFFFE000  }
0xd4: {  	[spmem:s2] =	stream.indirect.scatter.add.f32 [tilespmem:s21], [sflag:$0x7], $0x40, s9, s20, $0xb8;
	[tilespmem:$0x1E000] =	vst v63  }
0xd5: {  	_ =	swait.ge [sflag:s0], $0x2000  }
0xd6: {  	[sflag:s0] =	ssyncset.done $0x0  }
0xd7: {  	s11 =	simm.s32 $0x5100;
	[sflag:s0] =	ssyncadd.s32 $0xFFFFE000  }
0xd8: {  	[spmem:s2] =	stream.indirect.scatter.add.f32 [tilespmem:s23], [sflag:$0x8], $0x40, s11, s20, $0xb8;
	[tilespmem:$0x1E000] =	vst v63  }
0xd9: {  	_ =	swait.ge [sflag:s18], $0x2000  }
0xda: {  	[sflag:s18] =	ssyncset.done $0x0  }
0xdb: {  	s9 =	simm.s32 $0x5180;
	[sflag:s18] =	ssyncadd.s32 $0xFFFFE000  }
0xdc: {  	[spmem:s2] =	stream.indirect.scatter.add.f32 [tilespmem:s26], [sflag:$0x9], $0x40, s9, s20, $0xb8;
	[tilespmem:$0x1E000] =	vst v63  }
0xdd: {  	_ =	swait.ge [sflag:s6], $0x2000  }
0xde: {  	[sflag:s6] =	ssyncset.done $0x0  }
0xdf: {  	s11 =	simm.s32 $0x5200;
	[sflag:s6] =	ssyncadd.s32 $0xFFFFE000  }
0xe0: {  	[spmem:s2] =	stream.indirect.scatter.add.f32 [tilespmem:s29], [sflag:$0xA], $0x40, s11, s20, $0xb8;
	[tilespmem:$0x1E000] =	vst v63  }
0xe1: {  	_ =	swait.ge [sflag:s7], $0x2000  }
0xe2: {  	[sflag:s7] =	ssyncset.done $0x0  }
0xe3: {  	s9 =	simm.s32 $0x280;
	[sflag:s7] =	ssyncadd.s32 $0xFFFFE000  }
0xe4: {  	[tilespmem:s19], [sflag:$0x1] =	stream.indirect.gather [hbm4b:s5+s20], $0x40, s9, s20, $0xb8;
	[tilespmem:$0x1E000] =	vst v63  }
0xe5: {  	_ =	swait.ge [sflag:s22], $0x2000  }
0xe6: {  	[sflag:s22] =	ssyncset.done $0x0  }
0xe7: {  	s11 =	simm.s32 $0x300;
	[sflag:s22] =	ssyncadd.s32 $0xFFFFE000  }
0xe8: {  	[tilespmem:s21], [sflag:$0x2] =	stream.indirect.gather [hbm4b:s5+s20], $0x40, s11, s20, $0xb8;
	[tilespmem:$0x1E000] =	vst v63  }
0xe9: {  	_ =	swait.ge [sflag:s24], $0x2000  }
0xea: {  	[sflag:s24] =	ssyncset.done $0x0  }
0xeb: {  	s9 =	simm.s32 $0x380;
	[sflag:s24] =	ssyncadd.s32 $0xFFFFE000  }
0xec: {  	[tilespmem:s23], [sflag:$0x3] =	stream.indirect.gather [hbm4b:s5+s20], $0x40, s9, s20, $0xb8;
	[tilespmem:$0x1E000] =	vst v63  }
0xed: {  	_ =	swait.ge [sflag:s28], $0x2000  }
0xee: {  	[sflag:s28] =	ssyncset.done $0x0  }
0xef: {  	s11 =	simm.s32 $0x400;
	[sflag:s28] =	ssyncadd.s32 $0xFFFFE000  }
0xf0: {  	[tilespmem:s26], [sflag:$0x4] =	stream.indirect.gather [hbm4b:s5+s20], $0x40, s11, s20, $0xb8;
	[tilespmem:$0x1E000] =	vst v63  }
0xf1: {  	_ =	swait.ge [sflag:s1], $0x2000  }
0xf2: {  	[sflag:s1] =	ssyncset.done $0x0  }
0xf3: {  	s8 =	simm.s32 $0xA00;
	s9 =	simm.s32 $0x480;
	[sflag:s1] =	ssyncadd.s32 $0xFFFFE000  }
.LBB2_8:
0xf4: {  	[tilespmem:s29], [sflag:$0x5] =	stream.indirect.gather [hbm4b:s5+s20], $0x40, s9, s20, $0xb8;
	[tilespmem:$0x1E000] =	vst v63  }
0xf5: {  	s9 =	smov.u32 s8  }
0xf6: {  	p1 =	sne.s32 s8, $0x12C00;
	s8 =	sadd.s32 $0xA00, s8;
	_ =	swait.ge [sflag:s30], $0x2000  }
0xf7: {  	s9 =	sshra.s32 s9, $0x2;
	[sflag:s30] =	ssyncset.done $0x0  }
0xf8: {  	s11 =	sadd.s32 $0x5000, s9;
	[sflag:s30] =	ssyncadd.s32 $0xFFFFE000  }
0xf9: {  	[spmem:s2] =	stream.indirect.scatter.add.f32 [tilespmem:s19], [sflag:$0x6], $0x40, s11, s20, $0xb8;
	[tilespmem:$0x1E000] =	vst v63  }
0xfa: {  	_ =	swait.ge [sflag:s31], $0x2000  }
0xfb: {  	[sflag:s31] =	ssyncset.done $0x0  }
0xfc: {  	s11 =	sadd.s32 $0x5080, s9;
	[sflag:s31] =	ssyncadd.s32 $0xFFFFE000  }
0xfd: {  	[spmem:s2] =	stream.indirect.scatter.add.f32 [tilespmem:s21], [sflag:$0x7], $0x40, s11, s20, $0xb8;
	[tilespmem:$0x1E000] =	vst v63  }
0xfe: {  	_ =	swait.ge [sflag:s0], $0x2000  }
0xff: {  	[sflag:s0] =	ssyncset.done $0x0  }
0x100: {  	s11 =	sadd.s32 $0x5100, s9;
	[sflag:s0] =	ssyncadd.s32 $0xFFFFE000  }
0x101: {  	[spmem:s2] =	stream.indirect.scatter.add.f32 [tilespmem:s23], [sflag:$0x8], $0x40, s11, s20, $0xb8;
	[tilespmem:$0x1E000] =	vst v63  }
0x102: {  	_ =	swait.ge [sflag:s18], $0x2000  }
0x103: {  	[sflag:s18] =	ssyncset.done $0x0  }
0x104: {  	s11 =	sadd.s32 $0x5180, s9;
	[sflag:s18] =	ssyncadd.s32 $0xFFFFE000  }
0x105: {  	[spmem:s2] =	stream.indirect.scatter.add.f32 [tilespmem:s26], [sflag:$0x9], $0x40, s11, s20, $0xb8;
	[tilespmem:$0x1E000] =	vst v63  }
0x106: {  	_ =	swait.ge [sflag:s6], $0x2000  }
0x107: {  	[sflag:s6] =	ssyncset.done $0x0  }
0x108: {  	s11 =	sadd.s32 $0x5200, s9;
	[sflag:s6] =	ssyncadd.s32 $0xFFFFE000  }
0x109: {  	[spmem:s2] =	stream.indirect.scatter.add.f32 [tilespmem:s29], [sflag:$0xA], $0x40, s11, s20, $0xb8;
	[tilespmem:$0x1E000] =	vst v63  }
0x10a: {  	_ =	swait.ge [sflag:s7], $0x2000  }
0x10b: {  	[sflag:s7] =	ssyncset.done $0x0  }
0x10c: {  	s11 =	sadd.s32 $0x280, s9;
	[sflag:s7] =	ssyncadd.s32 $0xFFFFE000  }
0x10d: {  	[tilespmem:s19], [sflag:$0x1] =	stream.indirect.gather [hbm4b:s5+s20], $0x40, s11, s20, $0xb8;
	[tilespmem:$0x1E000] =	vst v63  }
0x10e: {  	_ =	swait.ge [sflag:s22], $0x2000  }
0x10f: {  	[sflag:s22] =	ssyncset.done $0x0  }
0x110: {  	s11 =	sadd.s32 $0x300, s9;
	[sflag:s22] =	ssyncadd.s32 $0xFFFFE000  }
0x111: {  	[tilespmem:s21], [sflag:$0x2] =	stream.indirect.gather [hbm4b:s5+s20], $0x40, s11, s20, $0xb8;
	[tilespmem:$0x1E000] =	vst v63  }
0x112: {  	_ =	swait.ge [sflag:s24], $0x2000  }
0x113: {  	[sflag:s24] =	ssyncset.done $0x0  }
0x114: {  	s11 =	sadd.s32 $0x380, s9;
	[sflag:s24] =	ssyncadd.s32 $0xFFFFE000  }
0x115: {  	[tilespmem:s23], [sflag:$0x3] =	stream.indirect.gather [hbm4b:s5+s20], $0x40, s11, s20, $0xb8;
	[tilespmem:$0x1E000] =	vst v63  }
0x116: {  	_ =	swait.ge [sflag:s28], $0x2000  }
0x117: {  	[sflag:s28] =	ssyncset.done $0x0  }
.Ltmp6:
0x118: {  	s11 =	sadd.s32 $0x400, s9;
	[sflag:s28] =	ssyncadd.s32 $0xFFFFE000;
	(pc) =	sbr.rel @p1 .LBB2_8-.Ltmp6, $4  }
0x119: {  	[tilespmem:s26], [sflag:$0x4] =	stream.indirect.gather [hbm4b:s5+s20], $0x40, s11, s20, $0xb8;
	[tilespmem:$0x1E000] =	vst v63  }
0x11a: {  	_ =	swait.ge [sflag:s1], $0x2000  }
0x11b: {  	[sflag:s1] =	ssyncset.done $0x0  }
0x11c: {  	s9 =	sadd.s32 $0x480, s9;
	[sflag:s1] =	ssyncadd.s32 $0xFFFFE000  }
.Ltmp7:
0x11d: {  	_ = 	snop;
	(pc) =	sbr.rel .LBB2_9-.Ltmp7, $1  }
0x11e: {  	_ =	sdelay $0x3  }
.LBB2_11:
0x11f: {  	_ =	sfence.sel $0x180000  }
0x120: {  	[bflag:$0x0] =	sbarrier.arrive $0xFFFF  }
0x121: {  	_ =	strace $0x9000004D  }
0x122: {  	s0 =	stileid.u32;
	[bflag:$0x2] =	sbarrier.arrive $0xFFFF  }
0x123: {  	p0 =	sne.s32 s0, $0x0;
	s0 =	rddreg [dreg:$0x2]  }
0x124: {  	s0 =	sadd.s32 @!p0 $0x100000, s0  }
0x125: {  	[sflag:s0] =	ssyncadd.tile.s32 @!p0 $0x1;
	_ =	shalt  }
.Lfunc_end2:
_tile_overlayer_lowered:
.L_overlay_start_2:
0x126: {  	(tag) =	ssettag $0x2  }
0x127: {  	s0 =	rddreg [dreg:$0x0];
	s2 =	stileid.u32  }
0x128: {  	s1 =	rddreg [dreg:$0x1];
	p0 =	sne.s32 s2, $0x0  }
0x129: {  	s3 =	rddreg [dreg:$0x2];
	[bflag:$0x3] =	sbarrier.arrive $0xFFFF;
	s2 =	simm.s32 @!p0 $0x1C0B  }
0x12a: {  	[timem:s3], [sflag:s2] =	dma.local @!p0 [hbm:s0], s1  }
0x12b: {  	s0 =	simm.s32 @!p0 $0xB  }
0x12c: {  	_ =	swait.ge @!p0 [sflag:s0], s1  }
0x12d: {  	s1 =	ssub.s32 @!p0 $0x0, s1;
	[sflag:s0] =	ssyncset.done @!p0 $0x0  }
0x12e: {  	[sflag:s0] =	ssyncadd.s32 @!p0 s1  }
0x12f: {  	[bflag:$0x3] =	sbarrier.arrive $0xFFFF  }
0x130: {  	_ =	shalt  }

// kernel: kernel.23.cloned.1.call-start
scs
__scs_entry_jumppad:
0x0: {  	(pc) =	sbr.rel $0x88, $3  }
0x1: {  	(tag) =	ssettag $0x0;
	lr =	simm.s32 $0x1  }
0x2: {  	[smem:$0x3F89] =	sst lr;
	_ =	strace $0xD0000000  }
0x3: {  	_ = 	snop  }
0x4: {  	_ = 	snop  }
0x5: {  	_ = 	snop  }
0x6: {  	_ = 	snop  }
0x7: {  	_ = 	snop  }
__scs_overlays_trampoline_lowered:
0x8: {  	[smem:$0x3F98] =	sst s0  }
0x9: {  	[smem:$0x3F99] =	sst s1  }
0xa: {  	[smem:$0x3F9A] =	sst s2  }
0xb: {  	[smem:$0x3F9B] =	sst s3  }
0xc: {  	[smem:$0x3F9C] =	sst s4  }
0xd: {  	[smem:$0x3F9D] =	sst s5  }
0xe: {  	[smem:$0x3F9E] =	sst s6  }
0xf: {  	[smem:$0x3F9F] =	sst s7  }
0x10: {  	[smem:$0x3FA0] =	sst s8  }
0x11: {  	[smem:$0x3FA1] =	sst s9;
	s0 =	simm.s32 @!p0 $0x0  }
0x12: {  	s1 =	sld [smem:$0x3F87];
	s0 =	simm.s32 @p0 $0x1  }
0x13: {  	[smem:$0x3FA2] =	sst s0;
	s0 =	simm.s32 @!p1 $0x0  }
0x14: {  	s2 =	sld [smem:$0x3F86];
	s0 =	simm.s32 @p1 $0x1  }
0x15: {  	[smem:$0x3FA3] =	sst s0;
	s0 =	simm.s32 @!p2 $0x0  }
0x16: {  	s3 =	sld [smem:$0x3FDB];
	s0 =	simm.s32 @p2 $0x1  }
0x17: {  	s4 =	simm.s32 $0x1BF5;
	[smem:$0x3FA5] =	sst s0  }
0x18: {  	s0 =	sld [smem:$0x3F88];
	_ =	swait.ge [sflag:s4], $0x0  }
0x19: {  	s7 =	sld [smem:$0x3F89]  }
0x1a: {  	s8 =	sadd.s32 $0xFFFFE003, lr  }
0x1b: {  	s9 =	sadd.s32 $0xFFFFFEF7, lr;
	s5 =	simm.s32 $0xFFFFFFFF;
	p2 =	slt.u32 s8, $0xFFFFF086  }
0x1c: {  	p1 =	slt.u32 s9, $0xF7A;
	s5 =	simm.s32 @!p2 $0x0  }
0x1d: {  	s5 =	simm.s32 @p1 $0x1;
	p0 =	seq.s32 s7, s2  }
0x1e: {  	s7 =	smul.u32 @!p0 $0xF7A, s2;
	p2 =	seq.s32 @!p0 s5, $0x0  }
0x1f: {  	s9 =	smul.u32 $0xF7A, s1;
	s8 =	simm.s32 @!p0 $0x1BF5;
	p2 =	por !p2, p0  }
0x20: {  	[sflag:s8] =	ssyncset.s32 @!p0 $0xFFFFF086;
	s6 =	sadd.s32 @!p0 s3, s7;
	s7 =	simm.s32 @!p0 $0x108  }
0x21: {  	s3 =	sadd.s32 s3, s9;
	s6 =	sadd.s32 @!p0 $0x88, s6;
	s7 =	simm.s32 @p2 $0x1082  }
0x22: {  	[simem:s7], [sflag:s8] =	dma.local @!p0 [hbm:s6], $0xF7A  }
0x23: {  	s9 =	sor.u32 $0xD0000000, s2;
	s6 =	simm.s32 $0x108;
	_ =	swait.ge @!p0 [sflag:s8], $0x0  }
0x24: {  	s3 =	sadd.s32 $0x88, s3;
	s6 =	simm.s32 @!p1 $0x1082;
	[sflag:s4] =	ssyncset.s32 $0xFFFFF086  }
0x25: {  	[simem:s6], [sflag:s4] =	dma.local [hbm:s3], $0xF7A  }
0x26: {  	[smem:$0x3F89] =	sst s1;
	(tag) =	ssettag s2;
	_ =	strace s9  }
0x27: {  	s1 =	sld [smem:$0x3F99]  }
0x28: {  	s2 =	sld [smem:$0x3F9A]  }
0x29: {  	s4 =	sld [smem:$0x3F9C]  }
0x2a: {  	p0 =	seq.s32 s5, $0x0;
	s5 =	sld [smem:$0x3F9D]  }
0x2b: {  	s6 =	sld [smem:$0x3F9E]  }
0x2c: {  	s7 =	sld [smem:$0x3F9F]  }
0x2d: {  	s3 =	simm.s32 $0x108;
	s8 =	sld [smem:$0x3FA0]  }
0x2e: {  	s3 =	simm.s32 @!p0 $0x1082;
	s9 =	sld [smem:$0x3FA1]  }
0x2f: {  	lr =	sadd.s32 s0, s3;
	s0 =	sld [smem:$0x3F98]  }
0x30: {  	s3 =	sld [smem:$0x3F9B]  }
0x31: {  	[smem:$0x3FA4] =	sst s10  }
0x32: {  	s10 =	sld [smem:$0x3FA2];
	_ =	sdelay $0x3  }
0x33: {  	p0 =	seq.s32 s10, $0x1;
	s10 =	sld [smem:$0x3FA4];
	_ =	sdelay $0x3  }
0x34: {  	[smem:$0x3FA4] =	sst s10  }
0x35: {  	s10 =	sld [smem:$0x3FA3];
	_ =	sdelay $0x3  }
0x36: {  	p1 =	seq.s32 s10, $0x1;
	s10 =	sld [smem:$0x3FA4];
	_ =	sdelay $0x3  }
0x37: {  	[smem:$0x3FA4] =	sst s10  }
0x38: {  	s10 =	sld [smem:$0x3FA5]  }
0x39: {  	_ = 	snop;
	(pc) =	sbr.ind lr, $3  }
0x3a: {  	_ = 	snop  }
0x3b: {  	_ = 	snop  }
0x3c: {  	p2 =	seq.s32 s10, $0x1;
	s10 =	sld [smem:$0x3FA4]  }
0x3d: {  	_ =	shalt  }
0x3e: {  	_ =	shalt  }
0x3f: {  	_ =	shalt  }
0x40: {  	_ =	shalt  }
0x41: {  	_ =	shalt  }
0x42: {  	_ =	shalt  }
0x43: {  	_ =	shalt  }
0x44: {  	_ =	shalt  }
0x45: {  	_ =	shalt  }
0x46: {  	_ =	shalt  }
0x47: {  	_ =	shalt  }
0x48: {  	_ =	shalt  }
0x49: {  	_ =	shalt  }
0x4a: {  	_ =	shalt  }
0x4b: {  	_ =	shalt  }
0x4c: {  	_ =	shalt  }
0x4d: {  	_ =	shalt  }
0x4e: {  	_ =	shalt  }
0x4f: {  	_ =	shalt  }
0x50: {  	_ =	shalt  }
0x51: {  	_ =	shalt  }
0x52: {  	_ =	shalt  }
0x53: {  	_ =	shalt  }
0x54: {  	_ =	shalt  }
0x55: {  	_ =	shalt  }
0x56: {  	_ =	shalt  }
0x57: {  	_ =	shalt  }
0x58: {  	_ =	shalt  }
0x59: {  	_ =	shalt  }
0x5a: {  	_ =	shalt  }
0x5b: {  	_ =	shalt  }
0x5c: {  	_ =	shalt  }
0x5d: {  	_ =	shalt  }
0x5e: {  	_ =	shalt  }
0x5f: {  	_ =	shalt  }
0x60: {  	_ =	shalt  }
0x61: {  	_ =	shalt  }
0x62: {  	_ =	shalt  }
0x63: {  	_ =	shalt  }
0x64: {  	_ =	shalt  }
0x65: {  	_ =	shalt  }
0x66: {  	_ =	shalt  }
0x67: {  	_ =	shalt  }
0x68: {  	_ =	shalt  }
0x69: {  	_ =	shalt  }
0x6a: {  	_ =	shalt  }
0x6b: {  	_ =	shalt  }
0x6c: {  	_ =	shalt  }
0x6d: {  	_ =	shalt  }
0x6e: {  	_ =	shalt  }
0x6f: {  	_ =	shalt  }
0x70: {  	_ =	shalt  }
0x71: {  	_ =	shalt  }
0x72: {  	_ =	shalt  }
0x73: {  	_ =	shalt  }
0x74: {  	_ =	shalt  }
0x75: {  	_ =	shalt  }
0x76: {  	_ =	shalt  }
0x77: {  	_ =	shalt  }
0x78: {  	_ =	shalt  }
0x79: {  	_ =	shalt  }
0x7a: {  	_ =	shalt  }
0x7b: {  	_ =	shalt  }
0x7c: {  	_ =	shalt  }
0x7d: {  	_ =	shalt  }
0x7e: {  	_ =	shalt  }
0x7f: {  	_ =	shalt  }
0x80: {  	_ =	shalt  }
0x81: {  	_ =	shalt  }
0x82: {  	_ =	shalt  }
0x83: {  	_ =	shalt  }
0x84: {  	_ =	shalt  }
0x85: {  	_ =	shalt  }
0x86: {  	_ =	shalt  }
0x87: {  	_ =	shalt  }
.Lfunc_end0:
.L_simem_size_0:
called_computation.3_lowered:
.L_overlay_start_0:
0x88: {  	s2 =	sld [smem:$0x3FD9]  }
0x89: {  	s3 =	sld [smem:$0x3FFE];
	_ =	sdelay $0x1  }
0x8a: {  	s1 =	srdreg.scid  }
0x8b: {  	s0 =	sand.u32 $0x1, s1  }
0x8c: {  	s16 =	sshll.u32 s0, $0xA;
	s2 =	sadd.s32 s3, s2  }
0x8d: {  	s2 =	sadd.s32 s2, s16  }
0x8e: {  	[smem:$0x3FB0] =	sst s2  }
0x8f: {  	_ = 	snop  }
0x90: {  	(tm) =	ssettm $0x1  }
0x91: {  	s17 =	sld [smem:$0x3FFB];
	_ =	sdelay $0x3  }
0x92: {  	_ =	strace s17  }
0x93: {  	s2 =	sld [smem:$0x3FFC];
	_ =	sdelay $0x3  }
0x94: {  	_ =	strace s2  }
0x95: {  	s2 =	sld [smem:$0x3FFD];
	_ =	sdelay $0x3  }
0x96: {  	_ =	strace s2  }
0x97: {  	_ =	strace $0x8FFFFFFF  }
0x98: {  	s18 =	sld [smem:$0x3FDB];
	_ =	sdelay $0x1  }
0x99: {  	s19 =	simm.s32 $_scs_section_size  }
0x9a: {  	s4 =	simm.s32 $_size__tile_overlayer_lowered;
	s5 =	simm.s32 $_tile_overlayer_lowered  }
0x9b: {  	s22 =	simm.s32 $0x1BFF;
	s21 =	sshll.u32 s5, $0x1;
	s2 =	sadd.s32 s19, s18  }
0x9c: {  	s6 =	simm.s32 $0x0;
	s20 =	sshll.u32 s4, $0x1;
	s4 =	sadd.s32 s21, s2  }
0x9d: {  	[timem:s6], [sflag:s22] =	dma.local [hbm:s4], s20  }
0x9e: {  	_ =	swait.ge [sflag:s22], s20  }
0x9f: {  	s3 =	ssub.s32 $0x0, s20;
	[sflag:s22] =	ssyncset.done $0x0  }
0xa0: {  	[sflag:s22] =	ssyncadd.s32 s3;
	_ =	sdelay $0x1  }
0xa1: {  	s23 =	simm.s32 $0x1B8B  }
0xa2: {  	_ =	swait.ge [sflag:s23], $0x1  }
0xa3: {  	[sflag:s23] =	ssyncset.done $0x0  }
0xa4: {  	s25 =	simm.s32 $0x1B8E;
	s24 =	sld [smem:$0x3FFE];
	[sflag:s23] =	ssyncadd.s32 $0xFFFFFFFF  }
0xa5: {  	s26 =	simm.s32 $execute0_lowered;
	[smem:$0x3FD2] =	sst s25  }
0xa6: {  	s4 =	sshll.u32 s26, $0x1;
	_ =	strace $0x8000004F;
	[dreg:$0x1] =	wrdreg $0xFFFFFFFF  }
0xa7: {  	s28 =	simm.s32 $_size_execute0_lowered;
	s2 =	sadd.s32 s2, s4;
	[dreg:$0x0] =	wrdreg $0x0  }
0xa8: {  	s4 =	sshll.u32 s28, $0x1;
	[dreg:$0x2] =	wrdreg s2  }
0xa9: {  	[dreg:$0x3] =	wrdreg s4  }
0xaa: {  	[dreg:$0x4] =	wrdreg $0xC0  }
0xab: {  	_ =	task [dreg:s6], $0x5FFFF  }
0xac: {  	[dreg:$0x1] =	wrdreg $0xFFFFFFFF  }
0xad: {  	[dreg:$0x0] =	wrdreg $0x60  }
0xae: {  	[dreg:$0x2] =	wrdreg s24  }
0xaf: {  	[dreg:$0x3] =	wrdreg $0x140000  }
0xb0: {  	[dreg:$0x4] =	wrdreg $0x9  }
0xb1: {  	_ =	task.clear_ibuf [dreg:s6], $0x5FFFF;
	_ =	strace $0x9000004F  }
0xb2: {  	s29 =	simm.s32 $0x9;
	_ =	strace $0x80000051  }
0xb3: {  	_ =	swait.ge [sflag:s29], $0x1  }
0xb4: {  	[sflag:s29] =	ssyncadd.s32 $0xFFFFFFFF  }
0xb5: {  	_ =	strace $0x90000051  }
0xb6: {  	_ =	sfence  }
0xb7: {  	s30 =	sld [smem:$0x0];
	_ =	sdelay $0x2  }
0xb8: {  	s31 =	sshll.u32 s1, $0xD;
	s1 =	sshrl.u32 s1, $0x2  }
0xb9: {  	s3 =	sand.u32 $0x4000, s31;
	s1 =	sadd.s32 s1, s30  }
0xba: {  	s0 =	sor.u32 s3, s0;
	s1 =	sshll.u32 s1, $0x11  }
0xbb: {  	s0 =	sor.u32 s1, s0  }
0xbc: {  	s0 =	sadd.s32 $0x8F2B, s0  }
0xbd: {  	[sflag:s0] =	ssyncadd.remote.s32 $0x1  }
0xbe: {  	_ =	sfence.sel $0xFFFF  }
0xbf: {  	[dreg:$0x0] =	wrdreg $0xFFFFFFFF;
	(pc) =	sbr.abs _section_cstart, $3  }
0xc0: {  	[dreg:$0x1] =	wrdreg $0xFFFFFFFF  }
0xc1: {  	_ =	task.clear_ibuf [dreg:s6], $0x2FFFF;
	_ =	strace $0x9FFFFFFF  }
0xc2: {  	(tm) =	ssettm $0x7FFFFFFF  }
0xc3: {  	_ =	shalt  }
tec
execute0_lowered:
.L_overlay_start_1:
0x0: {  	(tag) =	ssettag $0x1  }
0x1: {  	s0 =	rddreg [dreg:$0x0]  }
0x2: {  	s2 =	rddreg [dreg:$0x1]  }
0x3: {  	s1 =	simm.s32 $0x0;
	s8 =	stileid.u32;
	s3 =	srdreg.scid  }
0x4: {  	s17 =	simm.s32 $0xB;
	s19 =	simm.s32 $0xA000;
	s29 =	simm.s32 $0x12000  }
0x5: {  	s30 =	simm.s32 $0x1;
	s31 =	simm.s32 $0x2;
	s18 =	simm.s32 $0x4  }
0x6: {  	s28 =	simm.s32 $0x9;
	[smem:$0x7FF] =	sst s1;
	s20 =	smul.u32 $0xA00, s8  }
0x7: {  	s4 =	sadd.s32 $0x1C200, s0;
	s5 =	sadd.s32 $0x30200, s0;
	s7 =	smul.u32 $0x28000, s8  }
0x8: {  	s3 =	sand.u32 $0x1, s3;
	s9 =	sadd.s32 $0x58200, s0;
	s23 =	smul.u32 $0xA000, s8  }
0x9: {  	_ =	strace $0x80000050;
	s6 =	ssub.s32 $0x2, s3;
	[dreg:$0x3] =	wrdreg s9  }
0xa: {  	p0 =	sne.s32 s3, $0x0;
	s3 =	simm.s32 $0x0;
	s1 =	sadd.s32 s20, s0  }
0xb: {  	s0 =	sadd.s32 $0x6C200, s0;
	s21 =	sshrl.u32 s6, $0x1;
	s22 =	sshrl.u32 s7, $0x2  }
0xc: {  	s25 =	sshrl.u32 s23, $0x3;
	s26 =	sadd.s32 s23, s2;
	s20 =	simm.s32 $0x80  }
0xd: {  	s23 =	simm.s32 $0xE000;
	s7 =	simm.s32 $0x6;
	[dreg:$0x4] =	wrdreg s0  }
0xe: {  	s0 =	ssub.s32 s6, s21;
	s24 =	sadd.s32 $0x12200, s1;
	s1 =	sadd.s32 $0x8200, s1  }
0xf: {  	s10 =	sadd.s32 s22, s2;
	[dreg:$0x7] =	wrdreg s25;
	s21 =	simm.s32 $0xC000  }
.Ltmp0:
0x10: {  	s25 =	sshrl.u32 s26, $0x3;
	s26 =	simm.s32 $0x10000;
	(pc) =	sbr.rel .LBB2_1-.Ltmp0, $4  }
0x11: {  	s6 =	simm.s32 $0x5;
	s22 =	simm.s32 $0x7;
	[dreg:$0x5] =	wrdreg s24  }
0x12: {  	[dreg:$0x6] =	wrdreg s1;
	s12 =	smax.u32 s0, $0x1;
	s13 =	sadd.s32 $0x2000, s10  }
0x13: {  	s14 =	sadd.s32 $0x4000, s10;
	s15 =	sadd.s32 $0x6000, s10;
	s16 =	sadd.s32 $0x8000, s10  }
0x14: {  	v0 =	vimm.f32 $0.0e+00;
	s0 =	simm.s32 $0x3;
	s24 =	simm.s32 $0x8;
	s1 =	simm.s32 $0xA  }
.LBB2_9:
0x15: {  	[tilespmem:s29], [sflag:$0x5] =	stream.indirect.gather [hbm4b:s5+s20], $0x40, s9, s20, $0xb8;
	[tilespmem:$0x1E000] =	vst v63  }
0x16: {  	s8 =	rddreg [dreg:$0x4]  }
.LBB2_10:
0x17: {  	_ =	swait.ge [sflag:s30], $0x2000  }
0x18: {  	[sflag:s30] =	ssyncset.done $0x0  }
0x19: {  	s9 =	simm.s32 $0x9D80;
	[sflag:s30] =	ssyncadd.s32 $0xFFFFE000  }
0x1a: {  	[spmem:s2] =	stream.indirect.scatter.add.f32 [tilespmem:s19], [sflag:$0x6], $0x40, s9, s20, $0xb8;
	[tilespmem:$0x1E000] =	vst v63  }
0x1b: {  	_ =	swait.ge [sflag:s31], $0x2000  }
0x1c: {  	[sflag:s31] =	ssyncset.done $0x0  }
0x1d: {  	s11 =	simm.s32 $0x9E00;
	[sflag:s31] =	ssyncadd.s32 $0xFFFFE000  }
0x1e: {  	[spmem:s2] =	stream.indirect.scatter.add.f32 [tilespmem:s21], [sflag:$0x7], $0x40, s11, s20, $0xb8;
	[tilespmem:$0x1E000] =	vst v63  }
0x1f: {  	_ =	swait.ge [sflag:s0], $0x2000  }
0x20: {  	[sflag:s0] =	ssyncset.done $0x0  }
0x21: {  	s11 =	simm.s32 $0x9E80;
	[sflag:s0] =	ssyncadd.s32 $0xFFFFE000  }
0x22: {  	[spmem:s2] =	stream.indirect.scatter.add.f32 [tilespmem:s23], [sflag:$0x8], $0x40, s11, s20, $0xb8;
	[tilespmem:$0x1E000] =	vst v63  }
0x23: {  	_ =	swait.ge [sflag:s18], $0x2000  }
0x24: {  	[sflag:s18] =	ssyncset.done $0x0  }
0x25: {  	s11 =	simm.s32 $0x9F00;
	[sflag:s18] =	ssyncadd.s32 $0xFFFFE000  }
0x26: {  	[spmem:s2] =	stream.indirect.scatter.add.f32 [tilespmem:s26], [sflag:$0x9], $0x40, s11, s20, $0xb8;
	[tilespmem:$0x1E000] =	vst v63  }
0x27: {  	_ =	swait.ge [sflag:s6], $0x2000  }
0x28: {  	[sflag:s6] =	ssyncset.done $0x0  }
0x29: {  	s11 =	simm.s32 $0x9F80;
	[sflag:s6] =	ssyncadd.s32 $0xFFFFE000  }
0x2a: {  	[spmem:s2] =	stream.indirect.scatter.add.f32 [tilespmem:s29], [sflag:$0xA], $0x40, s11, s20, $0xb8;
	[tilespmem:$0x1E000] =	vst v63  }
0x2b: {  	_ =	swait.ge [sflag:s7], $0x2000  }
0x2c: {  	[sflag:s7] =	ssyncset.done $0x0  }
0x2d: {  	[sflag:s7] =	ssyncadd.s32 $0xFFFFE000  }
0x2e: {  	_ =	swait.ge [sflag:s22], $0x2000  }
0x2f: {  	[sflag:s22] =	ssyncset.done $0x0  }
0x30: {  	[sflag:s22] =	ssyncadd.s32 $0xFFFFE000  }
0x31: {  	_ =	swait.ge [sflag:s24], $0x2000  }
0x32: {  	[sflag:s24] =	ssyncset.done $0x0  }
0x33: {  	[sflag:s24] =	ssyncadd.s32 $0xFFFFE000  }
0x34: {  	_ =	swait.ge [sflag:s28], $0x2000  }
0x35: {  	[sflag:s28] =	ssyncset.done $0x0  }
0x36: {  	[sflag:s28] =	ssyncadd.s32 $0xFFFFE000  }
0x37: {  	s3 =	sadd.s32 $0x1, s3;
	s11 =	stileid.u32;
	_ =	swait.ge [sflag:s1], $0x2000  }
0x38: {  	p1 =	sne.s32 s3, s12;
	s9 =	sshll.u32 s11, $0x6;
	[sflag:s1] =	ssyncset.done $0x0  }
0x39: {  	s9 =	sor.u32 $0x1C0B, s9;
	s11 =	rddreg [dreg:$0x7];
	[sflag:s1] =	ssyncadd.s32 $0xFFFFE000  }
.Ltmp1:
0x3a: {  	s8 =	sadd.s32 s8, s11;
	[bflag:$0x0] =	sbarrier.arrive $0xFFFF;
	(pc) =	sbr.rel @!p1 .LBB2_11-.Ltmp1, $4  }
0x3b: {  	[hbm:s8], [sflag:s9] =	dma.local [spmem:s25], $0x1400  }
0x3c: {  	_ =	swait.ge [sflag:s17], $0x1400  }
0x3d: {  	[sflag:s17] =	ssyncset.done $0x0  }
0x3e: {  	[sflag:s17] =	ssyncadd.s32 $0xFFFFEC00  }
.LBB2_1:
0x3f: {  	s8 =	simm.s32 $0x0;
	s9 =	rddreg [dreg:$0x5]  }
0x40: {  	[tilespmem:s8], [sflag:$0xB] =	stream.linear.gather [hbm4b:s9+s8], $0x5000, $0x38;
	[tilespmem:$0x1E000] =	vst v63  }
0x41: {  	_ =	swait.ge [sflag:s17], $0x5000  }
0x42: {  	[sflag:s17] =	ssyncset.done $0x0  }
0x43: {  	s11 =	simm.s32 $0x5000;
	s9 =	rddreg [dreg:$0x6];
	[sflag:s17] =	ssyncadd.s32 $0xFFFFB000  }
0x44: {  	[tilespmem:s11], [sflag:$0xB] =	stream.linear.gather [hbm4b:s9+s8], $0x5000, $0x38;
	[tilespmem:$0x1E000] =	vst v63  }
0x45: {  	_ =	swait.ge [sflag:s17], $0x5000  }
0x46: {  	[sflag:s17] =	ssyncset.done $0x0  }
0x47: {  	s9 =	simm.s32 $0x100;
	s8 =	simm.s32 $0x0;
	[sflag:s17] =	ssyncadd.s32 $0xFFFFB000  }
.LBB2_2:
0x48: {  	p1 =	sne.s32 s9, $0x7F00;
	[tilespmem:s8+$0xA030] =	vst v0;
	s11 =	smov.u32 s9;
	s9 =	sadd.s32 $0x100, s9  }
.Ltmp2:
0x49: {  	[tilespmem:s8+$0xA020] =	vst v0;
	(pc) =	sbr.rel @p1 .LBB2_2-.Ltmp2, $3  }
0x4a: {  	[tilespmem:s8+$0xA000] =	vst v0  }
0x4b: {  	[tilespmem:s8+$0xA010] =	vst v0;
	_ =	sdelay $0x1  }
0x4c: {  	s8 =	sshra.s32 s11, $0x2  }
0x4d: {  	[tilespmem:s8+$0xA030] =	vst v0  }
0x4e: {  	[tilespmem:s8+$0xA020] =	vst v0  }
0x4f: {  	[tilespmem:s8+$0xA000] =	vst v0  }
0x50: {  	[tilespmem:s8+$0xA010] =	vst v0  }
0x51: {  	[spmem:s10] =	stream.linear.scatter [tilespmem:s19], [sflag:$0xB], $0x2000, $0x38;
	[tilespmem:$0x1E000] =	vst v63  }
0x52: {  	_ =	swait.ge [sflag:s17], $0x2000  }
0x53: {  	[sflag:s17] =	ssyncset.done $0x0  }
0x54: {  	[sflag:s17] =	ssyncadd.s32 $0xFFFFE000  }
0x55: {  	[spmem:s13] =	stream.linear.scatter [tilespmem:s19], [sflag:$0xB], $0x2000, $0x38;
	[tilespmem:$0x1E000] =	vst v63  }
0x56: {  	_ =	swait.ge [sflag:s17], $0x2000  }
0x57: {  	[sflag:s17] =	ssyncset.done $0x0  }
0x58: {  	[sflag:s17] =	ssyncadd.s32 $0xFFFFE000  }
0x59: {  	[spmem:s14] =	stream.linear.scatter [tilespmem:s19], [sflag:$0xB], $0x2000, $0x38;
	[tilespmem:$0x1E000] =	vst v63  }
0x5a: {  	_ =	swait.ge [sflag:s17], $0x2000  }
0x5b: {  	[sflag:s17] =	ssyncset.done $0x0  }
0x5c: {  	[sflag:s17] =	ssyncadd.s32 $0xFFFFE000  }
0x5d: {  	[spmem:s15] =	stream.linear.scatter [tilespmem:s19], [sflag:$0xB], $0x2000, $0x38;
	[tilespmem:$0x1E000] =	vst v63  }
0x5e: {  	_ =	swait.ge [sflag:s17], $0x2000  }
0x5f: {  	[sflag:s17] =	ssyncset.done $0x0  }
0x60: {  	[sflag:s17] =	ssyncadd.s32 $0xFFFFE000  }
0x61: {  	[spmem:s16] =	stream.linear.scatter [tilespmem:s19], [sflag:$0xB], $0x2000, $0x38;
	[tilespmem:$0x1E000] =	vst v63  }
.Ltmp3:
0x62: {  	_ =	swait.ge [sflag:s17], $0x2000;
	(pc) =	sbr.rel @p0 .LBB2_7-.Ltmp3, $4  }
0x63: {  	[sflag:s17] =	ssyncset.done $0x0  }
0x64: {  	[sflag:s17] =	ssyncadd.s32 $0xFFFFE000  }
0x65: {  	[bflag:$0x0] =	sbarrier.arrive $0xFFFF  }
0x66: {  	s8 =	simm.s32 $0x0  }
0x67: {  	[tilespmem:s19], [sflag:$0x1] =	stream.indirect.gather [hbm4b:s4+s20], $0x40, s8, s20, $0xb8;
	[tilespmem:$0x1E000] =	vst v63  }
0x68: {  	_ = 	snop  }
0x69: {  	[tilespmem:s21], [sflag:$0x2] =	stream.indirect.gather [hbm4b:s4+s20], $0x40, s20, s20, $0xb8;
	[tilespmem:$0x1E000] =	vst v63  }
0x6a: {  	s9 =	simm.s32 $0x100  }
0x6b: {  	[tilespmem:s23], [sflag:$0x3] =	stream.indirect.gather [hbm4b:s4+s20], $0x40, s9, s20, $0xb8;
	[tilespmem:$0x1E000] =	vst v63  }
0x6c: {  	s11 =	simm.s32 $0x180  }
0x6d: {  	[tilespmem:s26], [sflag:$0x4] =	stream.indirect.gather [hbm4b:s4+s20], $0x40, s11, s20, $0xb8;
	[tilespmem:$0x1E000] =	vst v63  }
0x6e: {  	s9 =	simm.s32 $0x200  }
0x6f: {  	[tilespmem:s29], [sflag:$0x5] =	stream.indirect.gather [hbm4b:s4+s20], $0x40, s9, s20, $0xb8;
	[tilespmem:$0x1E000] =	vst v63  }
0x70: {  	_ =	swait.ge [sflag:s30], $0x2000  }
0x71: {  	[sflag:s30] =	ssyncset.done $0x0  }
0x72: {  	s11 =	simm.s32 $0x5000;
	[sflag:s30] =	ssyncadd.s32 $0xFFFFE000  }
0x73: {  	[spmem:s2] =	stream.indirect.scatter.add.f32 [tilespmem:s19], [sflag:$0x6], $0x40, s11, s20, $0xb8;
	[tilespmem:$0x1E000] =	vst v63  }
0x74: {  	_ =	swait.ge [sflag:s31], $0x2000  }
0x75: {  	[sflag:s31] =	ssyncset.done $0x0  }
0x76: {  	s9 =	simm.s32 $0x5080;
	[sflag:s31] =	ssyncadd.s32 $0xFFFFE000  }
0x77: {  	[spmem:s2] =	stream.indirect.scatter.add.f32 [tilespmem:s21], [sflag:$0x7], $0x40, s9, s20, $0xb8;
	[tilespmem:$0x1E000] =	vst v63  }
0x78: {  	_ =	swait.ge [sflag:s0], $0x2000  }
0x79: {  	[sflag:s0] =	ssyncset.done $0x0  }
0x7a: {  	s11 =	simm.s32 $0x5100;
	[sflag:s0] =	ssyncadd.s32 $0xFFFFE000  }
0x7b: {  	[spmem:s2] =	stream.indirect.scatter.add.f32 [tilespmem:s23], [sflag:$0x8], $0x40, s11, s20, $0xb8;
	[tilespmem:$0x1E000] =	vst v63  }
0x7c: {  	_ =	swait.ge [sflag:s18], $0x2000  }
0x7d: {  	[sflag:s18] =	ssyncset.done $0x0  }
0x7e: {  	s9 =	simm.s32 $0x5180;
	[sflag:s18] =	ssyncadd.s32 $0xFFFFE000  }
0x7f: {  	[spmem:s2] =	stream.indirect.scatter.add.f32 [tilespmem:s26], [sflag:$0x9], $0x40, s9, s20, $0xb8;
	[tilespmem:$0x1E000] =	vst v63  }
0x80: {  	_ =	swait.ge [sflag:s6], $0x2000  }
0x81: {  	[sflag:s6] =	ssyncset.done $0x0  }
0x82: {  	s11 =	simm.s32 $0x5200;
	[sflag:s6] =	ssyncadd.s32 $0xFFFFE000  }
0x83: {  	[spmem:s2] =	stream.indirect.scatter.add.f32 [tilespmem:s29], [sflag:$0xA], $0x40, s11, s20, $0xb8;
	[tilespmem:$0x1E000] =	vst v63  }
0x84: {  	_ =	swait.ge [sflag:s7], $0x2000  }
0x85: {  	[sflag:s7] =	ssyncset.done $0x0  }
0x86: {  	s9 =	simm.s32 $0x280;
	[sflag:s7] =	ssyncadd.s32 $0xFFFFE000  }
0x87: {  	[tilespmem:s19], [sflag:$0x1] =	stream.indirect.gather [hbm4b:s4+s20], $0x40, s9, s20, $0xb8;
	[tilespmem:$0x1E000] =	vst v63  }
0x88: {  	_ =	swait.ge [sflag:s22], $0x2000  }
0x89: {  	[sflag:s22] =	ssyncset.done $0x0  }
0x8a: {  	s11 =	simm.s32 $0x300;
	[sflag:s22] =	ssyncadd.s32 $0xFFFFE000  }
0x8b: {  	[tilespmem:s21], [sflag:$0x2] =	stream.indirect.gather [hbm4b:s4+s20], $0x40, s11, s20, $0xb8;
	[tilespmem:$0x1E000] =	vst v63  }
0x8c: {  	_ =	swait.ge [sflag:s24], $0x2000  }
0x8d: {  	[sflag:s24] =	ssyncset.done $0x0  }
0x8e: {  	s9 =	simm.s32 $0x380;
	[sflag:s24] =	ssyncadd.s32 $0xFFFFE000  }
0x8f: {  	[tilespmem:s23], [sflag:$0x3] =	stream.indirect.gather [hbm4b:s4+s20], $0x40, s9, s20, $0xb8;
	[tilespmem:$0x1E000] =	vst v63  }
0x90: {  	_ =	swait.ge [sflag:s28], $0x2000  }
0x91: {  	[sflag:s28] =	ssyncset.done $0x0  }
0x92: {  	s11 =	simm.s32 $0x400;
	[sflag:s28] =	ssyncadd.s32 $0xFFFFE000  }
0x93: {  	[tilespmem:s26], [sflag:$0x4] =	stream.indirect.gather [hbm4b:s4+s20], $0x40, s11, s20, $0xb8;
	[tilespmem:$0x1E000] =	vst v63  }
0x94: {  	_ =	swait.ge [sflag:s1], $0x2000  }
0x95: {  	[sflag:s1] =	ssyncset.done $0x0  }
0x96: {  	s8 =	simm.s32 $0xA00;
	s9 =	simm.s32 $0x480;
	[sflag:s1] =	ssyncadd.s32 $0xFFFFE000  }
.LBB2_5:
0x97: {  	[tilespmem:s29], [sflag:$0x5] =	stream.indirect.gather [hbm4b:s4+s20], $0x40, s9, s20, $0xb8;
	[tilespmem:$0x1E000] =	vst v63  }
0x98: {  	s9 =	smov.u32 s8  }
0x99: {  	p1 =	seq.s32 s8, $0x12C00;
	s8 =	sadd.s32 $0xA00, s8;
	_ =	swait.ge [sflag:s30], $0x2000  }
0x9a: {  	s9 =	sshra.s32 s9, $0x2;
	[sflag:s30] =	ssyncset.done $0x0  }
0x9b: {  	s11 =	sadd.s32 $0x5000, s9;
	[sflag:s30] =	ssyncadd.s32 $0xFFFFE000  }
0x9c: {  	[spmem:s2] =	stream.indirect.scatter.add.f32 [tilespmem:s19], [sflag:$0x6], $0x40, s11, s20, $0xb8;
	[tilespmem:$0x1E000] =	vst v63  }
0x9d: {  	_ =	swait.ge [sflag:s31], $0x2000  }
0x9e: {  	[sflag:s31] =	ssyncset.done $0x0  }
0x9f: {  	s11 =	sadd.s32 $0x5080, s9;
	[sflag:s31] =	ssyncadd.s32 $0xFFFFE000  }
0xa0: {  	[spmem:s2] =	stream.indirect.scatter.add.f32 [tilespmem:s21], [sflag:$0x7], $0x40, s11, s20, $0xb8;
	[tilespmem:$0x1E000] =	vst v63  }
0xa1: {  	_ =	swait.ge [sflag:s0], $0x2000  }
0xa2: {  	[sflag:s0] =	ssyncset.done $0x0  }
0xa3: {  	s11 =	sadd.s32 $0x5100, s9;
	[sflag:s0] =	ssyncadd.s32 $0xFFFFE000  }
0xa4: {  	[spmem:s2] =	stream.indirect.scatter.add.f32 [tilespmem:s23], [sflag:$0x8], $0x40, s11, s20, $0xb8;
	[tilespmem:$0x1E000] =	vst v63  }
0xa5: {  	_ =	swait.ge [sflag:s18], $0x2000  }
0xa6: {  	[sflag:s18] =	ssyncset.done $0x0  }
0xa7: {  	s11 =	sadd.s32 $0x5180, s9;
	[sflag:s18] =	ssyncadd.s32 $0xFFFFE000  }
0xa8: {  	[spmem:s2] =	stream.indirect.scatter.add.f32 [tilespmem:s26], [sflag:$0x9], $0x40, s11, s20, $0xb8;
	[tilespmem:$0x1E000] =	vst v63  }
0xa9: {  	_ =	swait.ge [sflag:s6], $0x2000  }
0xaa: {  	[sflag:s6] =	ssyncset.done $0x0  }
0xab: {  	s11 =	sadd.s32 $0x5200, s9;
	[sflag:s6] =	ssyncadd.s32 $0xFFFFE000  }
0xac: {  	[spmem:s2] =	stream.indirect.scatter.add.f32 [tilespmem:s29], [sflag:$0xA], $0x40, s11, s20, $0xb8;
	[tilespmem:$0x1E000] =	vst v63  }
0xad: {  	_ =	swait.ge [sflag:s7], $0x2000  }
0xae: {  	[sflag:s7] =	ssyncset.done $0x0  }
0xaf: {  	s11 =	sadd.s32 $0x280, s9;
	[sflag:s7] =	ssyncadd.s32 $0xFFFFE000  }
0xb0: {  	[tilespmem:s19], [sflag:$0x1] =	stream.indirect.gather [hbm4b:s4+s20], $0x40, s11, s20, $0xb8;
	[tilespmem:$0x1E000] =	vst v63  }
0xb1: {  	_ =	swait.ge [sflag:s22], $0x2000  }
0xb2: {  	[sflag:s22] =	ssyncset.done $0x0  }
0xb3: {  	s11 =	sadd.s32 $0x300, s9;
	[sflag:s22] =	ssyncadd.s32 $0xFFFFE000  }
0xb4: {  	[tilespmem:s21], [sflag:$0x2] =	stream.indirect.gather [hbm4b:s4+s20], $0x40, s11, s20, $0xb8;
	[tilespmem:$0x1E000] =	vst v63  }
0xb5: {  	_ =	swait.ge [sflag:s24], $0x2000  }
0xb6: {  	[sflag:s24] =	ssyncset.done $0x0  }
0xb7: {  	s11 =	sadd.s32 $0x380, s9;
	[sflag:s24] =	ssyncadd.s32 $0xFFFFE000  }
0xb8: {  	[tilespmem:s23], [sflag:$0x3] =	stream.indirect.gather [hbm4b:s4+s20], $0x40, s11, s20, $0xb8;
	[tilespmem:$0x1E000] =	vst v63  }
0xb9: {  	_ =	swait.ge [sflag:s28], $0x2000  }
0xba: {  	[sflag:s28] =	ssyncset.done $0x0  }
.Ltmp4:
0xbb: {  	s11 =	sadd.s32 $0x400, s9;
	[sflag:s28] =	ssyncadd.s32 $0xFFFFE000;
	(pc) =	sbr.rel @!p1 .LBB2_5-.Ltmp4, $4  }
0xbc: {  	[tilespmem:s26], [sflag:$0x4] =	stream.indirect.gather [hbm4b:s4+s20], $0x40, s11, s20, $0xb8;
	[tilespmem:$0x1E000] =	vst v63  }
0xbd: {  	_ =	swait.ge [sflag:s1], $0x2000  }
0xbe: {  	[sflag:s1] =	ssyncset.done $0x0  }
0xbf: {  	s9 =	sadd.s32 $0x480, s9;
	[sflag:s1] =	ssyncadd.s32 $0xFFFFE000  }
.Ltmp5:
0xc0: {  	(pc) =	sbr.rel .LBB2_10-.Ltmp5, $3  }
0xc1: {  	_ =	sdelay $0x1  }
0xc2: {  	[tilespmem:s29], [sflag:$0x5] =	stream.indirect.gather [hbm4b:s4+s20], $0x40, s9, s20, $0xb8;
	[tilespmem:$0x1E000] =	vst v63  }
0xc3: {  	s8 =	rddreg [dreg:$0x3]  }
.LBB2_7:
0xc4: {  	[tilespmem:s19], [sflag:$0x1] =	stream.indirect.gather [hbm4b:s5+s20], $0x40, s8, s20, $0xb8;
	[tilespmem:$0x1E000] =	vst v63  }
0xc5: {  	_ = 	snop  }
0xc6: {  	[tilespmem:s21], [sflag:$0x2] =	stream.indirect.gather [hbm4b:s5+s20], $0x40, s20, s20, $0xb8;
	[tilespmem:$0x1E000] =	vst v63  }
0xc7: {  	s9 =	simm.s32 $0x100  }
0xc8: {  	[tilespmem:s23], [sflag:$0x3] =	stream.indirect.gather [hbm4b:s5+s20], $0x40, s9, s20, $0xb8;
	[tilespmem:$0x1E000] =	vst v63  }
0xc9: {  	s11 =	simm.s32 $0x180  }
0xca: {  	[tilespmem:s26], [sflag:$0x4] =	stream.indirect.gather [hbm4b:s5+s20], $0x40, s11, s20, $0xb8;
	[tilespmem:$0x1E000] =	vst v63  }
0xcb: {  	s9 =	simm.s32 $0x200  }
0xcc: {  	[tilespmem:s29], [sflag:$0x5] =	stream.indirect.gather [hbm4b:s5+s20], $0x40, s9, s20, $0xb8;
	[tilespmem:$0x1E000] =	vst v63  }
0xcd: {  	_ =	swait.ge [sflag:s30], $0x2000  }
0xce: {  	[sflag:s30] =	ssyncset.done $0x0  }
0xcf: {  	s11 =	simm.s32 $0x5000;
	[sflag:s30] =	ssyncadd.s32 $0xFFFFE000  }
0xd0: {  	[spmem:s2] =	stream.indirect.scatter.add.f32 [tilespmem:s19], [sflag:$0x6], $0x40, s11, s20, $0xb8;
	[tilespmem:$0x1E000] =	vst v63  }
0xd1: {  	_ =	swait.ge [sflag:s31], $0x2000  }
0xd2: {  	[sflag:s31] =	ssyncset.done $0x0  }
0xd3: {  	s9 =	simm.s32 $0x5080;
	[sflag:s31] =	ssyncadd.s32 $0xFFFFE000  }
0xd4: {  	[spmem:s2] =	stream.indirect.scatter.add.f32 [tilespmem:s21], [sflag:$0x7], $0x40, s9, s20, $0xb8;
	[tilespmem:$0x1E000] =	vst v63  }
0xd5: {  	_ =	swait.ge [sflag:s0], $0x2000  }
0xd6: {  	[sflag:s0] =	ssyncset.done $0x0  }
0xd7: {  	s11 =	simm.s32 $0x5100;
	[sflag:s0] =	ssyncadd.s32 $0xFFFFE000  }
0xd8: {  	[spmem:s2] =	stream.indirect.scatter.add.f32 [tilespmem:s23], [sflag:$0x8], $0x40, s11, s20, $0xb8;
	[tilespmem:$0x1E000] =	vst v63  }
0xd9: {  	_ =	swait.ge [sflag:s18], $0x2000  }
0xda: {  	[sflag:s18] =	ssyncset.done $0x0  }
0xdb: {  	s9 =	simm.s32 $0x5180;
	[sflag:s18] =	ssyncadd.s32 $0xFFFFE000  }
0xdc: {  	[spmem:s2] =	stream.indirect.scatter.add.f32 [tilespmem:s26], [sflag:$0x9], $0x40, s9, s20, $0xb8;
	[tilespmem:$0x1E000] =	vst v63  }
0xdd: {  	_ =	swait.ge [sflag:s6], $0x2000  }
0xde: {  	[sflag:s6] =	ssyncset.done $0x0  }
0xdf: {  	s11 =	simm.s32 $0x5200;
	[sflag:s6] =	ssyncadd.s32 $0xFFFFE000  }
0xe0: {  	[spmem:s2] =	stream.indirect.scatter.add.f32 [tilespmem:s29], [sflag:$0xA], $0x40, s11, s20, $0xb8;
	[tilespmem:$0x1E000] =	vst v63  }
0xe1: {  	_ =	swait.ge [sflag:s7], $0x2000  }
0xe2: {  	[sflag:s7] =	ssyncset.done $0x0  }
0xe3: {  	s9 =	simm.s32 $0x280;
	[sflag:s7] =	ssyncadd.s32 $0xFFFFE000  }
0xe4: {  	[tilespmem:s19], [sflag:$0x1] =	stream.indirect.gather [hbm4b:s5+s20], $0x40, s9, s20, $0xb8;
	[tilespmem:$0x1E000] =	vst v63  }
0xe5: {  	_ =	swait.ge [sflag:s22], $0x2000  }
0xe6: {  	[sflag:s22] =	ssyncset.done $0x0  }
0xe7: {  	s11 =	simm.s32 $0x300;
	[sflag:s22] =	ssyncadd.s32 $0xFFFFE000  }
0xe8: {  	[tilespmem:s21], [sflag:$0x2] =	stream.indirect.gather [hbm4b:s5+s20], $0x40, s11, s20, $0xb8;
	[tilespmem:$0x1E000] =	vst v63  }
0xe9: {  	_ =	swait.ge [sflag:s24], $0x2000  }
0xea: {  	[sflag:s24] =	ssyncset.done $0x0  }
0xeb: {  	s9 =	simm.s32 $0x380;
	[sflag:s24] =	ssyncadd.s32 $0xFFFFE000  }
0xec: {  	[tilespmem:s23], [sflag:$0x3] =	stream.indirect.gather [hbm4b:s5+s20], $0x40, s9, s20, $0xb8;
	[tilespmem:$0x1E000] =	vst v63  }
0xed: {  	_ =	swait.ge [sflag:s28], $0x2000  }
0xee: {  	[sflag:s28] =	ssyncset.done $0x0  }
0xef: {  	s11 =	simm.s32 $0x400;
	[sflag:s28] =	ssyncadd.s32 $0xFFFFE000  }
0xf0: {  	[tilespmem:s26], [sflag:$0x4] =	stream.indirect.gather [hbm4b:s5+s20], $0x40, s11, s20, $0xb8;
	[tilespmem:$0x1E000] =	vst v63  }
0xf1: {  	_ =	swait.ge [sflag:s1], $0x2000  }
0xf2: {  	[sflag:s1] =	ssyncset.done $0x0  }
0xf3: {  	s8 =	simm.s32 $0xA00;
	s9 =	simm.s32 $0x480;
	[sflag:s1] =	ssyncadd.s32 $0xFFFFE000  }
.LBB2_8:
0xf4: {  	[tilespmem:s29], [sflag:$0x5] =	stream.indirect.gather [hbm4b:s5+s20], $0x40, s9, s20, $0xb8;
	[tilespmem:$0x1E000] =	vst v63  }
0xf5: {  	s9 =	smov.u32 s8  }
0xf6: {  	p1 =	sne.s32 s8, $0x12C00;
	s8 =	sadd.s32 $0xA00, s8;
	_ =	swait.ge [sflag:s30], $0x2000  }
0xf7: {  	s9 =	sshra.s32 s9, $0x2;
	[sflag:s30] =	ssyncset.done $0x0  }
0xf8: {  	s11 =	sadd.s32 $0x5000, s9;
	[sflag:s30] =	ssyncadd.s32 $0xFFFFE000  }
0xf9: {  	[spmem:s2] =	stream.indirect.scatter.add.f32 [tilespmem:s19], [sflag:$0x6], $0x40, s11, s20, $0xb8;
	[tilespmem:$0x1E000] =	vst v63  }
0xfa: {  	_ =	swait.ge [sflag:s31], $0x2000  }
0xfb: {  	[sflag:s31] =	ssyncset.done $0x0  }
0xfc: {  	s11 =	sadd.s32 $0x5080, s9;
	[sflag:s31] =	ssyncadd.s32 $0xFFFFE000  }
0xfd: {  	[spmem:s2] =	stream.indirect.scatter.add.f32 [tilespmem:s21], [sflag:$0x7], $0x40, s11, s20, $0xb8;
	[tilespmem:$0x1E000] =	vst v63  }
0xfe: {  	_ =	swait.ge [sflag:s0], $0x2000  }
0xff: {  	[sflag:s0] =	ssyncset.done $0x0  }
0x100: {  	s11 =	sadd.s32 $0x5100, s9;
	[sflag:s0] =	ssyncadd.s32 $0xFFFFE000  }
0x101: {  	[spmem:s2] =	stream.indirect.scatter.add.f32 [tilespmem:s23], [sflag:$0x8], $0x40, s11, s20, $0xb8;
	[tilespmem:$0x1E000] =	vst v63  }
0x102: {  	_ =	swait.ge [sflag:s18], $0x2000  }
0x103: {  	[sflag:s18] =	ssyncset.done $0x0  }
0x104: {  	s11 =	sadd.s32 $0x5180, s9;
	[sflag:s18] =	ssyncadd.s32 $0xFFFFE000  }
0x105: {  	[spmem:s2] =	stream.indirect.scatter.add.f32 [tilespmem:s26], [sflag:$0x9], $0x40, s11, s20, $0xb8;
	[tilespmem:$0x1E000] =	vst v63  }
0x106: {  	_ =	swait.ge [sflag:s6], $0x2000  }
0x107: {  	[sflag:s6] =	ssyncset.done $0x0  }
0x108: {  	s11 =	sadd.s32 $0x5200, s9;
	[sflag:s6] =	ssyncadd.s32 $0xFFFFE000  }
0x109: {  	[spmem:s2] =	stream.indirect.scatter.add.f32 [tilespmem:s29], [sflag:$0xA], $0x40, s11, s20, $0xb8;
	[tilespmem:$0x1E000] =	vst v63  }
0x10a: {  	_ =	swait.ge [sflag:s7], $0x2000  }
0x10b: {  	[sflag:s7] =	ssyncset.done $0x0  }
0x10c: {  	s11 =	sadd.s32 $0x280, s9;
	[sflag:s7] =	ssyncadd.s32 $0xFFFFE000  }
0x10d: {  	[tilespmem:s19], [sflag:$0x1] =	stream.indirect.gather [hbm4b:s5+s20], $0x40, s11, s20, $0xb8;
	[tilespmem:$0x1E000] =	vst v63  }
0x10e: {  	_ =	swait.ge [sflag:s22], $0x2000  }
0x10f: {  	[sflag:s22] =	ssyncset.done $0x0  }
0x110: {  	s11 =	sadd.s32 $0x300, s9;
	[sflag:s22] =	ssyncadd.s32 $0xFFFFE000  }
0x111: {  	[tilespmem:s21], [sflag:$0x2] =	stream.indirect.gather [hbm4b:s5+s20], $0x40, s11, s20, $0xb8;
	[tilespmem:$0x1E000] =	vst v63  }
0x112: {  	_ =	swait.ge [sflag:s24], $0x2000  }
0x113: {  	[sflag:s24] =	ssyncset.done $0x0  }
0x114: {  	s11 =	sadd.s32 $0x380, s9;
	[sflag:s24] =	ssyncadd.s32 $0xFFFFE000  }
0x115: {  	[tilespmem:s23], [sflag:$0x3] =	stream.indirect.gather [hbm4b:s5+s20], $0x40, s11, s20, $0xb8;
	[tilespmem:$0x1E000] =	vst v63  }
0x116: {  	_ =	swait.ge [sflag:s28], $0x2000  }
0x117: {  	[sflag:s28] =	ssyncset.done $0x0  }
.Ltmp6:
0x118: {  	s11 =	sadd.s32 $0x400, s9;
	[sflag:s28] =	ssyncadd.s32 $0xFFFFE000;
	(pc) =	sbr.rel @p1 .LBB2_8-.Ltmp6, $4  }
0x119: {  	[tilespmem:s26], [sflag:$0x4] =	stream.indirect.gather [hbm4b:s5+s20], $0x40, s11, s20, $0xb8;
	[tilespmem:$0x1E000] =	vst v63  }
0x11a: {  	_ =	swait.ge [sflag:s1], $0x2000  }
0x11b: {  	[sflag:s1] =	ssyncset.done $0x0  }
0x11c: {  	s9 =	sadd.s32 $0x480, s9;
	[sflag:s1] =	ssyncadd.s32 $0xFFFFE000  }
.Ltmp7:
0x11d: {  	_ = 	snop;
	(pc) =	sbr.rel .LBB2_9-.Ltmp7, $1  }
0x11e: {  	_ =	sdelay $0x3  }
.LBB2_11:
0x11f: {  	_ =	sfence.sel $0x180000  }
0x120: {  	[bflag:$0x0] =	sbarrier.arrive $0xFFFF  }
0x121: {  	_ =	strace $0x90000050  }
0x122: {  	s0 =	stileid.u32;
	[bflag:$0x2] =	sbarrier.arrive $0xFFFF  }
0x123: {  	p0 =	sne.s32 s0, $0x0;
	s0 =	rddreg [dreg:$0x2]  }
0x124: {  	s0 =	sadd.s32 @!p0 $0x100000, s0  }
0x125: {  	[sflag:s0] =	ssyncadd.tile.s32 @!p0 $0x1;
	_ =	shalt  }
.Lfunc_end2:
_tile_overlayer_lowered:
.L_overlay_start_2:
0x126: {  	(tag) =	ssettag $0x2  }
0x127: {  	s0 =	rddreg [dreg:$0x0];
	s2 =	stileid.u32  }
0x128: {  	s1 =	rddreg [dreg:$0x1];
	p0 =	sne.s32 s2, $0x0  }
0x129: {  	s3 =	rddreg [dreg:$0x2];
	[bflag:$0x3] =	sbarrier.arrive $0xFFFF;
	s2 =	simm.s32 @!p0 $0x1C0B  }
0x12a: {  	[timem:s3], [sflag:s2] =	dma.local @!p0 [hbm:s0], s1  }
0x12b: {  	s0 =	simm.s32 @!p0 $0xB  }
0x12c: {  	_ =	swait.ge @!p0 [sflag:s0], s1  }
0x12d: {  	s1 =	ssub.s32 @!p0 $0x0, s1;
	[sflag:s0] =	ssyncset.done @!p0 $0x0  }
0x12e: {  	[sflag:s0] =	ssyncadd.s32 @!p0 s1  }
0x12f: {  	[bflag:$0x3] =	sbarrier.arrive $0xFFFF  }
0x130: {  	_ =	shalt  }

// kernel: kernel.26.cloned.1.call-start
scs
__scs_entry_jumppad:
0x0: {  	(pc) =	sbr.rel $0x88, $3  }
0x1: {  	(tag) =	ssettag $0x0;
	lr =	simm.s32 $0x1  }
0x2: {  	[smem:$0x3F89] =	sst lr;
	_ =	strace $0xD0000000  }
0x3: {  	_ = 	snop  }
0x4: {  	_ = 	snop  }
0x5: {  	_ = 	snop  }
0x6: {  	_ = 	snop  }
0x7: {  	_ = 	snop  }
__scs_overlays_trampoline_lowered:
0x8: {  	[smem:$0x3F98] =	sst s0  }
0x9: {  	[smem:$0x3F99] =	sst s1  }
0xa: {  	[smem:$0x3F9A] =	sst s2  }
0xb: {  	[smem:$0x3F9B] =	sst s3  }
0xc: {  	[smem:$0x3F9C] =	sst s4  }
0xd: {  	[smem:$0x3F9D] =	sst s5  }
0xe: {  	[smem:$0x3F9E] =	sst s6  }
0xf: {  	[smem:$0x3F9F] =	sst s7  }
0x10: {  	[smem:$0x3FA0] =	sst s8  }
0x11: {  	[smem:$0x3FA1] =	sst s9;
	s0 =	simm.s32 @!p0 $0x0  }
0x12: {  	s1 =	sld [smem:$0x3F87];
	s0 =	simm.s32 @p0 $0x1  }
0x13: {  	[smem:$0x3FA2] =	sst s0;
	s0 =	simm.s32 @!p1 $0x0  }
0x14: {  	s2 =	sld [smem:$0x3F86];
	s0 =	simm.s32 @p1 $0x1  }
0x15: {  	[smem:$0x3FA3] =	sst s0;
	s0 =	simm.s32 @!p2 $0x0  }
0x16: {  	s3 =	sld [smem:$0x3FDB];
	s0 =	simm.s32 @p2 $0x1  }
0x17: {  	s4 =	simm.s32 $0x1BF5;
	[smem:$0x3FA5] =	sst s0  }
0x18: {  	s0 =	sld [smem:$0x3F88];
	_ =	swait.ge [sflag:s4], $0x0  }
0x19: {  	s7 =	sld [smem:$0x3F89]  }
0x1a: {  	s8 =	sadd.s32 $0xFFFFE003, lr  }
0x1b: {  	s9 =	sadd.s32 $0xFFFFFEF7, lr;
	s5 =	simm.s32 $0xFFFFFFFF;
	p2 =	slt.u32 s8, $0xFFFFF086  }
0x1c: {  	p1 =	slt.u32 s9, $0xF7A;
	s5 =	simm.s32 @!p2 $0x0  }
0x1d: {  	s5 =	simm.s32 @p1 $0x1;
	p0 =	seq.s32 s7, s2  }
0x1e: {  	s7 =	smul.u32 @!p0 $0xF7A, s2;
	p2 =	seq.s32 @!p0 s5, $0x0  }
0x1f: {  	s9 =	smul.u32 $0xF7A, s1;
	s8 =	simm.s32 @!p0 $0x1BF5;
	p2 =	por !p2, p0  }
0x20: {  	[sflag:s8] =	ssyncset.s32 @!p0 $0xFFFFF086;
	s6 =	sadd.s32 @!p0 s3, s7;
	s7 =	simm.s32 @!p0 $0x108  }
0x21: {  	s3 =	sadd.s32 s3, s9;
	s6 =	sadd.s32 @!p0 $0x88, s6;
	s7 =	simm.s32 @p2 $0x1082  }
0x22: {  	[simem:s7], [sflag:s8] =	dma.local @!p0 [hbm:s6], $0xF7A  }
0x23: {  	s9 =	sor.u32 $0xD0000000, s2;
	s6 =	simm.s32 $0x108;
	_ =	swait.ge @!p0 [sflag:s8], $0x0  }
0x24: {  	s3 =	sadd.s32 $0x88, s3;
	s6 =	simm.s32 @!p1 $0x1082;
	[sflag:s4] =	ssyncset.s32 $0xFFFFF086  }
0x25: {  	[simem:s6], [sflag:s4] =	dma.local [hbm:s3], $0xF7A  }
0x26: {  	[smem:$0x3F89] =	sst s1;
	(tag) =	ssettag s2;
	_ =	strace s9  }
0x27: {  	s1 =	sld [smem:$0x3F99]  }
0x28: {  	s2 =	sld [smem:$0x3F9A]  }
0x29: {  	s4 =	sld [smem:$0x3F9C]  }
0x2a: {  	p0 =	seq.s32 s5, $0x0;
	s5 =	sld [smem:$0x3F9D]  }
0x2b: {  	s6 =	sld [smem:$0x3F9E]  }
0x2c: {  	s7 =	sld [smem:$0x3F9F]  }
0x2d: {  	s3 =	simm.s32 $0x108;
	s8 =	sld [smem:$0x3FA0]  }
0x2e: {  	s3 =	simm.s32 @!p0 $0x1082;
	s9 =	sld [smem:$0x3FA1]  }
0x2f: {  	lr =	sadd.s32 s0, s3;
	s0 =	sld [smem:$0x3F98]  }
0x30: {  	s3 =	sld [smem:$0x3F9B]  }
0x31: {  	[smem:$0x3FA4] =	sst s10  }
0x32: {  	s10 =	sld [smem:$0x3FA2];
	_ =	sdelay $0x3  }
0x33: {  	p0 =	seq.s32 s10, $0x1;
	s10 =	sld [smem:$0x3FA4];
	_ =	sdelay $0x3  }
0x34: {  	[smem:$0x3FA4] =	sst s10  }
0x35: {  	s10 =	sld [smem:$0x3FA3];
	_ =	sdelay $0x3  }
0x36: {  	p1 =	seq.s32 s10, $0x1;
	s10 =	sld [smem:$0x3FA4];
	_ =	sdelay $0x3  }
0x37: {  	[smem:$0x3FA4] =	sst s10  }
0x38: {  	s10 =	sld [smem:$0x3FA5]  }
0x39: {  	_ = 	snop;
	(pc) =	sbr.ind lr, $3  }
0x3a: {  	_ = 	snop  }
0x3b: {  	_ = 	snop  }
0x3c: {  	p2 =	seq.s32 s10, $0x1;
	s10 =	sld [smem:$0x3FA4]  }
0x3d: {  	_ =	shalt  }
0x3e: {  	_ =	shalt  }
0x3f: {  	_ =	shalt  }
0x40: {  	_ =	shalt  }
0x41: {  	_ =	shalt  }
0x42: {  	_ =	shalt  }
0x43: {  	_ =	shalt  }
0x44: {  	_ =	shalt  }
0x45: {  	_ =	shalt  }
0x46: {  	_ =	shalt  }
0x47: {  	_ =	shalt  }
0x48: {  	_ =	shalt  }
0x49: {  	_ =	shalt  }
0x4a: {  	_ =	shalt  }
0x4b: {  	_ =	shalt  }
0x4c: {  	_ =	shalt  }
0x4d: {  	_ =	shalt  }
0x4e: {  	_ =	shalt  }
0x4f: {  	_ =	shalt  }
0x50: {  	_ =	shalt  }
0x51: {  	_ =	shalt  }
0x52: {  	_ =	shalt  }
0x53: {  	_ =	shalt  }
0x54: {  	_ =	shalt  }
0x55: {  	_ =	shalt  }
0x56: {  	_ =	shalt  }
0x57: {  	_ =	shalt  }
0x58: {  	_ =	shalt  }
0x59: {  	_ =	shalt  }
0x5a: {  	_ =	shalt  }
0x5b: {  	_ =	shalt  }
0x5c: {  	_ =	shalt  }
0x5d: {  	_ =	shalt  }
0x5e: {  	_ =	shalt  }
0x5f: {  	_ =	shalt  }
0x60: {  	_ =	shalt  }
0x61: {  	_ =	shalt  }
0x62: {  	_ =	shalt  }
0x63: {  	_ =	shalt  }
0x64: {  	_ =	shalt  }
0x65: {  	_ =	shalt  }
0x66: {  	_ =	shalt  }
0x67: {  	_ =	shalt  }
0x68: {  	_ =	shalt  }
0x69: {  	_ =	shalt  }
0x6a: {  	_ =	shalt  }
0x6b: {  	_ =	shalt  }
0x6c: {  	_ =	shalt  }
0x6d: {  	_ =	shalt  }
0x6e: {  	_ =	shalt  }
0x6f: {  	_ =	shalt  }
0x70: {  	_ =	shalt  }
0x71: {  	_ =	shalt  }
0x72: {  	_ =	shalt  }
0x73: {  	_ =	shalt  }
0x74: {  	_ =	shalt  }
0x75: {  	_ =	shalt  }
0x76: {  	_ =	shalt  }
0x77: {  	_ =	shalt  }
0x78: {  	_ =	shalt  }
0x79: {  	_ =	shalt  }
0x7a: {  	_ =	shalt  }
0x7b: {  	_ =	shalt  }
0x7c: {  	_ =	shalt  }
0x7d: {  	_ =	shalt  }
0x7e: {  	_ =	shalt  }
0x7f: {  	_ =	shalt  }
0x80: {  	_ =	shalt  }
0x81: {  	_ =	shalt  }
0x82: {  	_ =	shalt  }
0x83: {  	_ =	shalt  }
0x84: {  	_ =	shalt  }
0x85: {  	_ =	shalt  }
0x86: {  	_ =	shalt  }
0x87: {  	_ =	shalt  }
.Lfunc_end0:
.L_simem_size_0:
called_computation.4_lowered:
.L_overlay_start_0:
0x88: {  	s2 =	sld [smem:$0x3FD9]  }
0x89: {  	s3 =	sld [smem:$0x3FFE];
	_ =	sdelay $0x1  }
0x8a: {  	s1 =	srdreg.scid  }
0x8b: {  	s0 =	sand.u32 $0x1, s1  }
0x8c: {  	s16 =	sshll.u32 s0, $0xA;
	s2 =	sadd.s32 s3, s2  }
0x8d: {  	s2 =	sadd.s32 s2, s16  }
0x8e: {  	[smem:$0x3FB0] =	sst s2  }
0x8f: {  	_ = 	snop  }
0x90: {  	(tm) =	ssettm $0x1  }
0x91: {  	s17 =	sld [smem:$0x3FFB];
	_ =	sdelay $0x3  }
0x92: {  	_ =	strace s17  }
0x93: {  	s2 =	sld [smem:$0x3FFC];
	_ =	sdelay $0x3  }
0x94: {  	_ =	strace s2  }
0x95: {  	s2 =	sld [smem:$0x3FFD];
	_ =	sdelay $0x3  }
0x96: {  	_ =	strace s2  }
0x97: {  	_ =	strace $0x8FFFFFFF  }
0x98: {  	s18 =	sld [smem:$0x3FDB];
	_ =	sdelay $0x1  }
0x99: {  	s19 =	simm.s32 $_scs_section_size  }
0x9a: {  	s4 =	simm.s32 $_size__tile_overlayer_lowered;
	s5 =	simm.s32 $_tile_overlayer_lowered  }
0x9b: {  	s22 =	simm.s32 $0x1BFF;
	s21 =	sshll.u32 s5, $0x1;
	s2 =	sadd.s32 s19, s18  }
0x9c: {  	s6 =	simm.s32 $0x0;
	s20 =	sshll.u32 s4, $0x1;
	s4 =	sadd.s32 s21, s2  }
0x9d: {  	[timem:s6], [sflag:s22] =	dma.local [hbm:s4], s20  }
0x9e: {  	_ =	swait.ge [sflag:s22], s20  }
0x9f: {  	s3 =	ssub.s32 $0x0, s20;
	[sflag:s22] =	ssyncset.done $0x0  }
0xa0: {  	[sflag:s22] =	ssyncadd.s32 s3;
	_ =	sdelay $0x1  }
0xa1: {  	s23 =	simm.s32 $0x1B8B  }
0xa2: {  	_ =	swait.ge [sflag:s23], $0x1  }
0xa3: {  	[sflag:s23] =	ssyncset.done $0x0  }
0xa4: {  	s25 =	simm.s32 $0x1B8E;
	s24 =	sld [smem:$0x3FFE];
	[sflag:s23] =	ssyncadd.s32 $0xFFFFFFFF  }
0xa5: {  	s26 =	simm.s32 $execute0_lowered;
	[smem:$0x3FD2] =	sst s25  }
0xa6: {  	s4 =	sshll.u32 s26, $0x1;
	_ =	strace $0x80000052;
	[dreg:$0x1] =	wrdreg $0xFFFFFFFF  }
0xa7: {  	s28 =	simm.s32 $_size_execute0_lowered;
	s2 =	sadd.s32 s2, s4;
	[dreg:$0x0] =	wrdreg $0x0  }
0xa8: {  	s4 =	sshll.u32 s28, $0x1;
	[dreg:$0x2] =	wrdreg s2  }
0xa9: {  	[dreg:$0x3] =	wrdreg s4  }
0xaa: {  	[dreg:$0x4] =	wrdreg $0xC0  }
0xab: {  	_ =	task [dreg:s6], $0x5FFFF  }
0xac: {  	[dreg:$0x1] =	wrdreg $0xFFFFFFFF  }
0xad: {  	[dreg:$0x0] =	wrdreg $0x60  }
0xae: {  	[dreg:$0x2] =	wrdreg s24  }
0xaf: {  	[dreg:$0x3] =	wrdreg $0x78000  }
0xb0: {  	[dreg:$0x4] =	wrdreg $0x9  }
0xb1: {  	_ =	task.clear_ibuf [dreg:s6], $0x5FFFF;
	_ =	strace $0x90000052  }
0xb2: {  	s29 =	simm.s32 $0x9;
	_ =	strace $0x80000054  }
0xb3: {  	_ =	swait.ge [sflag:s29], $0x1  }
0xb4: {  	[sflag:s29] =	ssyncadd.s32 $0xFFFFFFFF  }
0xb5: {  	_ =	strace $0x90000054  }
0xb6: {  	_ =	sfence  }
0xb7: {  	s30 =	sld [smem:$0x0];
	_ =	sdelay $0x2  }
0xb8: {  	s31 =	sshll.u32 s1, $0xD;
	s1 =	sshrl.u32 s1, $0x2  }
0xb9: {  	s3 =	sand.u32 $0x4000, s31;
	s1 =	sadd.s32 s1, s30  }
0xba: {  	s0 =	sor.u32 s3, s0;
	s1 =	sshll.u32 s1, $0x11  }
0xbb: {  	s0 =	sor.u32 s1, s0  }
0xbc: {  	s0 =	sadd.s32 $0x8F2B, s0  }
0xbd: {  	[sflag:s0] =	ssyncadd.remote.s32 $0x1  }
0xbe: {  	_ =	sfence.sel $0xFFFF  }
0xbf: {  	[dreg:$0x0] =	wrdreg $0xFFFFFFFF;
	(pc) =	sbr.abs _section_cstart, $3  }
0xc0: {  	[dreg:$0x1] =	wrdreg $0xFFFFFFFF  }
0xc1: {  	_ =	task.clear_ibuf [dreg:s6], $0x2FFFF;
	_ =	strace $0x9FFFFFFF  }
0xc2: {  	(tm) =	ssettm $0x7FFFFFFF  }
0xc3: {  	_ =	shalt  }
tec
execute0_lowered:
.L_overlay_start_1:
0x0: {  	(tag) =	ssettag $0x1  }
0x1: {  	s0 =	rddreg [dreg:$0x0];
	s1 =	srdreg.scid  }
0x2: {  	s2 =	rddreg [dreg:$0x1];
	s8 =	stileid.u32;
	s5 =	simm.s32 $0x0  }
0x3: {  	s12 =	simm.s32 $0x26200;
	s14 =	simm.s32 $0xB;
	s16 =	simm.s32 $0x5000  }
0x4: {  	s17 =	simm.s32 $0x80;
	s18 =	simm.s32 $0x5800;
	s20 =	simm.s32 $0x6000  }
0x5: {  	s22 =	simm.s32 $0x6800;
	s28 =	simm.s32 $0x2;
	s29 =	simm.s32 $0x3  }
0x6: {  	s30 =	simm.s32 $0x4;
	s31 =	simm.s32 $0x5;
	s4 =	smul.u32 $0x50, s8  }
0x7: {  	s15 =	simm.s32 $0x8;
	s19 =	simm.s32 $0x9;
	s7 =	smul.u32 $0xA000, s8  }
0x8: {  	s1 =	sand.u32 $0x1, s1;
	[smem:$0x7FF] =	sst s5;
	s8 =	smul.u32 $0x2800, s8  }
0x9: {  	s21 =	simm.s32 $0xA;
	s3 =	smul.u32 $0x500, s1;
	_ =	strace $0x80000053  }
0xa: {  	s23 =	ssub.s32 $0x2, s1;
	p0 =	seq.s32 s1, $0x1;
	s1 =	simm.s32 $0x7  }
0xb: {  	s6 =	sshrl.u32 s23, $0x1;
	s7 =	sshrl.u32 s7, $0x2;
	s25 =	sshrl.u32 s8, $0x3  }
0xc: {  	s26 =	sadd.s32 s8, s2;
	s12 =	simm.s32 @!p0 $0x21200;
	s3 =	sadd.s32 s4, s3  }
0xd: {  	s4 =	sadd.s32 $0x1C200, s0;
	s5 =	ssub.s32 s23, s6;
	s7 =	sadd.s32 s7, s2  }
0xe: {  	s23 =	simm.s32 $0x0;
	s3 =	sshll.u32 s3, $0x4;
	s8 =	smax.u32 s5, $0x1  }
0xf: {  	s9 =	sadd.s32 $0x800, s7;
	s10 =	sadd.s32 $0x1000, s7;
	s11 =	sadd.s32 $0x1800, s7  }
0x10: {  	s3 =	sadd.s32 s3, s0;
	s0 =	sadd.s32 s12, s0;
	s12 =	sadd.s32 $0x2000, s7  }
0x11: {  	s24 =	sadd.s32 $0x12200, s3;
	s3 =	sadd.s32 $0x8200, s3;
	s13 =	sadd.s32 s0, s25  }
0x12: {  	s25 =	sshrl.u32 s26, $0x3;
	s26 =	simm.s32 $0x1;
	[dreg:$0x3] =	wrdreg s24  }
0x13: {  	v0 =	vimm.f32 $0.0e+00;
	s0 =	simm.s32 $0x6;
	[dreg:$0x4] =	wrdreg s3;
	s24 =	simm.s32 $0x7000  }
.LBB2_1:
0x14: {  	s3 =	simm.s32 $0x0;
	s5 =	rddreg [dreg:$0x3]  }
0x15: {  	[tilespmem:s3], [sflag:$0xB] =	stream.linear.gather [hbm4b:s5+s3], $0x2800, $0x38;
	[tilespmem:$0xA000] =	vst v63  }
0x16: {  	_ =	swait.ge [sflag:s14], $0x2800  }
0x17: {  	[sflag:s14] =	ssyncset.done $0x0  }
0x18: {  	s6 =	simm.s32 $0x2800;
	s5 =	rddreg [dreg:$0x4];
	[sflag:s14] =	ssyncadd.s32 $0xFFFFD800  }
0x19: {  	[tilespmem:s6], [sflag:$0xB] =	stream.linear.gather [hbm4b:s5+s3], $0x2800, $0x38;
	[tilespmem:$0xA000] =	vst v63  }
0x1a: {  	_ =	swait.ge [sflag:s14], $0x2800  }
0x1b: {  	[sflag:s14] =	ssyncset.done $0x0  }
0x1c: {  	s3 =	simm.s32 $0x40;
	s5 =	simm.s32 $0x0;
	[sflag:s14] =	ssyncadd.s32 $0xFFFFD800  }
.LBB2_2:
0x1d: {  	p0 =	sne.s32 s3, $0x1FC0;
	[tilespmem:s5+$0x5000] =	vst v0;
	s5 =	smov.u32 s3;
	s3 =	sadd.s32 $0x40, s3  }
.Ltmp0:
0x1e: {  	(pc) =	sbr.rel @p0 .LBB2_2-.Ltmp0, $2  }
0x1f: {  	_ =	sdelay $0x2  }
0x20: {  	s5 =	sshra.s32 s5, $0x2  }
0x21: {  	[tilespmem:s5+$0x5000] =	vst v0  }
0x22: {  	[spmem:s7] =	stream.linear.scatter [tilespmem:s16], [sflag:$0xB], $0x800, $0x38;
	[tilespmem:$0xA000] =	vst v63  }
0x23: {  	_ =	swait.ge [sflag:s14], $0x800  }
0x24: {  	[sflag:s14] =	ssyncset.done $0x0  }
0x25: {  	[sflag:s14] =	ssyncadd.s32 $0xFFFFF800  }
0x26: {  	[spmem:s9] =	stream.linear.scatter [tilespmem:s16], [sflag:$0xB], $0x800, $0x38;
	[tilespmem:$0xA000] =	vst v63  }
0x27: {  	_ =	swait.ge [sflag:s14], $0x800  }
0x28: {  	[sflag:s14] =	ssyncset.done $0x0  }
0x29: {  	[sflag:s14] =	ssyncadd.s32 $0xFFFFF800  }
0x2a: {  	[spmem:s10] =	stream.linear.scatter [tilespmem:s16], [sflag:$0xB], $0x800, $0x38;
	[tilespmem:$0xA000] =	vst v63  }
0x2b: {  	_ =	swait.ge [sflag:s14], $0x800  }
0x2c: {  	[sflag:s14] =	ssyncset.done $0x0  }
0x2d: {  	[sflag:s14] =	ssyncadd.s32 $0xFFFFF800  }
0x2e: {  	[spmem:s11] =	stream.linear.scatter [tilespmem:s16], [sflag:$0xB], $0x800, $0x38;
	[tilespmem:$0xA000] =	vst v63  }
0x2f: {  	_ =	swait.ge [sflag:s14], $0x800  }
0x30: {  	[sflag:s14] =	ssyncset.done $0x0  }
0x31: {  	[sflag:s14] =	ssyncadd.s32 $0xFFFFF800  }
0x32: {  	[spmem:s12] =	stream.linear.scatter [tilespmem:s16], [sflag:$0xB], $0x800, $0x38;
	[tilespmem:$0xA000] =	vst v63  }
0x33: {  	_ =	swait.ge [sflag:s14], $0x800  }
0x34: {  	[sflag:s14] =	ssyncset.done $0x0  }
0x35: {  	[sflag:s14] =	ssyncadd.s32 $0xFFFFF800  }
0x36: {  	s3 =	simm.s32 $0x0;
	[bflag:$0x0] =	sbarrier.arrive $0xFFFF  }
0x37: {  	[tilespmem:s16], [sflag:$0x1] =	stream.indirect.gather [hbm4b:s4+s17], $0x10, s3, s17, $0xb8;
	[tilespmem:$0xA000] =	vst v63  }
0x38: {  	_ = 	snop  }
0x39: {  	[tilespmem:s18], [sflag:$0x2] =	stream.indirect.gather [hbm4b:s4+s17], $0x10, s17, s17, $0xb8;
	[tilespmem:$0xA000] =	vst v63  }
0x3a: {  	s5 =	simm.s32 $0x100  }
0x3b: {  	[tilespmem:s20], [sflag:$0x3] =	stream.indirect.gather [hbm4b:s4+s17], $0x10, s5, s17, $0xb8;
	[tilespmem:$0xA000] =	vst v63  }
0x3c: {  	s6 =	simm.s32 $0x180  }
0x3d: {  	[tilespmem:s22], [sflag:$0x4] =	stream.indirect.gather [hbm4b:s4+s17], $0x10, s6, s17, $0xb8;
	[tilespmem:$0xA000] =	vst v63  }
0x3e: {  	s5 =	simm.s32 $0x200  }
0x3f: {  	[tilespmem:s24], [sflag:$0x5] =	stream.indirect.gather [hbm4b:s4+s17], $0x10, s5, s17, $0xb8;
	[tilespmem:$0xA000] =	vst v63  }
0x40: {  	_ =	swait.ge [sflag:s26], $0x800  }
0x41: {  	[sflag:s26] =	ssyncset.done $0x0  }
0x42: {  	s6 =	simm.s32 $0x2800;
	[sflag:s26] =	ssyncadd.s32 $0xFFFFF800  }
0x43: {  	[spmem:s2] =	stream.indirect.scatter.add.f32 [tilespmem:s16], [sflag:$0x6], $0x10, s6, s17, $0xb8;
	[tilespmem:$0xA000] =	vst v63  }
0x44: {  	_ =	swait.ge [sflag:s28], $0x800  }
0x45: {  	[sflag:s28] =	ssyncset.done $0x0  }
0x46: {  	s5 =	simm.s32 $0x2880;
	[sflag:s28] =	ssyncadd.s32 $0xFFFFF800  }
0x47: {  	[spmem:s2] =	stream.indirect.scatter.add.f32 [tilespmem:s18], [sflag:$0x7], $0x10, s5, s17, $0xb8;
	[tilespmem:$0xA000] =	vst v63  }
0x48: {  	_ =	swait.ge [sflag:s29], $0x800  }
0x49: {  	[sflag:s29] =	ssyncset.done $0x0  }
0x4a: {  	s6 =	simm.s32 $0x2900;
	[sflag:s29] =	ssyncadd.s32 $0xFFFFF800  }
0x4b: {  	[spmem:s2] =	stream.indirect.scatter.add.f32 [tilespmem:s20], [sflag:$0x8], $0x10, s6, s17, $0xb8;
	[tilespmem:$0xA000] =	vst v63  }
0x4c: {  	_ =	swait.ge [sflag:s30], $0x800  }
0x4d: {  	[sflag:s30] =	ssyncset.done $0x0  }
0x4e: {  	s5 =	simm.s32 $0x2980;
	[sflag:s30] =	ssyncadd.s32 $0xFFFFF800  }
0x4f: {  	[spmem:s2] =	stream.indirect.scatter.add.f32 [tilespmem:s22], [sflag:$0x9], $0x10, s5, s17, $0xb8;
	[tilespmem:$0xA000] =	vst v63  }
0x50: {  	_ =	swait.ge [sflag:s31], $0x800  }
0x51: {  	[sflag:s31] =	ssyncset.done $0x0  }
0x52: {  	s6 =	simm.s32 $0x2A00;
	[sflag:s31] =	ssyncadd.s32 $0xFFFFF800  }
0x53: {  	[spmem:s2] =	stream.indirect.scatter.add.f32 [tilespmem:s24], [sflag:$0xA], $0x10, s6, s17, $0xb8;
	[tilespmem:$0xA000] =	vst v63  }
0x54: {  	_ =	swait.ge [sflag:s0], $0x800  }
0x55: {  	[sflag:s0] =	ssyncset.done $0x0  }
0x56: {  	s5 =	simm.s32 $0x280;
	[sflag:s0] =	ssyncadd.s32 $0xFFFFF800  }
0x57: {  	[tilespmem:s16], [sflag:$0x1] =	stream.indirect.gather [hbm4b:s4+s17], $0x10, s5, s17, $0xb8;
	[tilespmem:$0xA000] =	vst v63  }
0x58: {  	_ =	swait.ge [sflag:s1], $0x800  }
0x59: {  	[sflag:s1] =	ssyncset.done $0x0  }
0x5a: {  	s6 =	simm.s32 $0x300;
	[sflag:s1] =	ssyncadd.s32 $0xFFFFF800  }
0x5b: {  	[tilespmem:s18], [sflag:$0x2] =	stream.indirect.gather [hbm4b:s4+s17], $0x10, s6, s17, $0xb8;
	[tilespmem:$0xA000] =	vst v63  }
0x5c: {  	_ =	swait.ge [sflag:s15], $0x800  }
0x5d: {  	[sflag:s15] =	ssyncset.done $0x0  }
0x5e: {  	s5 =	simm.s32 $0x380;
	[sflag:s15] =	ssyncadd.s32 $0xFFFFF800  }
0x5f: {  	[tilespmem:s20], [sflag:$0x3] =	stream.indirect.gather [hbm4b:s4+s17], $0x10, s5, s17, $0xb8;
	[tilespmem:$0xA000] =	vst v63  }
0x60: {  	_ =	swait.ge [sflag:s19], $0x800  }
0x61: {  	[sflag:s19] =	ssyncset.done $0x0  }
0x62: {  	s6 =	simm.s32 $0x400;
	[sflag:s19] =	ssyncadd.s32 $0xFFFFF800  }
0x63: {  	[tilespmem:s22], [sflag:$0x4] =	stream.indirect.gather [hbm4b:s4+s17], $0x10, s6, s17, $0xb8;
	[tilespmem:$0xA000] =	vst v63  }
0x64: {  	_ =	swait.ge [sflag:s21], $0x800  }
0x65: {  	[sflag:s21] =	ssyncset.done $0x0  }
0x66: {  	s3 =	simm.s32 $0xA00;
	s5 =	simm.s32 $0x480;
	[sflag:s21] =	ssyncadd.s32 $0xFFFFF800  }
.LBB2_4:
0x67: {  	[tilespmem:s24], [sflag:$0x5] =	stream.indirect.gather [hbm4b:s4+s17], $0x10, s5, s17, $0xb8;
	[tilespmem:$0xA000] =	vst v63  }
0x68: {  	s5 =	smov.u32 s3  }
0x69: {  	p0 =	sne.s32 s3, $0x8C00;
	s3 =	sadd.s32 $0xA00, s3;
	_ =	swait.ge [sflag:s26], $0x800  }
0x6a: {  	s5 =	sshra.s32 s5, $0x2;
	[sflag:s26] =	ssyncset.done $0x0  }
0x6b: {  	s6 =	sadd.s32 $0x2800, s5;
	[sflag:s26] =	ssyncadd.s32 $0xFFFFF800  }
0x6c: {  	[spmem:s2] =	stream.indirect.scatter.add.f32 [tilespmem:s16], [sflag:$0x6], $0x10, s6, s17, $0xb8;
	[tilespmem:$0xA000] =	vst v63  }
0x6d: {  	_ =	swait.ge [sflag:s28], $0x800  }
0x6e: {  	[sflag:s28] =	ssyncset.done $0x0  }
0x6f: {  	s6 =	sadd.s32 $0x2880, s5;
	[sflag:s28] =	ssyncadd.s32 $0xFFFFF800  }
0x70: {  	[spmem:s2] =	stream.indirect.scatter.add.f32 [tilespmem:s18], [sflag:$0x7], $0x10, s6, s17, $0xb8;
	[tilespmem:$0xA000] =	vst v63  }
0x71: {  	_ =	swait.ge [sflag:s29], $0x800  }
0x72: {  	[sflag:s29] =	ssyncset.done $0x0  }
0x73: {  	s6 =	sadd.s32 $0x2900, s5;
	[sflag:s29] =	ssyncadd.s32 $0xFFFFF800  }
0x74: {  	[spmem:s2] =	stream.indirect.scatter.add.f32 [tilespmem:s20], [sflag:$0x8], $0x10, s6, s17, $0xb8;
	[tilespmem:$0xA000] =	vst v63  }
0x75: {  	_ =	swait.ge [sflag:s30], $0x800  }
0x76: {  	[sflag:s30] =	ssyncset.done $0x0  }
0x77: {  	s6 =	sadd.s32 $0x2980, s5;
	[sflag:s30] =	ssyncadd.s32 $0xFFFFF800  }
0x78: {  	[spmem:s2] =	stream.indirect.scatter.add.f32 [tilespmem:s22], [sflag:$0x9], $0x10, s6, s17, $0xb8;
	[tilespmem:$0xA000] =	vst v63  }
0x79: {  	_ =	swait.ge [sflag:s31], $0x800  }
0x7a: {  	[sflag:s31] =	ssyncset.done $0x0  }
0x7b: {  	s6 =	sadd.s32 $0x2A00, s5;
	[sflag:s31] =	ssyncadd.s32 $0xFFFFF800  }
0x7c: {  	[spmem:s2] =	stream.indirect.scatter.add.f32 [tilespmem:s24], [sflag:$0xA], $0x10, s6, s17, $0xb8;
	[tilespmem:$0xA000] =	vst v63  }
0x7d: {  	_ =	swait.ge [sflag:s0], $0x800  }
0x7e: {  	[sflag:s0] =	ssyncset.done $0x0  }
0x7f: {  	s6 =	sadd.s32 $0x280, s5;
	[sflag:s0] =	ssyncadd.s32 $0xFFFFF800  }
0x80: {  	[tilespmem:s16], [sflag:$0x1] =	stream.indirect.gather [hbm4b:s4+s17], $0x10, s6, s17, $0xb8;
	[tilespmem:$0xA000] =	vst v63  }
0x81: {  	_ =	swait.ge [sflag:s1], $0x800  }
0x82: {  	[sflag:s1] =	ssyncset.done $0x0  }
0x83: {  	s6 =	sadd.s32 $0x300, s5;
	[sflag:s1] =	ssyncadd.s32 $0xFFFFF800  }
0x84: {  	[tilespmem:s18], [sflag:$0x2] =	stream.indirect.gather [hbm4b:s4+s17], $0x10, s6, s17, $0xb8;
	[tilespmem:$0xA000] =	vst v63  }
0x85: {  	_ =	swait.ge [sflag:s15], $0x800  }
0x86: {  	[sflag:s15] =	ssyncset.done $0x0  }
0x87: {  	s6 =	sadd.s32 $0x380, s5;
	[sflag:s15] =	ssyncadd.s32 $0xFFFFF800  }
0x88: {  	[tilespmem:s20], [sflag:$0x3] =	stream.indirect.gather [hbm4b:s4+s17], $0x10, s6, s17, $0xb8;
	[tilespmem:$0xA000] =	vst v63  }
0x89: {  	_ =	swait.ge [sflag:s19], $0x800  }
0x8a: {  	[sflag:s19] =	ssyncset.done $0x0  }
.Ltmp1:
0x8b: {  	s6 =	sadd.s32 $0x400, s5;
	[sflag:s19] =	ssyncadd.s32 $0xFFFFF800;
	(pc) =	sbr.rel @p0 .LBB2_4-.Ltmp1, $4  }
0x8c: {  	[tilespmem:s22], [sflag:$0x4] =	stream.indirect.gather [hbm4b:s4+s17], $0x10, s6, s17, $0xb8;
	[tilespmem:$0xA000] =	vst v63  }
0x8d: {  	_ =	swait.ge [sflag:s21], $0x800  }
0x8e: {  	[sflag:s21] =	ssyncset.done $0x0  }
0x8f: {  	s5 =	sadd.s32 $0x480, s5;
	[sflag:s21] =	ssyncadd.s32 $0xFFFFF800  }
0x90: {  	[tilespmem:s24], [sflag:$0x5] =	stream.indirect.gather [hbm4b:s4+s17], $0x10, s5, s17, $0xb8;
	[tilespmem:$0xA000] =	vst v63  }
0x91: {  	_ =	swait.ge [sflag:s26], $0x800  }
0x92: {  	[sflag:s26] =	ssyncset.done $0x0  }
0x93: {  	s3 =	simm.s32 $0x4D80;
	[sflag:s26] =	ssyncadd.s32 $0xFFFFF800  }
0x94: {  	[spmem:s2] =	stream.indirect.scatter.add.f32 [tilespmem:s16], [sflag:$0x6], $0x10, s3, s17, $0xb8;
	[tilespmem:$0xA000] =	vst v63  }
0x95: {  	_ =	swait.ge [sflag:s28], $0x800  }
0x96: {  	[sflag:s28] =	ssyncset.done $0x0  }
0x97: {  	s6 =	simm.s32 $0x4E00;
	[sflag:s28] =	ssyncadd.s32 $0xFFFFF800  }
0x98: {  	[spmem:s2] =	stream.indirect.scatter.add.f32 [tilespmem:s18], [sflag:$0x7], $0x10, s6, s17, $0xb8;
	[tilespmem:$0xA000] =	vst v63  }
0x99: {  	_ =	swait.ge [sflag:s29], $0x800  }
0x9a: {  	[sflag:s29] =	ssyncset.done $0x0  }
0x9b: {  	s5 =	simm.s32 $0x4E80;
	[sflag:s29] =	ssyncadd.s32 $0xFFFFF800  }
0x9c: {  	[spmem:s2] =	stream.indirect.scatter.add.f32 [tilespmem:s20], [sflag:$0x8], $0x10, s5, s17, $0xb8;
	[tilespmem:$0xA000] =	vst v63  }
0x9d: {  	_ =	swait.ge [sflag:s30], $0x800  }
0x9e: {  	[sflag:s30] =	ssyncset.done $0x0  }
0x9f: {  	s6 =	simm.s32 $0x4F00;
	[sflag:s30] =	ssyncadd.s32 $0xFFFFF800  }
0xa0: {  	[spmem:s2] =	stream.indirect.scatter.add.f32 [tilespmem:s22], [sflag:$0x9], $0x10, s6, s17, $0xb8;
	[tilespmem:$0xA000] =	vst v63  }
0xa1: {  	_ =	swait.ge [sflag:s31], $0x800  }
0xa2: {  	[sflag:s31] =	ssyncset.done $0x0  }
0xa3: {  	s5 =	simm.s32 $0x4F80;
	[sflag:s31] =	ssyncadd.s32 $0xFFFFF800  }
0xa4: {  	[spmem:s2] =	stream.indirect.scatter.add.f32 [tilespmem:s24], [sflag:$0xA], $0x10, s5, s17, $0xb8;
	[tilespmem:$0xA000] =	vst v63  }
0xa5: {  	_ =	swait.ge [sflag:s0], $0x800  }
0xa6: {  	[sflag:s0] =	ssyncset.done $0x0  }
0xa7: {  	[sflag:s0] =	ssyncadd.s32 $0xFFFFF800  }
0xa8: {  	_ =	swait.ge [sflag:s1], $0x800  }
0xa9: {  	[sflag:s1] =	ssyncset.done $0x0  }
0xaa: {  	[sflag:s1] =	ssyncadd.s32 $0xFFFFF800  }
0xab: {  	_ =	swait.ge [sflag:s15], $0x800  }
0xac: {  	[sflag:s15] =	ssyncset.done $0x0  }
0xad: {  	[sflag:s15] =	ssyncadd.s32 $0xFFFFF800  }
0xae: {  	_ =	swait.ge [sflag:s19], $0x800  }
0xaf: {  	[sflag:s19] =	ssyncset.done $0x0  }
0xb0: {  	[sflag:s19] =	ssyncadd.s32 $0xFFFFF800  }
0xb1: {  	_ =	swait.ge [sflag:s21], $0x800  }
0xb2: {  	s23 =	sadd.s32 $0x1, s23;
	s6 =	stileid.u32;
	[sflag:s21] =	ssyncset.done $0x0  }
0xb3: {  	p0 =	sne.s32 s23, s8;
	s3 =	sshll.u32 s6, $0x6;
	[sflag:s21] =	ssyncadd.s32 $0xFFFFF800  }
.Ltmp2:
0xb4: {  	s3 =	sor.u32 $0x1C0B, s3;
	[bflag:$0x0] =	sbarrier.arrive $0xFFFF;
	(pc) =	sbr.rel @p0 .LBB2_1-.Ltmp2, $4  }
0xb5: {  	[hbm:s13], [sflag:s3] =	dma.local [spmem:s25], $0x500  }
0xb6: {  	_ =	swait.ge [sflag:s14], $0x500  }
0xb7: {  	[sflag:s14] =	ssyncset.done $0x0  }
0xb8: {  	[sflag:s14] =	ssyncadd.s32 $0xFFFFFB00  }
0xb9: {  	_ =	sfence.sel $0x180000  }
0xba: {  	[bflag:$0x0] =	sbarrier.arrive $0xFFFF  }
0xbb: {  	_ =	strace $0x90000053  }
0xbc: {  	s0 =	stileid.u32;
	[bflag:$0x2] =	sbarrier.arrive $0xFFFF  }
0xbd: {  	p0 =	sne.s32 s0, $0x0;
	s0 =	rddreg [dreg:$0x2]  }
0xbe: {  	s0 =	sadd.s32 @!p0 $0x100000, s0  }
0xbf: {  	[sflag:s0] =	ssyncadd.tile.s32 @!p0 $0x1;
	_ =	shalt  }
.Lfunc_end2:
_tile_overlayer_lowered:
.L_overlay_start_2:
0xc0: {  	(tag) =	ssettag $0x2  }
0xc1: {  	s0 =	rddreg [dreg:$0x0];
	s2 =	stileid.u32  }
0xc2: {  	s1 =	rddreg [dreg:$0x1];
	p0 =	sne.s32 s2, $0x0  }
0xc3: {  	s3 =	rddreg [dreg:$0x2];
	[bflag:$0x3] =	sbarrier.arrive $0xFFFF;
	s2 =	simm.s32 @!p0 $0x1C0B  }
0xc4: {  	[timem:s3], [sflag:s2] =	dma.local @!p0 [hbm:s0], s1  }
0xc5: {  	s0 =	simm.s32 @!p0 $0xB  }
0xc6: {  	_ =	swait.ge @!p0 [sflag:s0], s1  }
0xc7: {  	s1 =	ssub.s32 @!p0 $0x0, s1;
	[sflag:s0] =	ssyncset.done @!p0 $0x0  }
0xc8: {  	[sflag:s0] =	ssyncadd.s32 @!p0 s1  }
0xc9: {  	[bflag:$0x3] =	sbarrier.arrive $0xFFFF  }
0xca: {  	_ =	shalt  }

</sc_bundles>
